<compile_context>
chip_gen: v7x
topology: tpu7x:2x2x1
jax: 0.10.2.dev20260603
libtpu: 0.0.44.dev20260713+nightly
codegen_flags: <defaults>
</compile_context>

<pallas_src>
import functools

import jax
import jax.numpy as jnp
from jax import lax
from jax.experimental import pallas as pl
from jax.experimental.pallas import tpu as pltpu
from jax.experimental.pallas import tpu_sc as plsc

NC = 2
NS = 16
L = 16

CH = 2048


@functools.lru_cache(maxsize=None)
def _build_sc_kernel(M, B, D_IN, D_OUT):
    n_slot = (M + 127) // 128 * 128
    rows_per_core = B // NC
    rows_per_tile = B // (NC * NS)
    n_vidx = rows_per_tile + L

    mesh = plsc.VectorSubcoreMesh(
        core_axis_name="c", subcore_axis_name="s",
        num_cores=NC, num_subcores=NS)

    @functools.partial(
        pl.kernel,
        out_type=(
            jax.ShapeDtypeStruct((B, D_IN), jnp.float32),
            jax.ShapeDtypeStruct((B, D_OUT), jnp.float32),
        ),
        mesh=mesh,
        compiler_params=pltpu.CompilerParams(
            needs_layout_passes=False, use_tc_tiling_on_sc=False),
        scratch_types=[
            pltpu.VMEM_SHARED((rows_per_core,), jnp.int32),
        ],
    )
    def sc_kernel(x_hbm, y_hbm, widx_hbm, ridx_hbm, outx_hbm, outy_hbm,
                  srows_sh):
        cid = lax.axis_index("c")
        sid = lax.axis_index("s")

        @pl.when(sid == 0)
        def _build():
            def build(slot, wbuf, rbuf, robuf):
                iota = jnp.arange(L, dtype=jnp.int32)
                zero16 = jnp.zeros((L,), jnp.int32)
                UNR = 4

                rbase = cid * rows_per_core
                pltpu.sync_copy(
                    ridx_hbm.at[pl.ds(rbase, rows_per_core)], rbuf)

                with jax.named_scope("ph_prezero"):
                    def pz(i, carry):
                        for u in range(UNR):
                            idxv = rbuf[pl.ds((i * UNR + u) * L, L)]
                            plsc.store_scatter(slot, [idxv], zero16)
                        return carry
                    lax.fori_loop(0, rows_per_core // (L * UNR), pz, 0)

                def wchunk(ck, carry):
                    pltpu.sync_copy(widx_hbm.at[pl.ds(ck * CH, CH)], wbuf)

                    def scat(i, c2):
                        for u in range(UNR):
                            idxv = wbuf[pl.ds((i * UNR + u) * L, L)]
                            jv = iota + (ck * CH + (i * UNR + u) * L + 1)
                            plsc.store_scatter(slot, [idxv], jv)
                        return c2
                    lax.fori_loop(0, CH // (L * UNR), scat, 0)

                    def rep(i, c2):
                        for u in range(UNR):
                            idxv = wbuf[pl.ds((i * UNR + u) * L, L)]
                            jv = iota + (ck * CH + (i * UNR + u) * L + 1)
                            m = plsc.load_gather(slot, [idxv]) < jv

                            def wbody(mm):
                                plsc.store_scatter(
                                    slot, [idxv], jv, mask=mm)
                                return plsc.load_gather(slot, [idxv]) < jv
                            lax.while_loop(
                                lambda mm: jnp.any(mm), wbody, m)
                        return c2
                    lax.fori_loop(0, CH // (L * UNR), rep, 0)
                    return carry
                with jax.named_scope("ph_scatter"):
                    lax.fori_loop(0, B // CH, wchunk, 0)

                with jax.named_scope("ph_lookup"):
                    def g(i, c2):
                        for u in range(UNR):
                            idxv = rbuf[pl.ds((i * UNR + u) * L, L)]
                            robuf[pl.ds((i * UNR + u) * L, L)] = (
                                plsc.load_gather(slot, [idxv]))
                        return c2
                    lax.fori_loop(0, rows_per_core // (L * UNR), g, 0)
                    pltpu.sync_copy(robuf, srows_sh)

            pl.run_scoped(
                build,
                pltpu.VMEM((n_slot,), jnp.int32),
                pltpu.VMEM((CH,), jnp.int32),
                pltpu.VMEM((rows_per_core,), jnp.int32),
                pltpu.VMEM((rows_per_core,), jnp.int32),
            )

        plsc.subcore_barrier()

        def phasec(sv, vidx, rnk, xbuf, ybuf, sem):
            base = sid * rows_per_tile
            gbase = cid * rows_per_core + base
            pltpu.sync_copy(srows_sh.at[pl.ds(base, rows_per_tile)], sv)

            zero16 = jnp.zeros((L,), jnp.int32)
            for i in range(n_vidx // L):
                vidx[pl.ds(i * L, L)] = zero16

            def comp(i, off):
                s16 = sv[pl.ds(i * L, L)]
                m = s16 > 0
                mi = jnp.where(m, 1, 0).astype(jnp.int32)
                incl = plsc.cumsum(mi)
                rankv = off + incl - 1
                rnk[pl.ds(i * L, L)] = jnp.where(m, rankv, -1)
                plsc.store_scatter(vidx, [rankv], s16 - 1, mask=m)
                return off + jnp.max(incl)
            off = lax.fori_loop(
                0, rows_per_tile // L, comp,
                jnp.zeros((L,), jnp.int32))
            nv = off[0]

            nch = (nv + L - 1) // L

            def drain(k):
                pltpu.make_async_copy(
                    x_hbm.at[pl.ds(0, L)], xbuf.at[pl.ds(k * L, L)],
                    sem).wait()
                pltpu.make_async_copy(
                    y_hbm.at[pl.ds(0, L)], ybuf.at[pl.ds(k * L, L)],
                    sem).wait()

            def gch(k, carry):
                idxv = vidx[pl.ds(k * L, L)]
                pltpu.async_copy(
                    x_hbm.at[idxv], xbuf.at[pl.ds(k * L, L)], sem)
                pltpu.async_copy(
                    y_hbm.at[idxv], ybuf.at[pl.ds(k * L, L)], sem)

                @pl.when(k > 0)
                def _():
                    drain(k - 1)
                return carry
            with jax.named_scope("ph_gather"):
                lax.fori_loop(0, nch, gch, 0)

                @pl.when(nch > 0)
                def _():
                    drain(nch - 1)

            zx = jnp.zeros((L,), jnp.float32)

            def mv(t, carry):
                i = rows_per_tile // L - 1 - t
                rnkv = rnk[pl.ds(i * L, L)]
                for l in range(L - 1, -1, -1):
                    lp = i * L + l
                    rv = rnkv[l]

                    @pl.when(rv >= 0)
                    def _():
                        for v in range(D_IN // L):
                            xbuf[lp, pl.ds(v * L, L)] = (
                                xbuf[rv, pl.ds(v * L, L)])
                        for v in range(D_OUT // L):
                            ybuf[lp, pl.ds(v * L, L)] = (
                                ybuf[rv, pl.ds(v * L, L)])

                    @pl.when(rv < 0)
                    def _():
                        for v in range(D_IN // L):
                            xbuf[lp, pl.ds(v * L, L)] = zx
                        for v in range(D_OUT // L):
                            ybuf[lp, pl.ds(v * L, L)] = zx
                return carry
            with jax.named_scope("ph_move"):
                lax.fori_loop(0, rows_per_tile // L, mv, 0)

            pltpu.sync_copy(xbuf, outx_hbm.at[pl.ds(gbase, rows_per_tile)])
            pltpu.sync_copy(ybuf, outy_hbm.at[pl.ds(gbase, rows_per_tile)])

        pl.run_scoped(
            phasec,
            pltpu.VMEM((rows_per_tile,), jnp.int32),
            pltpu.VMEM((n_vidx,), jnp.int32),
            pltpu.VMEM((rows_per_tile + L,), jnp.int32),
            pltpu.VMEM((rows_per_tile, D_IN), jnp.float32),
            pltpu.VMEM((rows_per_tile, D_OUT), jnp.float32),
            pltpu.SemaphoreType.DMA,
        )

    return sc_kernel


@functools.partial(jax.jit, static_argnums=(4,))
def _run(x_vals, y_vals, write_idx, retrieve_idx, M):
    B, D_IN = x_vals.shape
    D_OUT = y_vals.shape[1]
    sck = _build_sc_kernel(M, B, D_IN, D_OUT)
    return sck(x_vals, y_vals, write_idx, retrieve_idx)


def kernel(buffer_input, buffer_target, x_vals, y_vals, write_idx,
           retrieve_idx):
    M = buffer_input.shape[0]
    ox, oy = _run(x_vals, y_vals,
                  write_idx.astype(jnp.int32),
                  retrieve_idx.astype(jnp.int32), M)
    return (ox, oy)

# --- scband reference (transcript-rebuilt; emitter-appended) ---
"""Pipeline reference for scband-buffer-30571577213210 (READ-ONLY COPY).

The authoritative reference and input builder live on the scoring server;
editing this copy changes nothing except your own understanding.
"""

import jax, jax.numpy as jnp
import numpy as np

M, D_IN, D_OUT, B = 100000, 128, 32, 16384


def setup_inputs(seed: int = 0) -> dict:
    key = jax.random.key(seed)
    k1, k2, k3, k4 = jax.random.split(key, 4)
    buffer_input = jnp.zeros((M, D_IN), dtype=jnp.float32)
    buffer_target = jnp.zeros((M, D_OUT), dtype=jnp.float32)
    x_vals = jax.random.normal(k1, (B, D_IN), dtype=jnp.float32)
    y_vals = jax.random.normal(k2, (B, D_OUT), dtype=jnp.float32)
    write_idx = jax.random.randint(k3, (B,), 0, M)
    retrieve_idx = jax.random.randint(k4, (B,), 0, M)
    return {
        'buffer_input': buffer_input,
        'buffer_target': buffer_target,
        'x_vals': x_vals,
        'y_vals': y_vals,
        'write_idx': write_idx,
        'retrieve_idx': retrieve_idx,
    }


def reference(buffer_input, buffer_target, x_vals, y_vals, write_idx, retrieve_idx):
    # Vectorized reservoir_update: scatter-overwrite the sampled slots with the
    # current batch of (x, y) pairs (buffer_input[r] = x; buffer_target[r] = y).
    bi = buffer_input.at[write_idx].set(x_vals)
    bt = buffer_target.at[write_idx].set(y_vals)
    # random_retrieve: gather num_retrieve rows at the chosen indices.
    x = jnp.take(bi, retrieve_idx, axis=0)
    y = jnp.take(bt, retrieve_idx, axis=0)
    return (x, y)

if __name__ == "__main__":
    import jax
    _d = setup_inputs()
    print(jax.jit(kernel)(*tuple(_d.values())))

</pallas_src>

<mosaic_0001>
#map = affine_map<(d0, d1) -> (0, 0)>
#map1 = affine_map<(d0, d1) -> (0)>
module attributes {stable_mosaic.version = 14 : i64} {
  func.func @sc_kernel(%arg0: i32, %arg1: i32, %arg2: memref<16384x128xf32, #tpu.memory_space<hbm>>, %arg3: memref<16384x32xf32, #tpu.memory_space<hbm>>, %arg4: memref<16384xi32, #tpu.memory_space<hbm>>, %arg5: memref<16384xi32, #tpu.memory_space<hbm>>, %arg6: memref<16384x128xf32, #tpu.memory_space<hbm>>, %arg7: memref<16384x32xf32, #tpu.memory_space<hbm>>, %arg8: memref<8192xi32, #tpu.memory_space<vmem_shared>>) attributes {dimension_semantics = [#tpu.dimension_semantics<core_parallel>, #tpu.dimension_semantics<subcore_parallel>], iteration_bounds = array<i64: 2, 16>, scalar_prefetch = 0 : i64, scratch_operands = 1 : i64, tpu.core_type = #tpu.core_type<sc_vector_subcore>, window_params = [{transform_indices = #map}, {transform_indices = #map}, {transform_indices = #map1}, {transform_indices = #map1}, {transform_indices = #map}, {transform_indices = #map}]} {
    %eq3A = arith.constant 0 : i32
    %eq3A_0 = arith.cmpi eq, %arg1, %eq3A : i32
    %convert_element_type3A = arith.extui %eq3A_0 : i1 to i32
    %cond3A = arith.constant 0 : i32
    %cond3A_1 = arith.cmpi ne, %convert_element_type3A, %cond3A : i32
    scf.if %cond3A_1 {
      "tpu.region"() ({
        %run_scoped3A = memref.alloca() : memref<100096xi32, #tpu.memory_space<vmem>>
        %run_scoped3A_2 = memref.alloca() : memref<2048xi32, #tpu.memory_space<vmem>>
        %run_scoped3A_3 = memref.alloca() : memref<8192xi32, #tpu.memory_space<vmem>>
        %run_scoped3A_4 = memref.alloca() : memref<8192xi32, #tpu.memory_space<vmem>>
        %iota3A = tpu.iota {dimensions = array<i32: 0>} : vector<16xi32>
        %broadcast_in_dim3A = arith.constant 0 : i32
        %broadcast_in_dim3A_5 = vector.broadcast %broadcast_in_dim3A : i32 to vector<16xi32>
        %mul3A = arith.constant 8192 : i32
        %mul3A_6 = arith.muli %arg0, %mul3A : i32
        "tpu.region"() ({
          %run_scoped3A_24 = tpu.sem_alloc : memref<!tpu.dma_semaphore, #tpu.memory_space<semaphore_mem>>
          %dma_start3A = tpu.memref_slice %arg5[%mul3A_6] : memref<16384xi32, #tpu.memory_space<hbm>> -> memref<8192xi32, #tpu.memory_space<hbm>>
          %dma_start3A_25 = tpu.memref_slice %arg5[%mul3A_6] : memref<16384xi32, #tpu.memory_space<hbm>> -> memref<8192xi32, #tpu.memory_space<hbm>>
          tpu.enqueue_dma source(%dma_start3A_25 : memref<8192xi32, #tpu.memory_space<hbm>>) target(%run_scoped3A_3 : memref<8192xi32, #tpu.memory_space<vmem>>) target_semaphore(%run_scoped3A_24 : memref<!tpu.dma_semaphore, #tpu.memory_space<semaphore_mem>>)
          %dma_wait3A = tpu.memref_slice %arg5[%mul3A_6] : memref<16384xi32, #tpu.memory_space<hbm>> -> memref<8192xi32, #tpu.memory_space<hbm>>
          %dma_wait3A_26 = tpu.memref_slice %arg5[%mul3A_6] : memref<16384xi32, #tpu.memory_space<hbm>> -> memref<8192xi32, #tpu.memory_space<hbm>>
          tpu.wait_dma2 semaphore(%run_scoped3A_24 : memref<!tpu.dma_semaphore, #tpu.memory_space<semaphore_mem>>) src(%dma_wait3A_26 : memref<8192xi32, #tpu.memory_space<hbm>>) dst(%run_scoped3A_3 : memref<8192xi32, #tpu.memory_space<vmem>>)
          tpu.yield
        }) : () -> ()
        "tpu.trace_start"() <{level = 10 : i32, message = "ph_prezero"}> : () -> ()
        %scan3A = arith.constant 0 : i32
        %scan3A_7 = arith.constant 0 : i32
        %scan3A_8 = arith.constant 128 : i32
        %scan3A_9 = arith.addi %scan3A_7, %scan3A_8 : i32
        %scan3A_10 = arith.constant 1 : i32
        scf.for %scan3A_24 = %scan3A_7 to %scan3A_9 step %scan3A_10  : i32 {
          %mul3A_25 = arith.constant 4 : i32
          %mul3A_26 = arith.muli %scan3A_24, %mul3A_25 : i32
          %add3A = arith.constant 0 : i32
          %add3A_27 = arith.addi %mul3A_26, %add3A : i32
          %mul3A_28 = arith.constant 16 : i32
          %mul3A_29 = arith.muli %add3A_27, %mul3A_28 : i32
          %get3A = arith.index_cast %mul3A_29 : i32 to index
          %get3A_30 = tpu.vector_load %run_scoped3A_3[%get3A] {strides = array<i32>} : memref<8192xi32, #tpu.memory_space<vmem>>, vector<16xi32>,
          tpu.vector_store_idx %run_scoped3A[%get3A_30], %broadcast_in_dim3A_5 : memref<100096xi32, #tpu.memory_space<vmem>>[vector<16xi32>], vector<16xi32>,
          %mul3A_31 = arith.constant 4 : i32
          %mul3A_32 = arith.muli %scan3A_24, %mul3A_31 : i32
          %add3A_33 = arith.constant 1 : i32
          %add3A_34 = arith.addi %mul3A_32, %add3A_33 : i32
          %mul3A_35 = arith.constant 16 : i32
          %mul3A_36 = arith.muli %add3A_34, %mul3A_35 : i32
          %get3A_37 = arith.index_cast %mul3A_36 : i32 to index
          %get3A_38 = tpu.vector_load %run_scoped3A_3[%get3A_37] {strides = array<i32>} : memref<8192xi32, #tpu.memory_space<vmem>>, vector<16xi32>,
          tpu.vector_store_idx %run_scoped3A[%get3A_38], %broadcast_in_dim3A_5 : memref<100096xi32, #tpu.memory_space<vmem>>[vector<16xi32>], vector<16xi32>,
          %mul3A_39 = arith.constant 4 : i32
          %mul3A_40 = arith.muli %scan3A_24, %mul3A_39 : i32
          %add3A_41 = arith.constant 2 : i32
          %add3A_42 = arith.addi %mul3A_40, %add3A_41 : i32
          %mul3A_43 = arith.constant 16 : i32
          %mul3A_44 = arith.muli %add3A_42, %mul3A_43 : i32
          %get3A_45 = arith.index_cast %mul3A_44 : i32 to index
          %get3A_46 = tpu.vector_load %run_scoped3A_3[%get3A_45] {strides = array<i32>} : memref<8192xi32, #tpu.memory_space<vmem>>, vector<16xi32>,
          tpu.vector_store_idx %run_scoped3A[%get3A_46], %broadcast_in_dim3A_5 : memref<100096xi32, #tpu.memory_space<vmem>>[vector<16xi32>], vector<16xi32>,
          %mul3A_47 = arith.constant 4 : i32
          %mul3A_48 = arith.muli %scan3A_24, %mul3A_47 : i32
          %add3A_49 = arith.constant 3 : i32
          %add3A_50 = arith.addi %mul3A_48, %add3A_49 : i32
          %mul3A_51 = arith.constant 16 : i32
          %mul3A_52 = arith.muli %add3A_50, %mul3A_51 : i32
          %get3A_53 = arith.index_cast %mul3A_52 : i32 to index
          %get3A_54 = tpu.vector_load %run_scoped3A_3[%get3A_53] {strides = array<i32>} : memref<8192xi32, #tpu.memory_space<vmem>>, vector<16xi32>,
          tpu.vector_store_idx %run_scoped3A[%get3A_54], %broadcast_in_dim3A_5 : memref<100096xi32, #tpu.memory_space<vmem>>[vector<16xi32>], vector<16xi32>,
        }
        %scan3A_11 = arith.constant 128 : i32
        "tpu.trace_stop"() : () -> ()
        "tpu.trace_start"() <{level = 10 : i32, message = "ph_scatter"}> : () -> ()
        %scan3A_12 = arith.constant 0 : i32
        %scan3A_13 = arith.constant 0 : i32
        %scan3A_14 = arith.constant 8 : i32
        %scan3A_15 = arith.addi %scan3A_13, %scan3A_14 : i32
        %scan3A_16 = arith.constant 1 : i32
        scf.for %scan3A_24 = %scan3A_13 to %scan3A_15 step %scan3A_16  : i32 {
          %mul3A_25 = arith.constant 2048 : i32
          %mul3A_26 = arith.muli %scan3A_24, %mul3A_25 : i32
          "tpu.region"() ({
            %run_scoped3A_39 = tpu.sem_alloc : memref<!tpu.dma_semaphore, #tpu.memory_space<semaphore_mem>>
            %dma_start3A = tpu.memref_slice %arg4[%mul3A_26] : memref<16384xi32, #tpu.memory_space<hbm>> -> memref<2048xi32, #tpu.memory_space<hbm>>
            %dma_start3A_40 = tpu.memref_slice %arg4[%mul3A_26] : memref<16384xi32, #tpu.memory_space<hbm>> -> memref<2048xi32, #tpu.memory_space<hbm>>
            tpu.enqueue_dma source(%dma_start3A_40 : memref<2048xi32, #tpu.memory_space<hbm>>) target(%run_scoped3A_2 : memref<2048xi32, #tpu.memory_space<vmem>>) target_semaphore(%run_scoped3A_39 : memref<!tpu.dma_semaphore, #tpu.memory_space<semaphore_mem>>)
            %dma_wait3A = tpu.memref_slice %arg4[%mul3A_26] : memref<16384xi32, #tpu.memory_space<hbm>> -> memref<2048xi32, #tpu.memory_space<hbm>>
            %dma_wait3A_41 = tpu.memref_slice %arg4[%mul3A_26] : memref<16384xi32, #tpu.memory_space<hbm>> -> memref<2048xi32, #tpu.memory_space<hbm>>
            tpu.wait_dma2 semaphore(%run_scoped3A_39 : memref<!tpu.dma_semaphore, #tpu.memory_space<semaphore_mem>>) src(%dma_wait3A_41 : memref<2048xi32, #tpu.memory_space<hbm>>) dst(%run_scoped3A_2 : memref<2048xi32, #tpu.memory_space<vmem>>)
            tpu.yield
          }) : () -> ()
          %scan3A_27 = arith.constant 0 : i32
          %scan3A_28 = arith.constant 0 : i32
          %scan3A_29 = arith.constant 32 : i32
          %scan3A_30 = arith.addi %scan3A_28, %scan3A_29 : i32
          %scan3A_31 = arith.constant 1 : i32
          scf.for %scan3A_39 = %scan3A_28 to %scan3A_30 step %scan3A_31  : i32 {
            %mul3A_40 = arith.constant 4 : i32
            %mul3A_41 = arith.muli %scan3A_39, %mul3A_40 : i32
            %add3A = arith.constant 0 : i32
            %add3A_42 = arith.addi %mul3A_41, %add3A : i32
            %mul3A_43 = arith.constant 16 : i32
            %mul3A_44 = arith.muli %add3A_42, %mul3A_43 : i32
            %get3A = arith.index_cast %mul3A_44 : i32 to index
            %get3A_45 = tpu.vector_load %run_scoped3A_2[%get3A] {strides = array<i32>} : memref<2048xi32, #tpu.memory_space<vmem>>, vector<16xi32>,
            %mul3A_46 = arith.constant 2048 : i32
            %mul3A_47 = arith.muli %scan3A_24, %mul3A_46 : i32
            %mul3A_48 = arith.constant 4 : i32
            %mul3A_49 = arith.muli %scan3A_39, %mul3A_48 : i32
            %add3A_50 = arith.constant 0 : i32
            %add3A_51 = arith.addi %mul3A_49, %add3A_50 : i32
            %mul3A_52 = arith.constant 16 : i32
            %mul3A_53 = arith.muli %add3A_51, %mul3A_52 : i32
            %add3A_54 = arith.addi %mul3A_47, %mul3A_53 : i32
            %add3A_55 = arith.constant 1 : i32
            %add3A_56 = arith.addi %add3A_54, %add3A_55 : i32
            %add3A_57 = vector.broadcast %add3A_56 : i32 to vector<16xi32>
            %add3A_58 = arith.addi %iota3A, %add3A_57 : vector<16xi32>
            tpu.vector_store_idx %run_scoped3A[%get3A_45], %add3A_58 : memref<100096xi32, #tpu.memory_space<vmem>>[vector<16xi32>], vector<16xi32>,
            %mul3A_59 = arith.constant 4 : i32
            %mul3A_60 = arith.muli %scan3A_39, %mul3A_59 : i32
            %add3A_61 = arith.constant 1 : i32
            %add3A_62 = arith.addi %mul3A_60, %add3A_61 : i32
            %mul3A_63 = arith.constant 16 : i32
            %mul3A_64 = arith.muli %add3A_62, %mul3A_63 : i32
            %get3A_65 = arith.index_cast %mul3A_64 : i32 to index
            %get3A_66 = tpu.vector_load %run_scoped3A_2[%get3A_65] {strides = array<i32>} : memref<2048xi32, #tpu.memory_space<vmem>>, vector<16xi32>,
            %mul3A_67 = arith.constant 2048 : i32
            %mul3A_68 = arith.muli %scan3A_24, %mul3A_67 : i32
            %mul3A_69 = arith.constant 4 : i32
            %mul3A_70 = arith.muli %scan3A_39, %mul3A_69 : i32
            %add3A_71 = arith.constant 1 : i32
            %add3A_72 = arith.addi %mul3A_70, %add3A_71 : i32
            %mul3A_73 = arith.constant 16 : i32
            %mul3A_74 = arith.muli %add3A_72, %mul3A_73 : i32
            %add3A_75 = arith.addi %mul3A_68, %mul3A_74 : i32
            %add3A_76 = arith.constant 1 : i32
            %add3A_77 = arith.addi %add3A_75, %add3A_76 : i32
            %add3A_78 = vector.broadcast %add3A_77 : i32 to vector<16xi32>
            %add3A_79 = arith.addi %iota3A, %add3A_78 : vector<16xi32>
            tpu.vector_store_idx %run_scoped3A[%get3A_66], %add3A_79 : memref<100096xi32, #tpu.memory_space<vmem>>[vector<16xi32>], vector<16xi32>,
            %mul3A_80 = arith.constant 4 : i32
            %mul3A_81 = arith.muli %scan3A_39, %mul3A_80 : i32
            %add3A_82 = arith.constant 2 : i32
            %add3A_83 = arith.addi %mul3A_81, %add3A_82 : i32
            %mul3A_84 = arith.constant 16 : i32
            %mul3A_85 = arith.muli %add3A_83, %mul3A_84 : i32
            %get3A_86 = arith.index_cast %mul3A_85 : i32 to index
            %get3A_87 = tpu.vector_load %run_scoped3A_2[%get3A_86] {strides = array<i32>} : memref<2048xi32, #tpu.memory_space<vmem>>, vector<16xi32>,
            %mul3A_88 = arith.constant 2048 : i32
            %mul3A_89 = arith.muli %scan3A_24, %mul3A_88 : i32
            %mul3A_90 = arith.constant 4 : i32
            %mul3A_91 = arith.muli %scan3A_39, %mul3A_90 : i32
            %add3A_92 = arith.constant 2 : i32
            %add3A_93 = arith.addi %mul3A_91, %add3A_92 : i32
            %mul3A_94 = arith.constant 16 : i32
            %mul3A_95 = arith.muli %add3A_93, %mul3A_94 : i32
            %add3A_96 = arith.addi %mul3A_89, %mul3A_95 : i32
            %add3A_97 = arith.constant 1 : i32
            %add3A_98 = arith.addi %add3A_96, %add3A_97 : i32
            %add3A_99 = vector.broadcast %add3A_98 : i32 to vector<16xi32>
            %add3A_100 = arith.addi %iota3A, %add3A_99 : vector<16xi32>
            tpu.vector_store_idx %run_scoped3A[%get3A_87], %add3A_100 : memref<100096xi32, #tpu.memory_space<vmem>>[vector<16xi32>], vector<16xi32>,
            %mul3A_101 = arith.constant 4 : i32
            %mul3A_102 = arith.muli %scan3A_39, %mul3A_101 : i32
            %add3A_103 = arith.constant 3 : i32
            %add3A_104 = arith.addi %mul3A_102, %add3A_103 : i32
            %mul3A_105 = arith.constant 16 : i32
            %mul3A_106 = arith.muli %add3A_104, %mul3A_105 : i32
            %get3A_107 = arith.index_cast %mul3A_106 : i32 to index
            %get3A_108 = tpu.vector_load %run_scoped3A_2[%get3A_107] {strides = array<i32>} : memref<2048xi32, #tpu.memory_space<vmem>>, vector<16xi32>,
            %mul3A_109 = arith.constant 2048 : i32
            %mul3A_110 = arith.muli %scan3A_24, %mul3A_109 : i32
            %mul3A_111 = arith.constant 4 : i32
            %mul3A_112 = arith.muli %scan3A_39, %mul3A_111 : i32
            %add3A_113 = arith.constant 3 : i32
            %add3A_114 = arith.addi %mul3A_112, %add3A_113 : i32
            %mul3A_115 = arith.constant 16 : i32
            %mul3A_116 = arith.muli %add3A_114, %mul3A_115 : i32
            %add3A_117 = arith.addi %mul3A_110, %mul3A_116 : i32
            %add3A_118 = arith.constant 1 : i32
            %add3A_119 = arith.addi %add3A_117, %add3A_118 : i32
            %add3A_120 = vector.broadcast %add3A_119 : i32 to vector<16xi32>
            %add3A_121 = arith.addi %iota3A, %add3A_120 : vector<16xi32>
            tpu.vector_store_idx %run_scoped3A[%get3A_108], %add3A_121 : memref<100096xi32, #tpu.memory_space<vmem>>[vector<16xi32>], vector<16xi32>,
          }
          %scan3A_32 = arith.constant 32 : i32
          %scan3A_33 = arith.constant 0 : i32
          %scan3A_34 = arith.constant 0 : i32
          %scan3A_35 = arith.constant 32 : i32
          %scan3A_36 = arith.addi %scan3A_34, %scan3A_35 : i32
          %scan3A_37 = arith.constant 1 : i32
          scf.for %scan3A_39 = %scan3A_34 to %scan3A_36 step %scan3A_37  : i32 {
            %mul3A_40 = arith.constant 4 : i32
            %mul3A_41 = arith.muli %scan3A_39, %mul3A_40 : i32
            %add3A = arith.constant 0 : i32
            %add3A_42 = arith.addi %mul3A_41, %add3A : i32
            %mul3A_43 = arith.constant 16 : i32
            %mul3A_44 = arith.muli %add3A_42, %mul3A_43 : i32
            %get3A = arith.index_cast %mul3A_44 : i32 to index
            %get3A_45 = tpu.vector_load %run_scoped3A_2[%get3A] {strides = array<i32>} : memref<2048xi32, #tpu.memory_space<vmem>>, vector<16xi32>,
            %mul3A_46 = arith.constant 2048 : i32
            %mul3A_47 = arith.muli %scan3A_24, %mul3A_46 : i32
            %mul3A_48 = arith.constant 4 : i32
            %mul3A_49 = arith.muli %scan3A_39, %mul3A_48 : i32
            %add3A_50 = arith.constant 0 : i32
            %add3A_51 = arith.addi %mul3A_49, %add3A_50 : i32
            %mul3A_52 = arith.constant 16 : i32
            %mul3A_53 = arith.muli %add3A_51, %mul3A_52 : i32
            %add3A_54 = arith.addi %mul3A_47, %mul3A_53 : i32
            %add3A_55 = arith.constant 1 : i32
            %add3A_56 = arith.addi %add3A_54, %add3A_55 : i32
            %add3A_57 = vector.broadcast %add3A_56 : i32 to vector<16xi32>
            %add3A_58 = arith.addi %iota3A, %add3A_57 : vector<16xi32>
            %gather3A = tpu.vector_load_idx %run_scoped3A[%get3A_45] : memref<100096xi32, #tpu.memory_space<vmem>>[vector<16xi32>], vector<16xi32>,
            %lt3A = arith.cmpi slt, %gather3A, %add3A_58 : vector<16xi32>
            %while3A = scf.while (%while3A_131 = %lt3A) : (vector<16xi1>) -> vector<16xi1> {
              %reduce_or3A = arith.constant 1.000000e+00 : f32
              %reduce_or3A_132 = arith.constant 0.000000e+00 : f32
              %reduce_or3A_133 = vector.broadcast %reduce_or3A : f32 to vector<16xf32>
              %reduce_or3A_134 = vector.broadcast %reduce_or3A_132 : f32 to vector<16xf32>
              %reduce_or3A_135 = arith.select %while3A_131, %reduce_or3A_133, %reduce_or3A_134 : vector<16xi1>, vector<16xf32>
              %reduce_or3A_136 = arith.constant true
              %reduce_or3A_137 = vector.broadcast %reduce_or3A_136 : i1 to vector<16xi1>
              %reduce_or3A_138 = tpu.scan <max>, %reduce_or3A_135 masked %reduce_or3A_137 : vector<16xf32>, vector<16xi1> -> vector<16xf32>
              %reduce_or3A_139 = vector.extract %reduce_or3A_138[15] : f32 from vector<16xf32>
              %reduce_or3A_140 = arith.constant 0.000000e+00 : f32
              %reduce_or3A_141 = arith.cmpf ogt, %reduce_or3A_139, %reduce_or3A_140 : f32
              scf.condition(%reduce_or3A_141) %while3A_131 : vector<16xi1>
            } do {
            ^bb0(%while3A_131: vector<16xi1>):
              tpu.vector_store_idx %run_scoped3A[%get3A_45], %add3A_58 masked %while3A_131 : memref<100096xi32, #tpu.memory_space<vmem>>[vector<16xi32>], vector<16xi32>, vector<16xi1>
              %gather3A_132 = tpu.vector_load_idx %run_scoped3A[%get3A_45] : memref<100096xi32, #tpu.memory_space<vmem>>[vector<16xi32>], vector<16xi32>,
              %lt3A_133 = arith.cmpi slt, %gather3A_132, %add3A_58 : vector<16xi32>
              scf.yield %lt3A_133 : vector<16xi1>
            }
            %mul3A_59 = arith.constant 4 : i32
            %mul3A_60 = arith.muli %scan3A_39, %mul3A_59 : i32
            %add3A_61 = arith.constant 1 : i32
            %add3A_62 = arith.addi %mul3A_60, %add3A_61 : i32
            %mul3A_63 = arith.constant 16 : i32
            %mul3A_64 = arith.muli %add3A_62, %mul3A_63 : i32
            %get3A_65 = arith.index_cast %mul3A_64 : i32 to index
            %get3A_66 = tpu.vector_load %run_scoped3A_2[%get3A_65] {strides = array<i32>} : memref<2048xi32, #tpu.memory_space<vmem>>, vector<16xi32>,
            %mul3A_67 = arith.constant 2048 : i32
            %mul3A_68 = arith.muli %scan3A_24, %mul3A_67 : i32
            %mul3A_69 = arith.constant 4 : i32
            %mul3A_70 = arith.muli %scan3A_39, %mul3A_69 : i32
            %add3A_71 = arith.constant 1 : i32
            %add3A_72 = arith.addi %mul3A_70, %add3A_71 : i32
            %mul3A_73 = arith.constant 16 : i32
            %mul3A_74 = arith.muli %add3A_72, %mul3A_73 : i32
            %add3A_75 = arith.addi %mul3A_68, %mul3A_74 : i32
            %add3A_76 = arith.constant 1 : i32
            %add3A_77 = arith.addi %add3A_75, %add3A_76 : i32
            %add3A_78 = vector.broadcast %add3A_77 : i32 to vector<16xi32>
            %add3A_79 = arith.addi %iota3A, %add3A_78 : vector<16xi32>
            %gather3A_80 = tpu.vector_load_idx %run_scoped3A[%get3A_66] : memref<100096xi32, #tpu.memory_space<vmem>>[vector<16xi32>], vector<16xi32>,
            %lt3A_81 = arith.cmpi slt, %gather3A_80, %add3A_79 : vector<16xi32>
            %while3A_82 = scf.while (%while3A_131 = %lt3A_81) : (vector<16xi1>) -> vector<16xi1> {
              %reduce_or3A = arith.constant 1.000000e+00 : f32
              %reduce_or3A_132 = arith.constant 0.000000e+00 : f32
              %reduce_or3A_133 = vector.broadcast %reduce_or3A : f32 to vector<16xf32>
              %reduce_or3A_134 = vector.broadcast %reduce_or3A_132 : f32 to vector<16xf32>
              %reduce_or3A_135 = arith.select %while3A_131, %reduce_or3A_133, %reduce_or3A_134 : vector<16xi1>, vector<16xf32>
              %reduce_or3A_136 = arith.constant true
              %reduce_or3A_137 = vector.broadcast %reduce_or3A_136 : i1 to vector<16xi1>
              %reduce_or3A_138 = tpu.scan <max>, %reduce_or3A_135 masked %reduce_or3A_137 : vector<16xf32>, vector<16xi1> -> vector<16xf32>
              %reduce_or3A_139 = vector.extract %reduce_or3A_138[15] : f32 from vector<16xf32>
              %reduce_or3A_140 = arith.constant 0.000000e+00 : f32
              %reduce_or3A_141 = arith.cmpf ogt, %reduce_or3A_139, %reduce_or3A_140 : f32
              scf.condition(%reduce_or3A_141) %while3A_131 : vector<16xi1>
            } do {
            ^bb0(%while3A_131: vector<16xi1>):
              tpu.vector_store_idx %run_scoped3A[%get3A_66], %add3A_79 masked %while3A_131 : memref<100096xi32, #tpu.memory_space<vmem>>[vector<16xi32>], vector<16xi32>, vector<16xi1>
              %gather3A_132 = tpu.vector_load_idx %run_scoped3A[%get3A_66] : memref<100096xi32, #tpu.memory_space<vmem>>[vector<16xi32>], vector<16xi32>,
              %lt3A_133 = arith.cmpi slt, %gather3A_132, %add3A_79 : vector<16xi32>
              scf.yield %lt3A_133 : vector<16xi1>
            }
            %mul3A_83 = arith.constant 4 : i32
            %mul3A_84 = arith.muli %scan3A_39, %mul3A_83 : i32
            %add3A_85 = arith.constant 2 : i32
            %add3A_86 = arith.addi %mul3A_84, %add3A_85 : i32
            %mul3A_87 = arith.constant 16 : i32
            %mul3A_88 = arith.muli %add3A_86, %mul3A_87 : i32
            %get3A_89 = arith.index_cast %mul3A_88 : i32 to index
            %get3A_90 = tpu.vector_load %run_scoped3A_2[%get3A_89] {strides = array<i32>} : memref<2048xi32, #tpu.memory_space<vmem>>, vector<16xi32>,
            %mul3A_91 = arith.constant 2048 : i32
            %mul3A_92 = arith.muli %scan3A_24, %mul3A_91 : i32
            %mul3A_93 = arith.constant 4 : i32
            %mul3A_94 = arith.muli %scan3A_39, %mul3A_93 : i32
            %add3A_95 = arith.constant 2 : i32
            %add3A_96 = arith.addi %mul3A_94, %add3A_95 : i32
            %mul3A_97 = arith.constant 16 : i32
            %mul3A_98 = arith.muli %add3A_96, %mul3A_97 : i32
            %add3A_99 = arith.addi %mul3A_92, %mul3A_98 : i32
            %add3A_100 = arith.constant 1 : i32
            %add3A_101 = arith.addi %add3A_99, %add3A_100 : i32
            %add3A_102 = vector.broadcast %add3A_101 : i32 to vector<16xi32>
            %add3A_103 = arith.addi %iota3A, %add3A_102 : vector<16xi32>
            %gather3A_104 = tpu.vector_load_idx %run_scoped3A[%get3A_90] : memref<100096xi32, #tpu.memory_space<vmem>>[vector<16xi32>], vector<16xi32>,
            %lt3A_105 = arith.cmpi slt, %gather3A_104, %add3A_103 : vector<16xi32>
            %while3A_106 = scf.while (%while3A_131 = %lt3A_105) : (vector<16xi1>) -> vector<16xi1> {
              %reduce_or3A = arith.constant 1.000000e+00 : f32
              %reduce_or3A_132 = arith.constant 0.000000e+00 : f32
              %reduce_or3A_133 = vector.broadcast %reduce_or3A : f32 to vector<16xf32>
              %reduce_or3A_134 = vector.broadcast %reduce_or3A_132 : f32 to vector<16xf32>
              %reduce_or3A_135 = arith.select %while3A_131, %reduce_or3A_133, %reduce_or3A_134 : vector<16xi1>, vector<16xf32>
              %reduce_or3A_136 = arith.constant true
              %reduce_or3A_137 = vector.broadcast %reduce_or3A_136 : i1 to vector<16xi1>
              %reduce_or3A_138 = tpu.scan <max>, %reduce_or3A_135 masked %reduce_or3A_137 : vector<16xf32>, vector<16xi1> -> vector<16xf32>
              %reduce_or3A_139 = vector.extract %reduce_or3A_138[15] : f32 from vector<16xf32>
              %reduce_or3A_140 = arith.constant 0.000000e+00 : f32
              %reduce_or3A_141 = arith.cmpf ogt, %reduce_or3A_139, %reduce_or3A_140 : f32
              scf.condition(%reduce_or3A_141) %while3A_131 : vector<16xi1>
            } do {
            ^bb0(%while3A_131: vector<16xi1>):
              tpu.vector_store_idx %run_scoped3A[%get3A_90], %add3A_103 masked %while3A_131 : memref<100096xi32, #tpu.memory_space<vmem>>[vector<16xi32>], vector<16xi32>, vector<16xi1>
              %gather3A_132 = tpu.vector_load_idx %run_scoped3A[%get3A_90] : memref<100096xi32, #tpu.memory_space<vmem>>[vector<16xi32>], vector<16xi32>,
              %lt3A_133 = arith.cmpi slt, %gather3A_132, %add3A_103 : vector<16xi32>
              scf.yield %lt3A_133 : vector<16xi1>
            }
            %mul3A_107 = arith.constant 4 : i32
            %mul3A_108 = arith.muli %scan3A_39, %mul3A_107 : i32
            %add3A_109 = arith.constant 3 : i32
            %add3A_110 = arith.addi %mul3A_108, %add3A_109 : i32
            %mul3A_111 = arith.constant 16 : i32
            %mul3A_112 = arith.muli %add3A_110, %mul3A_111 : i32
            %get3A_113 = arith.index_cast %mul3A_112 : i32 to index
            %get3A_114 = tpu.vector_load %run_scoped3A_2[%get3A_113] {strides = array<i32>} : memref<2048xi32, #tpu.memory_space<vmem>>, vector<16xi32>,
            %mul3A_115 = arith.constant 2048 : i32
            %mul3A_116 = arith.muli %scan3A_24, %mul3A_115 : i32
            %mul3A_117 = arith.constant 4 : i32
            %mul3A_118 = arith.muli %scan3A_39, %mul3A_117 : i32
            %add3A_119 = arith.constant 3 : i32
            %add3A_120 = arith.addi %mul3A_118, %add3A_119 : i32
            %mul3A_121 = arith.constant 16 : i32
            %mul3A_122 = arith.muli %add3A_120, %mul3A_121 : i32
            %add3A_123 = arith.addi %mul3A_116, %mul3A_122 : i32
            %add3A_124 = arith.constant 1 : i32
            %add3A_125 = arith.addi %add3A_123, %add3A_124 : i32
            %add3A_126 = vector.broadcast %add3A_125 : i32 to vector<16xi32>
            %add3A_127 = arith.addi %iota3A, %add3A_126 : vector<16xi32>
            %gather3A_128 = tpu.vector_load_idx %run_scoped3A[%get3A_114] : memref<100096xi32, #tpu.memory_space<vmem>>[vector<16xi32>], vector<16xi32>,
            %lt3A_129 = arith.cmpi slt, %gather3A_128, %add3A_127 : vector<16xi32>
            %while3A_130 = scf.while (%while3A_131 = %lt3A_129) : (vector<16xi1>) -> vector<16xi1> {
              %reduce_or3A = arith.constant 1.000000e+00 : f32
              %reduce_or3A_132 = arith.constant 0.000000e+00 : f32
              %reduce_or3A_133 = vector.broadcast %reduce_or3A : f32 to vector<16xf32>
              %reduce_or3A_134 = vector.broadcast %reduce_or3A_132 : f32 to vector<16xf32>
              %reduce_or3A_135 = arith.select %while3A_131, %reduce_or3A_133, %reduce_or3A_134 : vector<16xi1>, vector<16xf32>
              %reduce_or3A_136 = arith.constant true
              %reduce_or3A_137 = vector.broadcast %reduce_or3A_136 : i1 to vector<16xi1>
              %reduce_or3A_138 = tpu.scan <max>, %reduce_or3A_135 masked %reduce_or3A_137 : vector<16xf32>, vector<16xi1> -> vector<16xf32>
              %reduce_or3A_139 = vector.extract %reduce_or3A_138[15] : f32 from vector<16xf32>
              %reduce_or3A_140 = arith.constant 0.000000e+00 : f32
              %reduce_or3A_141 = arith.cmpf ogt, %reduce_or3A_139, %reduce_or3A_140 : f32
              scf.condition(%reduce_or3A_141) %while3A_131 : vector<16xi1>
            } do {
            ^bb0(%while3A_131: vector<16xi1>):
              tpu.vector_store_idx %run_scoped3A[%get3A_114], %add3A_127 masked %while3A_131 : memref<100096xi32, #tpu.memory_space<vmem>>[vector<16xi32>], vector<16xi32>, vector<16xi1>
              %gather3A_132 = tpu.vector_load_idx %run_scoped3A[%get3A_114] : memref<100096xi32, #tpu.memory_space<vmem>>[vector<16xi32>], vector<16xi32>,
              %lt3A_133 = arith.cmpi slt, %gather3A_132, %add3A_127 : vector<16xi32>
              scf.yield %lt3A_133 : vector<16xi1>
            }
          }
          %scan3A_38 = arith.constant 32 : i32
        }
        %scan3A_17 = arith.constant 8 : i32
        "tpu.trace_stop"() : () -> ()
        "tpu.trace_start"() <{level = 10 : i32, message = "ph_lookup"}> : () -> ()
        %scan3A_18 = arith.constant 0 : i32
        %scan3A_19 = arith.constant 0 : i32
        %scan3A_20 = arith.constant 128 : i32
        %scan3A_21 = arith.addi %scan3A_19, %scan3A_20 : i32
        %scan3A_22 = arith.constant 1 : i32
        scf.for %scan3A_24 = %scan3A_19 to %scan3A_21 step %scan3A_22  : i32 {
          %mul3A_25 = arith.constant 4 : i32
          %mul3A_26 = arith.muli %scan3A_24, %mul3A_25 : i32
          %add3A = arith.constant 0 : i32
          %add3A_27 = arith.addi %mul3A_26, %add3A : i32
          %mul3A_28 = arith.constant 16 : i32
          %mul3A_29 = arith.muli %add3A_27, %mul3A_28 : i32
          %get3A = arith.index_cast %mul3A_29 : i32 to index
          %get3A_30 = tpu.vector_load %run_scoped3A_3[%get3A] {strides = array<i32>} : memref<8192xi32, #tpu.memory_space<vmem>>, vector<16xi32>,
          %gather3A = tpu.vector_load_idx %run_scoped3A[%get3A_30] : memref<100096xi32, #tpu.memory_space<vmem>>[vector<16xi32>], vector<16xi32>,
          %mul3A_31 = arith.constant 4 : i32
          %mul3A_32 = arith.muli %scan3A_24, %mul3A_31 : i32
          %add3A_33 = arith.constant 0 : i32
          %add3A_34 = arith.addi %mul3A_32, %add3A_33 : i32
          %mul3A_35 = arith.constant 16 : i32
          %mul3A_36 = arith.muli %add3A_34, %mul3A_35 : i32
          %swap3A = arith.index_cast %mul3A_36 : i32 to index
          %swap3A_37 = tpu.vector_load %run_scoped3A_4[%swap3A] {strides = array<i32>} : memref<8192xi32, #tpu.memory_space<vmem>>, vector<16xi32>,
          tpu.vector_store %run_scoped3A_4[%swap3A], %gather3A {strides = array<i32>} : memref<8192xi32, #tpu.memory_space<vmem>>, vector<16xi32>,
          %mul3A_38 = arith.constant 4 : i32
          %mul3A_39 = arith.muli %scan3A_24, %mul3A_38 : i32
          %add3A_40 = arith.constant 1 : i32
          %add3A_41 = arith.addi %mul3A_39, %add3A_40 : i32
          %mul3A_42 = arith.constant 16 : i32
          %mul3A_43 = arith.muli %add3A_41, %mul3A_42 : i32
          %get3A_44 = arith.index_cast %mul3A_43 : i32 to index
          %get3A_45 = tpu.vector_load %run_scoped3A_3[%get3A_44] {strides = array<i32>} : memref<8192xi32, #tpu.memory_space<vmem>>, vector<16xi32>,
          %gather3A_46 = tpu.vector_load_idx %run_scoped3A[%get3A_45] : memref<100096xi32, #tpu.memory_space<vmem>>[vector<16xi32>], vector<16xi32>,
          %mul3A_47 = arith.constant 4 : i32
          %mul3A_48 = arith.muli %scan3A_24, %mul3A_47 : i32
          %add3A_49 = arith.constant 1 : i32
          %add3A_50 = arith.addi %mul3A_48, %add3A_49 : i32
          %mul3A_51 = arith.constant 16 : i32
          %mul3A_52 = arith.muli %add3A_50, %mul3A_51 : i32
          %swap3A_53 = arith.index_cast %mul3A_52 : i32 to index
          %swap3A_54 = tpu.vector_load %run_scoped3A_4[%swap3A_53] {strides = array<i32>} : memref<8192xi32, #tpu.memory_space<vmem>>, vector<16xi32>,
          tpu.vector_store %run_scoped3A_4[%swap3A_53], %gather3A_46 {strides = array<i32>} : memref<8192xi32, #tpu.memory_space<vmem>>, vector<16xi32>,
          %mul3A_55 = arith.constant 4 : i32
          %mul3A_56 = arith.muli %scan3A_24, %mul3A_55 : i32
          %add3A_57 = arith.constant 2 : i32
          %add3A_58 = arith.addi %mul3A_56, %add3A_57 : i32
          %mul3A_59 = arith.constant 16 : i32
          %mul3A_60 = arith.muli %add3A_58, %mul3A_59 : i32
          %get3A_61 = arith.index_cast %mul3A_60 : i32 to index
          %get3A_62 = tpu.vector_load %run_scoped3A_3[%get3A_61] {strides = array<i32>} : memref<8192xi32, #tpu.memory_space<vmem>>, vector<16xi32>,
          %gather3A_63 = tpu.vector_load_idx %run_scoped3A[%get3A_62] : memref<100096xi32, #tpu.memory_space<vmem>>[vector<16xi32>], vector<16xi32>,
          %mul3A_64 = arith.constant 4 : i32
          %mul3A_65 = arith.muli %scan3A_24, %mul3A_64 : i32
          %add3A_66 = arith.constant 2 : i32
          %add3A_67 = arith.addi %mul3A_65, %add3A_66 : i32
          %mul3A_68 = arith.constant 16 : i32
          %mul3A_69 = arith.muli %add3A_67, %mul3A_68 : i32
          %swap3A_70 = arith.index_cast %mul3A_69 : i32 to index
          %swap3A_71 = tpu.vector_load %run_scoped3A_4[%swap3A_70] {strides = array<i32>} : memref<8192xi32, #tpu.memory_space<vmem>>, vector<16xi32>,
          tpu.vector_store %run_scoped3A_4[%swap3A_70], %gather3A_63 {strides = array<i32>} : memref<8192xi32, #tpu.memory_space<vmem>>, vector<16xi32>,
          %mul3A_72 = arith.constant 4 : i32
          %mul3A_73 = arith.muli %scan3A_24, %mul3A_72 : i32
          %add3A_74 = arith.constant 3 : i32
          %add3A_75 = arith.addi %mul3A_73, %add3A_74 : i32
          %mul3A_76 = arith.constant 16 : i32
          %mul3A_77 = arith.muli %add3A_75, %mul3A_76 : i32
          %get3A_78 = arith.index_cast %mul3A_77 : i32 to index
          %get3A_79 = tpu.vector_load %run_scoped3A_3[%get3A_78] {strides = array<i32>} : memref<8192xi32, #tpu.memory_space<vmem>>, vector<16xi32>,
          %gather3A_80 = tpu.vector_load_idx %run_scoped3A[%get3A_79] : memref<100096xi32, #tpu.memory_space<vmem>>[vector<16xi32>], vector<16xi32>,
          %mul3A_81 = arith.constant 4 : i32
          %mul3A_82 = arith.muli %scan3A_24, %mul3A_81 : i32
          %add3A_83 = arith.constant 3 : i32
          %add3A_84 = arith.addi %mul3A_82, %add3A_83 : i32
          %mul3A_85 = arith.constant 16 : i32
          %mul3A_86 = arith.muli %add3A_84, %mul3A_85 : i32
          %swap3A_87 = arith.index_cast %mul3A_86 : i32 to index
          %swap3A_88 = tpu.vector_load %run_scoped3A_4[%swap3A_87] {strides = array<i32>} : memref<8192xi32, #tpu.memory_space<vmem>>, vector<16xi32>,
          tpu.vector_store %run_scoped3A_4[%swap3A_87], %gather3A_80 {strides = array<i32>} : memref<8192xi32, #tpu.memory_space<vmem>>, vector<16xi32>,
        }
        %scan3A_23 = arith.constant 128 : i32
        "tpu.region"() ({
          %run_scoped3A_24 = tpu.sem_alloc : memref<!tpu.dma_semaphore, #tpu.memory_space<semaphore_mem>>
          tpu.enqueue_dma source(%run_scoped3A_4 : memref<8192xi32, #tpu.memory_space<vmem>>) target(%arg8 : memref<8192xi32, #tpu.memory_space<vmem_shared>>) target_semaphore(%run_scoped3A_24 : memref<!tpu.dma_semaphore, #tpu.memory_space<semaphore_mem>>)
          tpu.wait_dma2 semaphore(%run_scoped3A_24 : memref<!tpu.dma_semaphore, #tpu.memory_space<semaphore_mem>>) src(%run_scoped3A_4 : memref<8192xi32, #tpu.memory_space<vmem>>) dst(%arg8 : memref<8192xi32, #tpu.memory_space<vmem_shared>>)
          tpu.yield
        }) : () -> ()
        "tpu.trace_stop"() : () -> ()
        tpu.yield
      }) : () -> ()
    } else {
    }
    %barrier3A = arith.constant 0 : index
    tpu.barrier barrier_id(%barrier3A)
    "tpu.region"() ({
      %run_scoped3A = memref.alloca() : memref<512xi32, #tpu.memory_space<vmem>>
      %run_scoped3A_2 = memref.alloca() : memref<528xi32, #tpu.memory_space<vmem>>
      %run_scoped3A_3 = memref.alloca() : memref<528xi32, #tpu.memory_space<vmem>>
      %run_scoped3A_4 = memref.alloca() : memref<512x128xf32, #tpu.memory_space<vmem>>
      %run_scoped3A_5 = memref.alloca() : memref<512x32xf32, #tpu.memory_space<vmem>>
      %run_scoped3A_6 = tpu.sem_alloc : memref<!tpu.dma_semaphore, #tpu.memory_space<semaphore_mem>>
      %mul3A = arith.constant 512 : i32
      %mul3A_7 = arith.muli %arg1, %mul3A : i32
      %mul3A_8 = arith.constant 8192 : i32
      %mul3A_9 = arith.muli %arg0, %mul3A_8 : i32
      %add3A = arith.addi %mul3A_9, %mul3A_7 : i32
      "tpu.region"() ({
        %run_scoped3A_124 = tpu.sem_alloc : memref<!tpu.dma_semaphore, #tpu.memory_space<semaphore_mem>>
        %dma_start3A = tpu.memref_slice %arg8[%mul3A_7] : memref<8192xi32, #tpu.memory_space<vmem_shared>> -> memref<512xi32, #tpu.memory_space<vmem_shared>>
        %dma_start3A_125 = tpu.memref_slice %arg8[%mul3A_7] : memref<8192xi32, #tpu.memory_space<vmem_shared>> -> memref<512xi32, #tpu.memory_space<vmem_shared>>
        tpu.enqueue_dma source(%dma_start3A_125 : memref<512xi32, #tpu.memory_space<vmem_shared>>) target(%run_scoped3A : memref<512xi32, #tpu.memory_space<vmem>>) target_semaphore(%run_scoped3A_124 : memref<!tpu.dma_semaphore, #tpu.memory_space<semaphore_mem>>)
        %dma_wait3A = tpu.memref_slice %arg8[%mul3A_7] : memref<8192xi32, #tpu.memory_space<vmem_shared>> -> memref<512xi32, #tpu.memory_space<vmem_shared>>
        %dma_wait3A_126 = tpu.memref_slice %arg8[%mul3A_7] : memref<8192xi32, #tpu.memory_space<vmem_shared>> -> memref<512xi32, #tpu.memory_space<vmem_shared>>
        tpu.wait_dma2 semaphore(%run_scoped3A_124 : memref<!tpu.dma_semaphore, #tpu.memory_space<semaphore_mem>>) src(%dma_wait3A_126 : memref<512xi32, #tpu.memory_space<vmem_shared>>) dst(%run_scoped3A : memref<512xi32, #tpu.memory_space<vmem>>)
        tpu.yield
      }) : () -> ()
      %broadcast_in_dim3A = arith.constant 0 : i32
      %broadcast_in_dim3A_10 = vector.broadcast %broadcast_in_dim3A : i32 to vector<16xi32>
      %swap3A = arith.constant 0 : index
      %swap3A_11 = tpu.vector_load %run_scoped3A_2[%swap3A] {strides = array<i32>} : memref<528xi32, #tpu.memory_space<vmem>>, vector<16xi32>,
      tpu.vector_store %run_scoped3A_2[%swap3A], %broadcast_in_dim3A_10 {strides = array<i32>} : memref<528xi32, #tpu.memory_space<vmem>>, vector<16xi32>,
      %swap3A_12 = arith.constant 16 : index
      %swap3A_13 = tpu.vector_load %run_scoped3A_2[%swap3A_12] {strides = array<i32>} : memref<528xi32, #tpu.memory_space<vmem>>, vector<16xi32>,
      tpu.vector_store %run_scoped3A_2[%swap3A_12], %broadcast_in_dim3A_10 {strides = array<i32>} : memref<528xi32, #tpu.memory_space<vmem>>, vector<16xi32>,
      %swap3A_14 = arith.constant 32 : index
      %swap3A_15 = tpu.vector_load %run_scoped3A_2[%swap3A_14] {strides = array<i32>} : memref<528xi32, #tpu.memory_space<vmem>>, vector<16xi32>,
      tpu.vector_store %run_scoped3A_2[%swap3A_14], %broadcast_in_dim3A_10 {strides = array<i32>} : memref<528xi32, #tpu.memory_space<vmem>>, vector<16xi32>,
      %swap3A_16 = arith.constant 48 : index
      %swap3A_17 = tpu.vector_load %run_scoped3A_2[%swap3A_16] {strides = array<i32>} : memref<528xi32, #tpu.memory_space<vmem>>, vector<16xi32>,
      tpu.vector_store %run_scoped3A_2[%swap3A_16], %broadcast_in_dim3A_10 {strides = array<i32>} : memref<528xi32, #tpu.memory_space<vmem>>, vector<16xi32>,
      %swap3A_18 = arith.constant 64 : index
      %swap3A_19 = tpu.vector_load %run_scoped3A_2[%swap3A_18] {strides = array<i32>} : memref<528xi32, #tpu.memory_space<vmem>>, vector<16xi32>,
      tpu.vector_store %run_scoped3A_2[%swap3A_18], %broadcast_in_dim3A_10 {strides = array<i32>} : memref<528xi32, #tpu.memory_space<vmem>>, vector<16xi32>,
      %swap3A_20 = arith.constant 80 : index
      %swap3A_21 = tpu.vector_load %run_scoped3A_2[%swap3A_20] {strides = array<i32>} : memref<528xi32, #tpu.memory_space<vmem>>, vector<16xi32>,
      tpu.vector_store %run_scoped3A_2[%swap3A_20], %broadcast_in_dim3A_10 {strides = array<i32>} : memref<528xi32, #tpu.memory_space<vmem>>, vector<16xi32>,
      %swap3A_22 = arith.constant 96 : index
      %swap3A_23 = tpu.vector_load %run_scoped3A_2[%swap3A_22] {strides = array<i32>} : memref<528xi32, #tpu.memory_space<vmem>>, vector<16xi32>,
      tpu.vector_store %run_scoped3A_2[%swap3A_22], %broadcast_in_dim3A_10 {strides = array<i32>} : memref<528xi32, #tpu.memory_space<vmem>>, vector<16xi32>,
      %swap3A_24 = arith.constant 112 : index
      %swap3A_25 = tpu.vector_load %run_scoped3A_2[%swap3A_24] {strides = array<i32>} : memref<528xi32, #tpu.memory_space<vmem>>, vector<16xi32>,
      tpu.vector_store %run_scoped3A_2[%swap3A_24], %broadcast_in_dim3A_10 {strides = array<i32>} : memref<528xi32, #tpu.memory_space<vmem>>, vector<16xi32>,
      %swap3A_26 = arith.constant 128 : index
      %swap3A_27 = tpu.vector_load %run_scoped3A_2[%swap3A_26] {strides = array<i32>} : memref<528xi32, #tpu.memory_space<vmem>>, vector<16xi32>,
      tpu.vector_store %run_scoped3A_2[%swap3A_26], %broadcast_in_dim3A_10 {strides = array<i32>} : memref<528xi32, #tpu.memory_space<vmem>>, vector<16xi32>,
      %swap3A_28 = arith.constant 144 : index
      %swap3A_29 = tpu.vector_load %run_scoped3A_2[%swap3A_28] {strides = array<i32>} : memref<528xi32, #tpu.memory_space<vmem>>, vector<16xi32>,
      tpu.vector_store %run_scoped3A_2[%swap3A_28], %broadcast_in_dim3A_10 {strides = array<i32>} : memref<528xi32, #tpu.memory_space<vmem>>, vector<16xi32>,
      %swap3A_30 = arith.constant 160 : index
      %swap3A_31 = tpu.vector_load %run_scoped3A_2[%swap3A_30] {strides = array<i32>} : memref<528xi32, #tpu.memory_space<vmem>>, vector<16xi32>,
      tpu.vector_store %run_scoped3A_2[%swap3A_30], %broadcast_in_dim3A_10 {strides = array<i32>} : memref<528xi32, #tpu.memory_space<vmem>>, vector<16xi32>,
      %swap3A_32 = arith.constant 176 : index
      %swap3A_33 = tpu.vector_load %run_scoped3A_2[%swap3A_32] {strides = array<i32>} : memref<528xi32, #tpu.memory_space<vmem>>, vector<16xi32>,
      tpu.vector_store %run_scoped3A_2[%swap3A_32], %broadcast_in_dim3A_10 {strides = array<i32>} : memref<528xi32, #tpu.memory_space<vmem>>, vector<16xi32>,
      %swap3A_34 = arith.constant 192 : index
      %swap3A_35 = tpu.vector_load %run_scoped3A_2[%swap3A_34] {strides = array<i32>} : memref<528xi32, #tpu.memory_space<vmem>>, vector<16xi32>,
      tpu.vector_store %run_scoped3A_2[%swap3A_34], %broadcast_in_dim3A_10 {strides = array<i32>} : memref<528xi32, #tpu.memory_space<vmem>>, vector<16xi32>,
      %swap3A_36 = arith.constant 208 : index
      %swap3A_37 = tpu.vector_load %run_scoped3A_2[%swap3A_36] {strides = array<i32>} : memref<528xi32, #tpu.memory_space<vmem>>, vector<16xi32>,
      tpu.vector_store %run_scoped3A_2[%swap3A_36], %broadcast_in_dim3A_10 {strides = array<i32>} : memref<528xi32, #tpu.memory_space<vmem>>, vector<16xi32>,
      %swap3A_38 = arith.constant 224 : index
      %swap3A_39 = tpu.vector_load %run_scoped3A_2[%swap3A_38] {strides = array<i32>} : memref<528xi32, #tpu.memory_space<vmem>>, vector<16xi32>,
      tpu.vector_store %run_scoped3A_2[%swap3A_38], %broadcast_in_dim3A_10 {strides = array<i32>} : memref<528xi32, #tpu.memory_space<vmem>>, vector<16xi32>,
      %swap3A_40 = arith.constant 240 : index
      %swap3A_41 = tpu.vector_load %run_scoped3A_2[%swap3A_40] {strides = array<i32>} : memref<528xi32, #tpu.memory_space<vmem>>, vector<16xi32>,
      tpu.vector_store %run_scoped3A_2[%swap3A_40], %broadcast_in_dim3A_10 {strides = array<i32>} : memref<528xi32, #tpu.memory_space<vmem>>, vector<16xi32>,
      %swap3A_42 = arith.constant 256 : index
      %swap3A_43 = tpu.vector_load %run_scoped3A_2[%swap3A_42] {strides = array<i32>} : memref<528xi32, #tpu.memory_space<vmem>>, vector<16xi32>,
      tpu.vector_store %run_scoped3A_2[%swap3A_42], %broadcast_in_dim3A_10 {strides = array<i32>} : memref<528xi32, #tpu.memory_space<vmem>>, vector<16xi32>,
      %swap3A_44 = arith.constant 272 : index
      %swap3A_45 = tpu.vector_load %run_scoped3A_2[%swap3A_44] {strides = array<i32>} : memref<528xi32, #tpu.memory_space<vmem>>, vector<16xi32>,
      tpu.vector_store %run_scoped3A_2[%swap3A_44], %broadcast_in_dim3A_10 {strides = array<i32>} : memref<528xi32, #tpu.memory_space<vmem>>, vector<16xi32>,
      %swap3A_46 = arith.constant 288 : index
      %swap3A_47 = tpu.vector_load %run_scoped3A_2[%swap3A_46] {strides = array<i32>} : memref<528xi32, #tpu.memory_space<vmem>>, vector<16xi32>,
      tpu.vector_store %run_scoped3A_2[%swap3A_46], %broadcast_in_dim3A_10 {strides = array<i32>} : memref<528xi32, #tpu.memory_space<vmem>>, vector<16xi32>,
      %swap3A_48 = arith.constant 304 : index
      %swap3A_49 = tpu.vector_load %run_scoped3A_2[%swap3A_48] {strides = array<i32>} : memref<528xi32, #tpu.memory_space<vmem>>, vector<16xi32>,
      tpu.vector_store %run_scoped3A_2[%swap3A_48], %broadcast_in_dim3A_10 {strides = array<i32>} : memref<528xi32, #tpu.memory_space<vmem>>, vector<16xi32>,
      %swap3A_50 = arith.constant 320 : index
      %swap3A_51 = tpu.vector_load %run_scoped3A_2[%swap3A_50] {strides = array<i32>} : memref<528xi32, #tpu.memory_space<vmem>>, vector<16xi32>,
      tpu.vector_store %run_scoped3A_2[%swap3A_50], %broadcast_in_dim3A_10 {strides = array<i32>} : memref<528xi32, #tpu.memory_space<vmem>>, vector<16xi32>,
      %swap3A_52 = arith.constant 336 : index
      %swap3A_53 = tpu.vector_load %run_scoped3A_2[%swap3A_52] {strides = array<i32>} : memref<528xi32, #tpu.memory_space<vmem>>, vector<16xi32>,
      tpu.vector_store %run_scoped3A_2[%swap3A_52], %broadcast_in_dim3A_10 {strides = array<i32>} : memref<528xi32, #tpu.memory_space<vmem>>, vector<16xi32>,
      %swap3A_54 = arith.constant 352 : index
      %swap3A_55 = tpu.vector_load %run_scoped3A_2[%swap3A_54] {strides = array<i32>} : memref<528xi32, #tpu.memory_space<vmem>>, vector<16xi32>,
      tpu.vector_store %run_scoped3A_2[%swap3A_54], %broadcast_in_dim3A_10 {strides = array<i32>} : memref<528xi32, #tpu.memory_space<vmem>>, vector<16xi32>,
      %swap3A_56 = arith.constant 368 : index
      %swap3A_57 = tpu.vector_load %run_scoped3A_2[%swap3A_56] {strides = array<i32>} : memref<528xi32, #tpu.memory_space<vmem>>, vector<16xi32>,
      tpu.vector_store %run_scoped3A_2[%swap3A_56], %broadcast_in_dim3A_10 {strides = array<i32>} : memref<528xi32, #tpu.memory_space<vmem>>, vector<16xi32>,
      %swap3A_58 = arith.constant 384 : index
      %swap3A_59 = tpu.vector_load %run_scoped3A_2[%swap3A_58] {strides = array<i32>} : memref<528xi32, #tpu.memory_space<vmem>>, vector<16xi32>,
      tpu.vector_store %run_scoped3A_2[%swap3A_58], %broadcast_in_dim3A_10 {strides = array<i32>} : memref<528xi32, #tpu.memory_space<vmem>>, vector<16xi32>,
      %swap3A_60 = arith.constant 400 : index
      %swap3A_61 = tpu.vector_load %run_scoped3A_2[%swap3A_60] {strides = array<i32>} : memref<528xi32, #tpu.memory_space<vmem>>, vector<16xi32>,
      tpu.vector_store %run_scoped3A_2[%swap3A_60], %broadcast_in_dim3A_10 {strides = array<i32>} : memref<528xi32, #tpu.memory_space<vmem>>, vector<16xi32>,
      %swap3A_62 = arith.constant 416 : index
      %swap3A_63 = tpu.vector_load %run_scoped3A_2[%swap3A_62] {strides = array<i32>} : memref<528xi32, #tpu.memory_space<vmem>>, vector<16xi32>,
      tpu.vector_store %run_scoped3A_2[%swap3A_62], %broadcast_in_dim3A_10 {strides = array<i32>} : memref<528xi32, #tpu.memory_space<vmem>>, vector<16xi32>,
      %swap3A_64 = arith.constant 432 : index
      %swap3A_65 = tpu.vector_load %run_scoped3A_2[%swap3A_64] {strides = array<i32>} : memref<528xi32, #tpu.memory_space<vmem>>, vector<16xi32>,
      tpu.vector_store %run_scoped3A_2[%swap3A_64], %broadcast_in_dim3A_10 {strides = array<i32>} : memref<528xi32, #tpu.memory_space<vmem>>, vector<16xi32>,
      %swap3A_66 = arith.constant 448 : index
      %swap3A_67 = tpu.vector_load %run_scoped3A_2[%swap3A_66] {strides = array<i32>} : memref<528xi32, #tpu.memory_space<vmem>>, vector<16xi32>,
      tpu.vector_store %run_scoped3A_2[%swap3A_66], %broadcast_in_dim3A_10 {strides = array<i32>} : memref<528xi32, #tpu.memory_space<vmem>>, vector<16xi32>,
      %swap3A_68 = arith.constant 464 : index
      %swap3A_69 = tpu.vector_load %run_scoped3A_2[%swap3A_68] {strides = array<i32>} : memref<528xi32, #tpu.memory_space<vmem>>, vector<16xi32>,
      tpu.vector_store %run_scoped3A_2[%swap3A_68], %broadcast_in_dim3A_10 {strides = array<i32>} : memref<528xi32, #tpu.memory_space<vmem>>, vector<16xi32>,
      %swap3A_70 = arith.constant 480 : index
      %swap3A_71 = tpu.vector_load %run_scoped3A_2[%swap3A_70] {strides = array<i32>} : memref<528xi32, #tpu.memory_space<vmem>>, vector<16xi32>,
      tpu.vector_store %run_scoped3A_2[%swap3A_70], %broadcast_in_dim3A_10 {strides = array<i32>} : memref<528xi32, #tpu.memory_space<vmem>>, vector<16xi32>,
      %swap3A_72 = arith.constant 496 : index
      %swap3A_73 = tpu.vector_load %run_scoped3A_2[%swap3A_72] {strides = array<i32>} : memref<528xi32, #tpu.memory_space<vmem>>, vector<16xi32>,
      tpu.vector_store %run_scoped3A_2[%swap3A_72], %broadcast_in_dim3A_10 {strides = array<i32>} : memref<528xi32, #tpu.memory_space<vmem>>, vector<16xi32>,
      %swap3A_74 = arith.constant 512 : index
      %swap3A_75 = tpu.vector_load %run_scoped3A_2[%swap3A_74] {strides = array<i32>} : memref<528xi32, #tpu.memory_space<vmem>>, vector<16xi32>,
      tpu.vector_store %run_scoped3A_2[%swap3A_74], %broadcast_in_dim3A_10 {strides = array<i32>} : memref<528xi32, #tpu.memory_space<vmem>>, vector<16xi32>,
      %broadcast_in_dim3A_76 = arith.constant 0 : i32
      %broadcast_in_dim3A_77 = vector.broadcast %broadcast_in_dim3A_76 : i32 to vector<16xi32>
      %scan3A = arith.constant 0 : i32
      %scan3A_78 = arith.constant 32 : i32
      %scan3A_79 = arith.addi %scan3A, %scan3A_78 : i32
      %scan3A_80 = arith.constant 1 : i32
      %scan3A_81 = scf.for %scan3A_124 = %scan3A to %scan3A_79 step %scan3A_80 iter_args(%scan3A_125 = %broadcast_in_dim3A_77) -> (vector<16xi32>)  : i32 {
        %mul3A_126 = arith.constant 16 : i32
        %mul3A_127 = arith.muli %scan3A_124, %mul3A_126 : i32
        %get3A = arith.index_cast %mul3A_127 : i32 to index
        %get3A_128 = tpu.vector_load %run_scoped3A[%get3A] {strides = array<i32>} : memref<512xi32, #tpu.memory_space<vmem>>, vector<16xi32>,
        %gt3A_129 = arith.constant 0 : i32
        %gt3A_130 = vector.broadcast %gt3A_129 : i32 to vector<16xi32>
        %gt3A_131 = arith.cmpi sgt, %get3A_128, %gt3A_130 : vector<16xi32>
        %jit3A_132 = arith.constant 1 : i32
        %jit3A_133 = arith.constant 0 : i32
        %broadcast_in_dim3A_134 = vector.broadcast %jit3A_132 : i32 to vector<16xi32>
        %broadcast_in_dim3A_135 = vector.broadcast %jit3A_133 : i32 to vector<16xi32>
        %select_n3A_136 = arith.select %gt3A_131, %broadcast_in_dim3A_134, %broadcast_in_dim3A_135 : vector<16xi1>, vector<16xi32>
        %broadcast_in_dim3A_137 = arith.constant true
        %broadcast_in_dim3A_138 = vector.broadcast %broadcast_in_dim3A_137 : i1 to vector<16xi1>
        %masked_cumsum3A = tpu.scan <sum>, %select_n3A_136 masked %broadcast_in_dim3A_138 : vector<16xi32>, vector<16xi1> -> vector<16xi32>
        %add3A_139 = arith.addi %scan3A_125, %masked_cumsum3A : vector<16xi32>
        %sub3A_140 = arith.constant 1 : i32
        %sub3A_141 = vector.broadcast %sub3A_140 : i32 to vector<16xi32>
        %sub3A_142 = arith.subi %add3A_139, %sub3A_141 : vector<16xi32>
        %jit3A_143 = arith.constant -1 : i32
        %broadcast_in_dim3A_144 = vector.broadcast %jit3A_143 : i32 to vector<16xi32>
        %select_n3A_145 = arith.select %gt3A_131, %sub3A_142, %broadcast_in_dim3A_144 : vector<16xi1>, vector<16xi32>
        %mul3A_146 = arith.constant 16 : i32
        %mul3A_147 = arith.muli %scan3A_124, %mul3A_146 : i32
        %swap3A_148 = arith.index_cast %mul3A_147 : i32 to index
        %swap3A_149 = tpu.vector_load %run_scoped3A_3[%swap3A_148] {strides = array<i32>} : memref<528xi32, #tpu.memory_space<vmem>>, vector<16xi32>,
        tpu.vector_store %run_scoped3A_3[%swap3A_148], %select_n3A_145 {strides = array<i32>} : memref<528xi32, #tpu.memory_space<vmem>>, vector<16xi32>,
        %sub3A_150 = arith.constant 1 : i32
        %sub3A_151 = vector.broadcast %sub3A_150 : i32 to vector<16xi32>
        %sub3A_152 = arith.subi %get3A_128, %sub3A_151 : vector<16xi32>
        tpu.vector_store_idx %run_scoped3A_2[%sub3A_142], %sub3A_152 masked %gt3A_131 : memref<528xi32, #tpu.memory_space<vmem>>[vector<16xi32>], vector<16xi32>, vector<16xi1>
        %reduce_max3A = arith.constant true
        %reduce_max3A_153 = vector.broadcast %reduce_max3A : i1 to vector<16xi1>
        %reduce_max3A_154 = arith.constant -2147483648 : i32
        %reduce_max3A_155 = vector.broadcast %reduce_max3A_154 : i32 to vector<16xi32>
        %reduce_max3A_156 = arith.xori %masked_cumsum3A, %reduce_max3A_155 : vector<16xi32>
        %reduce_max3A_157 = tpu.scan <max>, %reduce_max3A_156 masked %reduce_max3A_153 : vector<16xi32>, vector<16xi1> -> vector<16xi32>
        %reduce_max3A_158 = arith.xori %reduce_max3A_157, %reduce_max3A_155 : vector<16xi32>
        %reduce_max3A_159 = vector.extract %reduce_max3A_158[15] : i32 from vector<16xi32>
        %add3A_160 = vector.broadcast %reduce_max3A_159 : i32 to vector<16xi32>
        %add3A_161 = arith.addi %scan3A_125, %add3A_160 : vector<16xi32>
        scf.yield %add3A_161 : vector<16xi32>
      }
      %scan3A_82 = arith.constant 32 : i32
      %slice3A = vector.extract_strided_slice %scan3A_81 {offsets = [0], sizes = [1], strides = [1]} : vector<16xi32> to vector<1xi32>
      %squeeze3A = vector.extract %slice3A[0] : i32 from vector<1xi32>
      %add3A_83 = arith.constant 16 : i32
      %add3A_84 = arith.addi %squeeze3A, %add3A_83 : i32
      %sub3A = arith.constant 1 : i32
      %sub3A_85 = arith.subi %add3A_84, %sub3A : i32
      %jit3A = arith.constant 16 : i32
      %div3A = arith.divsi %sub3A_85, %jit3A : i32
      %sign3A = arith.constant 0 : i32
      %sign3A_86 = arith.cmpi sgt, %sub3A_85, %sign3A : i32
      %sign3A_87 = arith.extui %sign3A_86 : i1 to i32
      %sign3A_88 = arith.constant 0 : i32
      %sign3A_89 = arith.cmpi slt, %sub3A_85, %sign3A_88 : i32
      %sign3A_90 = arith.extui %sign3A_89 : i1 to i32
      %sign3A_91 = arith.subi %sign3A_87, %sign3A_90 : i32
      %sign3A_92 = arith.constant 0 : i32
      %sign3A_93 = arith.cmpi sgt, %jit3A, %sign3A_92 : i32
      %sign3A_94 = arith.extui %sign3A_93 : i1 to i32
      %sign3A_95 = arith.constant 0 : i32
      %sign3A_96 = arith.cmpi slt, %jit3A, %sign3A_95 : i32
      %sign3A_97 = arith.extui %sign3A_96 : i1 to i32
      %sign3A_98 = arith.subi %sign3A_94, %sign3A_97 : i32
      %ne3A = arith.cmpi ne, %sign3A_91, %sign3A_98 : i32
      %rem3A = arith.remsi %sub3A_85, %jit3A : i32
      %ne3A_99 = arith.constant 0 : i32
      %ne3A_100 = arith.cmpi ne, %rem3A, %ne3A_99 : i32
      %and3A = arith.andi %ne3A, %ne3A_100 : i1
      %sub3A_101 = arith.constant 1 : i32
      %sub3A_102 = arith.subi %div3A, %sub3A_101 : i32
      %select_n3A = arith.select %and3A, %sub3A_102, %div3A : i32
      %while3A = arith.constant 0 : i32
      %while3A_103 = arith.constant 0 : i32
      "tpu.trace_start"() <{level = 10 : i32, message = "ph_gather"}> : () -> ()
      %while3A_104 = arith.subi %select_n3A, %while3A_103 : i32
      %while3A_105 = arith.addi %while3A_103, %while3A_104 : i32
      %while3A_106 = arith.constant 1 : i32
      %while3A_107 = arith.divsi %while3A_104, %while3A_106 : i32
      %while3A_108 = arith.muli %while3A_107, %while3A_106 : i32
      %while3A_109 = arith.addi %while3A_103, %while3A_108 : i32
      %while3A_110 = arith.constant 1 : i32
      scf.for %while3A_124 = %while3A_103 to %while3A_109 step %while3A_110  : i32 {
        %mul3A_125 = arith.constant 16 : i32
        %mul3A_126 = arith.muli %while3A_124, %mul3A_125 : i32
        %get3A = arith.index_cast %mul3A_126 : i32 to index
        %get3A_127 = tpu.vector_load %run_scoped3A_2[%get3A] {strides = array<i32>} : memref<528xi32, #tpu.memory_space<vmem>>, vector<16xi32>,
        %mul3A_128 = arith.constant 16 : i32
        %mul3A_129 = arith.muli %while3A_124, %mul3A_128 : i32
        %dma_start3A = arith.constant 0 : i32
        %dma_start3A_130 = tpu.memref_slice %run_scoped3A_4[%mul3A_129, %dma_start3A] : memref<512x128xf32, #tpu.memory_space<vmem>> -> memref<16x128xf32, #tpu.memory_space<vmem>>
        %dma_start3A_131 = arith.constant 0 : i32
        %dma_start3A_132 = arith.constant 0 : i32
        %dma_start3A_133 = tpu.memref_slice %arg2[%dma_start3A_131, %dma_start3A_132] : memref<16384x128xf32, #tpu.memory_space<hbm>> -> memref<16384x128xf32, #tpu.memory_space<hbm>>
        tpu.enqueue_indirect_dma source(%dma_start3A_133 : memref<16384x128xf32, #tpu.memory_space<hbm>>) target(%dma_start3A_130 : memref<16x128xf32, #tpu.memory_space<vmem>>) offsets(%get3A_127 : vector<16xi32>) semaphore(%run_scoped3A_6 : memref<!tpu.dma_semaphore, #tpu.memory_space<semaphore_mem>>)
        %mul3A_134 = arith.constant 16 : i32
        %mul3A_135 = arith.muli %while3A_124, %mul3A_134 : i32
        %dma_start3A_136 = arith.constant 0 : i32
        %dma_start3A_137 = tpu.memref_slice %run_scoped3A_5[%mul3A_135, %dma_start3A_136] : memref<512x32xf32, #tpu.memory_space<vmem>> -> memref<16x32xf32, #tpu.memory_space<vmem>>
        %dma_start3A_138 = arith.constant 0 : i32
        %dma_start3A_139 = arith.constant 0 : i32
        %dma_start3A_140 = tpu.memref_slice %arg3[%dma_start3A_138, %dma_start3A_139] : memref<16384x32xf32, #tpu.memory_space<hbm>> -> memref<16384x32xf32, #tpu.memory_space<hbm>>
        tpu.enqueue_indirect_dma source(%dma_start3A_140 : memref<16384x32xf32, #tpu.memory_space<hbm>>) target(%dma_start3A_137 : memref<16x32xf32, #tpu.memory_space<vmem>>) offsets(%get3A_127 : vector<16xi32>) semaphore(%run_scoped3A_6 : memref<!tpu.dma_semaphore, #tpu.memory_space<semaphore_mem>>)
        %gt3A_141 = arith.constant 0 : i32
        %gt3A_142 = arith.cmpi sgt, %while3A_124, %gt3A_141 : i32
        %convert_element_type3A_143 = arith.extui %gt3A_142 : i1 to i32
        %cond3A_144 = arith.constant 0 : i32
        %cond3A_145 = arith.cmpi ne, %convert_element_type3A_143, %cond3A_144 : i32
        scf.if %cond3A_145 {
          %sub3A_146 = arith.constant 1 : i32
          %sub3A_147 = arith.subi %while3A_124, %sub3A_146 : i32
          %mul3A_148 = arith.constant 16 : i32
          %mul3A_149 = arith.muli %sub3A_147, %mul3A_148 : i32
          %dma_wait3A = arith.constant 0 : i32
          %dma_wait3A_150 = tpu.memref_slice %run_scoped3A_4[%mul3A_149, %dma_wait3A] : memref<512x128xf32, #tpu.memory_space<vmem>> -> memref<16x128xf32, #tpu.memory_space<vmem>>
          %dma_wait3A_151 = arith.constant 0 : i32
          %dma_wait3A_152 = arith.constant 0 : i32
          %dma_wait3A_153 = tpu.memref_slice %arg2[%dma_wait3A_151, %dma_wait3A_152] : memref<16384x128xf32, #tpu.memory_space<hbm>> -> memref<16x128xf32, #tpu.memory_space<hbm>>
          %dma_wait3A_154 = arith.constant 0 : i32
          %dma_wait3A_155 = tpu.memref_slice %run_scoped3A_4[%mul3A_149, %dma_wait3A_154] : memref<512x128xf32, #tpu.memory_space<vmem>> -> memref<16x128xf32, #tpu.memory_space<vmem>>
          %dma_wait3A_156 = arith.constant 0 : i32
          %dma_wait3A_157 = arith.constant 0 : i32
          %dma_wait3A_158 = tpu.memref_slice %arg2[%dma_wait3A_156, %dma_wait3A_157] : memref<16384x128xf32, #tpu.memory_space<hbm>> -> memref<16x128xf32, #tpu.memory_space<hbm>>
          tpu.wait_dma2 semaphore(%run_scoped3A_6 : memref<!tpu.dma_semaphore, #tpu.memory_space<semaphore_mem>>) src(%dma_wait3A_158 : memref<16x128xf32, #tpu.memory_space<hbm>>) dst(%dma_wait3A_155 : memref<16x128xf32, #tpu.memory_space<vmem>>)
          %mul3A_159 = arith.constant 16 : i32
          %mul3A_160 = arith.muli %sub3A_147, %mul3A_159 : i32
          %dma_wait3A_161 = arith.constant 0 : i32
          %dma_wait3A_162 = tpu.memref_slice %run_scoped3A_5[%mul3A_160, %dma_wait3A_161] : memref<512x32xf32, #tpu.memory_space<vmem>> -> memref<16x32xf32, #tpu.memory_space<vmem>>
          %dma_wait3A_163 = arith.constant 0 : i32
          %dma_wait3A_164 = arith.constant 0 : i32
          %dma_wait3A_165 = tpu.memref_slice %arg3[%dma_wait3A_163, %dma_wait3A_164] : memref<16384x32xf32, #tpu.memory_space<hbm>> -> memref<16x32xf32, #tpu.memory_space<hbm>>
          %dma_wait3A_166 = arith.constant 0 : i32
          %dma_wait3A_167 = tpu.memref_slice %run_scoped3A_5[%mul3A_160, %dma_wait3A_166] : memref<512x32xf32, #tpu.memory_space<vmem>> -> memref<16x32xf32, #tpu.memory_space<vmem>>
          %dma_wait3A_168 = arith.constant 0 : i32
          %dma_wait3A_169 = arith.constant 0 : i32
          %dma_wait3A_170 = tpu.memref_slice %arg3[%dma_wait3A_168, %dma_wait3A_169] : memref<16384x32xf32, #tpu.memory_space<hbm>> -> memref<16x32xf32, #tpu.memory_space<hbm>>
          tpu.wait_dma2 semaphore(%run_scoped3A_6 : memref<!tpu.dma_semaphore, #tpu.memory_space<semaphore_mem>>) src(%dma_wait3A_170 : memref<16x32xf32, #tpu.memory_space<hbm>>) dst(%dma_wait3A_167 : memref<16x32xf32, #tpu.memory_space<vmem>>)
        } else {
        }
      }
      %while3A_111 = arith.constant 1 : i32
      scf.for %while3A_124 = %while3A_109 to %while3A_105 step %while3A_111  : i32 {
        %mul3A_125 = arith.constant 16 : i32
        %mul3A_126 = arith.muli %while3A_124, %mul3A_125 : i32
        %get3A = arith.index_cast %mul3A_126 : i32 to index
        %get3A_127 = tpu.vector_load %run_scoped3A_2[%get3A] {strides = array<i32>} : memref<528xi32, #tpu.memory_space<vmem>>, vector<16xi32>,
        %mul3A_128 = arith.constant 16 : i32
        %mul3A_129 = arith.muli %while3A_124, %mul3A_128 : i32
        %dma_start3A = arith.constant 0 : i32
        %dma_start3A_130 = tpu.memref_slice %run_scoped3A_4[%mul3A_129, %dma_start3A] : memref<512x128xf32, #tpu.memory_space<vmem>> -> memref<16x128xf32, #tpu.memory_space<vmem>>
        %dma_start3A_131 = arith.constant 0 : i32
        %dma_start3A_132 = arith.constant 0 : i32
        %dma_start3A_133 = tpu.memref_slice %arg2[%dma_start3A_131, %dma_start3A_132] : memref<16384x128xf32, #tpu.memory_space<hbm>> -> memref<16384x128xf32, #tpu.memory_space<hbm>>
        tpu.enqueue_indirect_dma source(%dma_start3A_133 : memref<16384x128xf32, #tpu.memory_space<hbm>>) target(%dma_start3A_130 : memref<16x128xf32, #tpu.memory_space<vmem>>) offsets(%get3A_127 : vector<16xi32>) semaphore(%run_scoped3A_6 : memref<!tpu.dma_semaphore, #tpu.memory_space<semaphore_mem>>)
        %mul3A_134 = arith.constant 16 : i32
        %mul3A_135 = arith.muli %while3A_124, %mul3A_134 : i32
        %dma_start3A_136 = arith.constant 0 : i32
        %dma_start3A_137 = tpu.memref_slice %run_scoped3A_5[%mul3A_135, %dma_start3A_136] : memref<512x32xf32, #tpu.memory_space<vmem>> -> memref<16x32xf32, #tpu.memory_space<vmem>>
        %dma_start3A_138 = arith.constant 0 : i32
        %dma_start3A_139 = arith.constant 0 : i32
        %dma_start3A_140 = tpu.memref_slice %arg3[%dma_start3A_138, %dma_start3A_139] : memref<16384x32xf32, #tpu.memory_space<hbm>> -> memref<16384x32xf32, #tpu.memory_space<hbm>>
        tpu.enqueue_indirect_dma source(%dma_start3A_140 : memref<16384x32xf32, #tpu.memory_space<hbm>>) target(%dma_start3A_137 : memref<16x32xf32, #tpu.memory_space<vmem>>) offsets(%get3A_127 : vector<16xi32>) semaphore(%run_scoped3A_6 : memref<!tpu.dma_semaphore, #tpu.memory_space<semaphore_mem>>)
        %gt3A_141 = arith.constant 0 : i32
        %gt3A_142 = arith.cmpi sgt, %while3A_124, %gt3A_141 : i32
        %convert_element_type3A_143 = arith.extui %gt3A_142 : i1 to i32
        %cond3A_144 = arith.constant 0 : i32
        %cond3A_145 = arith.cmpi ne, %convert_element_type3A_143, %cond3A_144 : i32
        scf.if %cond3A_145 {
          %sub3A_146 = arith.constant 1 : i32
          %sub3A_147 = arith.subi %while3A_124, %sub3A_146 : i32
          %mul3A_148 = arith.constant 16 : i32
          %mul3A_149 = arith.muli %sub3A_147, %mul3A_148 : i32
          %dma_wait3A = arith.constant 0 : i32
          %dma_wait3A_150 = tpu.memref_slice %run_scoped3A_4[%mul3A_149, %dma_wait3A] : memref<512x128xf32, #tpu.memory_space<vmem>> -> memref<16x128xf32, #tpu.memory_space<vmem>>
          %dma_wait3A_151 = arith.constant 0 : i32
          %dma_wait3A_152 = arith.constant 0 : i32
          %dma_wait3A_153 = tpu.memref_slice %arg2[%dma_wait3A_151, %dma_wait3A_152] : memref<16384x128xf32, #tpu.memory_space<hbm>> -> memref<16x128xf32, #tpu.memory_space<hbm>>
          %dma_wait3A_154 = arith.constant 0 : i32
          %dma_wait3A_155 = tpu.memref_slice %run_scoped3A_4[%mul3A_149, %dma_wait3A_154] : memref<512x128xf32, #tpu.memory_space<vmem>> -> memref<16x128xf32, #tpu.memory_space<vmem>>
          %dma_wait3A_156 = arith.constant 0 : i32
          %dma_wait3A_157 = arith.constant 0 : i32
          %dma_wait3A_158 = tpu.memref_slice %arg2[%dma_wait3A_156, %dma_wait3A_157] : memref<16384x128xf32, #tpu.memory_space<hbm>> -> memref<16x128xf32, #tpu.memory_space<hbm>>
          tpu.wait_dma2 semaphore(%run_scoped3A_6 : memref<!tpu.dma_semaphore, #tpu.memory_space<semaphore_mem>>) src(%dma_wait3A_158 : memref<16x128xf32, #tpu.memory_space<hbm>>) dst(%dma_wait3A_155 : memref<16x128xf32, #tpu.memory_space<vmem>>)
          %mul3A_159 = arith.constant 16 : i32
          %mul3A_160 = arith.muli %sub3A_147, %mul3A_159 : i32
          %dma_wait3A_161 = arith.constant 0 : i32
          %dma_wait3A_162 = tpu.memref_slice %run_scoped3A_5[%mul3A_160, %dma_wait3A_161] : memref<512x32xf32, #tpu.memory_space<vmem>> -> memref<16x32xf32, #tpu.memory_space<vmem>>
          %dma_wait3A_163 = arith.constant 0 : i32
          %dma_wait3A_164 = arith.constant 0 : i32
          %dma_wait3A_165 = tpu.memref_slice %arg3[%dma_wait3A_163, %dma_wait3A_164] : memref<16384x32xf32, #tpu.memory_space<hbm>> -> memref<16x32xf32, #tpu.memory_space<hbm>>
          %dma_wait3A_166 = arith.constant 0 : i32
          %dma_wait3A_167 = tpu.memref_slice %run_scoped3A_5[%mul3A_160, %dma_wait3A_166] : memref<512x32xf32, #tpu.memory_space<vmem>> -> memref<16x32xf32, #tpu.memory_space<vmem>>
          %dma_wait3A_168 = arith.constant 0 : i32
          %dma_wait3A_169 = arith.constant 0 : i32
          %dma_wait3A_170 = tpu.memref_slice %arg3[%dma_wait3A_168, %dma_wait3A_169] : memref<16384x32xf32, #tpu.memory_space<hbm>> -> memref<16x32xf32, #tpu.memory_space<hbm>>
          tpu.wait_dma2 semaphore(%run_scoped3A_6 : memref<!tpu.dma_semaphore, #tpu.memory_space<semaphore_mem>>) src(%dma_wait3A_170 : memref<16x32xf32, #tpu.memory_space<hbm>>) dst(%dma_wait3A_167 : memref<16x32xf32, #tpu.memory_space<vmem>>)
        } else {
        }
      }
      %gt3A = arith.constant 0 : i32
      %gt3A_112 = arith.cmpi sgt, %select_n3A, %gt3A : i32
      %convert_element_type3A_113 = arith.extui %gt3A_112 : i1 to i32
      %cond3A_114 = arith.constant 0 : i32
      %cond3A_115 = arith.cmpi ne, %convert_element_type3A_113, %cond3A_114 : i32
      scf.if %cond3A_115 {
        %sub3A_124 = arith.constant 1 : i32
        %sub3A_125 = arith.subi %select_n3A, %sub3A_124 : i32
        %mul3A_126 = arith.constant 16 : i32
        %mul3A_127 = arith.muli %sub3A_125, %mul3A_126 : i32
        %dma_wait3A = arith.constant 0 : i32
        %dma_wait3A_128 = tpu.memref_slice %run_scoped3A_4[%mul3A_127, %dma_wait3A] : memref<512x128xf32, #tpu.memory_space<vmem>> -> memref<16x128xf32, #tpu.memory_space<vmem>>
        %dma_wait3A_129 = arith.constant 0 : i32
        %dma_wait3A_130 = arith.constant 0 : i32
        %dma_wait3A_131 = tpu.memref_slice %arg2[%dma_wait3A_129, %dma_wait3A_130] : memref<16384x128xf32, #tpu.memory_space<hbm>> -> memref<16x128xf32, #tpu.memory_space<hbm>>
        %dma_wait3A_132 = arith.constant 0 : i32
        %dma_wait3A_133 = tpu.memref_slice %run_scoped3A_4[%mul3A_127, %dma_wait3A_132] : memref<512x128xf32, #tpu.memory_space<vmem>> -> memref<16x128xf32, #tpu.memory_space<vmem>>
        %dma_wait3A_134 = arith.constant 0 : i32
        %dma_wait3A_135 = arith.constant 0 : i32
        %dma_wait3A_136 = tpu.memref_slice %arg2[%dma_wait3A_134, %dma_wait3A_135] : memref<16384x128xf32, #tpu.memory_space<hbm>> -> memref<16x128xf32, #tpu.memory_space<hbm>>
        tpu.wait_dma2 semaphore(%run_scoped3A_6 : memref<!tpu.dma_semaphore, #tpu.memory_space<semaphore_mem>>) src(%dma_wait3A_136 : memref<16x128xf32, #tpu.memory_space<hbm>>) dst(%dma_wait3A_133 : memref<16x128xf32, #tpu.memory_space<vmem>>)
        %mul3A_137 = arith.constant 16 : i32
        %mul3A_138 = arith.muli %sub3A_125, %mul3A_137 : i32
        %dma_wait3A_139 = arith.constant 0 : i32
        %dma_wait3A_140 = tpu.memref_slice %run_scoped3A_5[%mul3A_138, %dma_wait3A_139] : memref<512x32xf32, #tpu.memory_space<vmem>> -> memref<16x32xf32, #tpu.memory_space<vmem>>
        %dma_wait3A_141 = arith.constant 0 : i32
        %dma_wait3A_142 = arith.constant 0 : i32
        %dma_wait3A_143 = tpu.memref_slice %arg3[%dma_wait3A_141, %dma_wait3A_142] : memref<16384x32xf32, #tpu.memory_space<hbm>> -> memref<16x32xf32, #tpu.memory_space<hbm>>
        %dma_wait3A_144 = arith.constant 0 : i32
        %dma_wait3A_145 = tpu.memref_slice %run_scoped3A_5[%mul3A_138, %dma_wait3A_144] : memref<512x32xf32, #tpu.memory_space<vmem>> -> memref<16x32xf32, #tpu.memory_space<vmem>>
        %dma_wait3A_146 = arith.constant 0 : i32
        %dma_wait3A_147 = arith.constant 0 : i32
        %dma_wait3A_148 = tpu.memref_slice %arg3[%dma_wait3A_146, %dma_wait3A_147] : memref<16384x32xf32, #tpu.memory_space<hbm>> -> memref<16x32xf32, #tpu.memory_space<hbm>>
        tpu.wait_dma2 semaphore(%run_scoped3A_6 : memref<!tpu.dma_semaphore, #tpu.memory_space<semaphore_mem>>) src(%dma_wait3A_148 : memref<16x32xf32, #tpu.memory_space<hbm>>) dst(%dma_wait3A_145 : memref<16x32xf32, #tpu.memory_space<vmem>>)
      } else {
      }
      %broadcast_in_dim3A_116 = arith.constant 0.000000e+00 : f32
      "tpu.trace_stop"() : () -> ()
      %broadcast_in_dim3A_117 = vector.broadcast %broadcast_in_dim3A_116 : f32 to vector<16xf32>
      "tpu.trace_start"() <{level = 10 : i32, message = "ph_move"}> : () -> ()
      %scan3A_118 = arith.constant 0 : i32
      %scan3A_119 = arith.constant 0 : i32
      %scan3A_120 = arith.constant 32 : i32
      %scan3A_121 = arith.addi %scan3A_119, %scan3A_120 : i32
      %scan3A_122 = arith.constant 1 : i32
      scf.for %scan3A_124 = %scan3A_119 to %scan3A_121 step %scan3A_122  : i32 {
        %sub3A_125 = arith.constant 31 : i32
        %sub3A_126 = arith.subi %sub3A_125, %scan3A_124 : i32
        %mul3A_127 = arith.constant 16 : i32
        %mul3A_128 = arith.muli %sub3A_126, %mul3A_127 : i32
        %get3A = arith.index_cast %mul3A_128 : i32 to index
        %get3A_129 = tpu.vector_load %run_scoped3A_3[%get3A] {strides = array<i32>} : memref<528xi32, #tpu.memory_space<vmem>>, vector<16xi32>,
        %mul3A_130 = arith.constant 16 : i32
        %mul3A_131 = arith.muli %sub3A_126, %mul3A_130 : i32
        %add3A_132 = arith.constant 15 : i32
        %add3A_133 = arith.addi %mul3A_131, %add3A_132 : i32
        %slice3A_134 = vector.extract_strided_slice %get3A_129 {offsets = [15], sizes = [1], strides = [1]} : vector<16xi32> to vector<1xi32>
        %squeeze3A_135 = vector.extract %slice3A_134[0] : i32 from vector<1xi32>
        %ge3A = arith.constant 0 : i32
        %ge3A_136 = arith.cmpi sge, %squeeze3A_135, %ge3A : i32
        %convert_element_type3A_137 = arith.extui %ge3A_136 : i1 to i32
        %cond3A_138 = arith.constant 0 : i32
        %cond3A_139 = arith.cmpi ne, %convert_element_type3A_137, %cond3A_138 : i32
        scf.if %cond3A_139 {
          %get3A_384 = arith.index_cast %squeeze3A_135 : i32 to index
          %get3A_385 = arith.constant 0 : index
          %get3A_386 = tpu.vector_load %run_scoped3A_4[%get3A_384, %get3A_385] {strides = array<i32>} : memref<512x128xf32, #tpu.memory_space<vmem>>, vector<16xf32>,
          %swap3A_387 = arith.index_cast %add3A_133 : i32 to index
          %swap3A_388 = arith.constant 0 : index
          %swap3A_389 = tpu.vector_load %run_scoped3A_4[%swap3A_387, %swap3A_388] {strides = array<i32>} : memref<512x128xf32, #tpu.memory_space<vmem>>, vector<16xf32>,
          tpu.vector_store %run_scoped3A_4[%swap3A_387, %swap3A_388], %get3A_386 {strides = array<i32>} : memref<512x128xf32, #tpu.memory_space<vmem>>, vector<16xf32>,
          %get3A_390 = arith.index_cast %squeeze3A_135 : i32 to index
          %get3A_391 = arith.constant 16 : index
          %get3A_392 = tpu.vector_load %run_scoped3A_4[%get3A_390, %get3A_391] {strides = array<i32>} : memref<512x128xf32, #tpu.memory_space<vmem>>, vector<16xf32>,
          %swap3A_393 = arith.index_cast %add3A_133 : i32 to index
          %swap3A_394 = arith.constant 16 : index
          %swap3A_395 = tpu.vector_load %run_scoped3A_4[%swap3A_393, %swap3A_394] {strides = array<i32>} : memref<512x128xf32, #tpu.memory_space<vmem>>, vector<16xf32>,
          tpu.vector_store %run_scoped3A_4[%swap3A_393, %swap3A_394], %get3A_392 {strides = array<i32>} : memref<512x128xf32, #tpu.memory_space<vmem>>, vector<16xf32>,
          %get3A_396 = arith.index_cast %squeeze3A_135 : i32 to index
          %get3A_397 = arith.constant 32 : index
          %get3A_398 = tpu.vector_load %run_scoped3A_4[%get3A_396, %get3A_397] {strides = array<i32>} : memref<512x128xf32, #tpu.memory_space<vmem>>, vector<16xf32>,
          %swap3A_399 = arith.index_cast %add3A_133 : i32 to index
          %swap3A_400 = arith.constant 32 : index
          %swap3A_401 = tpu.vector_load %run_scoped3A_4[%swap3A_399, %swap3A_400] {strides = array<i32>} : memref<512x128xf32, #tpu.memory_space<vmem>>, vector<16xf32>,
          tpu.vector_store %run_scoped3A_4[%swap3A_399, %swap3A_400], %get3A_398 {strides = array<i32>} : memref<512x128xf32, #tpu.memory_space<vmem>>, vector<16xf32>,
          %get3A_402 = arith.index_cast %squeeze3A_135 : i32 to index
          %get3A_403 = arith.constant 48 : index
          %get3A_404 = tpu.vector_load %run_scoped3A_4[%get3A_402, %get3A_403] {strides = array<i32>} : memref<512x128xf32, #tpu.memory_space<vmem>>, vector<16xf32>,
          %swap3A_405 = arith.index_cast %add3A_133 : i32 to index
          %swap3A_406 = arith.constant 48 : index
          %swap3A_407 = tpu.vector_load %run_scoped3A_4[%swap3A_405, %swap3A_406] {strides = array<i32>} : memref<512x128xf32, #tpu.memory_space<vmem>>, vector<16xf32>,
          tpu.vector_store %run_scoped3A_4[%swap3A_405, %swap3A_406], %get3A_404 {strides = array<i32>} : memref<512x128xf32, #tpu.memory_space<vmem>>, vector<16xf32>,
          %get3A_408 = arith.index_cast %squeeze3A_135 : i32 to index
          %get3A_409 = arith.constant 64 : index
          %get3A_410 = tpu.vector_load %run_scoped3A_4[%get3A_408, %get3A_409] {strides = array<i32>} : memref<512x128xf32, #tpu.memory_space<vmem>>, vector<16xf32>,
          %swap3A_411 = arith.index_cast %add3A_133 : i32 to index
          %swap3A_412 = arith.constant 64 : index
          %swap3A_413 = tpu.vector_load %run_scoped3A_4[%swap3A_411, %swap3A_412] {strides = array<i32>} : memref<512x128xf32, #tpu.memory_space<vmem>>, vector<16xf32>,
          tpu.vector_store %run_scoped3A_4[%swap3A_411, %swap3A_412], %get3A_410 {strides = array<i32>} : memref<512x128xf32, #tpu.memory_space<vmem>>, vector<16xf32>,
          %get3A_414 = arith.index_cast %squeeze3A_135 : i32 to index
          %get3A_415 = arith.constant 80 : index
          %get3A_416 = tpu.vector_load %run_scoped3A_4[%get3A_414, %get3A_415] {strides = array<i32>} : memref<512x128xf32, #tpu.memory_space<vmem>>, vector<16xf32>,
          %swap3A_417 = arith.index_cast %add3A_133 : i32 to index
          %swap3A_418 = arith.constant 80 : index
          %swap3A_419 = tpu.vector_load %run_scoped3A_4[%swap3A_417, %swap3A_418] {strides = array<i32>} : memref<512x128xf32, #tpu.memory_space<vmem>>, vector<16xf32>,
          tpu.vector_store %run_scoped3A_4[%swap3A_417, %swap3A_418], %get3A_416 {strides = array<i32>} : memref<512x128xf32, #tpu.memory_space<vmem>>, vector<16xf32>,
          %get3A_420 = arith.index_cast %squeeze3A_135 : i32 to index
          %get3A_421 = arith.constant 96 : index
          %get3A_422 = tpu.vector_load %run_scoped3A_4[%get3A_420, %get3A_421] {strides = array<i32>} : memref<512x128xf32, #tpu.memory_space<vmem>>, vector<16xf32>,
          %swap3A_423 = arith.index_cast %add3A_133 : i32 to index
          %swap3A_424 = arith.constant 96 : index
          %swap3A_425 = tpu.vector_load %run_scoped3A_4[%swap3A_423, %swap3A_424] {strides = array<i32>} : memref<512x128xf32, #tpu.memory_space<vmem>>, vector<16xf32>,
          tpu.vector_store %run_scoped3A_4[%swap3A_423, %swap3A_424], %get3A_422 {strides = array<i32>} : memref<512x128xf32, #tpu.memory_space<vmem>>, vector<16xf32>,
          %get3A_426 = arith.index_cast %squeeze3A_135 : i32 to index
          %get3A_427 = arith.constant 112 : index
          %get3A_428 = tpu.vector_load %run_scoped3A_4[%get3A_426, %get3A_427] {strides = array<i32>} : memref<512x128xf32, #tpu.memory_space<vmem>>, vector<16xf32>,
          %swap3A_429 = arith.index_cast %add3A_133 : i32 to index
          %swap3A_430 = arith.constant 112 : index
          %swap3A_431 = tpu.vector_load %run_scoped3A_4[%swap3A_429, %swap3A_430] {strides = array<i32>} : memref<512x128xf32, #tpu.memory_space<vmem>>, vector<16xf32>,
          tpu.vector_store %run_scoped3A_4[%swap3A_429, %swap3A_430], %get3A_428 {strides = array<i32>} : memref<512x128xf32, #tpu.memory_space<vmem>>, vector<16xf32>,
          %get3A_432 = arith.index_cast %squeeze3A_135 : i32 to index
          %get3A_433 = arith.constant 0 : index
          %get3A_434 = tpu.vector_load %run_scoped3A_5[%get3A_432, %get3A_433] {strides = array<i32>} : memref<512x32xf32, #tpu.memory_space<vmem>>, vector<16xf32>,
          %swap3A_435 = arith.index_cast %add3A_133 : i32 to index
          %swap3A_436 = arith.constant 0 : index
          %swap3A_437 = tpu.vector_load %run_scoped3A_5[%swap3A_435, %swap3A_436] {strides = array<i32>} : memref<512x32xf32, #tpu.memory_space<vmem>>, vector<16xf32>,
          tpu.vector_store %run_scoped3A_5[%swap3A_435, %swap3A_436], %get3A_434 {strides = array<i32>} : memref<512x32xf32, #tpu.memory_space<vmem>>, vector<16xf32>,
          %get3A_438 = arith.index_cast %squeeze3A_135 : i32 to index
          %get3A_439 = arith.constant 16 : index
          %get3A_440 = tpu.vector_load %run_scoped3A_5[%get3A_438, %get3A_439] {strides = array<i32>} : memref<512x32xf32, #tpu.memory_space<vmem>>, vector<16xf32>,
          %swap3A_441 = arith.index_cast %add3A_133 : i32 to index
          %swap3A_442 = arith.constant 16 : index
          %swap3A_443 = tpu.vector_load %run_scoped3A_5[%swap3A_441, %swap3A_442] {strides = array<i32>} : memref<512x32xf32, #tpu.memory_space<vmem>>, vector<16xf32>,
          tpu.vector_store %run_scoped3A_5[%swap3A_441, %swap3A_442], %get3A_440 {strides = array<i32>} : memref<512x32xf32, #tpu.memory_space<vmem>>, vector<16xf32>,
        } else {
        }
        %lt3A = arith.constant 0 : i32
        %lt3A_140 = arith.cmpi slt, %squeeze3A_135, %lt3A : i32
        %convert_element_type3A_141 = arith.extui %lt3A_140 : i1 to i32
        %cond3A_142 = arith.constant 0 : i32
        %cond3A_143 = arith.cmpi ne, %convert_element_type3A_141, %cond3A_142 : i32
        scf.if %cond3A_143 {
          %swap3A_384 = arith.index_cast %add3A_133 : i32 to index
          %swap3A_385 = arith.constant 0 : index
          %swap3A_386 = tpu.vector_load %run_scoped3A_4[%swap3A_384, %swap3A_385] {strides = array<i32>} : memref<512x128xf32, #tpu.memory_space<vmem>>, vector<16xf32>,
          tpu.vector_store %run_scoped3A_4[%swap3A_384, %swap3A_385], %broadcast_in_dim3A_117 {strides = array<i32>} : memref<512x128xf32, #tpu.memory_space<vmem>>, vector<16xf32>,
          %swap3A_387 = arith.index_cast %add3A_133 : i32 to index
          %swap3A_388 = arith.constant 16 : index
          %swap3A_389 = tpu.vector_load %run_scoped3A_4[%swap3A_387, %swap3A_388] {strides = array<i32>} : memref<512x128xf32, #tpu.memory_space<vmem>>, vector<16xf32>,
          tpu.vector_store %run_scoped3A_4[%swap3A_387, %swap3A_388], %broadcast_in_dim3A_117 {strides = array<i32>} : memref<512x128xf32, #tpu.memory_space<vmem>>, vector<16xf32>,
          %swap3A_390 = arith.index_cast %add3A_133 : i32 to index
          %swap3A_391 = arith.constant 32 : index
          %swap3A_392 = tpu.vector_load %run_scoped3A_4[%swap3A_390, %swap3A_391] {strides = array<i32>} : memref<512x128xf32, #tpu.memory_space<vmem>>, vector<16xf32>,
          tpu.vector_store %run_scoped3A_4[%swap3A_390, %swap3A_391], %broadcast_in_dim3A_117 {strides = array<i32>} : memref<512x128xf32, #tpu.memory_space<vmem>>, vector<16xf32>,
          %swap3A_393 = arith.index_cast %add3A_133 : i32 to index
          %swap3A_394 = arith.constant 48 : index
          %swap3A_395 = tpu.vector_load %run_scoped3A_4[%swap3A_393, %swap3A_394] {strides = array<i32>} : memref<512x128xf32, #tpu.memory_space<vmem>>, vector<16xf32>,
          tpu.vector_store %run_scoped3A_4[%swap3A_393, %swap3A_394], %broadcast_in_dim3A_117 {strides = array<i32>} : memref<512x128xf32, #tpu.memory_space<vmem>>, vector<16xf32>,
          %swap3A_396 = arith.index_cast %add3A_133 : i32 to index
          %swap3A_397 = arith.constant 64 : index
          %swap3A_398 = tpu.vector_load %run_scoped3A_4[%swap3A_396, %swap3A_397] {strides = array<i32>} : memref<512x128xf32, #tpu.memory_space<vmem>>, vector<16xf32>,
          tpu.vector_store %run_scoped3A_4[%swap3A_396, %swap3A_397], %broadcast_in_dim3A_117 {strides = array<i32>} : memref<512x128xf32, #tpu.memory_space<vmem>>, vector<16xf32>,
          %swap3A_399 = arith.index_cast %add3A_133 : i32 to index
          %swap3A_400 = arith.constant 80 : index
          %swap3A_401 = tpu.vector_load %run_scoped3A_4[%swap3A_399, %swap3A_400] {strides = array<i32>} : memref<512x128xf32, #tpu.memory_space<vmem>>, vector<16xf32>,
          tpu.vector_store %run_scoped3A_4[%swap3A_399, %swap3A_400], %broadcast_in_dim3A_117 {strides = array<i32>} : memref<512x128xf32, #tpu.memory_space<vmem>>, vector<16xf32>,
          %swap3A_402 = arith.index_cast %add3A_133 : i32 to index
          %swap3A_403 = arith.constant 96 : index
          %swap3A_404 = tpu.vector_load %run_scoped3A_4[%swap3A_402, %swap3A_403] {strides = array<i32>} : memref<512x128xf32, #tpu.memory_space<vmem>>, vector<16xf32>,
          tpu.vector_store %run_scoped3A_4[%swap3A_402, %swap3A_403], %broadcast_in_dim3A_117 {strides = array<i32>} : memref<512x128xf32, #tpu.memory_space<vmem>>, vector<16xf32>,
          %swap3A_405 = arith.index_cast %add3A_133 : i32 to index
          %swap3A_406 = arith.constant 112 : index
          %swap3A_407 = tpu.vector_load %run_scoped3A_4[%swap3A_405, %swap3A_406] {strides = array<i32>} : memref<512x128xf32, #tpu.memory_space<vmem>>, vector<16xf32>,
          tpu.vector_store %run_scoped3A_4[%swap3A_405, %swap3A_406], %broadcast_in_dim3A_117 {strides = array<i32>} : memref<512x128xf32, #tpu.memory_space<vmem>>, vector<16xf32>,
          %swap3A_408 = arith.index_cast %add3A_133 : i32 to index
          %swap3A_409 = arith.constant 0 : index
          %swap3A_410 = tpu.vector_load %run_scoped3A_5[%swap3A_408, %swap3A_409] {strides = array<i32>} : memref<512x32xf32, #tpu.memory_space<vmem>>, vector<16xf32>,
          tpu.vector_store %run_scoped3A_5[%swap3A_408, %swap3A_409], %broadcast_in_dim3A_117 {strides = array<i32>} : memref<512x32xf32, #tpu.memory_space<vmem>>, vector<16xf32>,
          %swap3A_411 = arith.index_cast %add3A_133 : i32 to index
          %swap3A_412 = arith.constant 16 : index
          %swap3A_413 = tpu.vector_load %run_scoped3A_5[%swap3A_411, %swap3A_412] {strides = array<i32>} : memref<512x32xf32, #tpu.memory_space<vmem>>, vector<16xf32>,
          tpu.vector_store %run_scoped3A_5[%swap3A_411, %swap3A_412], %broadcast_in_dim3A_117 {strides = array<i32>} : memref<512x32xf32, #tpu.memory_space<vmem>>, vector<16xf32>,
        } else {
        }
        %mul3A_144 = arith.constant 16 : i32
        %mul3A_145 = arith.muli %sub3A_126, %mul3A_144 : i32
        %add3A_146 = arith.constant 14 : i32
        %add3A_147 = arith.addi %mul3A_145, %add3A_146 : i32
        %slice3A_148 = vector.extract_strided_slice %get3A_129 {offsets = [14], sizes = [1], strides = [1]} : vector<16xi32> to vector<1xi32>
        %squeeze3A_149 = vector.extract %slice3A_148[0] : i32 from vector<1xi32>
        %ge3A_150 = arith.constant 0 : i32
        %ge3A_151 = arith.cmpi sge, %squeeze3A_149, %ge3A_150 : i32
        %convert_element_type3A_152 = arith.extui %ge3A_151 : i1 to i32
        %cond3A_153 = arith.constant 0 : i32
        %cond3A_154 = arith.cmpi ne, %convert_element_type3A_152, %cond3A_153 : i32
        scf.if %cond3A_154 {
          %get3A_384 = arith.index_cast %squeeze3A_149 : i32 to index
          %get3A_385 = arith.constant 0 : index
          %get3A_386 = tpu.vector_load %run_scoped3A_4[%get3A_384, %get3A_385] {strides = array<i32>} : memref<512x128xf32, #tpu.memory_space<vmem>>, vector<16xf32>,
          %swap3A_387 = arith.index_cast %add3A_147 : i32 to index
          %swap3A_388 = arith.constant 0 : index
          %swap3A_389 = tpu.vector_load %run_scoped3A_4[%swap3A_387, %swap3A_388] {strides = array<i32>} : memref<512x128xf32, #tpu.memory_space<vmem>>, vector<16xf32>,
          tpu.vector_store %run_scoped3A_4[%swap3A_387, %swap3A_388], %get3A_386 {strides = array<i32>} : memref<512x128xf32, #tpu.memory_space<vmem>>, vector<16xf32>,
          %get3A_390 = arith.index_cast %squeeze3A_149 : i32 to index
          %get3A_391 = arith.constant 16 : index
          %get3A_392 = tpu.vector_load %run_scoped3A_4[%get3A_390, %get3A_391] {strides = array<i32>} : memref<512x128xf32, #tpu.memory_space<vmem>>, vector<16xf32>,
          %swap3A_393 = arith.index_cast %add3A_147 : i32 to index
          %swap3A_394 = arith.constant 16 : index
          %swap3A_395 = tpu.vector_load %run_scoped3A_4[%swap3A_393, %swap3A_394] {strides = array<i32>} : memref<512x128xf32, #tpu.memory_space<vmem>>, vector<16xf32>,
          tpu.vector_store %run_scoped3A_4[%swap3A_393, %swap3A_394], %get3A_392 {strides = array<i32>} : memref<512x128xf32, #tpu.memory_space<vmem>>, vector<16xf32>,
          %get3A_396 = arith.index_cast %squeeze3A_149 : i32 to index
          %get3A_397 = arith.constant 32 : index
          %get3A_398 = tpu.vector_load %run_scoped3A_4[%get3A_396, %get3A_397] {strides = array<i32>} : memref<512x128xf32, #tpu.memory_space<vmem>>, vector<16xf32>,
          %swap3A_399 = arith.index_cast %add3A_147 : i32 to index
          %swap3A_400 = arith.constant 32 : index
          %swap3A_401 = tpu.vector_load %run_scoped3A_4[%swap3A_399, %swap3A_400] {strides = array<i32>} : memref<512x128xf32, #tpu.memory_space<vmem>>, vector<16xf32>,
          tpu.vector_store %run_scoped3A_4[%swap3A_399, %swap3A_400], %get3A_398 {strides = array<i32>} : memref<512x128xf32, #tpu.memory_space<vmem>>, vector<16xf32>,
          %get3A_402 = arith.index_cast %squeeze3A_149 : i32 to index
          %get3A_403 = arith.constant 48 : index
          %get3A_404 = tpu.vector_load %run_scoped3A_4[%get3A_402, %get3A_403] {strides = array<i32>} : memref<512x128xf32, #tpu.memory_space<vmem>>, vector<16xf32>,
          %swap3A_405 = arith.index_cast %add3A_147 : i32 to index
          %swap3A_406 = arith.constant 48 : index
          %swap3A_407 = tpu.vector_load %run_scoped3A_4[%swap3A_405, %swap3A_406] {strides = array<i32>} : memref<512x128xf32, #tpu.memory_space<vmem>>, vector<16xf32>,
          tpu.vector_store %run_scoped3A_4[%swap3A_405, %swap3A_406], %get3A_404 {strides = array<i32>} : memref<512x128xf32, #tpu.memory_space<vmem>>, vector<16xf32>,
          %get3A_408 = arith.index_cast %squeeze3A_149 : i32 to index
          %get3A_409 = arith.constant 64 : index
          %get3A_410 = tpu.vector_load %run_scoped3A_4[%get3A_408, %get3A_409] {strides = array<i32>} : memref<512x128xf32, #tpu.memory_space<vmem>>, vector<16xf32>,
          %swap3A_411 = arith.index_cast %add3A_147 : i32 to index
          %swap3A_412 = arith.constant 64 : index
          %swap3A_413 = tpu.vector_load %run_scoped3A_4[%swap3A_411, %swap3A_412] {strides = array<i32>} : memref<512x128xf32, #tpu.memory_space<vmem>>, vector<16xf32>,
          tpu.vector_store %run_scoped3A_4[%swap3A_411, %swap3A_412], %get3A_410 {strides = array<i32>} : memref<512x128xf32, #tpu.memory_space<vmem>>, vector<16xf32>,
          %get3A_414 = arith.index_cast %squeeze3A_149 : i32 to index
          %get3A_415 = arith.constant 80 : index
          %get3A_416 = tpu.vector_load %run_scoped3A_4[%get3A_414, %get3A_415] {strides = array<i32>} : memref<512x128xf32, #tpu.memory_space<vmem>>, vector<16xf32>,
          %swap3A_417 = arith.index_cast %add3A_147 : i32 to index
          %swap3A_418 = arith.constant 80 : index
          %swap3A_419 = tpu.vector_load %run_scoped3A_4[%swap3A_417, %swap3A_418] {strides = array<i32>} : memref<512x128xf32, #tpu.memory_space<vmem>>, vector<16xf32>,
          tpu.vector_store %run_scoped3A_4[%swap3A_417, %swap3A_418], %get3A_416 {strides = array<i32>} : memref<512x128xf32, #tpu.memory_space<vmem>>, vector<16xf32>,
          %get3A_420 = arith.index_cast %squeeze3A_149 : i32 to index
          %get3A_421 = arith.constant 96 : index
          %get3A_422 = tpu.vector_load %run_scoped3A_4[%get3A_420, %get3A_421] {strides = array<i32>} : memref<512x128xf32, #tpu.memory_space<vmem>>, vector<16xf32>,
          %swap3A_423 = arith.index_cast %add3A_147 : i32 to index
          %swap3A_424 = arith.constant 96 : index
          %swap3A_425 = tpu.vector_load %run_scoped3A_4[%swap3A_423, %swap3A_424] {strides = array<i32>} : memref<512x128xf32, #tpu.memory_space<vmem>>, vector<16xf32>,
          tpu.vector_store %run_scoped3A_4[%swap3A_423, %swap3A_424], %get3A_422 {strides = array<i32>} : memref<512x128xf32, #tpu.memory_space<vmem>>, vector<16xf32>,
          %get3A_426 = arith.index_cast %squeeze3A_149 : i32 to index
          %get3A_427 = arith.constant 112 : index
          %get3A_428 = tpu.vector_load %run_scoped3A_4[%get3A_426, %get3A_427] {strides = array<i32>} : memref<512x128xf32, #tpu.memory_space<vmem>>, vector<16xf32>,
          %swap3A_429 = arith.index_cast %add3A_147 : i32 to index
          %swap3A_430 = arith.constant 112 : index
          %swap3A_431 = tpu.vector_load %run_scoped3A_4[%swap3A_429, %swap3A_430] {strides = array<i32>} : memref<512x128xf32, #tpu.memory_space<vmem>>, vector<16xf32>,
          tpu.vector_store %run_scoped3A_4[%swap3A_429, %swap3A_430], %get3A_428 {strides = array<i32>} : memref<512x128xf32, #tpu.memory_space<vmem>>, vector<16xf32>,
          %get3A_432 = arith.index_cast %squeeze3A_149 : i32 to index
          %get3A_433 = arith.constant 0 : index
          %get3A_434 = tpu.vector_load %run_scoped3A_5[%get3A_432, %get3A_433] {strides = array<i32>} : memref<512x32xf32, #tpu.memory_space<vmem>>, vector<16xf32>,
          %swap3A_435 = arith.index_cast %add3A_147 : i32 to index
          %swap3A_436 = arith.constant 0 : index
          %swap3A_437 = tpu.vector_load %run_scoped3A_5[%swap3A_435, %swap3A_436] {strides = array<i32>} : memref<512x32xf32, #tpu.memory_space<vmem>>, vector<16xf32>,
          tpu.vector_store %run_scoped3A_5[%swap3A_435, %swap3A_436], %get3A_434 {strides = array<i32>} : memref<512x32xf32, #tpu.memory_space<vmem>>, vector<16xf32>,
          %get3A_438 = arith.index_cast %squeeze3A_149 : i32 to index
          %get3A_439 = arith.constant 16 : index
          %get3A_440 = tpu.vector_load %run_scoped3A_5[%get3A_438, %get3A_439] {strides = array<i32>} : memref<512x32xf32, #tpu.memory_space<vmem>>, vector<16xf32>,
          %swap3A_441 = arith.index_cast %add3A_147 : i32 to index
          %swap3A_442 = arith.constant 16 : index
          %swap3A_443 = tpu.vector_load %run_scoped3A_5[%swap3A_441, %swap3A_442] {strides = array<i32>} : memref<512x32xf32, #tpu.memory_space<vmem>>, vector<16xf32>,
          tpu.vector_store %run_scoped3A_5[%swap3A_441, %swap3A_442], %get3A_440 {strides = array<i32>} : memref<512x32xf32, #tpu.memory_space<vmem>>, vector<16xf32>,
        } else {
        }
        %lt3A_155 = arith.constant 0 : i32
        %lt3A_156 = arith.cmpi slt, %squeeze3A_149, %lt3A_155 : i32
        %convert_element_type3A_157 = arith.extui %lt3A_156 : i1 to i32
        %cond3A_158 = arith.constant 0 : i32
        %cond3A_159 = arith.cmpi ne, %convert_element_type3A_157, %cond3A_158 : i32
        scf.if %cond3A_159 {
          %swap3A_384 = arith.index_cast %add3A_147 : i32 to index
          %swap3A_385 = arith.constant 0 : index
          %swap3A_386 = tpu.vector_load %run_scoped3A_4[%swap3A_384, %swap3A_385] {strides = array<i32>} : memref<512x128xf32, #tpu.memory_space<vmem>>, vector<16xf32>,
          tpu.vector_store %run_scoped3A_4[%swap3A_384, %swap3A_385], %broadcast_in_dim3A_117 {strides = array<i32>} : memref<512x128xf32, #tpu.memory_space<vmem>>, vector<16xf32>,
          %swap3A_387 = arith.index_cast %add3A_147 : i32 to index
          %swap3A_388 = arith.constant 16 : index
          %swap3A_389 = tpu.vector_load %run_scoped3A_4[%swap3A_387, %swap3A_388] {strides = array<i32>} : memref<512x128xf32, #tpu.memory_space<vmem>>, vector<16xf32>,
          tpu.vector_store %run_scoped3A_4[%swap3A_387, %swap3A_388], %broadcast_in_dim3A_117 {strides = array<i32>} : memref<512x128xf32, #tpu.memory_space<vmem>>, vector<16xf32>,
          %swap3A_390 = arith.index_cast %add3A_147 : i32 to index
          %swap3A_391 = arith.constant 32 : index
          %swap3A_392 = tpu.vector_load %run_scoped3A_4[%swap3A_390, %swap3A_391] {strides = array<i32>} : memref<512x128xf32, #tpu.memory_space<vmem>>, vector<16xf32>,
          tpu.vector_store %run_scoped3A_4[%swap3A_390, %swap3A_391], %broadcast_in_dim3A_117 {strides = array<i32>} : memref<512x128xf32, #tpu.memory_space<vmem>>, vector<16xf32>,
          %swap3A_393 = arith.index_cast %add3A_147 : i32 to index
          %swap3A_394 = arith.constant 48 : index
          %swap3A_395 = tpu.vector_load %run_scoped3A_4[%swap3A_393, %swap3A_394] {strides = array<i32>} : memref<512x128xf32, #tpu.memory_space<vmem>>, vector<16xf32>,
          tpu.vector_store %run_scoped3A_4[%swap3A_393, %swap3A_394], %broadcast_in_dim3A_117 {strides = array<i32>} : memref<512x128xf32, #tpu.memory_space<vmem>>, vector<16xf32>,
          %swap3A_396 = arith.index_cast %add3A_147 : i32 to index
          %swap3A_397 = arith.constant 64 : index
          %swap3A_398 = tpu.vector_load %run_scoped3A_4[%swap3A_396, %swap3A_397] {strides = array<i32>} : memref<512x128xf32, #tpu.memory_space<vmem>>, vector<16xf32>,
          tpu.vector_store %run_scoped3A_4[%swap3A_396, %swap3A_397], %broadcast_in_dim3A_117 {strides = array<i32>} : memref<512x128xf32, #tpu.memory_space<vmem>>, vector<16xf32>,
          %swap3A_399 = arith.index_cast %add3A_147 : i32 to index
          %swap3A_400 = arith.constant 80 : index
          %swap3A_401 = tpu.vector_load %run_scoped3A_4[%swap3A_399, %swap3A_400] {strides = array<i32>} : memref<512x128xf32, #tpu.memory_space<vmem>>, vector<16xf32>,
          tpu.vector_store %run_scoped3A_4[%swap3A_399, %swap3A_400], %broadcast_in_dim3A_117 {strides = array<i32>} : memref<512x128xf32, #tpu.memory_space<vmem>>, vector<16xf32>,
          %swap3A_402 = arith.index_cast %add3A_147 : i32 to index
          %swap3A_403 = arith.constant 96 : index
          %swap3A_404 = tpu.vector_load %run_scoped3A_4[%swap3A_402, %swap3A_403] {strides = array<i32>} : memref<512x128xf32, #tpu.memory_space<vmem>>, vector<16xf32>,
          tpu.vector_store %run_scoped3A_4[%swap3A_402, %swap3A_403], %broadcast_in_dim3A_117 {strides = array<i32>} : memref<512x128xf32, #tpu.memory_space<vmem>>, vector<16xf32>,
          %swap3A_405 = arith.index_cast %add3A_147 : i32 to index
          %swap3A_406 = arith.constant 112 : index
          %swap3A_407 = tpu.vector_load %run_scoped3A_4[%swap3A_405, %swap3A_406] {strides = array<i32>} : memref<512x128xf32, #tpu.memory_space<vmem>>, vector<16xf32>,
          tpu.vector_store %run_scoped3A_4[%swap3A_405, %swap3A_406], %broadcast_in_dim3A_117 {strides = array<i32>} : memref<512x128xf32, #tpu.memory_space<vmem>>, vector<16xf32>,
          %swap3A_408 = arith.index_cast %add3A_147 : i32 to index
          %swap3A_409 = arith.constant 0 : index
          %swap3A_410 = tpu.vector_load %run_scoped3A_5[%swap3A_408, %swap3A_409] {strides = array<i32>} : memref<512x32xf32, #tpu.memory_space<vmem>>, vector<16xf32>,
          tpu.vector_store %run_scoped3A_5[%swap3A_408, %swap3A_409], %broadcast_in_dim3A_117 {strides = array<i32>} : memref<512x32xf32, #tpu.memory_space<vmem>>, vector<16xf32>,
          %swap3A_411 = arith.index_cast %add3A_147 : i32 to index
          %swap3A_412 = arith.constant 16 : index
          %swap3A_413 = tpu.vector_load %run_scoped3A_5[%swap3A_411, %swap3A_412] {strides = array<i32>} : memref<512x32xf32, #tpu.memory_space<vmem>>, vector<16xf32>,
          tpu.vector_store %run_scoped3A_5[%swap3A_411, %swap3A_412], %broadcast_in_dim3A_117 {strides = array<i32>} : memref<512x32xf32, #tpu.memory_space<vmem>>, vector<16xf32>,
        } else {
        }
        %mul3A_160 = arith.constant 16 : i32
        %mul3A_161 = arith.muli %sub3A_126, %mul3A_160 : i32
        %add3A_162 = arith.constant 13 : i32
        %add3A_163 = arith.addi %mul3A_161, %add3A_162 : i32
        %slice3A_164 = vector.extract_strided_slice %get3A_129 {offsets = [13], sizes = [1], strides = [1]} : vector<16xi32> to vector<1xi32>
        %squeeze3A_165 = vector.extract %slice3A_164[0] : i32 from vector<1xi32>
        %ge3A_166 = arith.constant 0 : i32
        %ge3A_167 = arith.cmpi sge, %squeeze3A_165, %ge3A_166 : i32
        %convert_element_type3A_168 = arith.extui %ge3A_167 : i1 to i32
        %cond3A_169 = arith.constant 0 : i32
        %cond3A_170 = arith.cmpi ne, %convert_element_type3A_168, %cond3A_169 : i32
        scf.if %cond3A_170 {
          %get3A_384 = arith.index_cast %squeeze3A_165 : i32 to index
          %get3A_385 = arith.constant 0 : index
          %get3A_386 = tpu.vector_load %run_scoped3A_4[%get3A_384, %get3A_385] {strides = array<i32>} : memref<512x128xf32, #tpu.memory_space<vmem>>, vector<16xf32>,
          %swap3A_387 = arith.index_cast %add3A_163 : i32 to index
          %swap3A_388 = arith.constant 0 : index
          %swap3A_389 = tpu.vector_load %run_scoped3A_4[%swap3A_387, %swap3A_388] {strides = array<i32>} : memref<512x128xf32, #tpu.memory_space<vmem>>, vector<16xf32>,
          tpu.vector_store %run_scoped3A_4[%swap3A_387, %swap3A_388], %get3A_386 {strides = array<i32>} : memref<512x128xf32, #tpu.memory_space<vmem>>, vector<16xf32>,
          %get3A_390 = arith.index_cast %squeeze3A_165 : i32 to index
          %get3A_391 = arith.constant 16 : index
          %get3A_392 = tpu.vector_load %run_scoped3A_4[%get3A_390, %get3A_391] {strides = array<i32>} : memref<512x128xf32, #tpu.memory_space<vmem>>, vector<16xf32>,
          %swap3A_393 = arith.index_cast %add3A_163 : i32 to index
          %swap3A_394 = arith.constant 16 : index
          %swap3A_395 = tpu.vector_load %run_scoped3A_4[%swap3A_393, %swap3A_394] {strides = array<i32>} : memref<512x128xf32, #tpu.memory_space<vmem>>, vector<16xf32>,
          tpu.vector_store %run_scoped3A_4[%swap3A_393, %swap3A_394], %get3A_392 {strides = array<i32>} : memref<512x128xf32, #tpu.memory_space<vmem>>, vector<16xf32>,
          %get3A_396 = arith.index_cast %squeeze3A_165 : i32 to index
          %get3A_397 = arith.constant 32 : index
          %get3A_398 = tpu.vector_load %run_scoped3A_4[%get3A_396, %get3A_397] {strides = array<i32>} : memref<512x128xf32, #tpu.memory_space<vmem>>, vector<16xf32>,
          %swap3A_399 = arith.index_cast %add3A_163 : i32 to index
          %swap3A_400 = arith.constant 32 : index
          %swap3A_401 = tpu.vector_load %run_scoped3A_4[%swap3A_399, %swap3A_400] {strides = array<i32>} : memref<512x128xf32, #tpu.memory_space<vmem>>, vector<16xf32>,
          tpu.vector_store %run_scoped3A_4[%swap3A_399, %swap3A_400], %get3A_398 {strides = array<i32>} : memref<512x128xf32, #tpu.memory_space<vmem>>, vector<16xf32>,
          %get3A_402 = arith.index_cast %squeeze3A_165 : i32 to index
          %get3A_403 = arith.constant 48 : index
          %get3A_404 = tpu.vector_load %run_scoped3A_4[%get3A_402, %get3A_403] {strides = array<i32>} : memref<512x128xf32, #tpu.memory_space<vmem>>, vector<16xf32>,
          %swap3A_405 = arith.index_cast %add3A_163 : i32 to index
          %swap3A_406 = arith.constant 48 : index
          %swap3A_407 = tpu.vector_load %run_scoped3A_4[%swap3A_405, %swap3A_406] {strides = array<i32>} : memref<512x128xf32, #tpu.memory_space<vmem>>, vector<16xf32>,
          tpu.vector_store %run_scoped3A_4[%swap3A_405, %swap3A_406], %get3A_404 {strides = array<i32>} : memref<512x128xf32, #tpu.memory_space<vmem>>, vector<16xf32>,
          %get3A_408 = arith.index_cast %squeeze3A_165 : i32 to index
          %get3A_409 = arith.constant 64 : index
          %get3A_410 = tpu.vector_load %run_scoped3A_4[%get3A_408, %get3A_409] {strides = array<i32>} : memref<512x128xf32, #tpu.memory_space<vmem>>, vector<16xf32>,
          %swap3A_411 = arith.index_cast %add3A_163 : i32 to index
          %swap3A_412 = arith.constant 64 : index
          %swap3A_413 = tpu.vector_load %run_scoped3A_4[%swap3A_411, %swap3A_412] {strides = array<i32>} : memref<512x128xf32, #tpu.memory_space<vmem>>, vector<16xf32>,
          tpu.vector_store %run_scoped3A_4[%swap3A_411, %swap3A_412], %get3A_410 {strides = array<i32>} : memref<512x128xf32, #tpu.memory_space<vmem>>, vector<16xf32>,
          %get3A_414 = arith.index_cast %squeeze3A_165 : i32 to index
          %get3A_415 = arith.constant 80 : index
          %get3A_416 = tpu.vector_load %run_scoped3A_4[%get3A_414, %get3A_415] {strides = array<i32>} : memref<512x128xf32, #tpu.memory_space<vmem>>, vector<16xf32>,
          %swap3A_417 = arith.index_cast %add3A_163 : i32 to index
          %swap3A_418 = arith.constant 80 : index
          %swap3A_419 = tpu.vector_load %run_scoped3A_4[%swap3A_417, %swap3A_418] {strides = array<i32>} : memref<512x128xf32, #tpu.memory_space<vmem>>, vector<16xf32>,
          tpu.vector_store %run_scoped3A_4[%swap3A_417, %swap3A_418], %get3A_416 {strides = array<i32>} : memref<512x128xf32, #tpu.memory_space<vmem>>, vector<16xf32>,
          %get3A_420 = arith.index_cast %squeeze3A_165 : i32 to index
          %get3A_421 = arith.constant 96 : index
          %get3A_422 = tpu.vector_load %run_scoped3A_4[%get3A_420, %get3A_421] {strides = array<i32>} : memref<512x128xf32, #tpu.memory_space<vmem>>, vector<16xf32>,
          %swap3A_423 = arith.index_cast %add3A_163 : i32 to index
          %swap3A_424 = arith.constant 96 : index
          %swap3A_425 = tpu.vector_load %run_scoped3A_4[%swap3A_423, %swap3A_424] {strides = array<i32>} : memref<512x128xf32, #tpu.memory_space<vmem>>, vector<16xf32>,
          tpu.vector_store %run_scoped3A_4[%swap3A_423, %swap3A_424], %get3A_422 {strides = array<i32>} : memref<512x128xf32, #tpu.memory_space<vmem>>, vector<16xf32>,
          %get3A_426 = arith.index_cast %squeeze3A_165 : i32 to index
          %get3A_427 = arith.constant 112 : index
          %get3A_428 = tpu.vector_load %run_scoped3A_4[%get3A_426, %get3A_427] {strides = array<i32>} : memref<512x128xf32, #tpu.memory_space<vmem>>, vector<16xf32>,
          %swap3A_429 = arith.index_cast %add3A_163 : i32 to index
          %swap3A_430 = arith.constant 112 : index
          %swap3A_431 = tpu.vector_load %run_scoped3A_4[%swap3A_429, %swap3A_430] {strides = array<i32>} : memref<512x128xf32, #tpu.memory_space<vmem>>, vector<16xf32>,
          tpu.vector_store %run_scoped3A_4[%swap3A_429, %swap3A_430], %get3A_428 {strides = array<i32>} : memref<512x128xf32, #tpu.memory_space<vmem>>, vector<16xf32>,
          %get3A_432 = arith.index_cast %squeeze3A_165 : i32 to index
          %get3A_433 = arith.constant 0 : index
          %get3A_434 = tpu.vector_load %run_scoped3A_5[%get3A_432, %get3A_433] {strides = array<i32>} : memref<512x32xf32, #tpu.memory_space<vmem>>, vector<16xf32>,
          %swap3A_435 = arith.index_cast %add3A_163 : i32 to index
          %swap3A_436 = arith.constant 0 : index
          %swap3A_437 = tpu.vector_load %run_scoped3A_5[%swap3A_435, %swap3A_436] {strides = array<i32>} : memref<512x32xf32, #tpu.memory_space<vmem>>, vector<16xf32>,
          tpu.vector_store %run_scoped3A_5[%swap3A_435, %swap3A_436], %get3A_434 {strides = array<i32>} : memref<512x32xf32, #tpu.memory_space<vmem>>, vector<16xf32>,
          %get3A_438 = arith.index_cast %squeeze3A_165 : i32 to index
          %get3A_439 = arith.constant 16 : index
          %get3A_440 = tpu.vector_load %run_scoped3A_5[%get3A_438, %get3A_439] {strides = array<i32>} : memref<512x32xf32, #tpu.memory_space<vmem>>, vector<16xf32>,
          %swap3A_441 = arith.index_cast %add3A_163 : i32 to index
          %swap3A_442 = arith.constant 16 : index
          %swap3A_443 = tpu.vector_load %run_scoped3A_5[%swap3A_441, %swap3A_442] {strides = array<i32>} : memref<512x32xf32, #tpu.memory_space<vmem>>, vector<16xf32>,
          tpu.vector_store %run_scoped3A_5[%swap3A_441, %swap3A_442], %get3A_440 {strides = array<i32>} : memref<512x32xf32, #tpu.memory_space<vmem>>, vector<16xf32>,
        } else {
        }
        %lt3A_171 = arith.constant 0 : i32
        %lt3A_172 = arith.cmpi slt, %squeeze3A_165, %lt3A_171 : i32
        %convert_element_type3A_173 = arith.extui %lt3A_172 : i1 to i32
        %cond3A_174 = arith.constant 0 : i32
        %cond3A_175 = arith.cmpi ne, %convert_element_type3A_173, %cond3A_174 : i32
        scf.if %cond3A_175 {
          %swap3A_384 = arith.index_cast %add3A_163 : i32 to index
          %swap3A_385 = arith.constant 0 : index
          %swap3A_386 = tpu.vector_load %run_scoped3A_4[%swap3A_384, %swap3A_385] {strides = array<i32>} : memref<512x128xf32, #tpu.memory_space<vmem>>, vector<16xf32>,
          tpu.vector_store %run_scoped3A_4[%swap3A_384, %swap3A_385], %broadcast_in_dim3A_117 {strides = array<i32>} : memref<512x128xf32, #tpu.memory_space<vmem>>, vector<16xf32>,
          %swap3A_387 = arith.index_cast %add3A_163 : i32 to index
          %swap3A_388 = arith.constant 16 : index
          %swap3A_389 = tpu.vector_load %run_scoped3A_4[%swap3A_387, %swap3A_388] {strides = array<i32>} : memref<512x128xf32, #tpu.memory_space<vmem>>, vector<16xf32>,
          tpu.vector_store %run_scoped3A_4[%swap3A_387, %swap3A_388], %broadcast_in_dim3A_117 {strides = array<i32>} : memref<512x128xf32, #tpu.memory_space<vmem>>, vector<16xf32>,
          %swap3A_390 = arith.index_cast %add3A_163 : i32 to index
          %swap3A_391 = arith.constant 32 : index
          %swap3A_392 = tpu.vector_load %run_scoped3A_4[%swap3A_390, %swap3A_391] {strides = array<i32>} : memref<512x128xf32, #tpu.memory_space<vmem>>, vector<16xf32>,
          tpu.vector_store %run_scoped3A_4[%swap3A_390, %swap3A_391], %broadcast_in_dim3A_117 {strides = array<i32>} : memref<512x128xf32, #tpu.memory_space<vmem>>, vector<16xf32>,
          %swap3A_393 = arith.index_cast %add3A_163 : i32 to index
          %swap3A_394 = arith.constant 48 : index
          %swap3A_395 = tpu.vector_load %run_scoped3A_4[%swap3A_393, %swap3A_394] {strides = array<i32>} : memref<512x128xf32, #tpu.memory_space<vmem>>, vector<16xf32>,
          tpu.vector_store %run_scoped3A_4[%swap3A_393, %swap3A_394], %broadcast_in_dim3A_117 {strides = array<i32>} : memref<512x128xf32, #tpu.memory_space<vmem>>, vector<16xf32>,
          %swap3A_396 = arith.index_cast %add3A_163 : i32 to index
          %swap3A_397 = arith.constant 64 : index
          %swap3A_398 = tpu.vector_load %run_scoped3A_4[%swap3A_396, %swap3A_397] {strides = array<i32>} : memref<512x128xf32, #tpu.memory_space<vmem>>, vector<16xf32>,
          tpu.vector_store %run_scoped3A_4[%swap3A_396, %swap3A_397], %broadcast_in_dim3A_117 {strides = array<i32>} : memref<512x128xf32, #tpu.memory_space<vmem>>, vector<16xf32>,
          %swap3A_399 = arith.index_cast %add3A_163 : i32 to index
          %swap3A_400 = arith.constant 80 : index
          %swap3A_401 = tpu.vector_load %run_scoped3A_4[%swap3A_399, %swap3A_400] {strides = array<i32>} : memref<512x128xf32, #tpu.memory_space<vmem>>, vector<16xf32>,
          tpu.vector_store %run_scoped3A_4[%swap3A_399, %swap3A_400], %broadcast_in_dim3A_117 {strides = array<i32>} : memref<512x128xf32, #tpu.memory_space<vmem>>, vector<16xf32>,
          %swap3A_402 = arith.index_cast %add3A_163 : i32 to index
          %swap3A_403 = arith.constant 96 : index
          %swap3A_404 = tpu.vector_load %run_scoped3A_4[%swap3A_402, %swap3A_403] {strides = array<i32>} : memref<512x128xf32, #tpu.memory_space<vmem>>, vector<16xf32>,
          tpu.vector_store %run_scoped3A_4[%swap3A_402, %swap3A_403], %broadcast_in_dim3A_117 {strides = array<i32>} : memref<512x128xf32, #tpu.memory_space<vmem>>, vector<16xf32>,
          %swap3A_405 = arith.index_cast %add3A_163 : i32 to index
          %swap3A_406 = arith.constant 112 : index
          %swap3A_407 = tpu.vector_load %run_scoped3A_4[%swap3A_405, %swap3A_406] {strides = array<i32>} : memref<512x128xf32, #tpu.memory_space<vmem>>, vector<16xf32>,
          tpu.vector_store %run_scoped3A_4[%swap3A_405, %swap3A_406], %broadcast_in_dim3A_117 {strides = array<i32>} : memref<512x128xf32, #tpu.memory_space<vmem>>, vector<16xf32>,
          %swap3A_408 = arith.index_cast %add3A_163 : i32 to index
          %swap3A_409 = arith.constant 0 : index
          %swap3A_410 = tpu.vector_load %run_scoped3A_5[%swap3A_408, %swap3A_409] {strides = array<i32>} : memref<512x32xf32, #tpu.memory_space<vmem>>, vector<16xf32>,
          tpu.vector_store %run_scoped3A_5[%swap3A_408, %swap3A_409], %broadcast_in_dim3A_117 {strides = array<i32>} : memref<512x32xf32, #tpu.memory_space<vmem>>, vector<16xf32>,
          %swap3A_411 = arith.index_cast %add3A_163 : i32 to index
          %swap3A_412 = arith.constant 16 : index
          %swap3A_413 = tpu.vector_load %run_scoped3A_5[%swap3A_411, %swap3A_412] {strides = array<i32>} : memref<512x32xf32, #tpu.memory_space<vmem>>, vector<16xf32>,
          tpu.vector_store %run_scoped3A_5[%swap3A_411, %swap3A_412], %broadcast_in_dim3A_117 {strides = array<i32>} : memref<512x32xf32, #tpu.memory_space<vmem>>, vector<16xf32>,
        } else {
        }
        %mul3A_176 = arith.constant 16 : i32
        %mul3A_177 = arith.muli %sub3A_126, %mul3A_176 : i32
        %add3A_178 = arith.constant 12 : i32
        %add3A_179 = arith.addi %mul3A_177, %add3A_178 : i32
        %slice3A_180 = vector.extract_strided_slice %get3A_129 {offsets = [12], sizes = [1], strides = [1]} : vector<16xi32> to vector<1xi32>
        %squeeze3A_181 = vector.extract %slice3A_180[0] : i32 from vector<1xi32>
        %ge3A_182 = arith.constant 0 : i32
        %ge3A_183 = arith.cmpi sge, %squeeze3A_181, %ge3A_182 : i32
        %convert_element_type3A_184 = arith.extui %ge3A_183 : i1 to i32
        %cond3A_185 = arith.constant 0 : i32
        %cond3A_186 = arith.cmpi ne, %convert_element_type3A_184, %cond3A_185 : i32
        scf.if %cond3A_186 {
          %get3A_384 = arith.index_cast %squeeze3A_181 : i32 to index
          %get3A_385 = arith.constant 0 : index
          %get3A_386 = tpu.vector_load %run_scoped3A_4[%get3A_384, %get3A_385] {strides = array<i32>} : memref<512x128xf32, #tpu.memory_space<vmem>>, vector<16xf32>,
          %swap3A_387 = arith.index_cast %add3A_179 : i32 to index
          %swap3A_388 = arith.constant 0 : index
          %swap3A_389 = tpu.vector_load %run_scoped3A_4[%swap3A_387, %swap3A_388] {strides = array<i32>} : memref<512x128xf32, #tpu.memory_space<vmem>>, vector<16xf32>,
          tpu.vector_store %run_scoped3A_4[%swap3A_387, %swap3A_388], %get3A_386 {strides = array<i32>} : memref<512x128xf32, #tpu.memory_space<vmem>>, vector<16xf32>,
          %get3A_390 = arith.index_cast %squeeze3A_181 : i32 to index
          %get3A_391 = arith.constant 16 : index
          %get3A_392 = tpu.vector_load %run_scoped3A_4[%get3A_390, %get3A_391] {strides = array<i32>} : memref<512x128xf32, #tpu.memory_space<vmem>>, vector<16xf32>,
          %swap3A_393 = arith.index_cast %add3A_179 : i32 to index
          %swap3A_394 = arith.constant 16 : index
          %swap3A_395 = tpu.vector_load %run_scoped3A_4[%swap3A_393, %swap3A_394] {strides = array<i32>} : memref<512x128xf32, #tpu.memory_space<vmem>>, vector<16xf32>,
          tpu.vector_store %run_scoped3A_4[%swap3A_393, %swap3A_394], %get3A_392 {strides = array<i32>} : memref<512x128xf32, #tpu.memory_space<vmem>>, vector<16xf32>,
          %get3A_396 = arith.index_cast %squeeze3A_181 : i32 to index
          %get3A_397 = arith.constant 32 : index
          %get3A_398 = tpu.vector_load %run_scoped3A_4[%get3A_396, %get3A_397] {strides = array<i32>} : memref<512x128xf32, #tpu.memory_space<vmem>>, vector<16xf32>,
          %swap3A_399 = arith.index_cast %add3A_179 : i32 to index
          %swap3A_400 = arith.constant 32 : index
          %swap3A_401 = tpu.vector_load %run_scoped3A_4[%swap3A_399, %swap3A_400] {strides = array<i32>} : memref<512x128xf32, #tpu.memory_space<vmem>>, vector<16xf32>,
          tpu.vector_store %run_scoped3A_4[%swap3A_399, %swap3A_400], %get3A_398 {strides = array<i32>} : memref<512x128xf32, #tpu.memory_space<vmem>>, vector<16xf32>,
          %get3A_402 = arith.index_cast %squeeze3A_181 : i32 to index
          %get3A_403 = arith.constant 48 : index
          %get3A_404 = tpu.vector_load %run_scoped3A_4[%get3A_402, %get3A_403] {strides = array<i32>} : memref<512x128xf32, #tpu.memory_space<vmem>>, vector<16xf32>,
          %swap3A_405 = arith.index_cast %add3A_179 : i32 to index
          %swap3A_406 = arith.constant 48 : index
          %swap3A_407 = tpu.vector_load %run_scoped3A_4[%swap3A_405, %swap3A_406] {strides = array<i32>} : memref<512x128xf32, #tpu.memory_space<vmem>>, vector<16xf32>,
          tpu.vector_store %run_scoped3A_4[%swap3A_405, %swap3A_406], %get3A_404 {strides = array<i32>} : memref<512x128xf32, #tpu.memory_space<vmem>>, vector<16xf32>,
          %get3A_408 = arith.index_cast %squeeze3A_181 : i32 to index
          %get3A_409 = arith.constant 64 : index
          %get3A_410 = tpu.vector_load %run_scoped3A_4[%get3A_408, %get3A_409] {strides = array<i32>} : memref<512x128xf32, #tpu.memory_space<vmem>>, vector<16xf32>,
          %swap3A_411 = arith.index_cast %add3A_179 : i32 to index
          %swap3A_412 = arith.constant 64 : index
          %swap3A_413 = tpu.vector_load %run_scoped3A_4[%swap3A_411, %swap3A_412] {strides = array<i32>} : memref<512x128xf32, #tpu.memory_space<vmem>>, vector<16xf32>,
          tpu.vector_store %run_scoped3A_4[%swap3A_411, %swap3A_412], %get3A_410 {strides = array<i32>} : memref<512x128xf32, #tpu.memory_space<vmem>>, vector<16xf32>,
          %get3A_414 = arith.index_cast %squeeze3A_181 : i32 to index
          %get3A_415 = arith.constant 80 : index
          %get3A_416 = tpu.vector_load %run_scoped3A_4[%get3A_414, %get3A_415] {strides = array<i32>} : memref<512x128xf32, #tpu.memory_space<vmem>>, vector<16xf32>,
          %swap3A_417 = arith.index_cast %add3A_179 : i32 to index
          %swap3A_418 = arith.constant 80 : index
          %swap3A_419 = tpu.vector_load %run_scoped3A_4[%swap3A_417, %swap3A_418] {strides = array<i32>} : memref<512x128xf32, #tpu.memory_space<vmem>>, vector<16xf32>,
          tpu.vector_store %run_scoped3A_4[%swap3A_417, %swap3A_418], %get3A_416 {strides = array<i32>} : memref<512x128xf32, #tpu.memory_space<vmem>>, vector<16xf32>,
          %get3A_420 = arith.index_cast %squeeze3A_181 : i32 to index
          %get3A_421 = arith.constant 96 : index
          %get3A_422 = tpu.vector_load %run_scoped3A_4[%get3A_420, %get3A_421] {strides = array<i32>} : memref<512x128xf32, #tpu.memory_space<vmem>>, vector<16xf32>,
          %swap3A_423 = arith.index_cast %add3A_179 : i32 to index
          %swap3A_424 = arith.constant 96 : index
          %swap3A_425 = tpu.vector_load %run_scoped3A_4[%swap3A_423, %swap3A_424] {strides = array<i32>} : memref<512x128xf32, #tpu.memory_space<vmem>>, vector<16xf32>,
          tpu.vector_store %run_scoped3A_4[%swap3A_423, %swap3A_424], %get3A_422 {strides = array<i32>} : memref<512x128xf32, #tpu.memory_space<vmem>>, vector<16xf32>,
          %get3A_426 = arith.index_cast %squeeze3A_181 : i32 to index
          %get3A_427 = arith.constant 112 : index
          %get3A_428 = tpu.vector_load %run_scoped3A_4[%get3A_426, %get3A_427] {strides = array<i32>} : memref<512x128xf32, #tpu.memory_space<vmem>>, vector<16xf32>,
          %swap3A_429 = arith.index_cast %add3A_179 : i32 to index
          %swap3A_430 = arith.constant 112 : index
          %swap3A_431 = tpu.vector_load %run_scoped3A_4[%swap3A_429, %swap3A_430] {strides = array<i32>} : memref<512x128xf32, #tpu.memory_space<vmem>>, vector<16xf32>,
          tpu.vector_store %run_scoped3A_4[%swap3A_429, %swap3A_430], %get3A_428 {strides = array<i32>} : memref<512x128xf32, #tpu.memory_space<vmem>>, vector<16xf32>,
          %get3A_432 = arith.index_cast %squeeze3A_181 : i32 to index
          %get3A_433 = arith.constant 0 : index
          %get3A_434 = tpu.vector_load %run_scoped3A_5[%get3A_432, %get3A_433] {strides = array<i32>} : memref<512x32xf32, #tpu.memory_space<vmem>>, vector<16xf32>,
          %swap3A_435 = arith.index_cast %add3A_179 : i32 to index
          %swap3A_436 = arith.constant 0 : index
          %swap3A_437 = tpu.vector_load %run_scoped3A_5[%swap3A_435, %swap3A_436] {strides = array<i32>} : memref<512x32xf32, #tpu.memory_space<vmem>>, vector<16xf32>,
          tpu.vector_store %run_scoped3A_5[%swap3A_435, %swap3A_436], %get3A_434 {strides = array<i32>} : memref<512x32xf32, #tpu.memory_space<vmem>>, vector<16xf32>,
          %get3A_438 = arith.index_cast %squeeze3A_181 : i32 to index
          %get3A_439 = arith.constant 16 : index
          %get3A_440 = tpu.vector_load %run_scoped3A_5[%get3A_438, %get3A_439] {strides = array<i32>} : memref<512x32xf32, #tpu.memory_space<vmem>>, vector<16xf32>,
          %swap3A_441 = arith.index_cast %add3A_179 : i32 to index
          %swap3A_442 = arith.constant 16 : index
          %swap3A_443 = tpu.vector_load %run_scoped3A_5[%swap3A_441, %swap3A_442] {strides = array<i32>} : memref<512x32xf32, #tpu.memory_space<vmem>>, vector<16xf32>,
          tpu.vector_store %run_scoped3A_5[%swap3A_441, %swap3A_442], %get3A_440 {strides = array<i32>} : memref<512x32xf32, #tpu.memory_space<vmem>>, vector<16xf32>,
        } else {
        }
        %lt3A_187 = arith.constant 0 : i32
        %lt3A_188 = arith.cmpi slt, %squeeze3A_181, %lt3A_187 : i32
        %convert_element_type3A_189 = arith.extui %lt3A_188 : i1 to i32
        %cond3A_190 = arith.constant 0 : i32
        %cond3A_191 = arith.cmpi ne, %convert_element_type3A_189, %cond3A_190 : i32
        scf.if %cond3A_191 {
          %swap3A_384 = arith.index_cast %add3A_179 : i32 to index
          %swap3A_385 = arith.constant 0 : index
          %swap3A_386 = tpu.vector_load %run_scoped3A_4[%swap3A_384, %swap3A_385] {strides = array<i32>} : memref<512x128xf32, #tpu.memory_space<vmem>>, vector<16xf32>,
          tpu.vector_store %run_scoped3A_4[%swap3A_384, %swap3A_385], %broadcast_in_dim3A_117 {strides = array<i32>} : memref<512x128xf32, #tpu.memory_space<vmem>>, vector<16xf32>,
          %swap3A_387 = arith.index_cast %add3A_179 : i32 to index
          %swap3A_388 = arith.constant 16 : index
          %swap3A_389 = tpu.vector_load %run_scoped3A_4[%swap3A_387, %swap3A_388] {strides = array<i32>} : memref<512x128xf32, #tpu.memory_space<vmem>>, vector<16xf32>,
          tpu.vector_store %run_scoped3A_4[%swap3A_387, %swap3A_388], %broadcast_in_dim3A_117 {strides = array<i32>} : memref<512x128xf32, #tpu.memory_space<vmem>>, vector<16xf32>,
          %swap3A_390 = arith.index_cast %add3A_179 : i32 to index
          %swap3A_391 = arith.constant 32 : index
          %swap3A_392 = tpu.vector_load %run_scoped3A_4[%swap3A_390, %swap3A_391] {strides = array<i32>} : memref<512x128xf32, #tpu.memory_space<vmem>>, vector<16xf32>,
          tpu.vector_store %run_scoped3A_4[%swap3A_390, %swap3A_391], %broadcast_in_dim3A_117 {strides = array<i32>} : memref<512x128xf32, #tpu.memory_space<vmem>>, vector<16xf32>,
          %swap3A_393 = arith.index_cast %add3A_179 : i32 to index
          %swap3A_394 = arith.constant 48 : index
          %swap3A_395 = tpu.vector_load %run_scoped3A_4[%swap3A_393, %swap3A_394] {strides = array<i32>} : memref<512x128xf32, #tpu.memory_space<vmem>>, vector<16xf32>,
          tpu.vector_store %run_scoped3A_4[%swap3A_393, %swap3A_394], %broadcast_in_dim3A_117 {strides = array<i32>} : memref<512x128xf32, #tpu.memory_space<vmem>>, vector<16xf32>,
          %swap3A_396 = arith.index_cast %add3A_179 : i32 to index
          %swap3A_397 = arith.constant 64 : index
          %swap3A_398 = tpu.vector_load %run_scoped3A_4[%swap3A_396, %swap3A_397] {strides = array<i32>} : memref<512x128xf32, #tpu.memory_space<vmem>>, vector<16xf32>,
          tpu.vector_store %run_scoped3A_4[%swap3A_396, %swap3A_397], %broadcast_in_dim3A_117 {strides = array<i32>} : memref<512x128xf32, #tpu.memory_space<vmem>>, vector<16xf32>,
          %swap3A_399 = arith.index_cast %add3A_179 : i32 to index
          %swap3A_400 = arith.constant 80 : index
          %swap3A_401 = tpu.vector_load %run_scoped3A_4[%swap3A_399, %swap3A_400] {strides = array<i32>} : memref<512x128xf32, #tpu.memory_space<vmem>>, vector<16xf32>,
          tpu.vector_store %run_scoped3A_4[%swap3A_399, %swap3A_400], %broadcast_in_dim3A_117 {strides = array<i32>} : memref<512x128xf32, #tpu.memory_space<vmem>>, vector<16xf32>,
          %swap3A_402 = arith.index_cast %add3A_179 : i32 to index
          %swap3A_403 = arith.constant 96 : index
          %swap3A_404 = tpu.vector_load %run_scoped3A_4[%swap3A_402, %swap3A_403] {strides = array<i32>} : memref<512x128xf32, #tpu.memory_space<vmem>>, vector<16xf32>,
          tpu.vector_store %run_scoped3A_4[%swap3A_402, %swap3A_403], %broadcast_in_dim3A_117 {strides = array<i32>} : memref<512x128xf32, #tpu.memory_space<vmem>>, vector<16xf32>,
          %swap3A_405 = arith.index_cast %add3A_179 : i32 to index
          %swap3A_406 = arith.constant 112 : index
          %swap3A_407 = tpu.vector_load %run_scoped3A_4[%swap3A_405, %swap3A_406] {strides = array<i32>} : memref<512x128xf32, #tpu.memory_space<vmem>>, vector<16xf32>,
          tpu.vector_store %run_scoped3A_4[%swap3A_405, %swap3A_406], %broadcast_in_dim3A_117 {strides = array<i32>} : memref<512x128xf32, #tpu.memory_space<vmem>>, vector<16xf32>,
          %swap3A_408 = arith.index_cast %add3A_179 : i32 to index
          %swap3A_409 = arith.constant 0 : index
          %swap3A_410 = tpu.vector_load %run_scoped3A_5[%swap3A_408, %swap3A_409] {strides = array<i32>} : memref<512x32xf32, #tpu.memory_space<vmem>>, vector<16xf32>,
          tpu.vector_store %run_scoped3A_5[%swap3A_408, %swap3A_409], %broadcast_in_dim3A_117 {strides = array<i32>} : memref<512x32xf32, #tpu.memory_space<vmem>>, vector<16xf32>,
          %swap3A_411 = arith.index_cast %add3A_179 : i32 to index
          %swap3A_412 = arith.constant 16 : index
          %swap3A_413 = tpu.vector_load %run_scoped3A_5[%swap3A_411, %swap3A_412] {strides = array<i32>} : memref<512x32xf32, #tpu.memory_space<vmem>>, vector<16xf32>,
          tpu.vector_store %run_scoped3A_5[%swap3A_411, %swap3A_412], %broadcast_in_dim3A_117 {strides = array<i32>} : memref<512x32xf32, #tpu.memory_space<vmem>>, vector<16xf32>,
        } else {
        }
        %mul3A_192 = arith.constant 16 : i32
        %mul3A_193 = arith.muli %sub3A_126, %mul3A_192 : i32
        %add3A_194 = arith.constant 11 : i32
        %add3A_195 = arith.addi %mul3A_193, %add3A_194 : i32
        %slice3A_196 = vector.extract_strided_slice %get3A_129 {offsets = [11], sizes = [1], strides = [1]} : vector<16xi32> to vector<1xi32>
        %squeeze3A_197 = vector.extract %slice3A_196[0] : i32 from vector<1xi32>
        %ge3A_198 = arith.constant 0 : i32
        %ge3A_199 = arith.cmpi sge, %squeeze3A_197, %ge3A_198 : i32
        %convert_element_type3A_200 = arith.extui %ge3A_199 : i1 to i32
        %cond3A_201 = arith.constant 0 : i32
        %cond3A_202 = arith.cmpi ne, %convert_element_type3A_200, %cond3A_201 : i32
        scf.if %cond3A_202 {
          %get3A_384 = arith.index_cast %squeeze3A_197 : i32 to index
          %get3A_385 = arith.constant 0 : index
          %get3A_386 = tpu.vector_load %run_scoped3A_4[%get3A_384, %get3A_385] {strides = array<i32>} : memref<512x128xf32, #tpu.memory_space<vmem>>, vector<16xf32>,
          %swap3A_387 = arith.index_cast %add3A_195 : i32 to index
          %swap3A_388 = arith.constant 0 : index
          %swap3A_389 = tpu.vector_load %run_scoped3A_4[%swap3A_387, %swap3A_388] {strides = array<i32>} : memref<512x128xf32, #tpu.memory_space<vmem>>, vector<16xf32>,
          tpu.vector_store %run_scoped3A_4[%swap3A_387, %swap3A_388], %get3A_386 {strides = array<i32>} : memref<512x128xf32, #tpu.memory_space<vmem>>, vector<16xf32>,
          %get3A_390 = arith.index_cast %squeeze3A_197 : i32 to index
          %get3A_391 = arith.constant 16 : index
          %get3A_392 = tpu.vector_load %run_scoped3A_4[%get3A_390, %get3A_391] {strides = array<i32>} : memref<512x128xf32, #tpu.memory_space<vmem>>, vector<16xf32>,
          %swap3A_393 = arith.index_cast %add3A_195 : i32 to index
          %swap3A_394 = arith.constant 16 : index
          %swap3A_395 = tpu.vector_load %run_scoped3A_4[%swap3A_393, %swap3A_394] {strides = array<i32>} : memref<512x128xf32, #tpu.memory_space<vmem>>, vector<16xf32>,
          tpu.vector_store %run_scoped3A_4[%swap3A_393, %swap3A_394], %get3A_392 {strides = array<i32>} : memref<512x128xf32, #tpu.memory_space<vmem>>, vector<16xf32>,
          %get3A_396 = arith.index_cast %squeeze3A_197 : i32 to index
          %get3A_397 = arith.constant 32 : index
          %get3A_398 = tpu.vector_load %run_scoped3A_4[%get3A_396, %get3A_397] {strides = array<i32>} : memref<512x128xf32, #tpu.memory_space<vmem>>, vector<16xf32>,
          %swap3A_399 = arith.index_cast %add3A_195 : i32 to index
          %swap3A_400 = arith.constant 32 : index
          %swap3A_401 = tpu.vector_load %run_scoped3A_4[%swap3A_399, %swap3A_400] {strides = array<i32>} : memref<512x128xf32, #tpu.memory_space<vmem>>, vector<16xf32>,
          tpu.vector_store %run_scoped3A_4[%swap3A_399, %swap3A_400], %get3A_398 {strides = array<i32>} : memref<512x128xf32, #tpu.memory_space<vmem>>, vector<16xf32>,
          %get3A_402 = arith.index_cast %squeeze3A_197 : i32 to index
          %get3A_403 = arith.constant 48 : index
          %get3A_404 = tpu.vector_load %run_scoped3A_4[%get3A_402, %get3A_403] {strides = array<i32>} : memref<512x128xf32, #tpu.memory_space<vmem>>, vector<16xf32>,
          %swap3A_405 = arith.index_cast %add3A_195 : i32 to index
          %swap3A_406 = arith.constant 48 : index
          %swap3A_407 = tpu.vector_load %run_scoped3A_4[%swap3A_405, %swap3A_406] {strides = array<i32>} : memref<512x128xf32, #tpu.memory_space<vmem>>, vector<16xf32>,
          tpu.vector_store %run_scoped3A_4[%swap3A_405, %swap3A_406], %get3A_404 {strides = array<i32>} : memref<512x128xf32, #tpu.memory_space<vmem>>, vector<16xf32>,
          %get3A_408 = arith.index_cast %squeeze3A_197 : i32 to index
          %get3A_409 = arith.constant 64 : index
          %get3A_410 = tpu.vector_load %run_scoped3A_4[%get3A_408, %get3A_409] {strides = array<i32>} : memref<512x128xf32, #tpu.memory_space<vmem>>, vector<16xf32>,
          %swap3A_411 = arith.index_cast %add3A_195 : i32 to index
          %swap3A_412 = arith.constant 64 : index
          %swap3A_413 = tpu.vector_load %run_scoped3A_4[%swap3A_411, %swap3A_412] {strides = array<i32>} : memref<512x128xf32, #tpu.memory_space<vmem>>, vector<16xf32>,
          tpu.vector_store %run_scoped3A_4[%swap3A_411, %swap3A_412], %get3A_410 {strides = array<i32>} : memref<512x128xf32, #tpu.memory_space<vmem>>, vector<16xf32>,
          %get3A_414 = arith.index_cast %squeeze3A_197 : i32 to index
          %get3A_415 = arith.constant 80 : index
          %get3A_416 = tpu.vector_load %run_scoped3A_4[%get3A_414, %get3A_415] {strides = array<i32>} : memref<512x128xf32, #tpu.memory_space<vmem>>, vector<16xf32>,
          %swap3A_417 = arith.index_cast %add3A_195 : i32 to index
          %swap3A_418 = arith.constant 80 : index
          %swap3A_419 = tpu.vector_load %run_scoped3A_4[%swap3A_417, %swap3A_418] {strides = array<i32>} : memref<512x128xf32, #tpu.memory_space<vmem>>, vector<16xf32>,
          tpu.vector_store %run_scoped3A_4[%swap3A_417, %swap3A_418], %get3A_416 {strides = array<i32>} : memref<512x128xf32, #tpu.memory_space<vmem>>, vector<16xf32>,
          %get3A_420 = arith.index_cast %squeeze3A_197 : i32 to index
          %get3A_421 = arith.constant 96 : index
          %get3A_422 = tpu.vector_load %run_scoped3A_4[%get3A_420, %get3A_421] {strides = array<i32>} : memref<512x128xf32, #tpu.memory_space<vmem>>, vector<16xf32>,
          %swap3A_423 = arith.index_cast %add3A_195 : i32 to index
          %swap3A_424 = arith.constant 96 : index
          %swap3A_425 = tpu.vector_load %run_scoped3A_4[%swap3A_423, %swap3A_424] {strides = array<i32>} : memref<512x128xf32, #tpu.memory_space<vmem>>, vector<16xf32>,
          tpu.vector_store %run_scoped3A_4[%swap3A_423, %swap3A_424], %get3A_422 {strides = array<i32>} : memref<512x128xf32, #tpu.memory_space<vmem>>, vector<16xf32>,
          %get3A_426 = arith.index_cast %squeeze3A_197 : i32 to index
          %get3A_427 = arith.constant 112 : index
          %get3A_428 = tpu.vector_load %run_scoped3A_4[%get3A_426, %get3A_427] {strides = array<i32>} : memref<512x128xf32, #tpu.memory_space<vmem>>, vector<16xf32>,
          %swap3A_429 = arith.index_cast %add3A_195 : i32 to index
          %swap3A_430 = arith.constant 112 : index
          %swap3A_431 = tpu.vector_load %run_scoped3A_4[%swap3A_429, %swap3A_430] {strides = array<i32>} : memref<512x128xf32, #tpu.memory_space<vmem>>, vector<16xf32>,
          tpu.vector_store %run_scoped3A_4[%swap3A_429, %swap3A_430], %get3A_428 {strides = array<i32>} : memref<512x128xf32, #tpu.memory_space<vmem>>, vector<16xf32>,
          %get3A_432 = arith.index_cast %squeeze3A_197 : i32 to index
          %get3A_433 = arith.constant 0 : index
          %get3A_434 = tpu.vector_load %run_scoped3A_5[%get3A_432, %get3A_433] {strides = array<i32>} : memref<512x32xf32, #tpu.memory_space<vmem>>, vector<16xf32>,
          %swap3A_435 = arith.index_cast %add3A_195 : i32 to index
          %swap3A_436 = arith.constant 0 : index
          %swap3A_437 = tpu.vector_load %run_scoped3A_5[%swap3A_435, %swap3A_436] {strides = array<i32>} : memref<512x32xf32, #tpu.memory_space<vmem>>, vector<16xf32>,
          tpu.vector_store %run_scoped3A_5[%swap3A_435, %swap3A_436], %get3A_434 {strides = array<i32>} : memref<512x32xf32, #tpu.memory_space<vmem>>, vector<16xf32>,
          %get3A_438 = arith.index_cast %squeeze3A_197 : i32 to index
          %get3A_439 = arith.constant 16 : index
          %get3A_440 = tpu.vector_load %run_scoped3A_5[%get3A_438, %get3A_439] {strides = array<i32>} : memref<512x32xf32, #tpu.memory_space<vmem>>, vector<16xf32>,
          %swap3A_441 = arith.index_cast %add3A_195 : i32 to index
          %swap3A_442 = arith.constant 16 : index
          %swap3A_443 = tpu.vector_load %run_scoped3A_5[%swap3A_441, %swap3A_442] {strides = array<i32>} : memref<512x32xf32, #tpu.memory_space<vmem>>, vector<16xf32>,
          tpu.vector_store %run_scoped3A_5[%swap3A_441, %swap3A_442], %get3A_440 {strides = array<i32>} : memref<512x32xf32, #tpu.memory_space<vmem>>, vector<16xf32>,
        } else {
        }
        %lt3A_203 = arith.constant 0 : i32
        %lt3A_204 = arith.cmpi slt, %squeeze3A_197, %lt3A_203 : i32
        %convert_element_type3A_205 = arith.extui %lt3A_204 : i1 to i32
        %cond3A_206 = arith.constant 0 : i32
        %cond3A_207 = arith.cmpi ne, %convert_element_type3A_205, %cond3A_206 : i32
        scf.if %cond3A_207 {
          %swap3A_384 = arith.index_cast %add3A_195 : i32 to index
          %swap3A_385 = arith.constant 0 : index
          %swap3A_386 = tpu.vector_load %run_scoped3A_4[%swap3A_384, %swap3A_385] {strides = array<i32>} : memref<512x128xf32, #tpu.memory_space<vmem>>, vector<16xf32>,
          tpu.vector_store %run_scoped3A_4[%swap3A_384, %swap3A_385], %broadcast_in_dim3A_117 {strides = array<i32>} : memref<512x128xf32, #tpu.memory_space<vmem>>, vector<16xf32>,
          %swap3A_387 = arith.index_cast %add3A_195 : i32 to index
          %swap3A_388 = arith.constant 16 : index
          %swap3A_389 = tpu.vector_load %run_scoped3A_4[%swap3A_387, %swap3A_388] {strides = array<i32>} : memref<512x128xf32, #tpu.memory_space<vmem>>, vector<16xf32>,
          tpu.vector_store %run_scoped3A_4[%swap3A_387, %swap3A_388], %broadcast_in_dim3A_117 {strides = array<i32>} : memref<512x128xf32, #tpu.memory_space<vmem>>, vector<16xf32>,
          %swap3A_390 = arith.index_cast %add3A_195 : i32 to index
          %swap3A_391 = arith.constant 32 : index
          %swap3A_392 = tpu.vector_load %run_scoped3A_4[%swap3A_390, %swap3A_391] {strides = array<i32>} : memref<512x128xf32, #tpu.memory_space<vmem>>, vector<16xf32>,
          tpu.vector_store %run_scoped3A_4[%swap3A_390, %swap3A_391], %broadcast_in_dim3A_117 {strides = array<i32>} : memref<512x128xf32, #tpu.memory_space<vmem>>, vector<16xf32>,
          %swap3A_393 = arith.index_cast %add3A_195 : i32 to index
          %swap3A_394 = arith.constant 48 : index
          %swap3A_395 = tpu.vector_load %run_scoped3A_4[%swap3A_393, %swap3A_394] {strides = array<i32>} : memref<512x128xf32, #tpu.memory_space<vmem>>, vector<16xf32>,
          tpu.vector_store %run_scoped3A_4[%swap3A_393, %swap3A_394], %broadcast_in_dim3A_117 {strides = array<i32>} : memref<512x128xf32, #tpu.memory_space<vmem>>, vector<16xf32>,
          %swap3A_396 = arith.index_cast %add3A_195 : i32 to index
          %swap3A_397 = arith.constant 64 : index
          %swap3A_398 = tpu.vector_load %run_scoped3A_4[%swap3A_396, %swap3A_397] {strides = array<i32>} : memref<512x128xf32, #tpu.memory_space<vmem>>, vector<16xf32>,
          tpu.vector_store %run_scoped3A_4[%swap3A_396, %swap3A_397], %broadcast_in_dim3A_117 {strides = array<i32>} : memref<512x128xf32, #tpu.memory_space<vmem>>, vector<16xf32>,
          %swap3A_399 = arith.index_cast %add3A_195 : i32 to index
          %swap3A_400 = arith.constant 80 : index
          %swap3A_401 = tpu.vector_load %run_scoped3A_4[%swap3A_399, %swap3A_400] {strides = array<i32>} : memref<512x128xf32, #tpu.memory_space<vmem>>, vector<16xf32>,
          tpu.vector_store %run_scoped3A_4[%swap3A_399, %swap3A_400], %broadcast_in_dim3A_117 {strides = array<i32>} : memref<512x128xf32, #tpu.memory_space<vmem>>, vector<16xf32>,
          %swap3A_402 = arith.index_cast %add3A_195 : i32 to index
          %swap3A_403 = arith.constant 96 : index
          %swap3A_404 = tpu.vector_load %run_scoped3A_4[%swap3A_402, %swap3A_403] {strides = array<i32>} : memref<512x128xf32, #tpu.memory_space<vmem>>, vector<16xf32>,
          tpu.vector_store %run_scoped3A_4[%swap3A_402, %swap3A_403], %broadcast_in_dim3A_117 {strides = array<i32>} : memref<512x128xf32, #tpu.memory_space<vmem>>, vector<16xf32>,
          %swap3A_405 = arith.index_cast %add3A_195 : i32 to index
          %swap3A_406 = arith.constant 112 : index
          %swap3A_407 = tpu.vector_load %run_scoped3A_4[%swap3A_405, %swap3A_406] {strides = array<i32>} : memref<512x128xf32, #tpu.memory_space<vmem>>, vector<16xf32>,
          tpu.vector_store %run_scoped3A_4[%swap3A_405, %swap3A_406], %broadcast_in_dim3A_117 {strides = array<i32>} : memref<512x128xf32, #tpu.memory_space<vmem>>, vector<16xf32>,
          %swap3A_408 = arith.index_cast %add3A_195 : i32 to index
          %swap3A_409 = arith.constant 0 : index
          %swap3A_410 = tpu.vector_load %run_scoped3A_5[%swap3A_408, %swap3A_409] {strides = array<i32>} : memref<512x32xf32, #tpu.memory_space<vmem>>, vector<16xf32>,
          tpu.vector_store %run_scoped3A_5[%swap3A_408, %swap3A_409], %broadcast_in_dim3A_117 {strides = array<i32>} : memref<512x32xf32, #tpu.memory_space<vmem>>, vector<16xf32>,
          %swap3A_411 = arith.index_cast %add3A_195 : i32 to index
          %swap3A_412 = arith.constant 16 : index
          %swap3A_413 = tpu.vector_load %run_scoped3A_5[%swap3A_411, %swap3A_412] {strides = array<i32>} : memref<512x32xf32, #tpu.memory_space<vmem>>, vector<16xf32>,
          tpu.vector_store %run_scoped3A_5[%swap3A_411, %swap3A_412], %broadcast_in_dim3A_117 {strides = array<i32>} : memref<512x32xf32, #tpu.memory_space<vmem>>, vector<16xf32>,
        } else {
        }
        %mul3A_208 = arith.constant 16 : i32
        %mul3A_209 = arith.muli %sub3A_126, %mul3A_208 : i32
        %add3A_210 = arith.constant 10 : i32
        %add3A_211 = arith.addi %mul3A_209, %add3A_210 : i32
        %slice3A_212 = vector.extract_strided_slice %get3A_129 {offsets = [10], sizes = [1], strides = [1]} : vector<16xi32> to vector<1xi32>
        %squeeze3A_213 = vector.extract %slice3A_212[0] : i32 from vector<1xi32>
        %ge3A_214 = arith.constant 0 : i32
        %ge3A_215 = arith.cmpi sge, %squeeze3A_213, %ge3A_214 : i32
        %convert_element_type3A_216 = arith.extui %ge3A_215 : i1 to i32
        %cond3A_217 = arith.constant 0 : i32
        %cond3A_218 = arith.cmpi ne, %convert_element_type3A_216, %cond3A_217 : i32
        scf.if %cond3A_218 {
          %get3A_384 = arith.index_cast %squeeze3A_213 : i32 to index
          %get3A_385 = arith.constant 0 : index
          %get3A_386 = tpu.vector_load %run_scoped3A_4[%get3A_384, %get3A_385] {strides = array<i32>} : memref<512x128xf32, #tpu.memory_space<vmem>>, vector<16xf32>,
          %swap3A_387 = arith.index_cast %add3A_211 : i32 to index
          %swap3A_388 = arith.constant 0 : index
          %swap3A_389 = tpu.vector_load %run_scoped3A_4[%swap3A_387, %swap3A_388] {strides = array<i32>} : memref<512x128xf32, #tpu.memory_space<vmem>>, vector<16xf32>,
          tpu.vector_store %run_scoped3A_4[%swap3A_387, %swap3A_388], %get3A_386 {strides = array<i32>} : memref<512x128xf32, #tpu.memory_space<vmem>>, vector<16xf32>,
          %get3A_390 = arith.index_cast %squeeze3A_213 : i32 to index
          %get3A_391 = arith.constant 16 : index
          %get3A_392 = tpu.vector_load %run_scoped3A_4[%get3A_390, %get3A_391] {strides = array<i32>} : memref<512x128xf32, #tpu.memory_space<vmem>>, vector<16xf32>,
          %swap3A_393 = arith.index_cast %add3A_211 : i32 to index
          %swap3A_394 = arith.constant 16 : index
          %swap3A_395 = tpu.vector_load %run_scoped3A_4[%swap3A_393, %swap3A_394] {strides = array<i32>} : memref<512x128xf32, #tpu.memory_space<vmem>>, vector<16xf32>,
          tpu.vector_store %run_scoped3A_4[%swap3A_393, %swap3A_394], %get3A_392 {strides = array<i32>} : memref<512x128xf32, #tpu.memory_space<vmem>>, vector<16xf32>,
          %get3A_396 = arith.index_cast %squeeze3A_213 : i32 to index
          %get3A_397 = arith.constant 32 : index
          %get3A_398 = tpu.vector_load %run_scoped3A_4[%get3A_396, %get3A_397] {strides = array<i32>} : memref<512x128xf32, #tpu.memory_space<vmem>>, vector<16xf32>,
          %swap3A_399 = arith.index_cast %add3A_211 : i32 to index
          %swap3A_400 = arith.constant 32 : index
          %swap3A_401 = tpu.vector_load %run_scoped3A_4[%swap3A_399, %swap3A_400] {strides = array<i32>} : memref<512x128xf32, #tpu.memory_space<vmem>>, vector<16xf32>,
          tpu.vector_store %run_scoped3A_4[%swap3A_399, %swap3A_400], %get3A_398 {strides = array<i32>} : memref<512x128xf32, #tpu.memory_space<vmem>>, vector<16xf32>,
          %get3A_402 = arith.index_cast %squeeze3A_213 : i32 to index
          %get3A_403 = arith.constant 48 : index
          %get3A_404 = tpu.vector_load %run_scoped3A_4[%get3A_402, %get3A_403] {strides = array<i32>} : memref<512x128xf32, #tpu.memory_space<vmem>>, vector<16xf32>,
          %swap3A_405 = arith.index_cast %add3A_211 : i32 to index
          %swap3A_406 = arith.constant 48 : index
          %swap3A_407 = tpu.vector_load %run_scoped3A_4[%swap3A_405, %swap3A_406] {strides = array<i32>} : memref<512x128xf32, #tpu.memory_space<vmem>>, vector<16xf32>,
          tpu.vector_store %run_scoped3A_4[%swap3A_405, %swap3A_406], %get3A_404 {strides = array<i32>} : memref<512x128xf32, #tpu.memory_space<vmem>>, vector<16xf32>,
          %get3A_408 = arith.index_cast %squeeze3A_213 : i32 to index
          %get3A_409 = arith.constant 64 : index
          %get3A_410 = tpu.vector_load %run_scoped3A_4[%get3A_408, %get3A_409] {strides = array<i32>} : memref<512x128xf32, #tpu.memory_space<vmem>>, vector<16xf32>,
          %swap3A_411 = arith.index_cast %add3A_211 : i32 to index
          %swap3A_412 = arith.constant 64 : index
          %swap3A_413 = tpu.vector_load %run_scoped3A_4[%swap3A_411, %swap3A_412] {strides = array<i32>} : memref<512x128xf32, #tpu.memory_space<vmem>>, vector<16xf32>,
          tpu.vector_store %run_scoped3A_4[%swap3A_411, %swap3A_412], %get3A_410 {strides = array<i32>} : memref<512x128xf32, #tpu.memory_space<vmem>>, vector<16xf32>,
          %get3A_414 = arith.index_cast %squeeze3A_213 : i32 to index
          %get3A_415 = arith.constant 80 : index
          %get3A_416 = tpu.vector_load %run_scoped3A_4[%get3A_414, %get3A_415] {strides = array<i32>} : memref<512x128xf32, #tpu.memory_space<vmem>>, vector<16xf32>,
          %swap3A_417 = arith.index_cast %add3A_211 : i32 to index
          %swap3A_418 = arith.constant 80 : index
          %swap3A_419 = tpu.vector_load %run_scoped3A_4[%swap3A_417, %swap3A_418] {strides = array<i32>} : memref<512x128xf32, #tpu.memory_space<vmem>>, vector<16xf32>,
          tpu.vector_store %run_scoped3A_4[%swap3A_417, %swap3A_418], %get3A_416 {strides = array<i32>} : memref<512x128xf32, #tpu.memory_space<vmem>>, vector<16xf32>,
          %get3A_420 = arith.index_cast %squeeze3A_213 : i32 to index
          %get3A_421 = arith.constant 96 : index
          %get3A_422 = tpu.vector_load %run_scoped3A_4[%get3A_420, %get3A_421] {strides = array<i32>} : memref<512x128xf32, #tpu.memory_space<vmem>>, vector<16xf32>,
          %swap3A_423 = arith.index_cast %add3A_211 : i32 to index
          %swap3A_424 = arith.constant 96 : index
          %swap3A_425 = tpu.vector_load %run_scoped3A_4[%swap3A_423, %swap3A_424] {strides = array<i32>} : memref<512x128xf32, #tpu.memory_space<vmem>>, vector<16xf32>,
          tpu.vector_store %run_scoped3A_4[%swap3A_423, %swap3A_424], %get3A_422 {strides = array<i32>} : memref<512x128xf32, #tpu.memory_space<vmem>>, vector<16xf32>,
          %get3A_426 = arith.index_cast %squeeze3A_213 : i32 to index
          %get3A_427 = arith.constant 112 : index
          %get3A_428 = tpu.vector_load %run_scoped3A_4[%get3A_426, %get3A_427] {strides = array<i32>} : memref<512x128xf32, #tpu.memory_space<vmem>>, vector<16xf32>,
          %swap3A_429 = arith.index_cast %add3A_211 : i32 to index
          %swap3A_430 = arith.constant 112 : index
          %swap3A_431 = tpu.vector_load %run_scoped3A_4[%swap3A_429, %swap3A_430] {strides = array<i32>} : memref<512x128xf32, #tpu.memory_space<vmem>>, vector<16xf32>,
          tpu.vector_store %run_scoped3A_4[%swap3A_429, %swap3A_430], %get3A_428 {strides = array<i32>} : memref<512x128xf32, #tpu.memory_space<vmem>>, vector<16xf32>,
          %get3A_432 = arith.index_cast %squeeze3A_213 : i32 to index
          %get3A_433 = arith.constant 0 : index
          %get3A_434 = tpu.vector_load %run_scoped3A_5[%get3A_432, %get3A_433] {strides = array<i32>} : memref<512x32xf32, #tpu.memory_space<vmem>>, vector<16xf32>,
          %swap3A_435 = arith.index_cast %add3A_211 : i32 to index
          %swap3A_436 = arith.constant 0 : index
          %swap3A_437 = tpu.vector_load %run_scoped3A_5[%swap3A_435, %swap3A_436] {strides = array<i32>} : memref<512x32xf32, #tpu.memory_space<vmem>>, vector<16xf32>,
          tpu.vector_store %run_scoped3A_5[%swap3A_435, %swap3A_436], %get3A_434 {strides = array<i32>} : memref<512x32xf32, #tpu.memory_space<vmem>>, vector<16xf32>,
          %get3A_438 = arith.index_cast %squeeze3A_213 : i32 to index
          %get3A_439 = arith.constant 16 : index
          %get3A_440 = tpu.vector_load %run_scoped3A_5[%get3A_438, %get3A_439] {strides = array<i32>} : memref<512x32xf32, #tpu.memory_space<vmem>>, vector<16xf32>,
          %swap3A_441 = arith.index_cast %add3A_211 : i32 to index
          %swap3A_442 = arith.constant 16 : index
          %swap3A_443 = tpu.vector_load %run_scoped3A_5[%swap3A_441, %swap3A_442] {strides = array<i32>} : memref<512x32xf32, #tpu.memory_space<vmem>>, vector<16xf32>,
          tpu.vector_store %run_scoped3A_5[%swap3A_441, %swap3A_442], %get3A_440 {strides = array<i32>} : memref<512x32xf32, #tpu.memory_space<vmem>>, vector<16xf32>,
        } else {
        }
        %lt3A_219 = arith.constant 0 : i32
        %lt3A_220 = arith.cmpi slt, %squeeze3A_213, %lt3A_219 : i32
        %convert_element_type3A_221 = arith.extui %lt3A_220 : i1 to i32
        %cond3A_222 = arith.constant 0 : i32
        %cond3A_223 = arith.cmpi ne, %convert_element_type3A_221, %cond3A_222 : i32
        scf.if %cond3A_223 {
          %swap3A_384 = arith.index_cast %add3A_211 : i32 to index
          %swap3A_385 = arith.constant 0 : index
          %swap3A_386 = tpu.vector_load %run_scoped3A_4[%swap3A_384, %swap3A_385] {strides = array<i32>} : memref<512x128xf32, #tpu.memory_space<vmem>>, vector<16xf32>,
          tpu.vector_store %run_scoped3A_4[%swap3A_384, %swap3A_385], %broadcast_in_dim3A_117 {strides = array<i32>} : memref<512x128xf32, #tpu.memory_space<vmem>>, vector<16xf32>,
          %swap3A_387 = arith.index_cast %add3A_211 : i32 to index
          %swap3A_388 = arith.constant 16 : index
          %swap3A_389 = tpu.vector_load %run_scoped3A_4[%swap3A_387, %swap3A_388] {strides = array<i32>} : memref<512x128xf32, #tpu.memory_space<vmem>>, vector<16xf32>,
          tpu.vector_store %run_scoped3A_4[%swap3A_387, %swap3A_388], %broadcast_in_dim3A_117 {strides = array<i32>} : memref<512x128xf32, #tpu.memory_space<vmem>>, vector<16xf32>,
          %swap3A_390 = arith.index_cast %add3A_211 : i32 to index
          %swap3A_391 = arith.constant 32 : index
          %swap3A_392 = tpu.vector_load %run_scoped3A_4[%swap3A_390, %swap3A_391] {strides = array<i32>} : memref<512x128xf32, #tpu.memory_space<vmem>>, vector<16xf32>,
          tpu.vector_store %run_scoped3A_4[%swap3A_390, %swap3A_391], %broadcast_in_dim3A_117 {strides = array<i32>} : memref<512x128xf32, #tpu.memory_space<vmem>>, vector<16xf32>,
          %swap3A_393 = arith.index_cast %add3A_211 : i32 to index
          %swap3A_394 = arith.constant 48 : index
          %swap3A_395 = tpu.vector_load %run_scoped3A_4[%swap3A_393, %swap3A_394] {strides = array<i32>} : memref<512x128xf32, #tpu.memory_space<vmem>>, vector<16xf32>,
          tpu.vector_store %run_scoped3A_4[%swap3A_393, %swap3A_394], %broadcast_in_dim3A_117 {strides = array<i32>} : memref<512x128xf32, #tpu.memory_space<vmem>>, vector<16xf32>,
          %swap3A_396 = arith.index_cast %add3A_211 : i32 to index
          %swap3A_397 = arith.constant 64 : index
          %swap3A_398 = tpu.vector_load %run_scoped3A_4[%swap3A_396, %swap3A_397] {strides = array<i32>} : memref<512x128xf32, #tpu.memory_space<vmem>>, vector<16xf32>,
          tpu.vector_store %run_scoped3A_4[%swap3A_396, %swap3A_397], %broadcast_in_dim3A_117 {strides = array<i32>} : memref<512x128xf32, #tpu.memory_space<vmem>>, vector<16xf32>,
          %swap3A_399 = arith.index_cast %add3A_211 : i32 to index
          %swap3A_400 = arith.constant 80 : index
          %swap3A_401 = tpu.vector_load %run_scoped3A_4[%swap3A_399, %swap3A_400] {strides = array<i32>} : memref<512x128xf32, #tpu.memory_space<vmem>>, vector<16xf32>,
          tpu.vector_store %run_scoped3A_4[%swap3A_399, %swap3A_400], %broadcast_in_dim3A_117 {strides = array<i32>} : memref<512x128xf32, #tpu.memory_space<vmem>>, vector<16xf32>,
          %swap3A_402 = arith.index_cast %add3A_211 : i32 to index
          %swap3A_403 = arith.constant 96 : index
          %swap3A_404 = tpu.vector_load %run_scoped3A_4[%swap3A_402, %swap3A_403] {strides = array<i32>} : memref<512x128xf32, #tpu.memory_space<vmem>>, vector<16xf32>,
          tpu.vector_store %run_scoped3A_4[%swap3A_402, %swap3A_403], %broadcast_in_dim3A_117 {strides = array<i32>} : memref<512x128xf32, #tpu.memory_space<vmem>>, vector<16xf32>,
          %swap3A_405 = arith.index_cast %add3A_211 : i32 to index
          %swap3A_406 = arith.constant 112 : index
          %swap3A_407 = tpu.vector_load %run_scoped3A_4[%swap3A_405, %swap3A_406] {strides = array<i32>} : memref<512x128xf32, #tpu.memory_space<vmem>>, vector<16xf32>,
          tpu.vector_store %run_scoped3A_4[%swap3A_405, %swap3A_406], %broadcast_in_dim3A_117 {strides = array<i32>} : memref<512x128xf32, #tpu.memory_space<vmem>>, vector<16xf32>,
          %swap3A_408 = arith.index_cast %add3A_211 : i32 to index
          %swap3A_409 = arith.constant 0 : index
          %swap3A_410 = tpu.vector_load %run_scoped3A_5[%swap3A_408, %swap3A_409] {strides = array<i32>} : memref<512x32xf32, #tpu.memory_space<vmem>>, vector<16xf32>,
          tpu.vector_store %run_scoped3A_5[%swap3A_408, %swap3A_409], %broadcast_in_dim3A_117 {strides = array<i32>} : memref<512x32xf32, #tpu.memory_space<vmem>>, vector<16xf32>,
          %swap3A_411 = arith.index_cast %add3A_211 : i32 to index
          %swap3A_412 = arith.constant 16 : index
          %swap3A_413 = tpu.vector_load %run_scoped3A_5[%swap3A_411, %swap3A_412] {strides = array<i32>} : memref<512x32xf32, #tpu.memory_space<vmem>>, vector<16xf32>,
          tpu.vector_store %run_scoped3A_5[%swap3A_411, %swap3A_412], %broadcast_in_dim3A_117 {strides = array<i32>} : memref<512x32xf32, #tpu.memory_space<vmem>>, vector<16xf32>,
        } else {
        }
        %mul3A_224 = arith.constant 16 : i32
        %mul3A_225 = arith.muli %sub3A_126, %mul3A_224 : i32
        %add3A_226 = arith.constant 9 : i32
        %add3A_227 = arith.addi %mul3A_225, %add3A_226 : i32
        %slice3A_228 = vector.extract_strided_slice %get3A_129 {offsets = [9], sizes = [1], strides = [1]} : vector<16xi32> to vector<1xi32>
        %squeeze3A_229 = vector.extract %slice3A_228[0] : i32 from vector<1xi32>
        %ge3A_230 = arith.constant 0 : i32
        %ge3A_231 = arith.cmpi sge, %squeeze3A_229, %ge3A_230 : i32
        %convert_element_type3A_232 = arith.extui %ge3A_231 : i1 to i32
        %cond3A_233 = arith.constant 0 : i32
        %cond3A_234 = arith.cmpi ne, %convert_element_type3A_232, %cond3A_233 : i32
        scf.if %cond3A_234 {
          %get3A_384 = arith.index_cast %squeeze3A_229 : i32 to index
          %get3A_385 = arith.constant 0 : index
          %get3A_386 = tpu.vector_load %run_scoped3A_4[%get3A_384, %get3A_385] {strides = array<i32>} : memref<512x128xf32, #tpu.memory_space<vmem>>, vector<16xf32>,
          %swap3A_387 = arith.index_cast %add3A_227 : i32 to index
          %swap3A_388 = arith.constant 0 : index
          %swap3A_389 = tpu.vector_load %run_scoped3A_4[%swap3A_387, %swap3A_388] {strides = array<i32>} : memref<512x128xf32, #tpu.memory_space<vmem>>, vector<16xf32>,
          tpu.vector_store %run_scoped3A_4[%swap3A_387, %swap3A_388], %get3A_386 {strides = array<i32>} : memref<512x128xf32, #tpu.memory_space<vmem>>, vector<16xf32>,
          %get3A_390 = arith.index_cast %squeeze3A_229 : i32 to index
          %get3A_391 = arith.constant 16 : index
          %get3A_392 = tpu.vector_load %run_scoped3A_4[%get3A_390, %get3A_391] {strides = array<i32>} : memref<512x128xf32, #tpu.memory_space<vmem>>, vector<16xf32>,
          %swap3A_393 = arith.index_cast %add3A_227 : i32 to index
          %swap3A_394 = arith.constant 16 : index
          %swap3A_395 = tpu.vector_load %run_scoped3A_4[%swap3A_393, %swap3A_394] {strides = array<i32>} : memref<512x128xf32, #tpu.memory_space<vmem>>, vector<16xf32>,
          tpu.vector_store %run_scoped3A_4[%swap3A_393, %swap3A_394], %get3A_392 {strides = array<i32>} : memref<512x128xf32, #tpu.memory_space<vmem>>, vector<16xf32>,
          %get3A_396 = arith.index_cast %squeeze3A_229 : i32 to index
          %get3A_397 = arith.constant 32 : index
          %get3A_398 = tpu.vector_load %run_scoped3A_4[%get3A_396, %get3A_397] {strides = array<i32>} : memref<512x128xf32, #tpu.memory_space<vmem>>, vector<16xf32>,
          %swap3A_399 = arith.index_cast %add3A_227 : i32 to index
          %swap3A_400 = arith.constant 32 : index
          %swap3A_401 = tpu.vector_load %run_scoped3A_4[%swap3A_399, %swap3A_400] {strides = array<i32>} : memref<512x128xf32, #tpu.memory_space<vmem>>, vector<16xf32>,
          tpu.vector_store %run_scoped3A_4[%swap3A_399, %swap3A_400], %get3A_398 {strides = array<i32>} : memref<512x128xf32, #tpu.memory_space<vmem>>, vector<16xf32>,
          %get3A_402 = arith.index_cast %squeeze3A_229 : i32 to index
          %get3A_403 = arith.constant 48 : index
          %get3A_404 = tpu.vector_load %run_scoped3A_4[%get3A_402, %get3A_403] {strides = array<i32>} : memref<512x128xf32, #tpu.memory_space<vmem>>, vector<16xf32>,
          %swap3A_405 = arith.index_cast %add3A_227 : i32 to index
          %swap3A_406 = arith.constant 48 : index
          %swap3A_407 = tpu.vector_load %run_scoped3A_4[%swap3A_405, %swap3A_406] {strides = array<i32>} : memref<512x128xf32, #tpu.memory_space<vmem>>, vector<16xf32>,
          tpu.vector_store %run_scoped3A_4[%swap3A_405, %swap3A_406], %get3A_404 {strides = array<i32>} : memref<512x128xf32, #tpu.memory_space<vmem>>, vector<16xf32>,
          %get3A_408 = arith.index_cast %squeeze3A_229 : i32 to index
          %get3A_409 = arith.constant 64 : index
          %get3A_410 = tpu.vector_load %run_scoped3A_4[%get3A_408, %get3A_409] {strides = array<i32>} : memref<512x128xf32, #tpu.memory_space<vmem>>, vector<16xf32>,
          %swap3A_411 = arith.index_cast %add3A_227 : i32 to index
          %swap3A_412 = arith.constant 64 : index
          %swap3A_413 = tpu.vector_load %run_scoped3A_4[%swap3A_411, %swap3A_412] {strides = array<i32>} : memref<512x128xf32, #tpu.memory_space<vmem>>, vector<16xf32>,
          tpu.vector_store %run_scoped3A_4[%swap3A_411, %swap3A_412], %get3A_410 {strides = array<i32>} : memref<512x128xf32, #tpu.memory_space<vmem>>, vector<16xf32>,
          %get3A_414 = arith.index_cast %squeeze3A_229 : i32 to index
          %get3A_415 = arith.constant 80 : index
          %get3A_416 = tpu.vector_load %run_scoped3A_4[%get3A_414, %get3A_415] {strides = array<i32>} : memref<512x128xf32, #tpu.memory_space<vmem>>, vector<16xf32>,
          %swap3A_417 = arith.index_cast %add3A_227 : i32 to index
          %swap3A_418 = arith.constant 80 : index
          %swap3A_419 = tpu.vector_load %run_scoped3A_4[%swap3A_417, %swap3A_418] {strides = array<i32>} : memref<512x128xf32, #tpu.memory_space<vmem>>, vector<16xf32>,
          tpu.vector_store %run_scoped3A_4[%swap3A_417, %swap3A_418], %get3A_416 {strides = array<i32>} : memref<512x128xf32, #tpu.memory_space<vmem>>, vector<16xf32>,
          %get3A_420 = arith.index_cast %squeeze3A_229 : i32 to index
          %get3A_421 = arith.constant 96 : index
          %get3A_422 = tpu.vector_load %run_scoped3A_4[%get3A_420, %get3A_421] {strides = array<i32>} : memref<512x128xf32, #tpu.memory_space<vmem>>, vector<16xf32>,
          %swap3A_423 = arith.index_cast %add3A_227 : i32 to index
          %swap3A_424 = arith.constant 96 : index
          %swap3A_425 = tpu.vector_load %run_scoped3A_4[%swap3A_423, %swap3A_424] {strides = array<i32>} : memref<512x128xf32, #tpu.memory_space<vmem>>, vector<16xf32>,
          tpu.vector_store %run_scoped3A_4[%swap3A_423, %swap3A_424], %get3A_422 {strides = array<i32>} : memref<512x128xf32, #tpu.memory_space<vmem>>, vector<16xf32>,
          %get3A_426 = arith.index_cast %squeeze3A_229 : i32 to index
          %get3A_427 = arith.constant 112 : index
          %get3A_428 = tpu.vector_load %run_scoped3A_4[%get3A_426, %get3A_427] {strides = array<i32>} : memref<512x128xf32, #tpu.memory_space<vmem>>, vector<16xf32>,
          %swap3A_429 = arith.index_cast %add3A_227 : i32 to index
          %swap3A_430 = arith.constant 112 : index
          %swap3A_431 = tpu.vector_load %run_scoped3A_4[%swap3A_429, %swap3A_430] {strides = array<i32>} : memref<512x128xf32, #tpu.memory_space<vmem>>, vector<16xf32>,
          tpu.vector_store %run_scoped3A_4[%swap3A_429, %swap3A_430], %get3A_428 {strides = array<i32>} : memref<512x128xf32, #tpu.memory_space<vmem>>, vector<16xf32>,
          %get3A_432 = arith.index_cast %squeeze3A_229 : i32 to index
          %get3A_433 = arith.constant 0 : index
          %get3A_434 = tpu.vector_load %run_scoped3A_5[%get3A_432, %get3A_433] {strides = array<i32>} : memref<512x32xf32, #tpu.memory_space<vmem>>, vector<16xf32>,
          %swap3A_435 = arith.index_cast %add3A_227 : i32 to index
          %swap3A_436 = arith.constant 0 : index
          %swap3A_437 = tpu.vector_load %run_scoped3A_5[%swap3A_435, %swap3A_436] {strides = array<i32>} : memref<512x32xf32, #tpu.memory_space<vmem>>, vector<16xf32>,
          tpu.vector_store %run_scoped3A_5[%swap3A_435, %swap3A_436], %get3A_434 {strides = array<i32>} : memref<512x32xf32, #tpu.memory_space<vmem>>, vector<16xf32>,
          %get3A_438 = arith.index_cast %squeeze3A_229 : i32 to index
          %get3A_439 = arith.constant 16 : index
          %get3A_440 = tpu.vector_load %run_scoped3A_5[%get3A_438, %get3A_439] {strides = array<i32>} : memref<512x32xf32, #tpu.memory_space<vmem>>, vector<16xf32>,
          %swap3A_441 = arith.index_cast %add3A_227 : i32 to index
          %swap3A_442 = arith.constant 16 : index
          %swap3A_443 = tpu.vector_load %run_scoped3A_5[%swap3A_441, %swap3A_442] {strides = array<i32>} : memref<512x32xf32, #tpu.memory_space<vmem>>, vector<16xf32>,
          tpu.vector_store %run_scoped3A_5[%swap3A_441, %swap3A_442], %get3A_440 {strides = array<i32>} : memref<512x32xf32, #tpu.memory_space<vmem>>, vector<16xf32>,
        } else {
        }
        %lt3A_235 = arith.constant 0 : i32
        %lt3A_236 = arith.cmpi slt, %squeeze3A_229, %lt3A_235 : i32
        %convert_element_type3A_237 = arith.extui %lt3A_236 : i1 to i32
        %cond3A_238 = arith.constant 0 : i32
        %cond3A_239 = arith.cmpi ne, %convert_element_type3A_237, %cond3A_238 : i32
        scf.if %cond3A_239 {
          %swap3A_384 = arith.index_cast %add3A_227 : i32 to index
          %swap3A_385 = arith.constant 0 : index
          %swap3A_386 = tpu.vector_load %run_scoped3A_4[%swap3A_384, %swap3A_385] {strides = array<i32>} : memref<512x128xf32, #tpu.memory_space<vmem>>, vector<16xf32>,
          tpu.vector_store %run_scoped3A_4[%swap3A_384, %swap3A_385], %broadcast_in_dim3A_117 {strides = array<i32>} : memref<512x128xf32, #tpu.memory_space<vmem>>, vector<16xf32>,
          %swap3A_387 = arith.index_cast %add3A_227 : i32 to index
          %swap3A_388 = arith.constant 16 : index
          %swap3A_389 = tpu.vector_load %run_scoped3A_4[%swap3A_387, %swap3A_388] {strides = array<i32>} : memref<512x128xf32, #tpu.memory_space<vmem>>, vector<16xf32>,
          tpu.vector_store %run_scoped3A_4[%swap3A_387, %swap3A_388], %broadcast_in_dim3A_117 {strides = array<i32>} : memref<512x128xf32, #tpu.memory_space<vmem>>, vector<16xf32>,
          %swap3A_390 = arith.index_cast %add3A_227 : i32 to index
          %swap3A_391 = arith.constant 32 : index
          %swap3A_392 = tpu.vector_load %run_scoped3A_4[%swap3A_390, %swap3A_391] {strides = array<i32>} : memref<512x128xf32, #tpu.memory_space<vmem>>, vector<16xf32>,
          tpu.vector_store %run_scoped3A_4[%swap3A_390, %swap3A_391], %broadcast_in_dim3A_117 {strides = array<i32>} : memref<512x128xf32, #tpu.memory_space<vmem>>, vector<16xf32>,
          %swap3A_393 = arith.index_cast %add3A_227 : i32 to index
          %swap3A_394 = arith.constant 48 : index
          %swap3A_395 = tpu.vector_load %run_scoped3A_4[%swap3A_393, %swap3A_394] {strides = array<i32>} : memref<512x128xf32, #tpu.memory_space<vmem>>, vector<16xf32>,
          tpu.vector_store %run_scoped3A_4[%swap3A_393, %swap3A_394], %broadcast_in_dim3A_117 {strides = array<i32>} : memref<512x128xf32, #tpu.memory_space<vmem>>, vector<16xf32>,
          %swap3A_396 = arith.index_cast %add3A_227 : i32 to index
          %swap3A_397 = arith.constant 64 : index
          %swap3A_398 = tpu.vector_load %run_scoped3A_4[%swap3A_396, %swap3A_397] {strides = array<i32>} : memref<512x128xf32, #tpu.memory_space<vmem>>, vector<16xf32>,
          tpu.vector_store %run_scoped3A_4[%swap3A_396, %swap3A_397], %broadcast_in_dim3A_117 {strides = array<i32>} : memref<512x128xf32, #tpu.memory_space<vmem>>, vector<16xf32>,
          %swap3A_399 = arith.index_cast %add3A_227 : i32 to index
          %swap3A_400 = arith.constant 80 : index
          %swap3A_401 = tpu.vector_load %run_scoped3A_4[%swap3A_399, %swap3A_400] {strides = array<i32>} : memref<512x128xf32, #tpu.memory_space<vmem>>, vector<16xf32>,
          tpu.vector_store %run_scoped3A_4[%swap3A_399, %swap3A_400], %broadcast_in_dim3A_117 {strides = array<i32>} : memref<512x128xf32, #tpu.memory_space<vmem>>, vector<16xf32>,
          %swap3A_402 = arith.index_cast %add3A_227 : i32 to index
          %swap3A_403 = arith.constant 96 : index
          %swap3A_404 = tpu.vector_load %run_scoped3A_4[%swap3A_402, %swap3A_403] {strides = array<i32>} : memref<512x128xf32, #tpu.memory_space<vmem>>, vector<16xf32>,
          tpu.vector_store %run_scoped3A_4[%swap3A_402, %swap3A_403], %broadcast_in_dim3A_117 {strides = array<i32>} : memref<512x128xf32, #tpu.memory_space<vmem>>, vector<16xf32>,
          %swap3A_405 = arith.index_cast %add3A_227 : i32 to index
          %swap3A_406 = arith.constant 112 : index
          %swap3A_407 = tpu.vector_load %run_scoped3A_4[%swap3A_405, %swap3A_406] {strides = array<i32>} : memref<512x128xf32, #tpu.memory_space<vmem>>, vector<16xf32>,
          tpu.vector_store %run_scoped3A_4[%swap3A_405, %swap3A_406], %broadcast_in_dim3A_117 {strides = array<i32>} : memref<512x128xf32, #tpu.memory_space<vmem>>, vector<16xf32>,
          %swap3A_408 = arith.index_cast %add3A_227 : i32 to index
          %swap3A_409 = arith.constant 0 : index
          %swap3A_410 = tpu.vector_load %run_scoped3A_5[%swap3A_408, %swap3A_409] {strides = array<i32>} : memref<512x32xf32, #tpu.memory_space<vmem>>, vector<16xf32>,
          tpu.vector_store %run_scoped3A_5[%swap3A_408, %swap3A_409], %broadcast_in_dim3A_117 {strides = array<i32>} : memref<512x32xf32, #tpu.memory_space<vmem>>, vector<16xf32>,
          %swap3A_411 = arith.index_cast %add3A_227 : i32 to index
          %swap3A_412 = arith.constant 16 : index
          %swap3A_413 = tpu.vector_load %run_scoped3A_5[%swap3A_411, %swap3A_412] {strides = array<i32>} : memref<512x32xf32, #tpu.memory_space<vmem>>, vector<16xf32>,
          tpu.vector_store %run_scoped3A_5[%swap3A_411, %swap3A_412], %broadcast_in_dim3A_117 {strides = array<i32>} : memref<512x32xf32, #tpu.memory_space<vmem>>, vector<16xf32>,
        } else {
        }
        %mul3A_240 = arith.constant 16 : i32
        %mul3A_241 = arith.muli %sub3A_126, %mul3A_240 : i32
        %add3A_242 = arith.constant 8 : i32
        %add3A_243 = arith.addi %mul3A_241, %add3A_242 : i32
        %slice3A_244 = vector.extract_strided_slice %get3A_129 {offsets = [8], sizes = [1], strides = [1]} : vector<16xi32> to vector<1xi32>
        %squeeze3A_245 = vector.extract %slice3A_244[0] : i32 from vector<1xi32>
        %ge3A_246 = arith.constant 0 : i32
        %ge3A_247 = arith.cmpi sge, %squeeze3A_245, %ge3A_246 : i32
        %convert_element_type3A_248 = arith.extui %ge3A_247 : i1 to i32
        %cond3A_249 = arith.constant 0 : i32
        %cond3A_250 = arith.cmpi ne, %convert_element_type3A_248, %cond3A_249 : i32
        scf.if %cond3A_250 {
          %get3A_384 = arith.index_cast %squeeze3A_245 : i32 to index
          %get3A_385 = arith.constant 0 : index
          %get3A_386 = tpu.vector_load %run_scoped3A_4[%get3A_384, %get3A_385] {strides = array<i32>} : memref<512x128xf32, #tpu.memory_space<vmem>>, vector<16xf32>,
          %swap3A_387 = arith.index_cast %add3A_243 : i32 to index
          %swap3A_388 = arith.constant 0 : index
          %swap3A_389 = tpu.vector_load %run_scoped3A_4[%swap3A_387, %swap3A_388] {strides = array<i32>} : memref<512x128xf32, #tpu.memory_space<vmem>>, vector<16xf32>,
          tpu.vector_store %run_scoped3A_4[%swap3A_387, %swap3A_388], %get3A_386 {strides = array<i32>} : memref<512x128xf32, #tpu.memory_space<vmem>>, vector<16xf32>,
          %get3A_390 = arith.index_cast %squeeze3A_245 : i32 to index
          %get3A_391 = arith.constant 16 : index
          %get3A_392 = tpu.vector_load %run_scoped3A_4[%get3A_390, %get3A_391] {strides = array<i32>} : memref<512x128xf32, #tpu.memory_space<vmem>>, vector<16xf32>,
          %swap3A_393 = arith.index_cast %add3A_243 : i32 to index
          %swap3A_394 = arith.constant 16 : index
          %swap3A_395 = tpu.vector_load %run_scoped3A_4[%swap3A_393, %swap3A_394] {strides = array<i32>} : memref<512x128xf32, #tpu.memory_space<vmem>>, vector<16xf32>,
          tpu.vector_store %run_scoped3A_4[%swap3A_393, %swap3A_394], %get3A_392 {strides = array<i32>} : memref<512x128xf32, #tpu.memory_space<vmem>>, vector<16xf32>,
          %get3A_396 = arith.index_cast %squeeze3A_245 : i32 to index
          %get3A_397 = arith.constant 32 : index
          %get3A_398 = tpu.vector_load %run_scoped3A_4[%get3A_396, %get3A_397] {strides = array<i32>} : memref<512x128xf32, #tpu.memory_space<vmem>>, vector<16xf32>,
          %swap3A_399 = arith.index_cast %add3A_243 : i32 to index
          %swap3A_400 = arith.constant 32 : index
          %swap3A_401 = tpu.vector_load %run_scoped3A_4[%swap3A_399, %swap3A_400] {strides = array<i32>} : memref<512x128xf32, #tpu.memory_space<vmem>>, vector<16xf32>,
          tpu.vector_store %run_scoped3A_4[%swap3A_399, %swap3A_400], %get3A_398 {strides = array<i32>} : memref<512x128xf32, #tpu.memory_space<vmem>>, vector<16xf32>,
          %get3A_402 = arith.index_cast %squeeze3A_245 : i32 to index
          %get3A_403 = arith.constant 48 : index
          %get3A_404 = tpu.vector_load %run_scoped3A_4[%get3A_402, %get3A_403] {strides = array<i32>} : memref<512x128xf32, #tpu.memory_space<vmem>>, vector<16xf32>,
          %swap3A_405 = arith.index_cast %add3A_243 : i32 to index
          %swap3A_406 = arith.constant 48 : index
          %swap3A_407 = tpu.vector_load %run_scoped3A_4[%swap3A_405, %swap3A_406] {strides = array<i32>} : memref<512x128xf32, #tpu.memory_space<vmem>>, vector<16xf32>,
          tpu.vector_store %run_scoped3A_4[%swap3A_405, %swap3A_406], %get3A_404 {strides = array<i32>} : memref<512x128xf32, #tpu.memory_space<vmem>>, vector<16xf32>,
          %get3A_408 = arith.index_cast %squeeze3A_245 : i32 to index
          %get3A_409 = arith.constant 64 : index
          %get3A_410 = tpu.vector_load %run_scoped3A_4[%get3A_408, %get3A_409] {strides = array<i32>} : memref<512x128xf32, #tpu.memory_space<vmem>>, vector<16xf32>,
          %swap3A_411 = arith.index_cast %add3A_243 : i32 to index
          %swap3A_412 = arith.constant 64 : index
          %swap3A_413 = tpu.vector_load %run_scoped3A_4[%swap3A_411, %swap3A_412] {strides = array<i32>} : memref<512x128xf32, #tpu.memory_space<vmem>>, vector<16xf32>,
          tpu.vector_store %run_scoped3A_4[%swap3A_411, %swap3A_412], %get3A_410 {strides = array<i32>} : memref<512x128xf32, #tpu.memory_space<vmem>>, vector<16xf32>,
          %get3A_414 = arith.index_cast %squeeze3A_245 : i32 to index
          %get3A_415 = arith.constant 80 : index
          %get3A_416 = tpu.vector_load %run_scoped3A_4[%get3A_414, %get3A_415] {strides = array<i32>} : memref<512x128xf32, #tpu.memory_space<vmem>>, vector<16xf32>,
          %swap3A_417 = arith.index_cast %add3A_243 : i32 to index
          %swap3A_418 = arith.constant 80 : index
          %swap3A_419 = tpu.vector_load %run_scoped3A_4[%swap3A_417, %swap3A_418] {strides = array<i32>} : memref<512x128xf32, #tpu.memory_space<vmem>>, vector<16xf32>,
          tpu.vector_store %run_scoped3A_4[%swap3A_417, %swap3A_418], %get3A_416 {strides = array<i32>} : memref<512x128xf32, #tpu.memory_space<vmem>>, vector<16xf32>,
          %get3A_420 = arith.index_cast %squeeze3A_245 : i32 to index
          %get3A_421 = arith.constant 96 : index
          %get3A_422 = tpu.vector_load %run_scoped3A_4[%get3A_420, %get3A_421] {strides = array<i32>} : memref<512x128xf32, #tpu.memory_space<vmem>>, vector<16xf32>,
          %swap3A_423 = arith.index_cast %add3A_243 : i32 to index
          %swap3A_424 = arith.constant 96 : index
          %swap3A_425 = tpu.vector_load %run_scoped3A_4[%swap3A_423, %swap3A_424] {strides = array<i32>} : memref<512x128xf32, #tpu.memory_space<vmem>>, vector<16xf32>,
          tpu.vector_store %run_scoped3A_4[%swap3A_423, %swap3A_424], %get3A_422 {strides = array<i32>} : memref<512x128xf32, #tpu.memory_space<vmem>>, vector<16xf32>,
          %get3A_426 = arith.index_cast %squeeze3A_245 : i32 to index
          %get3A_427 = arith.constant 112 : index
          %get3A_428 = tpu.vector_load %run_scoped3A_4[%get3A_426, %get3A_427] {strides = array<i32>} : memref<512x128xf32, #tpu.memory_space<vmem>>, vector<16xf32>,
          %swap3A_429 = arith.index_cast %add3A_243 : i32 to index
          %swap3A_430 = arith.constant 112 : index
          %swap3A_431 = tpu.vector_load %run_scoped3A_4[%swap3A_429, %swap3A_430] {strides = array<i32>} : memref<512x128xf32, #tpu.memory_space<vmem>>, vector<16xf32>,
          tpu.vector_store %run_scoped3A_4[%swap3A_429, %swap3A_430], %get3A_428 {strides = array<i32>} : memref<512x128xf32, #tpu.memory_space<vmem>>, vector<16xf32>,
          %get3A_432 = arith.index_cast %squeeze3A_245 : i32 to index
          %get3A_433 = arith.constant 0 : index
          %get3A_434 = tpu.vector_load %run_scoped3A_5[%get3A_432, %get3A_433] {strides = array<i32>} : memref<512x32xf32, #tpu.memory_space<vmem>>, vector<16xf32>,
          %swap3A_435 = arith.index_cast %add3A_243 : i32 to index
          %swap3A_436 = arith.constant 0 : index
          %swap3A_437 = tpu.vector_load %run_scoped3A_5[%swap3A_435, %swap3A_436] {strides = array<i32>} : memref<512x32xf32, #tpu.memory_space<vmem>>, vector<16xf32>,
          tpu.vector_store %run_scoped3A_5[%swap3A_435, %swap3A_436], %get3A_434 {strides = array<i32>} : memref<512x32xf32, #tpu.memory_space<vmem>>, vector<16xf32>,
          %get3A_438 = arith.index_cast %squeeze3A_245 : i32 to index
          %get3A_439 = arith.constant 16 : index
          %get3A_440 = tpu.vector_load %run_scoped3A_5[%get3A_438, %get3A_439] {strides = array<i32>} : memref<512x32xf32, #tpu.memory_space<vmem>>, vector<16xf32>,
          %swap3A_441 = arith.index_cast %add3A_243 : i32 to index
          %swap3A_442 = arith.constant 16 : index
          %swap3A_443 = tpu.vector_load %run_scoped3A_5[%swap3A_441, %swap3A_442] {strides = array<i32>} : memref<512x32xf32, #tpu.memory_space<vmem>>, vector<16xf32>,
          tpu.vector_store %run_scoped3A_5[%swap3A_441, %swap3A_442], %get3A_440 {strides = array<i32>} : memref<512x32xf32, #tpu.memory_space<vmem>>, vector<16xf32>,
        } else {
        }
        %lt3A_251 = arith.constant 0 : i32
        %lt3A_252 = arith.cmpi slt, %squeeze3A_245, %lt3A_251 : i32
        %convert_element_type3A_253 = arith.extui %lt3A_252 : i1 to i32
        %cond3A_254 = arith.constant 0 : i32
        %cond3A_255 = arith.cmpi ne, %convert_element_type3A_253, %cond3A_254 : i32
        scf.if %cond3A_255 {
          %swap3A_384 = arith.index_cast %add3A_243 : i32 to index
          %swap3A_385 = arith.constant 0 : index
          %swap3A_386 = tpu.vector_load %run_scoped3A_4[%swap3A_384, %swap3A_385] {strides = array<i32>} : memref<512x128xf32, #tpu.memory_space<vmem>>, vector<16xf32>,
          tpu.vector_store %run_scoped3A_4[%swap3A_384, %swap3A_385], %broadcast_in_dim3A_117 {strides = array<i32>} : memref<512x128xf32, #tpu.memory_space<vmem>>, vector<16xf32>,
          %swap3A_387 = arith.index_cast %add3A_243 : i32 to index
          %swap3A_388 = arith.constant 16 : index
          %swap3A_389 = tpu.vector_load %run_scoped3A_4[%swap3A_387, %swap3A_388] {strides = array<i32>} : memref<512x128xf32, #tpu.memory_space<vmem>>, vector<16xf32>,
          tpu.vector_store %run_scoped3A_4[%swap3A_387, %swap3A_388], %broadcast_in_dim3A_117 {strides = array<i32>} : memref<512x128xf32, #tpu.memory_space<vmem>>, vector<16xf32>,
          %swap3A_390 = arith.index_cast %add3A_243 : i32 to index
          %swap3A_391 = arith.constant 32 : index
          %swap3A_392 = tpu.vector_load %run_scoped3A_4[%swap3A_390, %swap3A_391] {strides = array<i32>} : memref<512x128xf32, #tpu.memory_space<vmem>>, vector<16xf32>,
          tpu.vector_store %run_scoped3A_4[%swap3A_390, %swap3A_391], %broadcast_in_dim3A_117 {strides = array<i32>} : memref<512x128xf32, #tpu.memory_space<vmem>>, vector<16xf32>,
          %swap3A_393 = arith.index_cast %add3A_243 : i32 to index
          %swap3A_394 = arith.constant 48 : index
          %swap3A_395 = tpu.vector_load %run_scoped3A_4[%swap3A_393, %swap3A_394] {strides = array<i32>} : memref<512x128xf32, #tpu.memory_space<vmem>>, vector<16xf32>,
          tpu.vector_store %run_scoped3A_4[%swap3A_393, %swap3A_394], %broadcast_in_dim3A_117 {strides = array<i32>} : memref<512x128xf32, #tpu.memory_space<vmem>>, vector<16xf32>,
          %swap3A_396 = arith.index_cast %add3A_243 : i32 to index
          %swap3A_397 = arith.constant 64 : index
          %swap3A_398 = tpu.vector_load %run_scoped3A_4[%swap3A_396, %swap3A_397] {strides = array<i32>} : memref<512x128xf32, #tpu.memory_space<vmem>>, vector<16xf32>,
          tpu.vector_store %run_scoped3A_4[%swap3A_396, %swap3A_397], %broadcast_in_dim3A_117 {strides = array<i32>} : memref<512x128xf32, #tpu.memory_space<vmem>>, vector<16xf32>,
          %swap3A_399 = arith.index_cast %add3A_243 : i32 to index
          %swap3A_400 = arith.constant 80 : index
          %swap3A_401 = tpu.vector_load %run_scoped3A_4[%swap3A_399, %swap3A_400] {strides = array<i32>} : memref<512x128xf32, #tpu.memory_space<vmem>>, vector<16xf32>,
          tpu.vector_store %run_scoped3A_4[%swap3A_399, %swap3A_400], %broadcast_in_dim3A_117 {strides = array<i32>} : memref<512x128xf32, #tpu.memory_space<vmem>>, vector<16xf32>,
          %swap3A_402 = arith.index_cast %add3A_243 : i32 to index
          %swap3A_403 = arith.constant 96 : index
          %swap3A_404 = tpu.vector_load %run_scoped3A_4[%swap3A_402, %swap3A_403] {strides = array<i32>} : memref<512x128xf32, #tpu.memory_space<vmem>>, vector<16xf32>,
          tpu.vector_store %run_scoped3A_4[%swap3A_402, %swap3A_403], %broadcast_in_dim3A_117 {strides = array<i32>} : memref<512x128xf32, #tpu.memory_space<vmem>>, vector<16xf32>,
          %swap3A_405 = arith.index_cast %add3A_243 : i32 to index
          %swap3A_406 = arith.constant 112 : index
          %swap3A_407 = tpu.vector_load %run_scoped3A_4[%swap3A_405, %swap3A_406] {strides = array<i32>} : memref<512x128xf32, #tpu.memory_space<vmem>>, vector<16xf32>,
          tpu.vector_store %run_scoped3A_4[%swap3A_405, %swap3A_406], %broadcast_in_dim3A_117 {strides = array<i32>} : memref<512x128xf32, #tpu.memory_space<vmem>>, vector<16xf32>,
          %swap3A_408 = arith.index_cast %add3A_243 : i32 to index
          %swap3A_409 = arith.constant 0 : index
          %swap3A_410 = tpu.vector_load %run_scoped3A_5[%swap3A_408, %swap3A_409] {strides = array<i32>} : memref<512x32xf32, #tpu.memory_space<vmem>>, vector<16xf32>,
          tpu.vector_store %run_scoped3A_5[%swap3A_408, %swap3A_409], %broadcast_in_dim3A_117 {strides = array<i32>} : memref<512x32xf32, #tpu.memory_space<vmem>>, vector<16xf32>,
          %swap3A_411 = arith.index_cast %add3A_243 : i32 to index
          %swap3A_412 = arith.constant 16 : index
          %swap3A_413 = tpu.vector_load %run_scoped3A_5[%swap3A_411, %swap3A_412] {strides = array<i32>} : memref<512x32xf32, #tpu.memory_space<vmem>>, vector<16xf32>,
          tpu.vector_store %run_scoped3A_5[%swap3A_411, %swap3A_412], %broadcast_in_dim3A_117 {strides = array<i32>} : memref<512x32xf32, #tpu.memory_space<vmem>>, vector<16xf32>,
        } else {
        }
        %mul3A_256 = arith.constant 16 : i32
        %mul3A_257 = arith.muli %sub3A_126, %mul3A_256 : i32
        %add3A_258 = arith.constant 7 : i32
        %add3A_259 = arith.addi %mul3A_257, %add3A_258 : i32
        %slice3A_260 = vector.extract_strided_slice %get3A_129 {offsets = [7], sizes = [1], strides = [1]} : vector<16xi32> to vector<1xi32>
        %squeeze3A_261 = vector.extract %slice3A_260[0] : i32 from vector<1xi32>
        %ge3A_262 = arith.constant 0 : i32
        %ge3A_263 = arith.cmpi sge, %squeeze3A_261, %ge3A_262 : i32
        %convert_element_type3A_264 = arith.extui %ge3A_263 : i1 to i32
        %cond3A_265 = arith.constant 0 : i32
        %cond3A_266 = arith.cmpi ne, %convert_element_type3A_264, %cond3A_265 : i32
        scf.if %cond3A_266 {
          %get3A_384 = arith.index_cast %squeeze3A_261 : i32 to index
          %get3A_385 = arith.constant 0 : index
          %get3A_386 = tpu.vector_load %run_scoped3A_4[%get3A_384, %get3A_385] {strides = array<i32>} : memref<512x128xf32, #tpu.memory_space<vmem>>, vector<16xf32>,
          %swap3A_387 = arith.index_cast %add3A_259 : i32 to index
          %swap3A_388 = arith.constant 0 : index
          %swap3A_389 = tpu.vector_load %run_scoped3A_4[%swap3A_387, %swap3A_388] {strides = array<i32>} : memref<512x128xf32, #tpu.memory_space<vmem>>, vector<16xf32>,
          tpu.vector_store %run_scoped3A_4[%swap3A_387, %swap3A_388], %get3A_386 {strides = array<i32>} : memref<512x128xf32, #tpu.memory_space<vmem>>, vector<16xf32>,
          %get3A_390 = arith.index_cast %squeeze3A_261 : i32 to index
          %get3A_391 = arith.constant 16 : index
          %get3A_392 = tpu.vector_load %run_scoped3A_4[%get3A_390, %get3A_391] {strides = array<i32>} : memref<512x128xf32, #tpu.memory_space<vmem>>, vector<16xf32>,
          %swap3A_393 = arith.index_cast %add3A_259 : i32 to index
          %swap3A_394 = arith.constant 16 : index
          %swap3A_395 = tpu.vector_load %run_scoped3A_4[%swap3A_393, %swap3A_394] {strides = array<i32>} : memref<512x128xf32, #tpu.memory_space<vmem>>, vector<16xf32>,
          tpu.vector_store %run_scoped3A_4[%swap3A_393, %swap3A_394], %get3A_392 {strides = array<i32>} : memref<512x128xf32, #tpu.memory_space<vmem>>, vector<16xf32>,
          %get3A_396 = arith.index_cast %squeeze3A_261 : i32 to index
          %get3A_397 = arith.constant 32 : index
          %get3A_398 = tpu.vector_load %run_scoped3A_4[%get3A_396, %get3A_397] {strides = array<i32>} : memref<512x128xf32, #tpu.memory_space<vmem>>, vector<16xf32>,
          %swap3A_399 = arith.index_cast %add3A_259 : i32 to index
          %swap3A_400 = arith.constant 32 : index
          %swap3A_401 = tpu.vector_load %run_scoped3A_4[%swap3A_399, %swap3A_400] {strides = array<i32>} : memref<512x128xf32, #tpu.memory_space<vmem>>, vector<16xf32>,
          tpu.vector_store %run_scoped3A_4[%swap3A_399, %swap3A_400], %get3A_398 {strides = array<i32>} : memref<512x128xf32, #tpu.memory_space<vmem>>, vector<16xf32>,
          %get3A_402 = arith.index_cast %squeeze3A_261 : i32 to index
          %get3A_403 = arith.constant 48 : index
          %get3A_404 = tpu.vector_load %run_scoped3A_4[%get3A_402, %get3A_403] {strides = array<i32>} : memref<512x128xf32, #tpu.memory_space<vmem>>, vector<16xf32>,
          %swap3A_405 = arith.index_cast %add3A_259 : i32 to index
          %swap3A_406 = arith.constant 48 : index
          %swap3A_407 = tpu.vector_load %run_scoped3A_4[%swap3A_405, %swap3A_406] {strides = array<i32>} : memref<512x128xf32, #tpu.memory_space<vmem>>, vector<16xf32>,
          tpu.vector_store %run_scoped3A_4[%swap3A_405, %swap3A_406], %get3A_404 {strides = array<i32>} : memref<512x128xf32, #tpu.memory_space<vmem>>, vector<16xf32>,
          %get3A_408 = arith.index_cast %squeeze3A_261 : i32 to index
          %get3A_409 = arith.constant 64 : index
          %get3A_410 = tpu.vector_load %run_scoped3A_4[%get3A_408, %get3A_409] {strides = array<i32>} : memref<512x128xf32, #tpu.memory_space<vmem>>, vector<16xf32>,
          %swap3A_411 = arith.index_cast %add3A_259 : i32 to index
          %swap3A_412 = arith.constant 64 : index
          %swap3A_413 = tpu.vector_load %run_scoped3A_4[%swap3A_411, %swap3A_412] {strides = array<i32>} : memref<512x128xf32, #tpu.memory_space<vmem>>, vector<16xf32>,
          tpu.vector_store %run_scoped3A_4[%swap3A_411, %swap3A_412], %get3A_410 {strides = array<i32>} : memref<512x128xf32, #tpu.memory_space<vmem>>, vector<16xf32>,
          %get3A_414 = arith.index_cast %squeeze3A_261 : i32 to index
          %get3A_415 = arith.constant 80 : index
          %get3A_416 = tpu.vector_load %run_scoped3A_4[%get3A_414, %get3A_415] {strides = array<i32>} : memref<512x128xf32, #tpu.memory_space<vmem>>, vector<16xf32>,
          %swap3A_417 = arith.index_cast %add3A_259 : i32 to index
          %swap3A_418 = arith.constant 80 : index
          %swap3A_419 = tpu.vector_load %run_scoped3A_4[%swap3A_417, %swap3A_418] {strides = array<i32>} : memref<512x128xf32, #tpu.memory_space<vmem>>, vector<16xf32>,
          tpu.vector_store %run_scoped3A_4[%swap3A_417, %swap3A_418], %get3A_416 {strides = array<i32>} : memref<512x128xf32, #tpu.memory_space<vmem>>, vector<16xf32>,
          %get3A_420 = arith.index_cast %squeeze3A_261 : i32 to index
          %get3A_421 = arith.constant 96 : index
          %get3A_422 = tpu.vector_load %run_scoped3A_4[%get3A_420, %get3A_421] {strides = array<i32>} : memref<512x128xf32, #tpu.memory_space<vmem>>, vector<16xf32>,
          %swap3A_423 = arith.index_cast %add3A_259 : i32 to index
          %swap3A_424 = arith.constant 96 : index
          %swap3A_425 = tpu.vector_load %run_scoped3A_4[%swap3A_423, %swap3A_424] {strides = array<i32>} : memref<512x128xf32, #tpu.memory_space<vmem>>, vector<16xf32>,
          tpu.vector_store %run_scoped3A_4[%swap3A_423, %swap3A_424], %get3A_422 {strides = array<i32>} : memref<512x128xf32, #tpu.memory_space<vmem>>, vector<16xf32>,
          %get3A_426 = arith.index_cast %squeeze3A_261 : i32 to index
          %get3A_427 = arith.constant 112 : index
          %get3A_428 = tpu.vector_load %run_scoped3A_4[%get3A_426, %get3A_427] {strides = array<i32>} : memref<512x128xf32, #tpu.memory_space<vmem>>, vector<16xf32>,
          %swap3A_429 = arith.index_cast %add3A_259 : i32 to index
          %swap3A_430 = arith.constant 112 : index
          %swap3A_431 = tpu.vector_load %run_scoped3A_4[%swap3A_429, %swap3A_430] {strides = array<i32>} : memref<512x128xf32, #tpu.memory_space<vmem>>, vector<16xf32>,
          tpu.vector_store %run_scoped3A_4[%swap3A_429, %swap3A_430], %get3A_428 {strides = array<i32>} : memref<512x128xf32, #tpu.memory_space<vmem>>, vector<16xf32>,
          %get3A_432 = arith.index_cast %squeeze3A_261 : i32 to index
          %get3A_433 = arith.constant 0 : index
          %get3A_434 = tpu.vector_load %run_scoped3A_5[%get3A_432, %get3A_433] {strides = array<i32>} : memref<512x32xf32, #tpu.memory_space<vmem>>, vector<16xf32>,
          %swap3A_435 = arith.index_cast %add3A_259 : i32 to index
          %swap3A_436 = arith.constant 0 : index
          %swap3A_437 = tpu.vector_load %run_scoped3A_5[%swap3A_435, %swap3A_436] {strides = array<i32>} : memref<512x32xf32, #tpu.memory_space<vmem>>, vector<16xf32>,
          tpu.vector_store %run_scoped3A_5[%swap3A_435, %swap3A_436], %get3A_434 {strides = array<i32>} : memref<512x32xf32, #tpu.memory_space<vmem>>, vector<16xf32>,
          %get3A_438 = arith.index_cast %squeeze3A_261 : i32 to index
          %get3A_439 = arith.constant 16 : index
          %get3A_440 = tpu.vector_load %run_scoped3A_5[%get3A_438, %get3A_439] {strides = array<i32>} : memref<512x32xf32, #tpu.memory_space<vmem>>, vector<16xf32>,
          %swap3A_441 = arith.index_cast %add3A_259 : i32 to index
          %swap3A_442 = arith.constant 16 : index
          %swap3A_443 = tpu.vector_load %run_scoped3A_5[%swap3A_441, %swap3A_442] {strides = array<i32>} : memref<512x32xf32, #tpu.memory_space<vmem>>, vector<16xf32>,
          tpu.vector_store %run_scoped3A_5[%swap3A_441, %swap3A_442], %get3A_440 {strides = array<i32>} : memref<512x32xf32, #tpu.memory_space<vmem>>, vector<16xf32>,
        } else {
        }
        %lt3A_267 = arith.constant 0 : i32
        %lt3A_268 = arith.cmpi slt, %squeeze3A_261, %lt3A_267 : i32
        %convert_element_type3A_269 = arith.extui %lt3A_268 : i1 to i32
        %cond3A_270 = arith.constant 0 : i32
        %cond3A_271 = arith.cmpi ne, %convert_element_type3A_269, %cond3A_270 : i32
        scf.if %cond3A_271 {
          %swap3A_384 = arith.index_cast %add3A_259 : i32 to index
          %swap3A_385 = arith.constant 0 : index
          %swap3A_386 = tpu.vector_load %run_scoped3A_4[%swap3A_384, %swap3A_385] {strides = array<i32>} : memref<512x128xf32, #tpu.memory_space<vmem>>, vector<16xf32>,
          tpu.vector_store %run_scoped3A_4[%swap3A_384, %swap3A_385], %broadcast_in_dim3A_117 {strides = array<i32>} : memref<512x128xf32, #tpu.memory_space<vmem>>, vector<16xf32>,
          %swap3A_387 = arith.index_cast %add3A_259 : i32 to index
          %swap3A_388 = arith.constant 16 : index
          %swap3A_389 = tpu.vector_load %run_scoped3A_4[%swap3A_387, %swap3A_388] {strides = array<i32>} : memref<512x128xf32, #tpu.memory_space<vmem>>, vector<16xf32>,
          tpu.vector_store %run_scoped3A_4[%swap3A_387, %swap3A_388], %broadcast_in_dim3A_117 {strides = array<i32>} : memref<512x128xf32, #tpu.memory_space<vmem>>, vector<16xf32>,
          %swap3A_390 = arith.index_cast %add3A_259 : i32 to index
          %swap3A_391 = arith.constant 32 : index
          %swap3A_392 = tpu.vector_load %run_scoped3A_4[%swap3A_390, %swap3A_391] {strides = array<i32>} : memref<512x128xf32, #tpu.memory_space<vmem>>, vector<16xf32>,
          tpu.vector_store %run_scoped3A_4[%swap3A_390, %swap3A_391], %broadcast_in_dim3A_117 {strides = array<i32>} : memref<512x128xf32, #tpu.memory_space<vmem>>, vector<16xf32>,
          %swap3A_393 = arith.index_cast %add3A_259 : i32 to index
          %swap3A_394 = arith.constant 48 : index
          %swap3A_395 = tpu.vector_load %run_scoped3A_4[%swap3A_393, %swap3A_394] {strides = array<i32>} : memref<512x128xf32, #tpu.memory_space<vmem>>, vector<16xf32>,
          tpu.vector_store %run_scoped3A_4[%swap3A_393, %swap3A_394], %broadcast_in_dim3A_117 {strides = array<i32>} : memref<512x128xf32, #tpu.memory_space<vmem>>, vector<16xf32>,
          %swap3A_396 = arith.index_cast %add3A_259 : i32 to index
          %swap3A_397 = arith.constant 64 : index
          %swap3A_398 = tpu.vector_load %run_scoped3A_4[%swap3A_396, %swap3A_397] {strides = array<i32>} : memref<512x128xf32, #tpu.memory_space<vmem>>, vector<16xf32>,
          tpu.vector_store %run_scoped3A_4[%swap3A_396, %swap3A_397], %broadcast_in_dim3A_117 {strides = array<i32>} : memref<512x128xf32, #tpu.memory_space<vmem>>, vector<16xf32>,
          %swap3A_399 = arith.index_cast %add3A_259 : i32 to index
          %swap3A_400 = arith.constant 80 : index
          %swap3A_401 = tpu.vector_load %run_scoped3A_4[%swap3A_399, %swap3A_400] {strides = array<i32>} : memref<512x128xf32, #tpu.memory_space<vmem>>, vector<16xf32>,
          tpu.vector_store %run_scoped3A_4[%swap3A_399, %swap3A_400], %broadcast_in_dim3A_117 {strides = array<i32>} : memref<512x128xf32, #tpu.memory_space<vmem>>, vector<16xf32>,
          %swap3A_402 = arith.index_cast %add3A_259 : i32 to index
          %swap3A_403 = arith.constant 96 : index
          %swap3A_404 = tpu.vector_load %run_scoped3A_4[%swap3A_402, %swap3A_403] {strides = array<i32>} : memref<512x128xf32, #tpu.memory_space<vmem>>, vector<16xf32>,
          tpu.vector_store %run_scoped3A_4[%swap3A_402, %swap3A_403], %broadcast_in_dim3A_117 {strides = array<i32>} : memref<512x128xf32, #tpu.memory_space<vmem>>, vector<16xf32>,
          %swap3A_405 = arith.index_cast %add3A_259 : i32 to index
          %swap3A_406 = arith.constant 112 : index
          %swap3A_407 = tpu.vector_load %run_scoped3A_4[%swap3A_405, %swap3A_406] {strides = array<i32>} : memref<512x128xf32, #tpu.memory_space<vmem>>, vector<16xf32>,
          tpu.vector_store %run_scoped3A_4[%swap3A_405, %swap3A_406], %broadcast_in_dim3A_117 {strides = array<i32>} : memref<512x128xf32, #tpu.memory_space<vmem>>, vector<16xf32>,
          %swap3A_408 = arith.index_cast %add3A_259 : i32 to index
          %swap3A_409 = arith.constant 0 : index
          %swap3A_410 = tpu.vector_load %run_scoped3A_5[%swap3A_408, %swap3A_409] {strides = array<i32>} : memref<512x32xf32, #tpu.memory_space<vmem>>, vector<16xf32>,
          tpu.vector_store %run_scoped3A_5[%swap3A_408, %swap3A_409], %broadcast_in_dim3A_117 {strides = array<i32>} : memref<512x32xf32, #tpu.memory_space<vmem>>, vector<16xf32>,
          %swap3A_411 = arith.index_cast %add3A_259 : i32 to index
          %swap3A_412 = arith.constant 16 : index
          %swap3A_413 = tpu.vector_load %run_scoped3A_5[%swap3A_411, %swap3A_412] {strides = array<i32>} : memref<512x32xf32, #tpu.memory_space<vmem>>, vector<16xf32>,
          tpu.vector_store %run_scoped3A_5[%swap3A_411, %swap3A_412], %broadcast_in_dim3A_117 {strides = array<i32>} : memref<512x32xf32, #tpu.memory_space<vmem>>, vector<16xf32>,
        } else {
        }
        %mul3A_272 = arith.constant 16 : i32
        %mul3A_273 = arith.muli %sub3A_126, %mul3A_272 : i32
        %add3A_274 = arith.constant 6 : i32
        %add3A_275 = arith.addi %mul3A_273, %add3A_274 : i32
        %slice3A_276 = vector.extract_strided_slice %get3A_129 {offsets = [6], sizes = [1], strides = [1]} : vector<16xi32> to vector<1xi32>
        %squeeze3A_277 = vector.extract %slice3A_276[0] : i32 from vector<1xi32>
        %ge3A_278 = arith.constant 0 : i32
        %ge3A_279 = arith.cmpi sge, %squeeze3A_277, %ge3A_278 : i32
        %convert_element_type3A_280 = arith.extui %ge3A_279 : i1 to i32
        %cond3A_281 = arith.constant 0 : i32
        %cond3A_282 = arith.cmpi ne, %convert_element_type3A_280, %cond3A_281 : i32
        scf.if %cond3A_282 {
          %get3A_384 = arith.index_cast %squeeze3A_277 : i32 to index
          %get3A_385 = arith.constant 0 : index
          %get3A_386 = tpu.vector_load %run_scoped3A_4[%get3A_384, %get3A_385] {strides = array<i32>} : memref<512x128xf32, #tpu.memory_space<vmem>>, vector<16xf32>,
          %swap3A_387 = arith.index_cast %add3A_275 : i32 to index
          %swap3A_388 = arith.constant 0 : index
          %swap3A_389 = tpu.vector_load %run_scoped3A_4[%swap3A_387, %swap3A_388] {strides = array<i32>} : memref<512x128xf32, #tpu.memory_space<vmem>>, vector<16xf32>,
          tpu.vector_store %run_scoped3A_4[%swap3A_387, %swap3A_388], %get3A_386 {strides = array<i32>} : memref<512x128xf32, #tpu.memory_space<vmem>>, vector<16xf32>,
          %get3A_390 = arith.index_cast %squeeze3A_277 : i32 to index
          %get3A_391 = arith.constant 16 : index
          %get3A_392 = tpu.vector_load %run_scoped3A_4[%get3A_390, %get3A_391] {strides = array<i32>} : memref<512x128xf32, #tpu.memory_space<vmem>>, vector<16xf32>,
          %swap3A_393 = arith.index_cast %add3A_275 : i32 to index
          %swap3A_394 = arith.constant 16 : index
          %swap3A_395 = tpu.vector_load %run_scoped3A_4[%swap3A_393, %swap3A_394] {strides = array<i32>} : memref<512x128xf32, #tpu.memory_space<vmem>>, vector<16xf32>,
          tpu.vector_store %run_scoped3A_4[%swap3A_393, %swap3A_394], %get3A_392 {strides = array<i32>} : memref<512x128xf32, #tpu.memory_space<vmem>>, vector<16xf32>,
          %get3A_396 = arith.index_cast %squeeze3A_277 : i32 to index
          %get3A_397 = arith.constant 32 : index
          %get3A_398 = tpu.vector_load %run_scoped3A_4[%get3A_396, %get3A_397] {strides = array<i32>} : memref<512x128xf32, #tpu.memory_space<vmem>>, vector<16xf32>,
          %swap3A_399 = arith.index_cast %add3A_275 : i32 to index
          %swap3A_400 = arith.constant 32 : index
          %swap3A_401 = tpu.vector_load %run_scoped3A_4[%swap3A_399, %swap3A_400] {strides = array<i32>} : memref<512x128xf32, #tpu.memory_space<vmem>>, vector<16xf32>,
          tpu.vector_store %run_scoped3A_4[%swap3A_399, %swap3A_400], %get3A_398 {strides = array<i32>} : memref<512x128xf32, #tpu.memory_space<vmem>>, vector<16xf32>,
          %get3A_402 = arith.index_cast %squeeze3A_277 : i32 to index
          %get3A_403 = arith.constant 48 : index
          %get3A_404 = tpu.vector_load %run_scoped3A_4[%get3A_402, %get3A_403] {strides = array<i32>} : memref<512x128xf32, #tpu.memory_space<vmem>>, vector<16xf32>,
          %swap3A_405 = arith.index_cast %add3A_275 : i32 to index
          %swap3A_406 = arith.constant 48 : index
          %swap3A_407 = tpu.vector_load %run_scoped3A_4[%swap3A_405, %swap3A_406] {strides = array<i32>} : memref<512x128xf32, #tpu.memory_space<vmem>>, vector<16xf32>,
          tpu.vector_store %run_scoped3A_4[%swap3A_405, %swap3A_406], %get3A_404 {strides = array<i32>} : memref<512x128xf32, #tpu.memory_space<vmem>>, vector<16xf32>,
          %get3A_408 = arith.index_cast %squeeze3A_277 : i32 to index
          %get3A_409 = arith.constant 64 : index
          %get3A_410 = tpu.vector_load %run_scoped3A_4[%get3A_408, %get3A_409] {strides = array<i32>} : memref<512x128xf32, #tpu.memory_space<vmem>>, vector<16xf32>,
          %swap3A_411 = arith.index_cast %add3A_275 : i32 to index
          %swap3A_412 = arith.constant 64 : index
          %swap3A_413 = tpu.vector_load %run_scoped3A_4[%swap3A_411, %swap3A_412] {strides = array<i32>} : memref<512x128xf32, #tpu.memory_space<vmem>>, vector<16xf32>,
          tpu.vector_store %run_scoped3A_4[%swap3A_411, %swap3A_412], %get3A_410 {strides = array<i32>} : memref<512x128xf32, #tpu.memory_space<vmem>>, vector<16xf32>,
          %get3A_414 = arith.index_cast %squeeze3A_277 : i32 to index
          %get3A_415 = arith.constant 80 : index
          %get3A_416 = tpu.vector_load %run_scoped3A_4[%get3A_414, %get3A_415] {strides = array<i32>} : memref<512x128xf32, #tpu.memory_space<vmem>>, vector<16xf32>,
          %swap3A_417 = arith.index_cast %add3A_275 : i32 to index
          %swap3A_418 = arith.constant 80 : index
          %swap3A_419 = tpu.vector_load %run_scoped3A_4[%swap3A_417, %swap3A_418] {strides = array<i32>} : memref<512x128xf32, #tpu.memory_space<vmem>>, vector<16xf32>,
          tpu.vector_store %run_scoped3A_4[%swap3A_417, %swap3A_418], %get3A_416 {strides = array<i32>} : memref<512x128xf32, #tpu.memory_space<vmem>>, vector<16xf32>,
          %get3A_420 = arith.index_cast %squeeze3A_277 : i32 to index
          %get3A_421 = arith.constant 96 : index
          %get3A_422 = tpu.vector_load %run_scoped3A_4[%get3A_420, %get3A_421] {strides = array<i32>} : memref<512x128xf32, #tpu.memory_space<vmem>>, vector<16xf32>,
          %swap3A_423 = arith.index_cast %add3A_275 : i32 to index
          %swap3A_424 = arith.constant 96 : index
          %swap3A_425 = tpu.vector_load %run_scoped3A_4[%swap3A_423, %swap3A_424] {strides = array<i32>} : memref<512x128xf32, #tpu.memory_space<vmem>>, vector<16xf32>,
          tpu.vector_store %run_scoped3A_4[%swap3A_423, %swap3A_424], %get3A_422 {strides = array<i32>} : memref<512x128xf32, #tpu.memory_space<vmem>>, vector<16xf32>,
          %get3A_426 = arith.index_cast %squeeze3A_277 : i32 to index
          %get3A_427 = arith.constant 112 : index
          %get3A_428 = tpu.vector_load %run_scoped3A_4[%get3A_426, %get3A_427] {strides = array<i32>} : memref<512x128xf32, #tpu.memory_space<vmem>>, vector<16xf32>,
          %swap3A_429 = arith.index_cast %add3A_275 : i32 to index
          %swap3A_430 = arith.constant 112 : index
          %swap3A_431 = tpu.vector_load %run_scoped3A_4[%swap3A_429, %swap3A_430] {strides = array<i32>} : memref<512x128xf32, #tpu.memory_space<vmem>>, vector<16xf32>,
          tpu.vector_store %run_scoped3A_4[%swap3A_429, %swap3A_430], %get3A_428 {strides = array<i32>} : memref<512x128xf32, #tpu.memory_space<vmem>>, vector<16xf32>,
          %get3A_432 = arith.index_cast %squeeze3A_277 : i32 to index
          %get3A_433 = arith.constant 0 : index
          %get3A_434 = tpu.vector_load %run_scoped3A_5[%get3A_432, %get3A_433] {strides = array<i32>} : memref<512x32xf32, #tpu.memory_space<vmem>>, vector<16xf32>,
          %swap3A_435 = arith.index_cast %add3A_275 : i32 to index
          %swap3A_436 = arith.constant 0 : index
          %swap3A_437 = tpu.vector_load %run_scoped3A_5[%swap3A_435, %swap3A_436] {strides = array<i32>} : memref<512x32xf32, #tpu.memory_space<vmem>>, vector<16xf32>,
          tpu.vector_store %run_scoped3A_5[%swap3A_435, %swap3A_436], %get3A_434 {strides = array<i32>} : memref<512x32xf32, #tpu.memory_space<vmem>>, vector<16xf32>,
          %get3A_438 = arith.index_cast %squeeze3A_277 : i32 to index
          %get3A_439 = arith.constant 16 : index
          %get3A_440 = tpu.vector_load %run_scoped3A_5[%get3A_438, %get3A_439] {strides = array<i32>} : memref<512x32xf32, #tpu.memory_space<vmem>>, vector<16xf32>,
          %swap3A_441 = arith.index_cast %add3A_275 : i32 to index
          %swap3A_442 = arith.constant 16 : index
          %swap3A_443 = tpu.vector_load %run_scoped3A_5[%swap3A_441, %swap3A_442] {strides = array<i32>} : memref<512x32xf32, #tpu.memory_space<vmem>>, vector<16xf32>,
          tpu.vector_store %run_scoped3A_5[%swap3A_441, %swap3A_442], %get3A_440 {strides = array<i32>} : memref<512x32xf32, #tpu.memory_space<vmem>>, vector<16xf32>,
        } else {
        }
        %lt3A_283 = arith.constant 0 : i32
        %lt3A_284 = arith.cmpi slt, %squeeze3A_277, %lt3A_283 : i32
        %convert_element_type3A_285 = arith.extui %lt3A_284 : i1 to i32
        %cond3A_286 = arith.constant 0 : i32
        %cond3A_287 = arith.cmpi ne, %convert_element_type3A_285, %cond3A_286 : i32
        scf.if %cond3A_287 {
          %swap3A_384 = arith.index_cast %add3A_275 : i32 to index
          %swap3A_385 = arith.constant 0 : index
          %swap3A_386 = tpu.vector_load %run_scoped3A_4[%swap3A_384, %swap3A_385] {strides = array<i32>} : memref<512x128xf32, #tpu.memory_space<vmem>>, vector<16xf32>,
          tpu.vector_store %run_scoped3A_4[%swap3A_384, %swap3A_385], %broadcast_in_dim3A_117 {strides = array<i32>} : memref<512x128xf32, #tpu.memory_space<vmem>>, vector<16xf32>,
          %swap3A_387 = arith.index_cast %add3A_275 : i32 to index
          %swap3A_388 = arith.constant 16 : index
          %swap3A_389 = tpu.vector_load %run_scoped3A_4[%swap3A_387, %swap3A_388] {strides = array<i32>} : memref<512x128xf32, #tpu.memory_space<vmem>>, vector<16xf32>,
          tpu.vector_store %run_scoped3A_4[%swap3A_387, %swap3A_388], %broadcast_in_dim3A_117 {strides = array<i32>} : memref<512x128xf32, #tpu.memory_space<vmem>>, vector<16xf32>,
          %swap3A_390 = arith.index_cast %add3A_275 : i32 to index
          %swap3A_391 = arith.constant 32 : index
          %swap3A_392 = tpu.vector_load %run_scoped3A_4[%swap3A_390, %swap3A_391] {strides = array<i32>} : memref<512x128xf32, #tpu.memory_space<vmem>>, vector<16xf32>,
          tpu.vector_store %run_scoped3A_4[%swap3A_390, %swap3A_391], %broadcast_in_dim3A_117 {strides = array<i32>} : memref<512x128xf32, #tpu.memory_space<vmem>>, vector<16xf32>,
          %swap3A_393 = arith.index_cast %add3A_275 : i32 to index
          %swap3A_394 = arith.constant 48 : index
          %swap3A_395 = tpu.vector_load %run_scoped3A_4[%swap3A_393, %swap3A_394] {strides = array<i32>} : memref<512x128xf32, #tpu.memory_space<vmem>>, vector<16xf32>,
          tpu.vector_store %run_scoped3A_4[%swap3A_393, %swap3A_394], %broadcast_in_dim3A_117 {strides = array<i32>} : memref<512x128xf32, #tpu.memory_space<vmem>>, vector<16xf32>,
          %swap3A_396 = arith.index_cast %add3A_275 : i32 to index
          %swap3A_397 = arith.constant 64 : index
          %swap3A_398 = tpu.vector_load %run_scoped3A_4[%swap3A_396, %swap3A_397] {strides = array<i32>} : memref<512x128xf32, #tpu.memory_space<vmem>>, vector<16xf32>,
          tpu.vector_store %run_scoped3A_4[%swap3A_396, %swap3A_397], %broadcast_in_dim3A_117 {strides = array<i32>} : memref<512x128xf32, #tpu.memory_space<vmem>>, vector<16xf32>,
          %swap3A_399 = arith.index_cast %add3A_275 : i32 to index
          %swap3A_400 = arith.constant 80 : index
          %swap3A_401 = tpu.vector_load %run_scoped3A_4[%swap3A_399, %swap3A_400] {strides = array<i32>} : memref<512x128xf32, #tpu.memory_space<vmem>>, vector<16xf32>,
          tpu.vector_store %run_scoped3A_4[%swap3A_399, %swap3A_400], %broadcast_in_dim3A_117 {strides = array<i32>} : memref<512x128xf32, #tpu.memory_space<vmem>>, vector<16xf32>,
          %swap3A_402 = arith.index_cast %add3A_275 : i32 to index
          %swap3A_403 = arith.constant 96 : index
          %swap3A_404 = tpu.vector_load %run_scoped3A_4[%swap3A_402, %swap3A_403] {strides = array<i32>} : memref<512x128xf32, #tpu.memory_space<vmem>>, vector<16xf32>,
          tpu.vector_store %run_scoped3A_4[%swap3A_402, %swap3A_403], %broadcast_in_dim3A_117 {strides = array<i32>} : memref<512x128xf32, #tpu.memory_space<vmem>>, vector<16xf32>,
          %swap3A_405 = arith.index_cast %add3A_275 : i32 to index
          %swap3A_406 = arith.constant 112 : index
          %swap3A_407 = tpu.vector_load %run_scoped3A_4[%swap3A_405, %swap3A_406] {strides = array<i32>} : memref<512x128xf32, #tpu.memory_space<vmem>>, vector<16xf32>,
          tpu.vector_store %run_scoped3A_4[%swap3A_405, %swap3A_406], %broadcast_in_dim3A_117 {strides = array<i32>} : memref<512x128xf32, #tpu.memory_space<vmem>>, vector<16xf32>,
          %swap3A_408 = arith.index_cast %add3A_275 : i32 to index
          %swap3A_409 = arith.constant 0 : index
          %swap3A_410 = tpu.vector_load %run_scoped3A_5[%swap3A_408, %swap3A_409] {strides = array<i32>} : memref<512x32xf32, #tpu.memory_space<vmem>>, vector<16xf32>,
          tpu.vector_store %run_scoped3A_5[%swap3A_408, %swap3A_409], %broadcast_in_dim3A_117 {strides = array<i32>} : memref<512x32xf32, #tpu.memory_space<vmem>>, vector<16xf32>,
          %swap3A_411 = arith.index_cast %add3A_275 : i32 to index
          %swap3A_412 = arith.constant 16 : index
          %swap3A_413 = tpu.vector_load %run_scoped3A_5[%swap3A_411, %swap3A_412] {strides = array<i32>} : memref<512x32xf32, #tpu.memory_space<vmem>>, vector<16xf32>,
          tpu.vector_store %run_scoped3A_5[%swap3A_411, %swap3A_412], %broadcast_in_dim3A_117 {strides = array<i32>} : memref<512x32xf32, #tpu.memory_space<vmem>>, vector<16xf32>,
        } else {
        }
        %mul3A_288 = arith.constant 16 : i32
        %mul3A_289 = arith.muli %sub3A_126, %mul3A_288 : i32
        %add3A_290 = arith.constant 5 : i32
        %add3A_291 = arith.addi %mul3A_289, %add3A_290 : i32
        %slice3A_292 = vector.extract_strided_slice %get3A_129 {offsets = [5], sizes = [1], strides = [1]} : vector<16xi32> to vector<1xi32>
        %squeeze3A_293 = vector.extract %slice3A_292[0] : i32 from vector<1xi32>
        %ge3A_294 = arith.constant 0 : i32
        %ge3A_295 = arith.cmpi sge, %squeeze3A_293, %ge3A_294 : i32
        %convert_element_type3A_296 = arith.extui %ge3A_295 : i1 to i32
        %cond3A_297 = arith.constant 0 : i32
        %cond3A_298 = arith.cmpi ne, %convert_element_type3A_296, %cond3A_297 : i32
        scf.if %cond3A_298 {
          %get3A_384 = arith.index_cast %squeeze3A_293 : i32 to index
          %get3A_385 = arith.constant 0 : index
          %get3A_386 = tpu.vector_load %run_scoped3A_4[%get3A_384, %get3A_385] {strides = array<i32>} : memref<512x128xf32, #tpu.memory_space<vmem>>, vector<16xf32>,
          %swap3A_387 = arith.index_cast %add3A_291 : i32 to index
          %swap3A_388 = arith.constant 0 : index
          %swap3A_389 = tpu.vector_load %run_scoped3A_4[%swap3A_387, %swap3A_388] {strides = array<i32>} : memref<512x128xf32, #tpu.memory_space<vmem>>, vector<16xf32>,
          tpu.vector_store %run_scoped3A_4[%swap3A_387, %swap3A_388], %get3A_386 {strides = array<i32>} : memref<512x128xf32, #tpu.memory_space<vmem>>, vector<16xf32>,
          %get3A_390 = arith.index_cast %squeeze3A_293 : i32 to index
          %get3A_391 = arith.constant 16 : index
          %get3A_392 = tpu.vector_load %run_scoped3A_4[%get3A_390, %get3A_391] {strides = array<i32>} : memref<512x128xf32, #tpu.memory_space<vmem>>, vector<16xf32>,
          %swap3A_393 = arith.index_cast %add3A_291 : i32 to index
          %swap3A_394 = arith.constant 16 : index
          %swap3A_395 = tpu.vector_load %run_scoped3A_4[%swap3A_393, %swap3A_394] {strides = array<i32>} : memref<512x128xf32, #tpu.memory_space<vmem>>, vector<16xf32>,
          tpu.vector_store %run_scoped3A_4[%swap3A_393, %swap3A_394], %get3A_392 {strides = array<i32>} : memref<512x128xf32, #tpu.memory_space<vmem>>, vector<16xf32>,
          %get3A_396 = arith.index_cast %squeeze3A_293 : i32 to index
          %get3A_397 = arith.constant 32 : index
          %get3A_398 = tpu.vector_load %run_scoped3A_4[%get3A_396, %get3A_397] {strides = array<i32>} : memref<512x128xf32, #tpu.memory_space<vmem>>, vector<16xf32>,
          %swap3A_399 = arith.index_cast %add3A_291 : i32 to index
          %swap3A_400 = arith.constant 32 : index
          %swap3A_401 = tpu.vector_load %run_scoped3A_4[%swap3A_399, %swap3A_400] {strides = array<i32>} : memref<512x128xf32, #tpu.memory_space<vmem>>, vector<16xf32>,
          tpu.vector_store %run_scoped3A_4[%swap3A_399, %swap3A_400], %get3A_398 {strides = array<i32>} : memref<512x128xf32, #tpu.memory_space<vmem>>, vector<16xf32>,
          %get3A_402 = arith.index_cast %squeeze3A_293 : i32 to index
          %get3A_403 = arith.constant 48 : index
          %get3A_404 = tpu.vector_load %run_scoped3A_4[%get3A_402, %get3A_403] {strides = array<i32>} : memref<512x128xf32, #tpu.memory_space<vmem>>, vector<16xf32>,
          %swap3A_405 = arith.index_cast %add3A_291 : i32 to index
          %swap3A_406 = arith.constant 48 : index
          %swap3A_407 = tpu.vector_load %run_scoped3A_4[%swap3A_405, %swap3A_406] {strides = array<i32>} : memref<512x128xf32, #tpu.memory_space<vmem>>, vector<16xf32>,
          tpu.vector_store %run_scoped3A_4[%swap3A_405, %swap3A_406], %get3A_404 {strides = array<i32>} : memref<512x128xf32, #tpu.memory_space<vmem>>, vector<16xf32>,
          %get3A_408 = arith.index_cast %squeeze3A_293 : i32 to index
          %get3A_409 = arith.constant 64 : index
          %get3A_410 = tpu.vector_load %run_scoped3A_4[%get3A_408, %get3A_409] {strides = array<i32>} : memref<512x128xf32, #tpu.memory_space<vmem>>, vector<16xf32>,
          %swap3A_411 = arith.index_cast %add3A_291 : i32 to index
          %swap3A_412 = arith.constant 64 : index
          %swap3A_413 = tpu.vector_load %run_scoped3A_4[%swap3A_411, %swap3A_412] {strides = array<i32>} : memref<512x128xf32, #tpu.memory_space<vmem>>, vector<16xf32>,
          tpu.vector_store %run_scoped3A_4[%swap3A_411, %swap3A_412], %get3A_410 {strides = array<i32>} : memref<512x128xf32, #tpu.memory_space<vmem>>, vector<16xf32>,
          %get3A_414 = arith.index_cast %squeeze3A_293 : i32 to index
          %get3A_415 = arith.constant 80 : index
          %get3A_416 = tpu.vector_load %run_scoped3A_4[%get3A_414, %get3A_415] {strides = array<i32>} : memref<512x128xf32, #tpu.memory_space<vmem>>, vector<16xf32>,
          %swap3A_417 = arith.index_cast %add3A_291 : i32 to index
          %swap3A_418 = arith.constant 80 : index
          %swap3A_419 = tpu.vector_load %run_scoped3A_4[%swap3A_417, %swap3A_418] {strides = array<i32>} : memref<512x128xf32, #tpu.memory_space<vmem>>, vector<16xf32>,
          tpu.vector_store %run_scoped3A_4[%swap3A_417, %swap3A_418], %get3A_416 {strides = array<i32>} : memref<512x128xf32, #tpu.memory_space<vmem>>, vector<16xf32>,
          %get3A_420 = arith.index_cast %squeeze3A_293 : i32 to index
          %get3A_421 = arith.constant 96 : index
          %get3A_422 = tpu.vector_load %run_scoped3A_4[%get3A_420, %get3A_421] {strides = array<i32>} : memref<512x128xf32, #tpu.memory_space<vmem>>, vector<16xf32>,
          %swap3A_423 = arith.index_cast %add3A_291 : i32 to index
          %swap3A_424 = arith.constant 96 : index
          %swap3A_425 = tpu.vector_load %run_scoped3A_4[%swap3A_423, %swap3A_424] {strides = array<i32>} : memref<512x128xf32, #tpu.memory_space<vmem>>, vector<16xf32>,
          tpu.vector_store %run_scoped3A_4[%swap3A_423, %swap3A_424], %get3A_422 {strides = array<i32>} : memref<512x128xf32, #tpu.memory_space<vmem>>, vector<16xf32>,
          %get3A_426 = arith.index_cast %squeeze3A_293 : i32 to index
          %get3A_427 = arith.constant 112 : index
          %get3A_428 = tpu.vector_load %run_scoped3A_4[%get3A_426, %get3A_427] {strides = array<i32>} : memref<512x128xf32, #tpu.memory_space<vmem>>, vector<16xf32>,
          %swap3A_429 = arith.index_cast %add3A_291 : i32 to index
          %swap3A_430 = arith.constant 112 : index
          %swap3A_431 = tpu.vector_load %run_scoped3A_4[%swap3A_429, %swap3A_430] {strides = array<i32>} : memref<512x128xf32, #tpu.memory_space<vmem>>, vector<16xf32>,
          tpu.vector_store %run_scoped3A_4[%swap3A_429, %swap3A_430], %get3A_428 {strides = array<i32>} : memref<512x128xf32, #tpu.memory_space<vmem>>, vector<16xf32>,
          %get3A_432 = arith.index_cast %squeeze3A_293 : i32 to index
          %get3A_433 = arith.constant 0 : index
          %get3A_434 = tpu.vector_load %run_scoped3A_5[%get3A_432, %get3A_433] {strides = array<i32>} : memref<512x32xf32, #tpu.memory_space<vmem>>, vector<16xf32>,
          %swap3A_435 = arith.index_cast %add3A_291 : i32 to index
          %swap3A_436 = arith.constant 0 : index
          %swap3A_437 = tpu.vector_load %run_scoped3A_5[%swap3A_435, %swap3A_436] {strides = array<i32>} : memref<512x32xf32, #tpu.memory_space<vmem>>, vector<16xf32>,
          tpu.vector_store %run_scoped3A_5[%swap3A_435, %swap3A_436], %get3A_434 {strides = array<i32>} : memref<512x32xf32, #tpu.memory_space<vmem>>, vector<16xf32>,
          %get3A_438 = arith.index_cast %squeeze3A_293 : i32 to index
          %get3A_439 = arith.constant 16 : index
          %get3A_440 = tpu.vector_load %run_scoped3A_5[%get3A_438, %get3A_439] {strides = array<i32>} : memref<512x32xf32, #tpu.memory_space<vmem>>, vector<16xf32>,
          %swap3A_441 = arith.index_cast %add3A_291 : i32 to index
          %swap3A_442 = arith.constant 16 : index
          %swap3A_443 = tpu.vector_load %run_scoped3A_5[%swap3A_441, %swap3A_442] {strides = array<i32>} : memref<512x32xf32, #tpu.memory_space<vmem>>, vector<16xf32>,
          tpu.vector_store %run_scoped3A_5[%swap3A_441, %swap3A_442], %get3A_440 {strides = array<i32>} : memref<512x32xf32, #tpu.memory_space<vmem>>, vector<16xf32>,
        } else {
        }
        %lt3A_299 = arith.constant 0 : i32
        %lt3A_300 = arith.cmpi slt, %squeeze3A_293, %lt3A_299 : i32
        %convert_element_type3A_301 = arith.extui %lt3A_300 : i1 to i32
        %cond3A_302 = arith.constant 0 : i32
        %cond3A_303 = arith.cmpi ne, %convert_element_type3A_301, %cond3A_302 : i32
        scf.if %cond3A_303 {
          %swap3A_384 = arith.index_cast %add3A_291 : i32 to index
          %swap3A_385 = arith.constant 0 : index
          %swap3A_386 = tpu.vector_load %run_scoped3A_4[%swap3A_384, %swap3A_385] {strides = array<i32>} : memref<512x128xf32, #tpu.memory_space<vmem>>, vector<16xf32>,
          tpu.vector_store %run_scoped3A_4[%swap3A_384, %swap3A_385], %broadcast_in_dim3A_117 {strides = array<i32>} : memref<512x128xf32, #tpu.memory_space<vmem>>, vector<16xf32>,
          %swap3A_387 = arith.index_cast %add3A_291 : i32 to index
          %swap3A_388 = arith.constant 16 : index
          %swap3A_389 = tpu.vector_load %run_scoped3A_4[%swap3A_387, %swap3A_388] {strides = array<i32>} : memref<512x128xf32, #tpu.memory_space<vmem>>, vector<16xf32>,
          tpu.vector_store %run_scoped3A_4[%swap3A_387, %swap3A_388], %broadcast_in_dim3A_117 {strides = array<i32>} : memref<512x128xf32, #tpu.memory_space<vmem>>, vector<16xf32>,
          %swap3A_390 = arith.index_cast %add3A_291 : i32 to index
          %swap3A_391 = arith.constant 32 : index
          %swap3A_392 = tpu.vector_load %run_scoped3A_4[%swap3A_390, %swap3A_391] {strides = array<i32>} : memref<512x128xf32, #tpu.memory_space<vmem>>, vector<16xf32>,
          tpu.vector_store %run_scoped3A_4[%swap3A_390, %swap3A_391], %broadcast_in_dim3A_117 {strides = array<i32>} : memref<512x128xf32, #tpu.memory_space<vmem>>, vector<16xf32>,
          %swap3A_393 = arith.index_cast %add3A_291 : i32 to index
          %swap3A_394 = arith.constant 48 : index
          %swap3A_395 = tpu.vector_load %run_scoped3A_4[%swap3A_393, %swap3A_394] {strides = array<i32>} : memref<512x128xf32, #tpu.memory_space<vmem>>, vector<16xf32>,
          tpu.vector_store %run_scoped3A_4[%swap3A_393, %swap3A_394], %broadcast_in_dim3A_117 {strides = array<i32>} : memref<512x128xf32, #tpu.memory_space<vmem>>, vector<16xf32>,
          %swap3A_396 = arith.index_cast %add3A_291 : i32 to index
          %swap3A_397 = arith.constant 64 : index
          %swap3A_398 = tpu.vector_load %run_scoped3A_4[%swap3A_396, %swap3A_397] {strides = array<i32>} : memref<512x128xf32, #tpu.memory_space<vmem>>, vector<16xf32>,
          tpu.vector_store %run_scoped3A_4[%swap3A_396, %swap3A_397], %broadcast_in_dim3A_117 {strides = array<i32>} : memref<512x128xf32, #tpu.memory_space<vmem>>, vector<16xf32>,
          %swap3A_399 = arith.index_cast %add3A_291 : i32 to index
          %swap3A_400 = arith.constant 80 : index
          %swap3A_401 = tpu.vector_load %run_scoped3A_4[%swap3A_399, %swap3A_400] {strides = array<i32>} : memref<512x128xf32, #tpu.memory_space<vmem>>, vector<16xf32>,
          tpu.vector_store %run_scoped3A_4[%swap3A_399, %swap3A_400], %broadcast_in_dim3A_117 {strides = array<i32>} : memref<512x128xf32, #tpu.memory_space<vmem>>, vector<16xf32>,
          %swap3A_402 = arith.index_cast %add3A_291 : i32 to index
          %swap3A_403 = arith.constant 96 : index
          %swap3A_404 = tpu.vector_load %run_scoped3A_4[%swap3A_402, %swap3A_403] {strides = array<i32>} : memref<512x128xf32, #tpu.memory_space<vmem>>, vector<16xf32>,
          tpu.vector_store %run_scoped3A_4[%swap3A_402, %swap3A_403], %broadcast_in_dim3A_117 {strides = array<i32>} : memref<512x128xf32, #tpu.memory_space<vmem>>, vector<16xf32>,
          %swap3A_405 = arith.index_cast %add3A_291 : i32 to index
          %swap3A_406 = arith.constant 112 : index
          %swap3A_407 = tpu.vector_load %run_scoped3A_4[%swap3A_405, %swap3A_406] {strides = array<i32>} : memref<512x128xf32, #tpu.memory_space<vmem>>, vector<16xf32>,
          tpu.vector_store %run_scoped3A_4[%swap3A_405, %swap3A_406], %broadcast_in_dim3A_117 {strides = array<i32>} : memref<512x128xf32, #tpu.memory_space<vmem>>, vector<16xf32>,
          %swap3A_408 = arith.index_cast %add3A_291 : i32 to index
          %swap3A_409 = arith.constant 0 : index
          %swap3A_410 = tpu.vector_load %run_scoped3A_5[%swap3A_408, %swap3A_409] {strides = array<i32>} : memref<512x32xf32, #tpu.memory_space<vmem>>, vector<16xf32>,
          tpu.vector_store %run_scoped3A_5[%swap3A_408, %swap3A_409], %broadcast_in_dim3A_117 {strides = array<i32>} : memref<512x32xf32, #tpu.memory_space<vmem>>, vector<16xf32>,
          %swap3A_411 = arith.index_cast %add3A_291 : i32 to index
          %swap3A_412 = arith.constant 16 : index
          %swap3A_413 = tpu.vector_load %run_scoped3A_5[%swap3A_411, %swap3A_412] {strides = array<i32>} : memref<512x32xf32, #tpu.memory_space<vmem>>, vector<16xf32>,
          tpu.vector_store %run_scoped3A_5[%swap3A_411, %swap3A_412], %broadcast_in_dim3A_117 {strides = array<i32>} : memref<512x32xf32, #tpu.memory_space<vmem>>, vector<16xf32>,
        } else {
        }
        %mul3A_304 = arith.constant 16 : i32
        %mul3A_305 = arith.muli %sub3A_126, %mul3A_304 : i32
        %add3A_306 = arith.constant 4 : i32
        %add3A_307 = arith.addi %mul3A_305, %add3A_306 : i32
        %slice3A_308 = vector.extract_strided_slice %get3A_129 {offsets = [4], sizes = [1], strides = [1]} : vector<16xi32> to vector<1xi32>
        %squeeze3A_309 = vector.extract %slice3A_308[0] : i32 from vector<1xi32>
        %ge3A_310 = arith.constant 0 : i32
        %ge3A_311 = arith.cmpi sge, %squeeze3A_309, %ge3A_310 : i32
        %convert_element_type3A_312 = arith.extui %ge3A_311 : i1 to i32
        %cond3A_313 = arith.constant 0 : i32
        %cond3A_314 = arith.cmpi ne, %convert_element_type3A_312, %cond3A_313 : i32
        scf.if %cond3A_314 {
          %get3A_384 = arith.index_cast %squeeze3A_309 : i32 to index
          %get3A_385 = arith.constant 0 : index
          %get3A_386 = tpu.vector_load %run_scoped3A_4[%get3A_384, %get3A_385] {strides = array<i32>} : memref<512x128xf32, #tpu.memory_space<vmem>>, vector<16xf32>,
          %swap3A_387 = arith.index_cast %add3A_307 : i32 to index
          %swap3A_388 = arith.constant 0 : index
          %swap3A_389 = tpu.vector_load %run_scoped3A_4[%swap3A_387, %swap3A_388] {strides = array<i32>} : memref<512x128xf32, #tpu.memory_space<vmem>>, vector<16xf32>,
          tpu.vector_store %run_scoped3A_4[%swap3A_387, %swap3A_388], %get3A_386 {strides = array<i32>} : memref<512x128xf32, #tpu.memory_space<vmem>>, vector<16xf32>,
          %get3A_390 = arith.index_cast %squeeze3A_309 : i32 to index
          %get3A_391 = arith.constant 16 : index
          %get3A_392 = tpu.vector_load %run_scoped3A_4[%get3A_390, %get3A_391] {strides = array<i32>} : memref<512x128xf32, #tpu.memory_space<vmem>>, vector<16xf32>,
          %swap3A_393 = arith.index_cast %add3A_307 : i32 to index
          %swap3A_394 = arith.constant 16 : index
          %swap3A_395 = tpu.vector_load %run_scoped3A_4[%swap3A_393, %swap3A_394] {strides = array<i32>} : memref<512x128xf32, #tpu.memory_space<vmem>>, vector<16xf32>,
          tpu.vector_store %run_scoped3A_4[%swap3A_393, %swap3A_394], %get3A_392 {strides = array<i32>} : memref<512x128xf32, #tpu.memory_space<vmem>>, vector<16xf32>,
          %get3A_396 = arith.index_cast %squeeze3A_309 : i32 to index
          %get3A_397 = arith.constant 32 : index
          %get3A_398 = tpu.vector_load %run_scoped3A_4[%get3A_396, %get3A_397] {strides = array<i32>} : memref<512x128xf32, #tpu.memory_space<vmem>>, vector<16xf32>,
          %swap3A_399 = arith.index_cast %add3A_307 : i32 to index
          %swap3A_400 = arith.constant 32 : index
          %swap3A_401 = tpu.vector_load %run_scoped3A_4[%swap3A_399, %swap3A_400] {strides = array<i32>} : memref<512x128xf32, #tpu.memory_space<vmem>>, vector<16xf32>,
          tpu.vector_store %run_scoped3A_4[%swap3A_399, %swap3A_400], %get3A_398 {strides = array<i32>} : memref<512x128xf32, #tpu.memory_space<vmem>>, vector<16xf32>,
          %get3A_402 = arith.index_cast %squeeze3A_309 : i32 to index
          %get3A_403 = arith.constant 48 : index
          %get3A_404 = tpu.vector_load %run_scoped3A_4[%get3A_402, %get3A_403] {strides = array<i32>} : memref<512x128xf32, #tpu.memory_space<vmem>>, vector<16xf32>,
          %swap3A_405 = arith.index_cast %add3A_307 : i32 to index
          %swap3A_406 = arith.constant 48 : index
          %swap3A_407 = tpu.vector_load %run_scoped3A_4[%swap3A_405, %swap3A_406] {strides = array<i32>} : memref<512x128xf32, #tpu.memory_space<vmem>>, vector<16xf32>,
          tpu.vector_store %run_scoped3A_4[%swap3A_405, %swap3A_406], %get3A_404 {strides = array<i32>} : memref<512x128xf32, #tpu.memory_space<vmem>>, vector<16xf32>,
          %get3A_408 = arith.index_cast %squeeze3A_309 : i32 to index
          %get3A_409 = arith.constant 64 : index
          %get3A_410 = tpu.vector_load %run_scoped3A_4[%get3A_408, %get3A_409] {strides = array<i32>} : memref<512x128xf32, #tpu.memory_space<vmem>>, vector<16xf32>,
          %swap3A_411 = arith.index_cast %add3A_307 : i32 to index
          %swap3A_412 = arith.constant 64 : index
          %swap3A_413 = tpu.vector_load %run_scoped3A_4[%swap3A_411, %swap3A_412] {strides = array<i32>} : memref<512x128xf32, #tpu.memory_space<vmem>>, vector<16xf32>,
          tpu.vector_store %run_scoped3A_4[%swap3A_411, %swap3A_412], %get3A_410 {strides = array<i32>} : memref<512x128xf32, #tpu.memory_space<vmem>>, vector<16xf32>,
          %get3A_414 = arith.index_cast %squeeze3A_309 : i32 to index
          %get3A_415 = arith.constant 80 : index
          %get3A_416 = tpu.vector_load %run_scoped3A_4[%get3A_414, %get3A_415] {strides = array<i32>} : memref<512x128xf32, #tpu.memory_space<vmem>>, vector<16xf32>,
          %swap3A_417 = arith.index_cast %add3A_307 : i32 to index
          %swap3A_418 = arith.constant 80 : index
          %swap3A_419 = tpu.vector_load %run_scoped3A_4[%swap3A_417, %swap3A_418] {strides = array<i32>} : memref<512x128xf32, #tpu.memory_space<vmem>>, vector<16xf32>,
          tpu.vector_store %run_scoped3A_4[%swap3A_417, %swap3A_418], %get3A_416 {strides = array<i32>} : memref<512x128xf32, #tpu.memory_space<vmem>>, vector<16xf32>,
          %get3A_420 = arith.index_cast %squeeze3A_309 : i32 to index
          %get3A_421 = arith.constant 96 : index
          %get3A_422 = tpu.vector_load %run_scoped3A_4[%get3A_420, %get3A_421] {strides = array<i32>} : memref<512x128xf32, #tpu.memory_space<vmem>>, vector<16xf32>,
          %swap3A_423 = arith.index_cast %add3A_307 : i32 to index
          %swap3A_424 = arith.constant 96 : index
          %swap3A_425 = tpu.vector_load %run_scoped3A_4[%swap3A_423, %swap3A_424] {strides = array<i32>} : memref<512x128xf32, #tpu.memory_space<vmem>>, vector<16xf32>,
          tpu.vector_store %run_scoped3A_4[%swap3A_423, %swap3A_424], %get3A_422 {strides = array<i32>} : memref<512x128xf32, #tpu.memory_space<vmem>>, vector<16xf32>,
          %get3A_426 = arith.index_cast %squeeze3A_309 : i32 to index
          %get3A_427 = arith.constant 112 : index
          %get3A_428 = tpu.vector_load %run_scoped3A_4[%get3A_426, %get3A_427] {strides = array<i32>} : memref<512x128xf32, #tpu.memory_space<vmem>>, vector<16xf32>,
          %swap3A_429 = arith.index_cast %add3A_307 : i32 to index
          %swap3A_430 = arith.constant 112 : index
          %swap3A_431 = tpu.vector_load %run_scoped3A_4[%swap3A_429, %swap3A_430] {strides = array<i32>} : memref<512x128xf32, #tpu.memory_space<vmem>>, vector<16xf32>,
          tpu.vector_store %run_scoped3A_4[%swap3A_429, %swap3A_430], %get3A_428 {strides = array<i32>} : memref<512x128xf32, #tpu.memory_space<vmem>>, vector<16xf32>,
          %get3A_432 = arith.index_cast %squeeze3A_309 : i32 to index
          %get3A_433 = arith.constant 0 : index
          %get3A_434 = tpu.vector_load %run_scoped3A_5[%get3A_432, %get3A_433] {strides = array<i32>} : memref<512x32xf32, #tpu.memory_space<vmem>>, vector<16xf32>,
          %swap3A_435 = arith.index_cast %add3A_307 : i32 to index
          %swap3A_436 = arith.constant 0 : index
          %swap3A_437 = tpu.vector_load %run_scoped3A_5[%swap3A_435, %swap3A_436] {strides = array<i32>} : memref<512x32xf32, #tpu.memory_space<vmem>>, vector<16xf32>,
          tpu.vector_store %run_scoped3A_5[%swap3A_435, %swap3A_436], %get3A_434 {strides = array<i32>} : memref<512x32xf32, #tpu.memory_space<vmem>>, vector<16xf32>,
          %get3A_438 = arith.index_cast %squeeze3A_309 : i32 to index
          %get3A_439 = arith.constant 16 : index
          %get3A_440 = tpu.vector_load %run_scoped3A_5[%get3A_438, %get3A_439] {strides = array<i32>} : memref<512x32xf32, #tpu.memory_space<vmem>>, vector<16xf32>,
          %swap3A_441 = arith.index_cast %add3A_307 : i32 to index
          %swap3A_442 = arith.constant 16 : index
          %swap3A_443 = tpu.vector_load %run_scoped3A_5[%swap3A_441, %swap3A_442] {strides = array<i32>} : memref<512x32xf32, #tpu.memory_space<vmem>>, vector<16xf32>,
          tpu.vector_store %run_scoped3A_5[%swap3A_441, %swap3A_442], %get3A_440 {strides = array<i32>} : memref<512x32xf32, #tpu.memory_space<vmem>>, vector<16xf32>,
        } else {
        }
        %lt3A_315 = arith.constant 0 : i32
        %lt3A_316 = arith.cmpi slt, %squeeze3A_309, %lt3A_315 : i32
        %convert_element_type3A_317 = arith.extui %lt3A_316 : i1 to i32
        %cond3A_318 = arith.constant 0 : i32
        %cond3A_319 = arith.cmpi ne, %convert_element_type3A_317, %cond3A_318 : i32
        scf.if %cond3A_319 {
          %swap3A_384 = arith.index_cast %add3A_307 : i32 to index
          %swap3A_385 = arith.constant 0 : index
          %swap3A_386 = tpu.vector_load %run_scoped3A_4[%swap3A_384, %swap3A_385] {strides = array<i32>} : memref<512x128xf32, #tpu.memory_space<vmem>>, vector<16xf32>,
          tpu.vector_store %run_scoped3A_4[%swap3A_384, %swap3A_385], %broadcast_in_dim3A_117 {strides = array<i32>} : memref<512x128xf32, #tpu.memory_space<vmem>>, vector<16xf32>,
          %swap3A_387 = arith.index_cast %add3A_307 : i32 to index
          %swap3A_388 = arith.constant 16 : index
          %swap3A_389 = tpu.vector_load %run_scoped3A_4[%swap3A_387, %swap3A_388] {strides = array<i32>} : memref<512x128xf32, #tpu.memory_space<vmem>>, vector<16xf32>,
          tpu.vector_store %run_scoped3A_4[%swap3A_387, %swap3A_388], %broadcast_in_dim3A_117 {strides = array<i32>} : memref<512x128xf32, #tpu.memory_space<vmem>>, vector<16xf32>,
          %swap3A_390 = arith.index_cast %add3A_307 : i32 to index
          %swap3A_391 = arith.constant 32 : index
          %swap3A_392 = tpu.vector_load %run_scoped3A_4[%swap3A_390, %swap3A_391] {strides = array<i32>} : memref<512x128xf32, #tpu.memory_space<vmem>>, vector<16xf32>,
          tpu.vector_store %run_scoped3A_4[%swap3A_390, %swap3A_391], %broadcast_in_dim3A_117 {strides = array<i32>} : memref<512x128xf32, #tpu.memory_space<vmem>>, vector<16xf32>,
          %swap3A_393 = arith.index_cast %add3A_307 : i32 to index
          %swap3A_394 = arith.constant 48 : index
          %swap3A_395 = tpu.vector_load %run_scoped3A_4[%swap3A_393, %swap3A_394] {strides = array<i32>} : memref<512x128xf32, #tpu.memory_space<vmem>>, vector<16xf32>,
          tpu.vector_store %run_scoped3A_4[%swap3A_393, %swap3A_394], %broadcast_in_dim3A_117 {strides = array<i32>} : memref<512x128xf32, #tpu.memory_space<vmem>>, vector<16xf32>,
          %swap3A_396 = arith.index_cast %add3A_307 : i32 to index
          %swap3A_397 = arith.constant 64 : index
          %swap3A_398 = tpu.vector_load %run_scoped3A_4[%swap3A_396, %swap3A_397] {strides = array<i32>} : memref<512x128xf32, #tpu.memory_space<vmem>>, vector<16xf32>,
          tpu.vector_store %run_scoped3A_4[%swap3A_396, %swap3A_397], %broadcast_in_dim3A_117 {strides = array<i32>} : memref<512x128xf32, #tpu.memory_space<vmem>>, vector<16xf32>,
          %swap3A_399 = arith.index_cast %add3A_307 : i32 to index
          %swap3A_400 = arith.constant 80 : index
          %swap3A_401 = tpu.vector_load %run_scoped3A_4[%swap3A_399, %swap3A_400] {strides = array<i32>} : memref<512x128xf32, #tpu.memory_space<vmem>>, vector<16xf32>,
          tpu.vector_store %run_scoped3A_4[%swap3A_399, %swap3A_400], %broadcast_in_dim3A_117 {strides = array<i32>} : memref<512x128xf32, #tpu.memory_space<vmem>>, vector<16xf32>,
          %swap3A_402 = arith.index_cast %add3A_307 : i32 to index
          %swap3A_403 = arith.constant 96 : index
          %swap3A_404 = tpu.vector_load %run_scoped3A_4[%swap3A_402, %swap3A_403] {strides = array<i32>} : memref<512x128xf32, #tpu.memory_space<vmem>>, vector<16xf32>,
          tpu.vector_store %run_scoped3A_4[%swap3A_402, %swap3A_403], %broadcast_in_dim3A_117 {strides = array<i32>} : memref<512x128xf32, #tpu.memory_space<vmem>>, vector<16xf32>,
          %swap3A_405 = arith.index_cast %add3A_307 : i32 to index
          %swap3A_406 = arith.constant 112 : index
          %swap3A_407 = tpu.vector_load %run_scoped3A_4[%swap3A_405, %swap3A_406] {strides = array<i32>} : memref<512x128xf32, #tpu.memory_space<vmem>>, vector<16xf32>,
          tpu.vector_store %run_scoped3A_4[%swap3A_405, %swap3A_406], %broadcast_in_dim3A_117 {strides = array<i32>} : memref<512x128xf32, #tpu.memory_space<vmem>>, vector<16xf32>,
          %swap3A_408 = arith.index_cast %add3A_307 : i32 to index
          %swap3A_409 = arith.constant 0 : index
          %swap3A_410 = tpu.vector_load %run_scoped3A_5[%swap3A_408, %swap3A_409] {strides = array<i32>} : memref<512x32xf32, #tpu.memory_space<vmem>>, vector<16xf32>,
          tpu.vector_store %run_scoped3A_5[%swap3A_408, %swap3A_409], %broadcast_in_dim3A_117 {strides = array<i32>} : memref<512x32xf32, #tpu.memory_space<vmem>>, vector<16xf32>,
          %swap3A_411 = arith.index_cast %add3A_307 : i32 to index
          %swap3A_412 = arith.constant 16 : index
          %swap3A_413 = tpu.vector_load %run_scoped3A_5[%swap3A_411, %swap3A_412] {strides = array<i32>} : memref<512x32xf32, #tpu.memory_space<vmem>>, vector<16xf32>,
          tpu.vector_store %run_scoped3A_5[%swap3A_411, %swap3A_412], %broadcast_in_dim3A_117 {strides = array<i32>} : memref<512x32xf32, #tpu.memory_space<vmem>>, vector<16xf32>,
        } else {
        }
        %mul3A_320 = arith.constant 16 : i32
        %mul3A_321 = arith.muli %sub3A_126, %mul3A_320 : i32
        %add3A_322 = arith.constant 3 : i32
        %add3A_323 = arith.addi %mul3A_321, %add3A_322 : i32
        %slice3A_324 = vector.extract_strided_slice %get3A_129 {offsets = [3], sizes = [1], strides = [1]} : vector<16xi32> to vector<1xi32>
        %squeeze3A_325 = vector.extract %slice3A_324[0] : i32 from vector<1xi32>
        %ge3A_326 = arith.constant 0 : i32
        %ge3A_327 = arith.cmpi sge, %squeeze3A_325, %ge3A_326 : i32
        %convert_element_type3A_328 = arith.extui %ge3A_327 : i1 to i32
        %cond3A_329 = arith.constant 0 : i32
        %cond3A_330 = arith.cmpi ne, %convert_element_type3A_328, %cond3A_329 : i32
        scf.if %cond3A_330 {
          %get3A_384 = arith.index_cast %squeeze3A_325 : i32 to index
          %get3A_385 = arith.constant 0 : index
          %get3A_386 = tpu.vector_load %run_scoped3A_4[%get3A_384, %get3A_385] {strides = array<i32>} : memref<512x128xf32, #tpu.memory_space<vmem>>, vector<16xf32>,
          %swap3A_387 = arith.index_cast %add3A_323 : i32 to index
          %swap3A_388 = arith.constant 0 : index
          %swap3A_389 = tpu.vector_load %run_scoped3A_4[%swap3A_387, %swap3A_388] {strides = array<i32>} : memref<512x128xf32, #tpu.memory_space<vmem>>, vector<16xf32>,
          tpu.vector_store %run_scoped3A_4[%swap3A_387, %swap3A_388], %get3A_386 {strides = array<i32>} : memref<512x128xf32, #tpu.memory_space<vmem>>, vector<16xf32>,
          %get3A_390 = arith.index_cast %squeeze3A_325 : i32 to index
          %get3A_391 = arith.constant 16 : index
          %get3A_392 = tpu.vector_load %run_scoped3A_4[%get3A_390, %get3A_391] {strides = array<i32>} : memref<512x128xf32, #tpu.memory_space<vmem>>, vector<16xf32>,
          %swap3A_393 = arith.index_cast %add3A_323 : i32 to index
          %swap3A_394 = arith.constant 16 : index
          %swap3A_395 = tpu.vector_load %run_scoped3A_4[%swap3A_393, %swap3A_394] {strides = array<i32>} : memref<512x128xf32, #tpu.memory_space<vmem>>, vector<16xf32>,
          tpu.vector_store %run_scoped3A_4[%swap3A_393, %swap3A_394], %get3A_392 {strides = array<i32>} : memref<512x128xf32, #tpu.memory_space<vmem>>, vector<16xf32>,
          %get3A_396 = arith.index_cast %squeeze3A_325 : i32 to index
          %get3A_397 = arith.constant 32 : index
          %get3A_398 = tpu.vector_load %run_scoped3A_4[%get3A_396, %get3A_397] {strides = array<i32>} : memref<512x128xf32, #tpu.memory_space<vmem>>, vector<16xf32>,
          %swap3A_399 = arith.index_cast %add3A_323 : i32 to index
          %swap3A_400 = arith.constant 32 : index
          %swap3A_401 = tpu.vector_load %run_scoped3A_4[%swap3A_399, %swap3A_400] {strides = array<i32>} : memref<512x128xf32, #tpu.memory_space<vmem>>, vector<16xf32>,
          tpu.vector_store %run_scoped3A_4[%swap3A_399, %swap3A_400], %get3A_398 {strides = array<i32>} : memref<512x128xf32, #tpu.memory_space<vmem>>, vector<16xf32>,
          %get3A_402 = arith.index_cast %squeeze3A_325 : i32 to index
          %get3A_403 = arith.constant 48 : index
          %get3A_404 = tpu.vector_load %run_scoped3A_4[%get3A_402, %get3A_403] {strides = array<i32>} : memref<512x128xf32, #tpu.memory_space<vmem>>, vector<16xf32>,
          %swap3A_405 = arith.index_cast %add3A_323 : i32 to index
          %swap3A_406 = arith.constant 48 : index
          %swap3A_407 = tpu.vector_load %run_scoped3A_4[%swap3A_405, %swap3A_406] {strides = array<i32>} : memref<512x128xf32, #tpu.memory_space<vmem>>, vector<16xf32>,
          tpu.vector_store %run_scoped3A_4[%swap3A_405, %swap3A_406], %get3A_404 {strides = array<i32>} : memref<512x128xf32, #tpu.memory_space<vmem>>, vector<16xf32>,
          %get3A_408 = arith.index_cast %squeeze3A_325 : i32 to index
          %get3A_409 = arith.constant 64 : index
          %get3A_410 = tpu.vector_load %run_scoped3A_4[%get3A_408, %get3A_409] {strides = array<i32>} : memref<512x128xf32, #tpu.memory_space<vmem>>, vector<16xf32>,
          %swap3A_411 = arith.index_cast %add3A_323 : i32 to index
          %swap3A_412 = arith.constant 64 : index
          %swap3A_413 = tpu.vector_load %run_scoped3A_4[%swap3A_411, %swap3A_412] {strides = array<i32>} : memref<512x128xf32, #tpu.memory_space<vmem>>, vector<16xf32>,
          tpu.vector_store %run_scoped3A_4[%swap3A_411, %swap3A_412], %get3A_410 {strides = array<i32>} : memref<512x128xf32, #tpu.memory_space<vmem>>, vector<16xf32>,
          %get3A_414 = arith.index_cast %squeeze3A_325 : i32 to index
          %get3A_415 = arith.constant 80 : index
          %get3A_416 = tpu.vector_load %run_scoped3A_4[%get3A_414, %get3A_415] {strides = array<i32>} : memref<512x128xf32, #tpu.memory_space<vmem>>, vector<16xf32>,
          %swap3A_417 = arith.index_cast %add3A_323 : i32 to index
          %swap3A_418 = arith.constant 80 : index
          %swap3A_419 = tpu.vector_load %run_scoped3A_4[%swap3A_417, %swap3A_418] {strides = array<i32>} : memref<512x128xf32, #tpu.memory_space<vmem>>, vector<16xf32>,
          tpu.vector_store %run_scoped3A_4[%swap3A_417, %swap3A_418], %get3A_416 {strides = array<i32>} : memref<512x128xf32, #tpu.memory_space<vmem>>, vector<16xf32>,
          %get3A_420 = arith.index_cast %squeeze3A_325 : i32 to index
          %get3A_421 = arith.constant 96 : index
          %get3A_422 = tpu.vector_load %run_scoped3A_4[%get3A_420, %get3A_421] {strides = array<i32>} : memref<512x128xf32, #tpu.memory_space<vmem>>, vector<16xf32>,
          %swap3A_423 = arith.index_cast %add3A_323 : i32 to index
          %swap3A_424 = arith.constant 96 : index
          %swap3A_425 = tpu.vector_load %run_scoped3A_4[%swap3A_423, %swap3A_424] {strides = array<i32>} : memref<512x128xf32, #tpu.memory_space<vmem>>, vector<16xf32>,
          tpu.vector_store %run_scoped3A_4[%swap3A_423, %swap3A_424], %get3A_422 {strides = array<i32>} : memref<512x128xf32, #tpu.memory_space<vmem>>, vector<16xf32>,
          %get3A_426 = arith.index_cast %squeeze3A_325 : i32 to index
          %get3A_427 = arith.constant 112 : index
          %get3A_428 = tpu.vector_load %run_scoped3A_4[%get3A_426, %get3A_427] {strides = array<i32>} : memref<512x128xf32, #tpu.memory_space<vmem>>, vector<16xf32>,
          %swap3A_429 = arith.index_cast %add3A_323 : i32 to index
          %swap3A_430 = arith.constant 112 : index
          %swap3A_431 = tpu.vector_load %run_scoped3A_4[%swap3A_429, %swap3A_430] {strides = array<i32>} : memref<512x128xf32, #tpu.memory_space<vmem>>, vector<16xf32>,
          tpu.vector_store %run_scoped3A_4[%swap3A_429, %swap3A_430], %get3A_428 {strides = array<i32>} : memref<512x128xf32, #tpu.memory_space<vmem>>, vector<16xf32>,
          %get3A_432 = arith.index_cast %squeeze3A_325 : i32 to index
          %get3A_433 = arith.constant 0 : index
          %get3A_434 = tpu.vector_load %run_scoped3A_5[%get3A_432, %get3A_433] {strides = array<i32>} : memref<512x32xf32, #tpu.memory_space<vmem>>, vector<16xf32>,
          %swap3A_435 = arith.index_cast %add3A_323 : i32 to index
          %swap3A_436 = arith.constant 0 : index
          %swap3A_437 = tpu.vector_load %run_scoped3A_5[%swap3A_435, %swap3A_436] {strides = array<i32>} : memref<512x32xf32, #tpu.memory_space<vmem>>, vector<16xf32>,
          tpu.vector_store %run_scoped3A_5[%swap3A_435, %swap3A_436], %get3A_434 {strides = array<i32>} : memref<512x32xf32, #tpu.memory_space<vmem>>, vector<16xf32>,
          %get3A_438 = arith.index_cast %squeeze3A_325 : i32 to index
          %get3A_439 = arith.constant 16 : index
          %get3A_440 = tpu.vector_load %run_scoped3A_5[%get3A_438, %get3A_439] {strides = array<i32>} : memref<512x32xf32, #tpu.memory_space<vmem>>, vector<16xf32>,
          %swap3A_441 = arith.index_cast %add3A_323 : i32 to index
          %swap3A_442 = arith.constant 16 : index
          %swap3A_443 = tpu.vector_load %run_scoped3A_5[%swap3A_441, %swap3A_442] {strides = array<i32>} : memref<512x32xf32, #tpu.memory_space<vmem>>, vector<16xf32>,
          tpu.vector_store %run_scoped3A_5[%swap3A_441, %swap3A_442], %get3A_440 {strides = array<i32>} : memref<512x32xf32, #tpu.memory_space<vmem>>, vector<16xf32>,
        } else {
        }
        %lt3A_331 = arith.constant 0 : i32
        %lt3A_332 = arith.cmpi slt, %squeeze3A_325, %lt3A_331 : i32
        %convert_element_type3A_333 = arith.extui %lt3A_332 : i1 to i32
        %cond3A_334 = arith.constant 0 : i32
        %cond3A_335 = arith.cmpi ne, %convert_element_type3A_333, %cond3A_334 : i32
        scf.if %cond3A_335 {
          %swap3A_384 = arith.index_cast %add3A_323 : i32 to index
          %swap3A_385 = arith.constant 0 : index
          %swap3A_386 = tpu.vector_load %run_scoped3A_4[%swap3A_384, %swap3A_385] {strides = array<i32>} : memref<512x128xf32, #tpu.memory_space<vmem>>, vector<16xf32>,
          tpu.vector_store %run_scoped3A_4[%swap3A_384, %swap3A_385], %broadcast_in_dim3A_117 {strides = array<i32>} : memref<512x128xf32, #tpu.memory_space<vmem>>, vector<16xf32>,
          %swap3A_387 = arith.index_cast %add3A_323 : i32 to index
          %swap3A_388 = arith.constant 16 : index
          %swap3A_389 = tpu.vector_load %run_scoped3A_4[%swap3A_387, %swap3A_388] {strides = array<i32>} : memref<512x128xf32, #tpu.memory_space<vmem>>, vector<16xf32>,
          tpu.vector_store %run_scoped3A_4[%swap3A_387, %swap3A_388], %broadcast_in_dim3A_117 {strides = array<i32>} : memref<512x128xf32, #tpu.memory_space<vmem>>, vector<16xf32>,
          %swap3A_390 = arith.index_cast %add3A_323 : i32 to index
          %swap3A_391 = arith.constant 32 : index
          %swap3A_392 = tpu.vector_load %run_scoped3A_4[%swap3A_390, %swap3A_391] {strides = array<i32>} : memref<512x128xf32, #tpu.memory_space<vmem>>, vector<16xf32>,
          tpu.vector_store %run_scoped3A_4[%swap3A_390, %swap3A_391], %broadcast_in_dim3A_117 {strides = array<i32>} : memref<512x128xf32, #tpu.memory_space<vmem>>, vector<16xf32>,
          %swap3A_393 = arith.index_cast %add3A_323 : i32 to index
          %swap3A_394 = arith.constant 48 : index
          %swap3A_395 = tpu.vector_load %run_scoped3A_4[%swap3A_393, %swap3A_394] {strides = array<i32>} : memref<512x128xf32, #tpu.memory_space<vmem>>, vector<16xf32>,
          tpu.vector_store %run_scoped3A_4[%swap3A_393, %swap3A_394], %broadcast_in_dim3A_117 {strides = array<i32>} : memref<512x128xf32, #tpu.memory_space<vmem>>, vector<16xf32>,
          %swap3A_396 = arith.index_cast %add3A_323 : i32 to index
          %swap3A_397 = arith.constant 64 : index
          %swap3A_398 = tpu.vector_load %run_scoped3A_4[%swap3A_396, %swap3A_397] {strides = array<i32>} : memref<512x128xf32, #tpu.memory_space<vmem>>, vector<16xf32>,
          tpu.vector_store %run_scoped3A_4[%swap3A_396, %swap3A_397], %broadcast_in_dim3A_117 {strides = array<i32>} : memref<512x128xf32, #tpu.memory_space<vmem>>, vector<16xf32>,
          %swap3A_399 = arith.index_cast %add3A_323 : i32 to index
          %swap3A_400 = arith.constant 80 : index
          %swap3A_401 = tpu.vector_load %run_scoped3A_4[%swap3A_399, %swap3A_400] {strides = array<i32>} : memref<512x128xf32, #tpu.memory_space<vmem>>, vector<16xf32>,
          tpu.vector_store %run_scoped3A_4[%swap3A_399, %swap3A_400], %broadcast_in_dim3A_117 {strides = array<i32>} : memref<512x128xf32, #tpu.memory_space<vmem>>, vector<16xf32>,
          %swap3A_402 = arith.index_cast %add3A_323 : i32 to index
          %swap3A_403 = arith.constant 96 : index
          %swap3A_404 = tpu.vector_load %run_scoped3A_4[%swap3A_402, %swap3A_403] {strides = array<i32>} : memref<512x128xf32, #tpu.memory_space<vmem>>, vector<16xf32>,
          tpu.vector_store %run_scoped3A_4[%swap3A_402, %swap3A_403], %broadcast_in_dim3A_117 {strides = array<i32>} : memref<512x128xf32, #tpu.memory_space<vmem>>, vector<16xf32>,
          %swap3A_405 = arith.index_cast %add3A_323 : i32 to index
          %swap3A_406 = arith.constant 112 : index
          %swap3A_407 = tpu.vector_load %run_scoped3A_4[%swap3A_405, %swap3A_406] {strides = array<i32>} : memref<512x128xf32, #tpu.memory_space<vmem>>, vector<16xf32>,
          tpu.vector_store %run_scoped3A_4[%swap3A_405, %swap3A_406], %broadcast_in_dim3A_117 {strides = array<i32>} : memref<512x128xf32, #tpu.memory_space<vmem>>, vector<16xf32>,
          %swap3A_408 = arith.index_cast %add3A_323 : i32 to index
          %swap3A_409 = arith.constant 0 : index
          %swap3A_410 = tpu.vector_load %run_scoped3A_5[%swap3A_408, %swap3A_409] {strides = array<i32>} : memref<512x32xf32, #tpu.memory_space<vmem>>, vector<16xf32>,
          tpu.vector_store %run_scoped3A_5[%swap3A_408, %swap3A_409], %broadcast_in_dim3A_117 {strides = array<i32>} : memref<512x32xf32, #tpu.memory_space<vmem>>, vector<16xf32>,
          %swap3A_411 = arith.index_cast %add3A_323 : i32 to index
          %swap3A_412 = arith.constant 16 : index
          %swap3A_413 = tpu.vector_load %run_scoped3A_5[%swap3A_411, %swap3A_412] {strides = array<i32>} : memref<512x32xf32, #tpu.memory_space<vmem>>, vector<16xf32>,
          tpu.vector_store %run_scoped3A_5[%swap3A_411, %swap3A_412], %broadcast_in_dim3A_117 {strides = array<i32>} : memref<512x32xf32, #tpu.memory_space<vmem>>, vector<16xf32>,
        } else {
        }
        %mul3A_336 = arith.constant 16 : i32
        %mul3A_337 = arith.muli %sub3A_126, %mul3A_336 : i32
        %add3A_338 = arith.constant 2 : i32
        %add3A_339 = arith.addi %mul3A_337, %add3A_338 : i32
        %slice3A_340 = vector.extract_strided_slice %get3A_129 {offsets = [2], sizes = [1], strides = [1]} : vector<16xi32> to vector<1xi32>
        %squeeze3A_341 = vector.extract %slice3A_340[0] : i32 from vector<1xi32>
        %ge3A_342 = arith.constant 0 : i32
        %ge3A_343 = arith.cmpi sge, %squeeze3A_341, %ge3A_342 : i32
        %convert_element_type3A_344 = arith.extui %ge3A_343 : i1 to i32
        %cond3A_345 = arith.constant 0 : i32
        %cond3A_346 = arith.cmpi ne, %convert_element_type3A_344, %cond3A_345 : i32
        scf.if %cond3A_346 {
          %get3A_384 = arith.index_cast %squeeze3A_341 : i32 to index
          %get3A_385 = arith.constant 0 : index
          %get3A_386 = tpu.vector_load %run_scoped3A_4[%get3A_384, %get3A_385] {strides = array<i32>} : memref<512x128xf32, #tpu.memory_space<vmem>>, vector<16xf32>,
          %swap3A_387 = arith.index_cast %add3A_339 : i32 to index
          %swap3A_388 = arith.constant 0 : index
          %swap3A_389 = tpu.vector_load %run_scoped3A_4[%swap3A_387, %swap3A_388] {strides = array<i32>} : memref<512x128xf32, #tpu.memory_space<vmem>>, vector<16xf32>,
          tpu.vector_store %run_scoped3A_4[%swap3A_387, %swap3A_388], %get3A_386 {strides = array<i32>} : memref<512x128xf32, #tpu.memory_space<vmem>>, vector<16xf32>,
          %get3A_390 = arith.index_cast %squeeze3A_341 : i32 to index
          %get3A_391 = arith.constant 16 : index
          %get3A_392 = tpu.vector_load %run_scoped3A_4[%get3A_390, %get3A_391] {strides = array<i32>} : memref<512x128xf32, #tpu.memory_space<vmem>>, vector<16xf32>,
          %swap3A_393 = arith.index_cast %add3A_339 : i32 to index
          %swap3A_394 = arith.constant 16 : index
          %swap3A_395 = tpu.vector_load %run_scoped3A_4[%swap3A_393, %swap3A_394] {strides = array<i32>} : memref<512x128xf32, #tpu.memory_space<vmem>>, vector<16xf32>,
          tpu.vector_store %run_scoped3A_4[%swap3A_393, %swap3A_394], %get3A_392 {strides = array<i32>} : memref<512x128xf32, #tpu.memory_space<vmem>>, vector<16xf32>,
          %get3A_396 = arith.index_cast %squeeze3A_341 : i32 to index
          %get3A_397 = arith.constant 32 : index
          %get3A_398 = tpu.vector_load %run_scoped3A_4[%get3A_396, %get3A_397] {strides = array<i32>} : memref<512x128xf32, #tpu.memory_space<vmem>>, vector<16xf32>,
          %swap3A_399 = arith.index_cast %add3A_339 : i32 to index
          %swap3A_400 = arith.constant 32 : index
          %swap3A_401 = tpu.vector_load %run_scoped3A_4[%swap3A_399, %swap3A_400] {strides = array<i32>} : memref<512x128xf32, #tpu.memory_space<vmem>>, vector<16xf32>,
          tpu.vector_store %run_scoped3A_4[%swap3A_399, %swap3A_400], %get3A_398 {strides = array<i32>} : memref<512x128xf32, #tpu.memory_space<vmem>>, vector<16xf32>,
          %get3A_402 = arith.index_cast %squeeze3A_341 : i32 to index
          %get3A_403 = arith.constant 48 : index
          %get3A_404 = tpu.vector_load %run_scoped3A_4[%get3A_402, %get3A_403] {strides = array<i32>} : memref<512x128xf32, #tpu.memory_space<vmem>>, vector<16xf32>,
          %swap3A_405 = arith.index_cast %add3A_339 : i32 to index
          %swap3A_406 = arith.constant 48 : index
          %swap3A_407 = tpu.vector_load %run_scoped3A_4[%swap3A_405, %swap3A_406] {strides = array<i32>} : memref<512x128xf32, #tpu.memory_space<vmem>>, vector<16xf32>,
          tpu.vector_store %run_scoped3A_4[%swap3A_405, %swap3A_406], %get3A_404 {strides = array<i32>} : memref<512x128xf32, #tpu.memory_space<vmem>>, vector<16xf32>,
          %get3A_408 = arith.index_cast %squeeze3A_341 : i32 to index
          %get3A_409 = arith.constant 64 : index
          %get3A_410 = tpu.vector_load %run_scoped3A_4[%get3A_408, %get3A_409] {strides = array<i32>} : memref<512x128xf32, #tpu.memory_space<vmem>>, vector<16xf32>,
          %swap3A_411 = arith.index_cast %add3A_339 : i32 to index
          %swap3A_412 = arith.constant 64 : index
          %swap3A_413 = tpu.vector_load %run_scoped3A_4[%swap3A_411, %swap3A_412] {strides = array<i32>} : memref<512x128xf32, #tpu.memory_space<vmem>>, vector<16xf32>,
          tpu.vector_store %run_scoped3A_4[%swap3A_411, %swap3A_412], %get3A_410 {strides = array<i32>} : memref<512x128xf32, #tpu.memory_space<vmem>>, vector<16xf32>,
          %get3A_414 = arith.index_cast %squeeze3A_341 : i32 to index
          %get3A_415 = arith.constant 80 : index
          %get3A_416 = tpu.vector_load %run_scoped3A_4[%get3A_414, %get3A_415] {strides = array<i32>} : memref<512x128xf32, #tpu.memory_space<vmem>>, vector<16xf32>,
          %swap3A_417 = arith.index_cast %add3A_339 : i32 to index
          %swap3A_418 = arith.constant 80 : index
          %swap3A_419 = tpu.vector_load %run_scoped3A_4[%swap3A_417, %swap3A_418] {strides = array<i32>} : memref<512x128xf32, #tpu.memory_space<vmem>>, vector<16xf32>,
          tpu.vector_store %run_scoped3A_4[%swap3A_417, %swap3A_418], %get3A_416 {strides = array<i32>} : memref<512x128xf32, #tpu.memory_space<vmem>>, vector<16xf32>,
          %get3A_420 = arith.index_cast %squeeze3A_341 : i32 to index
          %get3A_421 = arith.constant 96 : index
          %get3A_422 = tpu.vector_load %run_scoped3A_4[%get3A_420, %get3A_421] {strides = array<i32>} : memref<512x128xf32, #tpu.memory_space<vmem>>, vector<16xf32>,
          %swap3A_423 = arith.index_cast %add3A_339 : i32 to index
          %swap3A_424 = arith.constant 96 : index
          %swap3A_425 = tpu.vector_load %run_scoped3A_4[%swap3A_423, %swap3A_424] {strides = array<i32>} : memref<512x128xf32, #tpu.memory_space<vmem>>, vector<16xf32>,
          tpu.vector_store %run_scoped3A_4[%swap3A_423, %swap3A_424], %get3A_422 {strides = array<i32>} : memref<512x128xf32, #tpu.memory_space<vmem>>, vector<16xf32>,
          %get3A_426 = arith.index_cast %squeeze3A_341 : i32 to index
          %get3A_427 = arith.constant 112 : index
          %get3A_428 = tpu.vector_load %run_scoped3A_4[%get3A_426, %get3A_427] {strides = array<i32>} : memref<512x128xf32, #tpu.memory_space<vmem>>, vector<16xf32>,
          %swap3A_429 = arith.index_cast %add3A_339 : i32 to index
          %swap3A_430 = arith.constant 112 : index
          %swap3A_431 = tpu.vector_load %run_scoped3A_4[%swap3A_429, %swap3A_430] {strides = array<i32>} : memref<512x128xf32, #tpu.memory_space<vmem>>, vector<16xf32>,
          tpu.vector_store %run_scoped3A_4[%swap3A_429, %swap3A_430], %get3A_428 {strides = array<i32>} : memref<512x128xf32, #tpu.memory_space<vmem>>, vector<16xf32>,
          %get3A_432 = arith.index_cast %squeeze3A_341 : i32 to index
          %get3A_433 = arith.constant 0 : index
          %get3A_434 = tpu.vector_load %run_scoped3A_5[%get3A_432, %get3A_433] {strides = array<i32>} : memref<512x32xf32, #tpu.memory_space<vmem>>, vector<16xf32>,
          %swap3A_435 = arith.index_cast %add3A_339 : i32 to index
          %swap3A_436 = arith.constant 0 : index
          %swap3A_437 = tpu.vector_load %run_scoped3A_5[%swap3A_435, %swap3A_436] {strides = array<i32>} : memref<512x32xf32, #tpu.memory_space<vmem>>, vector<16xf32>,
          tpu.vector_store %run_scoped3A_5[%swap3A_435, %swap3A_436], %get3A_434 {strides = array<i32>} : memref<512x32xf32, #tpu.memory_space<vmem>>, vector<16xf32>,
          %get3A_438 = arith.index_cast %squeeze3A_341 : i32 to index
          %get3A_439 = arith.constant 16 : index
          %get3A_440 = tpu.vector_load %run_scoped3A_5[%get3A_438, %get3A_439] {strides = array<i32>} : memref<512x32xf32, #tpu.memory_space<vmem>>, vector<16xf32>,
          %swap3A_441 = arith.index_cast %add3A_339 : i32 to index
          %swap3A_442 = arith.constant 16 : index
          %swap3A_443 = tpu.vector_load %run_scoped3A_5[%swap3A_441, %swap3A_442] {strides = array<i32>} : memref<512x32xf32, #tpu.memory_space<vmem>>, vector<16xf32>,
          tpu.vector_store %run_scoped3A_5[%swap3A_441, %swap3A_442], %get3A_440 {strides = array<i32>} : memref<512x32xf32, #tpu.memory_space<vmem>>, vector<16xf32>,
        } else {
        }
        %lt3A_347 = arith.constant 0 : i32
        %lt3A_348 = arith.cmpi slt, %squeeze3A_341, %lt3A_347 : i32
        %convert_element_type3A_349 = arith.extui %lt3A_348 : i1 to i32
        %cond3A_350 = arith.constant 0 : i32
        %cond3A_351 = arith.cmpi ne, %convert_element_type3A_349, %cond3A_350 : i32
        scf.if %cond3A_351 {
          %swap3A_384 = arith.index_cast %add3A_339 : i32 to index
          %swap3A_385 = arith.constant 0 : index
          %swap3A_386 = tpu.vector_load %run_scoped3A_4[%swap3A_384, %swap3A_385] {strides = array<i32>} : memref<512x128xf32, #tpu.memory_space<vmem>>, vector<16xf32>,
          tpu.vector_store %run_scoped3A_4[%swap3A_384, %swap3A_385], %broadcast_in_dim3A_117 {strides = array<i32>} : memref<512x128xf32, #tpu.memory_space<vmem>>, vector<16xf32>,
          %swap3A_387 = arith.index_cast %add3A_339 : i32 to index
          %swap3A_388 = arith.constant 16 : index
          %swap3A_389 = tpu.vector_load %run_scoped3A_4[%swap3A_387, %swap3A_388] {strides = array<i32>} : memref<512x128xf32, #tpu.memory_space<vmem>>, vector<16xf32>,
          tpu.vector_store %run_scoped3A_4[%swap3A_387, %swap3A_388], %broadcast_in_dim3A_117 {strides = array<i32>} : memref<512x128xf32, #tpu.memory_space<vmem>>, vector<16xf32>,
          %swap3A_390 = arith.index_cast %add3A_339 : i32 to index
          %swap3A_391 = arith.constant 32 : index
          %swap3A_392 = tpu.vector_load %run_scoped3A_4[%swap3A_390, %swap3A_391] {strides = array<i32>} : memref<512x128xf32, #tpu.memory_space<vmem>>, vector<16xf32>,
          tpu.vector_store %run_scoped3A_4[%swap3A_390, %swap3A_391], %broadcast_in_dim3A_117 {strides = array<i32>} : memref<512x128xf32, #tpu.memory_space<vmem>>, vector<16xf32>,
          %swap3A_393 = arith.index_cast %add3A_339 : i32 to index
          %swap3A_394 = arith.constant 48 : index
          %swap3A_395 = tpu.vector_load %run_scoped3A_4[%swap3A_393, %swap3A_394] {strides = array<i32>} : memref<512x128xf32, #tpu.memory_space<vmem>>, vector<16xf32>,
          tpu.vector_store %run_scoped3A_4[%swap3A_393, %swap3A_394], %broadcast_in_dim3A_117 {strides = array<i32>} : memref<512x128xf32, #tpu.memory_space<vmem>>, vector<16xf32>,
          %swap3A_396 = arith.index_cast %add3A_339 : i32 to index
          %swap3A_397 = arith.constant 64 : index
          %swap3A_398 = tpu.vector_load %run_scoped3A_4[%swap3A_396, %swap3A_397] {strides = array<i32>} : memref<512x128xf32, #tpu.memory_space<vmem>>, vector<16xf32>,
          tpu.vector_store %run_scoped3A_4[%swap3A_396, %swap3A_397], %broadcast_in_dim3A_117 {strides = array<i32>} : memref<512x128xf32, #tpu.memory_space<vmem>>, vector<16xf32>,
          %swap3A_399 = arith.index_cast %add3A_339 : i32 to index
          %swap3A_400 = arith.constant 80 : index
          %swap3A_401 = tpu.vector_load %run_scoped3A_4[%swap3A_399, %swap3A_400] {strides = array<i32>} : memref<512x128xf32, #tpu.memory_space<vmem>>, vector<16xf32>,
          tpu.vector_store %run_scoped3A_4[%swap3A_399, %swap3A_400], %broadcast_in_dim3A_117 {strides = array<i32>} : memref<512x128xf32, #tpu.memory_space<vmem>>, vector<16xf32>,
          %swap3A_402 = arith.index_cast %add3A_339 : i32 to index
          %swap3A_403 = arith.constant 96 : index
          %swap3A_404 = tpu.vector_load %run_scoped3A_4[%swap3A_402, %swap3A_403] {strides = array<i32>} : memref<512x128xf32, #tpu.memory_space<vmem>>, vector<16xf32>,
          tpu.vector_store %run_scoped3A_4[%swap3A_402, %swap3A_403], %broadcast_in_dim3A_117 {strides = array<i32>} : memref<512x128xf32, #tpu.memory_space<vmem>>, vector<16xf32>,
          %swap3A_405 = arith.index_cast %add3A_339 : i32 to index
          %swap3A_406 = arith.constant 112 : index
          %swap3A_407 = tpu.vector_load %run_scoped3A_4[%swap3A_405, %swap3A_406] {strides = array<i32>} : memref<512x128xf32, #tpu.memory_space<vmem>>, vector<16xf32>,
          tpu.vector_store %run_scoped3A_4[%swap3A_405, %swap3A_406], %broadcast_in_dim3A_117 {strides = array<i32>} : memref<512x128xf32, #tpu.memory_space<vmem>>, vector<16xf32>,
          %swap3A_408 = arith.index_cast %add3A_339 : i32 to index
          %swap3A_409 = arith.constant 0 : index
          %swap3A_410 = tpu.vector_load %run_scoped3A_5[%swap3A_408, %swap3A_409] {strides = array<i32>} : memref<512x32xf32, #tpu.memory_space<vmem>>, vector<16xf32>,
          tpu.vector_store %run_scoped3A_5[%swap3A_408, %swap3A_409], %broadcast_in_dim3A_117 {strides = array<i32>} : memref<512x32xf32, #tpu.memory_space<vmem>>, vector<16xf32>,
          %swap3A_411 = arith.index_cast %add3A_339 : i32 to index
          %swap3A_412 = arith.constant 16 : index
          %swap3A_413 = tpu.vector_load %run_scoped3A_5[%swap3A_411, %swap3A_412] {strides = array<i32>} : memref<512x32xf32, #tpu.memory_space<vmem>>, vector<16xf32>,
          tpu.vector_store %run_scoped3A_5[%swap3A_411, %swap3A_412], %broadcast_in_dim3A_117 {strides = array<i32>} : memref<512x32xf32, #tpu.memory_space<vmem>>, vector<16xf32>,
        } else {
        }
        %mul3A_352 = arith.constant 16 : i32
        %mul3A_353 = arith.muli %sub3A_126, %mul3A_352 : i32
        %add3A_354 = arith.constant 1 : i32
        %add3A_355 = arith.addi %mul3A_353, %add3A_354 : i32
        %slice3A_356 = vector.extract_strided_slice %get3A_129 {offsets = [1], sizes = [1], strides = [1]} : vector<16xi32> to vector<1xi32>
        %squeeze3A_357 = vector.extract %slice3A_356[0] : i32 from vector<1xi32>
        %ge3A_358 = arith.constant 0 : i32
        %ge3A_359 = arith.cmpi sge, %squeeze3A_357, %ge3A_358 : i32
        %convert_element_type3A_360 = arith.extui %ge3A_359 : i1 to i32
        %cond3A_361 = arith.constant 0 : i32
        %cond3A_362 = arith.cmpi ne, %convert_element_type3A_360, %cond3A_361 : i32
        scf.if %cond3A_362 {
          %get3A_384 = arith.index_cast %squeeze3A_357 : i32 to index
          %get3A_385 = arith.constant 0 : index
          %get3A_386 = tpu.vector_load %run_scoped3A_4[%get3A_384, %get3A_385] {strides = array<i32>} : memref<512x128xf32, #tpu.memory_space<vmem>>, vector<16xf32>,
          %swap3A_387 = arith.index_cast %add3A_355 : i32 to index
          %swap3A_388 = arith.constant 0 : index
          %swap3A_389 = tpu.vector_load %run_scoped3A_4[%swap3A_387, %swap3A_388] {strides = array<i32>} : memref<512x128xf32, #tpu.memory_space<vmem>>, vector<16xf32>,
          tpu.vector_store %run_scoped3A_4[%swap3A_387, %swap3A_388], %get3A_386 {strides = array<i32>} : memref<512x128xf32, #tpu.memory_space<vmem>>, vector<16xf32>,
          %get3A_390 = arith.index_cast %squeeze3A_357 : i32 to index
          %get3A_391 = arith.constant 16 : index
          %get3A_392 = tpu.vector_load %run_scoped3A_4[%get3A_390, %get3A_391] {strides = array<i32>} : memref<512x128xf32, #tpu.memory_space<vmem>>, vector<16xf32>,
          %swap3A_393 = arith.index_cast %add3A_355 : i32 to index
          %swap3A_394 = arith.constant 16 : index
          %swap3A_395 = tpu.vector_load %run_scoped3A_4[%swap3A_393, %swap3A_394] {strides = array<i32>} : memref<512x128xf32, #tpu.memory_space<vmem>>, vector<16xf32>,
          tpu.vector_store %run_scoped3A_4[%swap3A_393, %swap3A_394], %get3A_392 {strides = array<i32>} : memref<512x128xf32, #tpu.memory_space<vmem>>, vector<16xf32>,
          %get3A_396 = arith.index_cast %squeeze3A_357 : i32 to index
          %get3A_397 = arith.constant 32 : index
          %get3A_398 = tpu.vector_load %run_scoped3A_4[%get3A_396, %get3A_397] {strides = array<i32>} : memref<512x128xf32, #tpu.memory_space<vmem>>, vector<16xf32>,
          %swap3A_399 = arith.index_cast %add3A_355 : i32 to index
          %swap3A_400 = arith.constant 32 : index
          %swap3A_401 = tpu.vector_load %run_scoped3A_4[%swap3A_399, %swap3A_400] {strides = array<i32>} : memref<512x128xf32, #tpu.memory_space<vmem>>, vector<16xf32>,
          tpu.vector_store %run_scoped3A_4[%swap3A_399, %swap3A_400], %get3A_398 {strides = array<i32>} : memref<512x128xf32, #tpu.memory_space<vmem>>, vector<16xf32>,
          %get3A_402 = arith.index_cast %squeeze3A_357 : i32 to index
          %get3A_403 = arith.constant 48 : index
          %get3A_404 = tpu.vector_load %run_scoped3A_4[%get3A_402, %get3A_403] {strides = array<i32>} : memref<512x128xf32, #tpu.memory_space<vmem>>, vector<16xf32>,
          %swap3A_405 = arith.index_cast %add3A_355 : i32 to index
          %swap3A_406 = arith.constant 48 : index
          %swap3A_407 = tpu.vector_load %run_scoped3A_4[%swap3A_405, %swap3A_406] {strides = array<i32>} : memref<512x128xf32, #tpu.memory_space<vmem>>, vector<16xf32>,
          tpu.vector_store %run_scoped3A_4[%swap3A_405, %swap3A_406], %get3A_404 {strides = array<i32>} : memref<512x128xf32, #tpu.memory_space<vmem>>, vector<16xf32>,
          %get3A_408 = arith.index_cast %squeeze3A_357 : i32 to index
          %get3A_409 = arith.constant 64 : index
          %get3A_410 = tpu.vector_load %run_scoped3A_4[%get3A_408, %get3A_409] {strides = array<i32>} : memref<512x128xf32, #tpu.memory_space<vmem>>, vector<16xf32>,
          %swap3A_411 = arith.index_cast %add3A_355 : i32 to index
          %swap3A_412 = arith.constant 64 : index
          %swap3A_413 = tpu.vector_load %run_scoped3A_4[%swap3A_411, %swap3A_412] {strides = array<i32>} : memref<512x128xf32, #tpu.memory_space<vmem>>, vector<16xf32>,
          tpu.vector_store %run_scoped3A_4[%swap3A_411, %swap3A_412], %get3A_410 {strides = array<i32>} : memref<512x128xf32, #tpu.memory_space<vmem>>, vector<16xf32>,
          %get3A_414 = arith.index_cast %squeeze3A_357 : i32 to index
          %get3A_415 = arith.constant 80 : index
          %get3A_416 = tpu.vector_load %run_scoped3A_4[%get3A_414, %get3A_415] {strides = array<i32>} : memref<512x128xf32, #tpu.memory_space<vmem>>, vector<16xf32>,
          %swap3A_417 = arith.index_cast %add3A_355 : i32 to index
          %swap3A_418 = arith.constant 80 : index
          %swap3A_419 = tpu.vector_load %run_scoped3A_4[%swap3A_417, %swap3A_418] {strides = array<i32>} : memref<512x128xf32, #tpu.memory_space<vmem>>, vector<16xf32>,
          tpu.vector_store %run_scoped3A_4[%swap3A_417, %swap3A_418], %get3A_416 {strides = array<i32>} : memref<512x128xf32, #tpu.memory_space<vmem>>, vector<16xf32>,
          %get3A_420 = arith.index_cast %squeeze3A_357 : i32 to index
          %get3A_421 = arith.constant 96 : index
          %get3A_422 = tpu.vector_load %run_scoped3A_4[%get3A_420, %get3A_421] {strides = array<i32>} : memref<512x128xf32, #tpu.memory_space<vmem>>, vector<16xf32>,
          %swap3A_423 = arith.index_cast %add3A_355 : i32 to index
          %swap3A_424 = arith.constant 96 : index
          %swap3A_425 = tpu.vector_load %run_scoped3A_4[%swap3A_423, %swap3A_424] {strides = array<i32>} : memref<512x128xf32, #tpu.memory_space<vmem>>, vector<16xf32>,
          tpu.vector_store %run_scoped3A_4[%swap3A_423, %swap3A_424], %get3A_422 {strides = array<i32>} : memref<512x128xf32, #tpu.memory_space<vmem>>, vector<16xf32>,
          %get3A_426 = arith.index_cast %squeeze3A_357 : i32 to index
          %get3A_427 = arith.constant 112 : index
          %get3A_428 = tpu.vector_load %run_scoped3A_4[%get3A_426, %get3A_427] {strides = array<i32>} : memref<512x128xf32, #tpu.memory_space<vmem>>, vector<16xf32>,
          %swap3A_429 = arith.index_cast %add3A_355 : i32 to index
          %swap3A_430 = arith.constant 112 : index
          %swap3A_431 = tpu.vector_load %run_scoped3A_4[%swap3A_429, %swap3A_430] {strides = array<i32>} : memref<512x128xf32, #tpu.memory_space<vmem>>, vector<16xf32>,
          tpu.vector_store %run_scoped3A_4[%swap3A_429, %swap3A_430], %get3A_428 {strides = array<i32>} : memref<512x128xf32, #tpu.memory_space<vmem>>, vector<16xf32>,
          %get3A_432 = arith.index_cast %squeeze3A_357 : i32 to index
          %get3A_433 = arith.constant 0 : index
          %get3A_434 = tpu.vector_load %run_scoped3A_5[%get3A_432, %get3A_433] {strides = array<i32>} : memref<512x32xf32, #tpu.memory_space<vmem>>, vector<16xf32>,
          %swap3A_435 = arith.index_cast %add3A_355 : i32 to index
          %swap3A_436 = arith.constant 0 : index
          %swap3A_437 = tpu.vector_load %run_scoped3A_5[%swap3A_435, %swap3A_436] {strides = array<i32>} : memref<512x32xf32, #tpu.memory_space<vmem>>, vector<16xf32>,
          tpu.vector_store %run_scoped3A_5[%swap3A_435, %swap3A_436], %get3A_434 {strides = array<i32>} : memref<512x32xf32, #tpu.memory_space<vmem>>, vector<16xf32>,
          %get3A_438 = arith.index_cast %squeeze3A_357 : i32 to index
          %get3A_439 = arith.constant 16 : index
          %get3A_440 = tpu.vector_load %run_scoped3A_5[%get3A_438, %get3A_439] {strides = array<i32>} : memref<512x32xf32, #tpu.memory_space<vmem>>, vector<16xf32>,
          %swap3A_441 = arith.index_cast %add3A_355 : i32 to index
          %swap3A_442 = arith.constant 16 : index
          %swap3A_443 = tpu.vector_load %run_scoped3A_5[%swap3A_441, %swap3A_442] {strides = array<i32>} : memref<512x32xf32, #tpu.memory_space<vmem>>, vector<16xf32>,
          tpu.vector_store %run_scoped3A_5[%swap3A_441, %swap3A_442], %get3A_440 {strides = array<i32>} : memref<512x32xf32, #tpu.memory_space<vmem>>, vector<16xf32>,
        } else {
        }
        %lt3A_363 = arith.constant 0 : i32
        %lt3A_364 = arith.cmpi slt, %squeeze3A_357, %lt3A_363 : i32
        %convert_element_type3A_365 = arith.extui %lt3A_364 : i1 to i32
        %cond3A_366 = arith.constant 0 : i32
        %cond3A_367 = arith.cmpi ne, %convert_element_type3A_365, %cond3A_366 : i32
        scf.if %cond3A_367 {
          %swap3A_384 = arith.index_cast %add3A_355 : i32 to index
          %swap3A_385 = arith.constant 0 : index
          %swap3A_386 = tpu.vector_load %run_scoped3A_4[%swap3A_384, %swap3A_385] {strides = array<i32>} : memref<512x128xf32, #tpu.memory_space<vmem>>, vector<16xf32>,
          tpu.vector_store %run_scoped3A_4[%swap3A_384, %swap3A_385], %broadcast_in_dim3A_117 {strides = array<i32>} : memref<512x128xf32, #tpu.memory_space<vmem>>, vector<16xf32>,
          %swap3A_387 = arith.index_cast %add3A_355 : i32 to index
          %swap3A_388 = arith.constant 16 : index
          %swap3A_389 = tpu.vector_load %run_scoped3A_4[%swap3A_387, %swap3A_388] {strides = array<i32>} : memref<512x128xf32, #tpu.memory_space<vmem>>, vector<16xf32>,
          tpu.vector_store %run_scoped3A_4[%swap3A_387, %swap3A_388], %broadcast_in_dim3A_117 {strides = array<i32>} : memref<512x128xf32, #tpu.memory_space<vmem>>, vector<16xf32>,
          %swap3A_390 = arith.index_cast %add3A_355 : i32 to index
          %swap3A_391 = arith.constant 32 : index
          %swap3A_392 = tpu.vector_load %run_scoped3A_4[%swap3A_390, %swap3A_391] {strides = array<i32>} : memref<512x128xf32, #tpu.memory_space<vmem>>, vector<16xf32>,
          tpu.vector_store %run_scoped3A_4[%swap3A_390, %swap3A_391], %broadcast_in_dim3A_117 {strides = array<i32>} : memref<512x128xf32, #tpu.memory_space<vmem>>, vector<16xf32>,
          %swap3A_393 = arith.index_cast %add3A_355 : i32 to index
          %swap3A_394 = arith.constant 48 : index
          %swap3A_395 = tpu.vector_load %run_scoped3A_4[%swap3A_393, %swap3A_394] {strides = array<i32>} : memref<512x128xf32, #tpu.memory_space<vmem>>, vector<16xf32>,
          tpu.vector_store %run_scoped3A_4[%swap3A_393, %swap3A_394], %broadcast_in_dim3A_117 {strides = array<i32>} : memref<512x128xf32, #tpu.memory_space<vmem>>, vector<16xf32>,
          %swap3A_396 = arith.index_cast %add3A_355 : i32 to index
          %swap3A_397 = arith.constant 64 : index
          %swap3A_398 = tpu.vector_load %run_scoped3A_4[%swap3A_396, %swap3A_397] {strides = array<i32>} : memref<512x128xf32, #tpu.memory_space<vmem>>, vector<16xf32>,
          tpu.vector_store %run_scoped3A_4[%swap3A_396, %swap3A_397], %broadcast_in_dim3A_117 {strides = array<i32>} : memref<512x128xf32, #tpu.memory_space<vmem>>, vector<16xf32>,
          %swap3A_399 = arith.index_cast %add3A_355 : i32 to index
          %swap3A_400 = arith.constant 80 : index
          %swap3A_401 = tpu.vector_load %run_scoped3A_4[%swap3A_399, %swap3A_400] {strides = array<i32>} : memref<512x128xf32, #tpu.memory_space<vmem>>, vector<16xf32>,
          tpu.vector_store %run_scoped3A_4[%swap3A_399, %swap3A_400], %broadcast_in_dim3A_117 {strides = array<i32>} : memref<512x128xf32, #tpu.memory_space<vmem>>, vector<16xf32>,
          %swap3A_402 = arith.index_cast %add3A_355 : i32 to index
          %swap3A_403 = arith.constant 96 : index
          %swap3A_404 = tpu.vector_load %run_scoped3A_4[%swap3A_402, %swap3A_403] {strides = array<i32>} : memref<512x128xf32, #tpu.memory_space<vmem>>, vector<16xf32>,
          tpu.vector_store %run_scoped3A_4[%swap3A_402, %swap3A_403], %broadcast_in_dim3A_117 {strides = array<i32>} : memref<512x128xf32, #tpu.memory_space<vmem>>, vector<16xf32>,
          %swap3A_405 = arith.index_cast %add3A_355 : i32 to index
          %swap3A_406 = arith.constant 112 : index
          %swap3A_407 = tpu.vector_load %run_scoped3A_4[%swap3A_405, %swap3A_406] {strides = array<i32>} : memref<512x128xf32, #tpu.memory_space<vmem>>, vector<16xf32>,
          tpu.vector_store %run_scoped3A_4[%swap3A_405, %swap3A_406], %broadcast_in_dim3A_117 {strides = array<i32>} : memref<512x128xf32, #tpu.memory_space<vmem>>, vector<16xf32>,
          %swap3A_408 = arith.index_cast %add3A_355 : i32 to index
          %swap3A_409 = arith.constant 0 : index
          %swap3A_410 = tpu.vector_load %run_scoped3A_5[%swap3A_408, %swap3A_409] {strides = array<i32>} : memref<512x32xf32, #tpu.memory_space<vmem>>, vector<16xf32>,
          tpu.vector_store %run_scoped3A_5[%swap3A_408, %swap3A_409], %broadcast_in_dim3A_117 {strides = array<i32>} : memref<512x32xf32, #tpu.memory_space<vmem>>, vector<16xf32>,
          %swap3A_411 = arith.index_cast %add3A_355 : i32 to index
          %swap3A_412 = arith.constant 16 : index
          %swap3A_413 = tpu.vector_load %run_scoped3A_5[%swap3A_411, %swap3A_412] {strides = array<i32>} : memref<512x32xf32, #tpu.memory_space<vmem>>, vector<16xf32>,
          tpu.vector_store %run_scoped3A_5[%swap3A_411, %swap3A_412], %broadcast_in_dim3A_117 {strides = array<i32>} : memref<512x32xf32, #tpu.memory_space<vmem>>, vector<16xf32>,
        } else {
        }
        %mul3A_368 = arith.constant 16 : i32
        %mul3A_369 = arith.muli %sub3A_126, %mul3A_368 : i32
        %add3A_370 = arith.constant 0 : i32
        %add3A_371 = arith.addi %mul3A_369, %add3A_370 : i32
        %slice3A_372 = vector.extract_strided_slice %get3A_129 {offsets = [0], sizes = [1], strides = [1]} : vector<16xi32> to vector<1xi32>
        %squeeze3A_373 = vector.extract %slice3A_372[0] : i32 from vector<1xi32>
        %ge3A_374 = arith.constant 0 : i32
        %ge3A_375 = arith.cmpi sge, %squeeze3A_373, %ge3A_374 : i32
        %convert_element_type3A_376 = arith.extui %ge3A_375 : i1 to i32
        %cond3A_377 = arith.constant 0 : i32
        %cond3A_378 = arith.cmpi ne, %convert_element_type3A_376, %cond3A_377 : i32
        scf.if %cond3A_378 {
          %get3A_384 = arith.index_cast %squeeze3A_373 : i32 to index
          %get3A_385 = arith.constant 0 : index
          %get3A_386 = tpu.vector_load %run_scoped3A_4[%get3A_384, %get3A_385] {strides = array<i32>} : memref<512x128xf32, #tpu.memory_space<vmem>>, vector<16xf32>,
          %swap3A_387 = arith.index_cast %add3A_371 : i32 to index
          %swap3A_388 = arith.constant 0 : index
          %swap3A_389 = tpu.vector_load %run_scoped3A_4[%swap3A_387, %swap3A_388] {strides = array<i32>} : memref<512x128xf32, #tpu.memory_space<vmem>>, vector<16xf32>,
          tpu.vector_store %run_scoped3A_4[%swap3A_387, %swap3A_388], %get3A_386 {strides = array<i32>} : memref<512x128xf32, #tpu.memory_space<vmem>>, vector<16xf32>,
          %get3A_390 = arith.index_cast %squeeze3A_373 : i32 to index
          %get3A_391 = arith.constant 16 : index
          %get3A_392 = tpu.vector_load %run_scoped3A_4[%get3A_390, %get3A_391] {strides = array<i32>} : memref<512x128xf32, #tpu.memory_space<vmem>>, vector<16xf32>,
          %swap3A_393 = arith.index_cast %add3A_371 : i32 to index
          %swap3A_394 = arith.constant 16 : index
          %swap3A_395 = tpu.vector_load %run_scoped3A_4[%swap3A_393, %swap3A_394] {strides = array<i32>} : memref<512x128xf32, #tpu.memory_space<vmem>>, vector<16xf32>,
          tpu.vector_store %run_scoped3A_4[%swap3A_393, %swap3A_394], %get3A_392 {strides = array<i32>} : memref<512x128xf32, #tpu.memory_space<vmem>>, vector<16xf32>,
          %get3A_396 = arith.index_cast %squeeze3A_373 : i32 to index
          %get3A_397 = arith.constant 32 : index
          %get3A_398 = tpu.vector_load %run_scoped3A_4[%get3A_396, %get3A_397] {strides = array<i32>} : memref<512x128xf32, #tpu.memory_space<vmem>>, vector<16xf32>,
          %swap3A_399 = arith.index_cast %add3A_371 : i32 to index
          %swap3A_400 = arith.constant 32 : index
          %swap3A_401 = tpu.vector_load %run_scoped3A_4[%swap3A_399, %swap3A_400] {strides = array<i32>} : memref<512x128xf32, #tpu.memory_space<vmem>>, vector<16xf32>,
          tpu.vector_store %run_scoped3A_4[%swap3A_399, %swap3A_400], %get3A_398 {strides = array<i32>} : memref<512x128xf32, #tpu.memory_space<vmem>>, vector<16xf32>,
          %get3A_402 = arith.index_cast %squeeze3A_373 : i32 to index
          %get3A_403 = arith.constant 48 : index
          %get3A_404 = tpu.vector_load %run_scoped3A_4[%get3A_402, %get3A_403] {strides = array<i32>} : memref<512x128xf32, #tpu.memory_space<vmem>>, vector<16xf32>,
          %swap3A_405 = arith.index_cast %add3A_371 : i32 to index
          %swap3A_406 = arith.constant 48 : index
          %swap3A_407 = tpu.vector_load %run_scoped3A_4[%swap3A_405, %swap3A_406] {strides = array<i32>} : memref<512x128xf32, #tpu.memory_space<vmem>>, vector<16xf32>,
          tpu.vector_store %run_scoped3A_4[%swap3A_405, %swap3A_406], %get3A_404 {strides = array<i32>} : memref<512x128xf32, #tpu.memory_space<vmem>>, vector<16xf32>,
          %get3A_408 = arith.index_cast %squeeze3A_373 : i32 to index
          %get3A_409 = arith.constant 64 : index
          %get3A_410 = tpu.vector_load %run_scoped3A_4[%get3A_408, %get3A_409] {strides = array<i32>} : memref<512x128xf32, #tpu.memory_space<vmem>>, vector<16xf32>,
          %swap3A_411 = arith.index_cast %add3A_371 : i32 to index
          %swap3A_412 = arith.constant 64 : index
          %swap3A_413 = tpu.vector_load %run_scoped3A_4[%swap3A_411, %swap3A_412] {strides = array<i32>} : memref<512x128xf32, #tpu.memory_space<vmem>>, vector<16xf32>,
          tpu.vector_store %run_scoped3A_4[%swap3A_411, %swap3A_412], %get3A_410 {strides = array<i32>} : memref<512x128xf32, #tpu.memory_space<vmem>>, vector<16xf32>,
          %get3A_414 = arith.index_cast %squeeze3A_373 : i32 to index
          %get3A_415 = arith.constant 80 : index
          %get3A_416 = tpu.vector_load %run_scoped3A_4[%get3A_414, %get3A_415] {strides = array<i32>} : memref<512x128xf32, #tpu.memory_space<vmem>>, vector<16xf32>,
          %swap3A_417 = arith.index_cast %add3A_371 : i32 to index
          %swap3A_418 = arith.constant 80 : index
          %swap3A_419 = tpu.vector_load %run_scoped3A_4[%swap3A_417, %swap3A_418] {strides = array<i32>} : memref<512x128xf32, #tpu.memory_space<vmem>>, vector<16xf32>,
          tpu.vector_store %run_scoped3A_4[%swap3A_417, %swap3A_418], %get3A_416 {strides = array<i32>} : memref<512x128xf32, #tpu.memory_space<vmem>>, vector<16xf32>,
          %get3A_420 = arith.index_cast %squeeze3A_373 : i32 to index
          %get3A_421 = arith.constant 96 : index
          %get3A_422 = tpu.vector_load %run_scoped3A_4[%get3A_420, %get3A_421] {strides = array<i32>} : memref<512x128xf32, #tpu.memory_space<vmem>>, vector<16xf32>,
          %swap3A_423 = arith.index_cast %add3A_371 : i32 to index
          %swap3A_424 = arith.constant 96 : index
          %swap3A_425 = tpu.vector_load %run_scoped3A_4[%swap3A_423, %swap3A_424] {strides = array<i32>} : memref<512x128xf32, #tpu.memory_space<vmem>>, vector<16xf32>,
          tpu.vector_store %run_scoped3A_4[%swap3A_423, %swap3A_424], %get3A_422 {strides = array<i32>} : memref<512x128xf32, #tpu.memory_space<vmem>>, vector<16xf32>,
          %get3A_426 = arith.index_cast %squeeze3A_373 : i32 to index
          %get3A_427 = arith.constant 112 : index
          %get3A_428 = tpu.vector_load %run_scoped3A_4[%get3A_426, %get3A_427] {strides = array<i32>} : memref<512x128xf32, #tpu.memory_space<vmem>>, vector<16xf32>,
          %swap3A_429 = arith.index_cast %add3A_371 : i32 to index
          %swap3A_430 = arith.constant 112 : index
          %swap3A_431 = tpu.vector_load %run_scoped3A_4[%swap3A_429, %swap3A_430] {strides = array<i32>} : memref<512x128xf32, #tpu.memory_space<vmem>>, vector<16xf32>,
          tpu.vector_store %run_scoped3A_4[%swap3A_429, %swap3A_430], %get3A_428 {strides = array<i32>} : memref<512x128xf32, #tpu.memory_space<vmem>>, vector<16xf32>,
          %get3A_432 = arith.index_cast %squeeze3A_373 : i32 to index
          %get3A_433 = arith.constant 0 : index
          %get3A_434 = tpu.vector_load %run_scoped3A_5[%get3A_432, %get3A_433] {strides = array<i32>} : memref<512x32xf32, #tpu.memory_space<vmem>>, vector<16xf32>,
          %swap3A_435 = arith.index_cast %add3A_371 : i32 to index
          %swap3A_436 = arith.constant 0 : index
          %swap3A_437 = tpu.vector_load %run_scoped3A_5[%swap3A_435, %swap3A_436] {strides = array<i32>} : memref<512x32xf32, #tpu.memory_space<vmem>>, vector<16xf32>,
          tpu.vector_store %run_scoped3A_5[%swap3A_435, %swap3A_436], %get3A_434 {strides = array<i32>} : memref<512x32xf32, #tpu.memory_space<vmem>>, vector<16xf32>,
          %get3A_438 = arith.index_cast %squeeze3A_373 : i32 to index
          %get3A_439 = arith.constant 16 : index
          %get3A_440 = tpu.vector_load %run_scoped3A_5[%get3A_438, %get3A_439] {strides = array<i32>} : memref<512x32xf32, #tpu.memory_space<vmem>>, vector<16xf32>,
          %swap3A_441 = arith.index_cast %add3A_371 : i32 to index
          %swap3A_442 = arith.constant 16 : index
          %swap3A_443 = tpu.vector_load %run_scoped3A_5[%swap3A_441, %swap3A_442] {strides = array<i32>} : memref<512x32xf32, #tpu.memory_space<vmem>>, vector<16xf32>,
          tpu.vector_store %run_scoped3A_5[%swap3A_441, %swap3A_442], %get3A_440 {strides = array<i32>} : memref<512x32xf32, #tpu.memory_space<vmem>>, vector<16xf32>,
        } else {
        }
        %lt3A_379 = arith.constant 0 : i32
        %lt3A_380 = arith.cmpi slt, %squeeze3A_373, %lt3A_379 : i32
        %convert_element_type3A_381 = arith.extui %lt3A_380 : i1 to i32
        %cond3A_382 = arith.constant 0 : i32
        %cond3A_383 = arith.cmpi ne, %convert_element_type3A_381, %cond3A_382 : i32
        scf.if %cond3A_383 {
          %swap3A_384 = arith.index_cast %add3A_371 : i32 to index
          %swap3A_385 = arith.constant 0 : index
          %swap3A_386 = tpu.vector_load %run_scoped3A_4[%swap3A_384, %swap3A_385] {strides = array<i32>} : memref<512x128xf32, #tpu.memory_space<vmem>>, vector<16xf32>,
          tpu.vector_store %run_scoped3A_4[%swap3A_384, %swap3A_385], %broadcast_in_dim3A_117 {strides = array<i32>} : memref<512x128xf32, #tpu.memory_space<vmem>>, vector<16xf32>,
          %swap3A_387 = arith.index_cast %add3A_371 : i32 to index
          %swap3A_388 = arith.constant 16 : index
          %swap3A_389 = tpu.vector_load %run_scoped3A_4[%swap3A_387, %swap3A_388] {strides = array<i32>} : memref<512x128xf32, #tpu.memory_space<vmem>>, vector<16xf32>,
          tpu.vector_store %run_scoped3A_4[%swap3A_387, %swap3A_388], %broadcast_in_dim3A_117 {strides = array<i32>} : memref<512x128xf32, #tpu.memory_space<vmem>>, vector<16xf32>,
          %swap3A_390 = arith.index_cast %add3A_371 : i32 to index
          %swap3A_391 = arith.constant 32 : index
          %swap3A_392 = tpu.vector_load %run_scoped3A_4[%swap3A_390, %swap3A_391] {strides = array<i32>} : memref<512x128xf32, #tpu.memory_space<vmem>>, vector<16xf32>,
          tpu.vector_store %run_scoped3A_4[%swap3A_390, %swap3A_391], %broadcast_in_dim3A_117 {strides = array<i32>} : memref<512x128xf32, #tpu.memory_space<vmem>>, vector<16xf32>,
          %swap3A_393 = arith.index_cast %add3A_371 : i32 to index
          %swap3A_394 = arith.constant 48 : index
          %swap3A_395 = tpu.vector_load %run_scoped3A_4[%swap3A_393, %swap3A_394] {strides = array<i32>} : memref<512x128xf32, #tpu.memory_space<vmem>>, vector<16xf32>,
          tpu.vector_store %run_scoped3A_4[%swap3A_393, %swap3A_394], %broadcast_in_dim3A_117 {strides = array<i32>} : memref<512x128xf32, #tpu.memory_space<vmem>>, vector<16xf32>,
          %swap3A_396 = arith.index_cast %add3A_371 : i32 to index
          %swap3A_397 = arith.constant 64 : index
          %swap3A_398 = tpu.vector_load %run_scoped3A_4[%swap3A_396, %swap3A_397] {strides = array<i32>} : memref<512x128xf32, #tpu.memory_space<vmem>>, vector<16xf32>,
          tpu.vector_store %run_scoped3A_4[%swap3A_396, %swap3A_397], %broadcast_in_dim3A_117 {strides = array<i32>} : memref<512x128xf32, #tpu.memory_space<vmem>>, vector<16xf32>,
          %swap3A_399 = arith.index_cast %add3A_371 : i32 to index
          %swap3A_400 = arith.constant 80 : index
          %swap3A_401 = tpu.vector_load %run_scoped3A_4[%swap3A_399, %swap3A_400] {strides = array<i32>} : memref<512x128xf32, #tpu.memory_space<vmem>>, vector<16xf32>,
          tpu.vector_store %run_scoped3A_4[%swap3A_399, %swap3A_400], %broadcast_in_dim3A_117 {strides = array<i32>} : memref<512x128xf32, #tpu.memory_space<vmem>>, vector<16xf32>,
          %swap3A_402 = arith.index_cast %add3A_371 : i32 to index
          %swap3A_403 = arith.constant 96 : index
          %swap3A_404 = tpu.vector_load %run_scoped3A_4[%swap3A_402, %swap3A_403] {strides = array<i32>} : memref<512x128xf32, #tpu.memory_space<vmem>>, vector<16xf32>,
          tpu.vector_store %run_scoped3A_4[%swap3A_402, %swap3A_403], %broadcast_in_dim3A_117 {strides = array<i32>} : memref<512x128xf32, #tpu.memory_space<vmem>>, vector<16xf32>,
          %swap3A_405 = arith.index_cast %add3A_371 : i32 to index
          %swap3A_406 = arith.constant 112 : index
          %swap3A_407 = tpu.vector_load %run_scoped3A_4[%swap3A_405, %swap3A_406] {strides = array<i32>} : memref<512x128xf32, #tpu.memory_space<vmem>>, vector<16xf32>,
          tpu.vector_store %run_scoped3A_4[%swap3A_405, %swap3A_406], %broadcast_in_dim3A_117 {strides = array<i32>} : memref<512x128xf32, #tpu.memory_space<vmem>>, vector<16xf32>,
          %swap3A_408 = arith.index_cast %add3A_371 : i32 to index
          %swap3A_409 = arith.constant 0 : index
          %swap3A_410 = tpu.vector_load %run_scoped3A_5[%swap3A_408, %swap3A_409] {strides = array<i32>} : memref<512x32xf32, #tpu.memory_space<vmem>>, vector<16xf32>,
          tpu.vector_store %run_scoped3A_5[%swap3A_408, %swap3A_409], %broadcast_in_dim3A_117 {strides = array<i32>} : memref<512x32xf32, #tpu.memory_space<vmem>>, vector<16xf32>,
          %swap3A_411 = arith.index_cast %add3A_371 : i32 to index
          %swap3A_412 = arith.constant 16 : index
          %swap3A_413 = tpu.vector_load %run_scoped3A_5[%swap3A_411, %swap3A_412] {strides = array<i32>} : memref<512x32xf32, #tpu.memory_space<vmem>>, vector<16xf32>,
          tpu.vector_store %run_scoped3A_5[%swap3A_411, %swap3A_412], %broadcast_in_dim3A_117 {strides = array<i32>} : memref<512x32xf32, #tpu.memory_space<vmem>>, vector<16xf32>,
        } else {
        }
      }
      %scan3A_123 = arith.constant 32 : i32
      "tpu.trace_stop"() : () -> ()
      "tpu.region"() ({
        %run_scoped3A_124 = tpu.sem_alloc : memref<!tpu.dma_semaphore, #tpu.memory_space<semaphore_mem>>
        %dma_start3A = arith.constant 0 : i32
        %dma_start3A_125 = tpu.memref_slice %arg6[%add3A, %dma_start3A] : memref<16384x128xf32, #tpu.memory_space<hbm>> -> memref<512x128xf32, #tpu.memory_space<hbm>>
        %dma_start3A_126 = arith.constant 0 : i32
        %dma_start3A_127 = tpu.memref_slice %arg6[%add3A, %dma_start3A_126] : memref<16384x128xf32, #tpu.memory_space<hbm>> -> memref<512x128xf32, #tpu.memory_space<hbm>>
        tpu.enqueue_dma source(%run_scoped3A_4 : memref<512x128xf32, #tpu.memory_space<vmem>>) target(%dma_start3A_127 : memref<512x128xf32, #tpu.memory_space<hbm>>) target_semaphore(%run_scoped3A_124 : memref<!tpu.dma_semaphore, #tpu.memory_space<semaphore_mem>>)
        %dma_wait3A = arith.constant 0 : i32
        %dma_wait3A_128 = tpu.memref_slice %arg6[%add3A, %dma_wait3A] : memref<16384x128xf32, #tpu.memory_space<hbm>> -> memref<512x128xf32, #tpu.memory_space<hbm>>
        %dma_wait3A_129 = arith.constant 0 : i32
        %dma_wait3A_130 = tpu.memref_slice %arg6[%add3A, %dma_wait3A_129] : memref<16384x128xf32, #tpu.memory_space<hbm>> -> memref<512x128xf32, #tpu.memory_space<hbm>>
        tpu.wait_dma2 semaphore(%run_scoped3A_124 : memref<!tpu.dma_semaphore, #tpu.memory_space<semaphore_mem>>) src(%run_scoped3A_4 : memref<512x128xf32, #tpu.memory_space<vmem>>) dst(%dma_wait3A_130 : memref<512x128xf32, #tpu.memory_space<hbm>>)
        tpu.yield
      }) : () -> ()
      "tpu.region"() ({
        %run_scoped3A_124 = tpu.sem_alloc : memref<!tpu.dma_semaphore, #tpu.memory_space<semaphore_mem>>
        %dma_start3A = arith.constant 0 : i32
        %dma_start3A_125 = tpu.memref_slice %arg7[%add3A, %dma_start3A] : memref<16384x32xf32, #tpu.memory_space<hbm>> -> memref<512x32xf32, #tpu.memory_space<hbm>>
        %dma_start3A_126 = arith.constant 0 : i32
        %dma_start3A_127 = tpu.memref_slice %arg7[%add3A, %dma_start3A_126] : memref<16384x32xf32, #tpu.memory_space<hbm>> -> memref<512x32xf32, #tpu.memory_space<hbm>>
        tpu.enqueue_dma source(%run_scoped3A_5 : memref<512x32xf32, #tpu.memory_space<vmem>>) target(%dma_start3A_127 : memref<512x32xf32, #tpu.memory_space<hbm>>) target_semaphore(%run_scoped3A_124 : memref<!tpu.dma_semaphore, #tpu.memory_space<semaphore_mem>>)
        %dma_wait3A = arith.constant 0 : i32
        %dma_wait3A_128 = tpu.memref_slice %arg7[%add3A, %dma_wait3A] : memref<16384x32xf32, #tpu.memory_space<hbm>> -> memref<512x32xf32, #tpu.memory_space<hbm>>
        %dma_wait3A_129 = arith.constant 0 : i32
        %dma_wait3A_130 = tpu.memref_slice %arg7[%add3A, %dma_wait3A_129] : memref<16384x32xf32, #tpu.memory_space<hbm>> -> memref<512x32xf32, #tpu.memory_space<hbm>>
        tpu.wait_dma2 semaphore(%run_scoped3A_124 : memref<!tpu.dma_semaphore, #tpu.memory_space<semaphore_mem>>) src(%run_scoped3A_5 : memref<512x32xf32, #tpu.memory_space<vmem>>) dst(%dma_wait3A_130 : memref<512x32xf32, #tpu.memory_space<hbm>>)
        tpu.yield
      }) : () -> ()
      tpu.yield
    }) : () -> ()
    return
  }
}

</mosaic_0001>

<sc_bundles>
// kernel: _run.3.cloned.1.call-start
scs
__scs_entry_jumppad:
0x0: {  	(pc) =	sbr.rel $0x88, $3  }
0x1: {  	(tag) =	ssettag $0x0;
	lr =	simm.s32 $0x1  }
0x2: {  	[smem:$0x3F9D] =	sst lr;
	_ =	strace $0xD0000000  }
0x3: {  	_ = 	snop  }
0x4: {  	_ = 	snop  }
0x5: {  	_ = 	snop  }
0x6: {  	_ = 	snop  }
0x7: {  	_ = 	snop  }
__scs_overlays_trampoline_lowered:
0x8: {  	[smem:$0x3FAC] =	sst s0  }
0x9: {  	[smem:$0x3FAD] =	sst s1  }
0xa: {  	[smem:$0x3FAE] =	sst s2  }
0xb: {  	[smem:$0x3FAF] =	sst s3  }
0xc: {  	[smem:$0x3FB0] =	sst s4  }
0xd: {  	[smem:$0x3FB1] =	sst s5  }
0xe: {  	[smem:$0x3FB2] =	sst s6  }
0xf: {  	[smem:$0x3FB3] =	sst s7  }
0x10: {  	[smem:$0x3FB4] =	sst s8  }
0x11: {  	[smem:$0x3FB5] =	sst s9;
	s0 =	simm.s32 @!p0 $0x0  }
0x12: {  	s1 =	sld [smem:$0x3F9B];
	s0 =	simm.s32 @p0 $0x1  }
0x13: {  	[smem:$0x3FB6] =	sst s0;
	s0 =	simm.s32 @!p1 $0x0  }
0x14: {  	s2 =	sld [smem:$0x3F9A];
	s0 =	simm.s32 @p1 $0x1  }
0x15: {  	[smem:$0x3FB7] =	sst s0;
	s0 =	simm.s32 @!p2 $0x0  }
0x16: {  	s3 =	sld [smem:$0x3FDB];
	s0 =	simm.s32 @p2 $0x1  }
0x17: {  	s4 =	simm.s32 $0x1BF5;
	[smem:$0x3FB9] =	sst s0  }
0x18: {  	s0 =	sld [smem:$0x3F9C];
	_ =	swait.ge [sflag:s4], $0x0  }
0x19: {  	s7 =	sld [smem:$0x3F9D]  }
0x1a: {  	s8 =	sadd.s32 $0xFFFFE003, lr  }
0x1b: {  	s9 =	sadd.s32 $0xFFFFFEF7, lr;
	s5 =	simm.s32 $0xFFFFFFFF;
	p2 =	slt.u32 s8, $0xFFFFF086  }
0x1c: {  	p1 =	slt.u32 s9, $0xF7A;
	s5 =	simm.s32 @!p2 $0x0  }
0x1d: {  	s5 =	simm.s32 @p1 $0x1;
	p0 =	seq.s32 s7, s2  }
0x1e: {  	s7 =	smul.u32 @!p0 $0xF7A, s2;
	p2 =	seq.s32 @!p0 s5, $0x0  }
0x1f: {  	s9 =	smul.u32 $0xF7A, s1;
	s8 =	simm.s32 @!p0 $0x1BF5;
	p2 =	por !p2, p0  }
0x20: {  	[sflag:s8] =	ssyncset.s32 @!p0 $0xFFFFF086;
	s6 =	sadd.s32 @!p0 s3, s7;
	s7 =	simm.s32 @!p0 $0x108  }
0x21: {  	s3 =	sadd.s32 s3, s9;
	s6 =	sadd.s32 @!p0 $0x88, s6;
	s7 =	simm.s32 @p2 $0x1082  }
0x22: {  	[simem:s7], [sflag:s8] =	dma.local @!p0 [hbm:s6], $0xF7A  }
0x23: {  	s9 =	sor.u32 $0xD0000000, s2;
	s6 =	simm.s32 $0x108;
	_ =	swait.ge @!p0 [sflag:s8], $0x0  }
0x24: {  	s3 =	sadd.s32 $0x88, s3;
	s6 =	simm.s32 @!p1 $0x1082;
	[sflag:s4] =	ssyncset.s32 $0xFFFFF086  }
0x25: {  	[simem:s6], [sflag:s4] =	dma.local [hbm:s3], $0xF7A  }
0x26: {  	[smem:$0x3F9D] =	sst s1;
	(tag) =	ssettag s2;
	_ =	strace s9  }
0x27: {  	s1 =	sld [smem:$0x3FAD]  }
0x28: {  	s2 =	sld [smem:$0x3FAE]  }
0x29: {  	s4 =	sld [smem:$0x3FB0]  }
0x2a: {  	p0 =	seq.s32 s5, $0x0;
	s5 =	sld [smem:$0x3FB1]  }
0x2b: {  	s6 =	sld [smem:$0x3FB2]  }
0x2c: {  	s7 =	sld [smem:$0x3FB3]  }
0x2d: {  	s3 =	simm.s32 $0x108;
	s8 =	sld [smem:$0x3FB4]  }
0x2e: {  	s3 =	simm.s32 @!p0 $0x1082;
	s9 =	sld [smem:$0x3FB5]  }
0x2f: {  	lr =	sadd.s32 s0, s3;
	s0 =	sld [smem:$0x3FAC]  }
0x30: {  	s3 =	sld [smem:$0x3FAF]  }
0x31: {  	[smem:$0x3FB8] =	sst s10  }
0x32: {  	s10 =	sld [smem:$0x3FB6];
	_ =	sdelay $0x3  }
0x33: {  	p0 =	seq.s32 s10, $0x1;
	s10 =	sld [smem:$0x3FB8];
	_ =	sdelay $0x3  }
0x34: {  	[smem:$0x3FB8] =	sst s10  }
0x35: {  	s10 =	sld [smem:$0x3FB7];
	_ =	sdelay $0x3  }
0x36: {  	p1 =	seq.s32 s10, $0x1;
	s10 =	sld [smem:$0x3FB8];
	_ =	sdelay $0x3  }
0x37: {  	[smem:$0x3FB8] =	sst s10  }
0x38: {  	s10 =	sld [smem:$0x3FB9]  }
0x39: {  	_ = 	snop;
	(pc) =	sbr.ind lr, $3  }
0x3a: {  	_ = 	snop  }
0x3b: {  	_ = 	snop  }
0x3c: {  	p2 =	seq.s32 s10, $0x1;
	s10 =	sld [smem:$0x3FB8]  }
0x3d: {  	_ =	shalt  }
0x3e: {  	_ =	shalt  }
0x3f: {  	_ =	shalt  }
0x40: {  	_ =	shalt  }
0x41: {  	_ =	shalt  }
0x42: {  	_ =	shalt  }
0x43: {  	_ =	shalt  }
0x44: {  	_ =	shalt  }
0x45: {  	_ =	shalt  }
0x46: {  	_ =	shalt  }
0x47: {  	_ =	shalt  }
0x48: {  	_ =	shalt  }
0x49: {  	_ =	shalt  }
0x4a: {  	_ =	shalt  }
0x4b: {  	_ =	shalt  }
0x4c: {  	_ =	shalt  }
0x4d: {  	_ =	shalt  }
0x4e: {  	_ =	shalt  }
0x4f: {  	_ =	shalt  }
0x50: {  	_ =	shalt  }
0x51: {  	_ =	shalt  }
0x52: {  	_ =	shalt  }
0x53: {  	_ =	shalt  }
0x54: {  	_ =	shalt  }
0x55: {  	_ =	shalt  }
0x56: {  	_ =	shalt  }
0x57: {  	_ =	shalt  }
0x58: {  	_ =	shalt  }
0x59: {  	_ =	shalt  }
0x5a: {  	_ =	shalt  }
0x5b: {  	_ =	shalt  }
0x5c: {  	_ =	shalt  }
0x5d: {  	_ =	shalt  }
0x5e: {  	_ =	shalt  }
0x5f: {  	_ =	shalt  }
0x60: {  	_ =	shalt  }
0x61: {  	_ =	shalt  }
0x62: {  	_ =	shalt  }
0x63: {  	_ =	shalt  }
0x64: {  	_ =	shalt  }
0x65: {  	_ =	shalt  }
0x66: {  	_ =	shalt  }
0x67: {  	_ =	shalt  }
0x68: {  	_ =	shalt  }
0x69: {  	_ =	shalt  }
0x6a: {  	_ =	shalt  }
0x6b: {  	_ =	shalt  }
0x6c: {  	_ =	shalt  }
0x6d: {  	_ =	shalt  }
0x6e: {  	_ =	shalt  }
0x6f: {  	_ =	shalt  }
0x70: {  	_ =	shalt  }
0x71: {  	_ =	shalt  }
0x72: {  	_ =	shalt  }
0x73: {  	_ =	shalt  }
0x74: {  	_ =	shalt  }
0x75: {  	_ =	shalt  }
0x76: {  	_ =	shalt  }
0x77: {  	_ =	shalt  }
0x78: {  	_ =	shalt  }
0x79: {  	_ =	shalt  }
0x7a: {  	_ =	shalt  }
0x7b: {  	_ =	shalt  }
0x7c: {  	_ =	shalt  }
0x7d: {  	_ =	shalt  }
0x7e: {  	_ =	shalt  }
0x7f: {  	_ =	shalt  }
0x80: {  	_ =	shalt  }
0x81: {  	_ =	shalt  }
0x82: {  	_ =	shalt  }
0x83: {  	_ =	shalt  }
0x84: {  	_ =	shalt  }
0x85: {  	_ =	shalt  }
0x86: {  	_ =	shalt  }
0x87: {  	_ =	shalt  }
.Lfunc_end0:
.L_simem_size_0:
called_computation_lowered:
.L_overlay_start_0:
0x88: {  	s2 =	sld [smem:$0x3FD9]  }
0x89: {  	s3 =	sld [smem:$0x3FFE];
	_ =	sdelay $0x1  }
0x8a: {  	s1 =	srdreg.scid  }
0x8b: {  	s0 =	sand.u32 $0x1, s1  }
0x8c: {  	s14 =	sshll.u32 s0, $0xA;
	s2 =	sadd.s32 s3, s2  }
0x8d: {  	s2 =	sadd.s32 s2, s14  }
0x8e: {  	[smem:$0x3FC4] =	sst s2  }
0x8f: {  	_ = 	snop  }
0x90: {  	s2 =	sld [smem:$0x3FD0]  }
0x91: {  	s15 =	sld [smem:$0x3FC9]  }
0x92: {  	s4 =	sld [smem:$0x3FC7]  }
0x93: {  	s6 =	simm.s32 $0xA;
	s7 =	simm.s32 $0x10;
	s5 =	sld [smem:$0x3FC6]  }
0x94: {  	[smem:s7], [sflag:s6] =	dma.local [hbm:s2], $0x1  }
0x95: {  	_ =	swait.eq [sflag:s6], $0x1  }
0x96: {  	[sflag:s6] =	ssyncset.done $0x0  }
0x97: {  	s16 =	sld [smem:$0x10];
	[sflag:s6] =	ssyncadd.s32 $0xFFFFFFFF  }
0x98: {  	s17 =	sld [smem:$0x11];
	(tm) =	ssettm $0x1  }
0x99: {  	s18 =	sld [smem:$0x3FFB];
	_ =	sdelay $0x3  }
0x9a: {  	_ =	strace s18  }
0x9b: {  	s7 =	sld [smem:$0x3FFC];
	_ =	sdelay $0x3  }
0x9c: {  	_ =	strace s7  }
0x9d: {  	s7 =	sld [smem:$0x3FFD];
	_ =	sdelay $0x3  }
0x9e: {  	_ =	strace s7  }
0x9f: {  	_ =	strace $0x8FFFFFFF  }
0xa0: {  	s19 =	sld [smem:$0x3FDB];
	_ =	sdelay $0x1  }
0xa1: {  	s8 =	simm.s32 $_scs_section_size  }
0xa2: {  	s9 =	simm.s32 $_size__tile_overlayer_lowered;
	s10 =	simm.s32 $_tile_overlayer_lowered  }
0xa3: {  	s22 =	simm.s32 $0x1BFF;
	s21 =	sshll.u32 s10, $0x1;
	s7 =	sadd.s32 s8, s19  }
0xa4: {  	s11 =	simm.s32 $0x0;
	s20 =	sshll.u32 s9, $0x1;
	s9 =	sadd.s32 s21, s7  }
0xa5: {  	[timem:s11], [sflag:s22] =	dma.local [hbm:s9], s20  }
0xa6: {  	_ =	swait.ge [sflag:s22], s20  }
0xa7: {  	s8 =	ssub.s32 $0x0, s20;
	[sflag:s22] =	ssyncset.done $0x0  }
0xa8: {  	[sflag:s22] =	ssyncadd.s32 s8;
	_ =	sdelay $0x1  }
0xa9: {  	s23 =	simm.s32 $0x1B8B  }
0xaa: {  	_ =	swait.ge [sflag:s23], $0x1  }
0xab: {  	[sflag:s23] =	ssyncset.done $0x0  }
0xac: {  	s25 =	simm.s32 $0x1B8E;
	s24 =	sld [smem:$0x3FFE];
	[sflag:s23] =	ssyncadd.s32 $0xFFFFFFFF  }
0xad: {  	s26 =	simm.s32 $execute0_lowered;
	[smem:$0x3FD2] =	sst s25  }
0xae: {  	s9 =	sshll.u32 s26, $0x1;
	_ =	strace $0x80000046;
	[dreg:$0x1] =	wrdreg $0xFFFFFFFF  }
0xaf: {  	s28 =	simm.s32 $_size_execute0_lowered;
	s7 =	sadd.s32 s7, s9;
	[dreg:$0x0] =	wrdreg $0x0  }
0xb0: {  	s9 =	sshll.u32 s28, $0x1;
	[dreg:$0x2] =	wrdreg s7  }
0xb1: {  	[dreg:$0x3] =	wrdreg s9  }
0xb2: {  	[dreg:$0x4] =	wrdreg $0xC0  }
0xb3: {  	_ =	task [dreg:s11], $0x5FFFF  }
0xb4: {  	[dreg:$0x1] =	wrdreg $0xFFFFFFFF  }
0xb5: {  	[dreg:$0x0] =	wrdreg $0x60  }
0xb6: {  	[dreg:$0x2] =	wrdreg s15  }
0xb7: {  	[dreg:$0x3] =	wrdreg s17  }
0xb8: {  	[dreg:$0x4] =	wrdreg s4  }
0xb9: {  	[dreg:$0x5] =	wrdreg s5  }
0xba: {  	[dreg:$0x6] =	wrdreg s16  }
0xbb: {  	[dreg:$0x7] =	wrdreg s24  }
0xbc: {  	[dreg:$0x8] =	wrdreg $0x0  }
0xbd: {  	[dreg:$0x9] =	wrdreg $0x9  }
0xbe: {  	_ =	task.clear_ibuf [dreg:s11], $0xAFFFF;
	_ =	strace $0x90000046  }
0xbf: {  	s29 =	simm.s32 $0x9;
	_ =	strace $0x8000004D  }
0xc0: {  	_ =	swait.ge [sflag:s29], $0x1  }
0xc1: {  	[sflag:s29] =	ssyncadd.s32 $0xFFFFFFFF  }
0xc2: {  	_ =	strace $0x9000004D  }
0xc3: {  	_ =	sfence  }
0xc4: {  	s30 =	sld [smem:$0x0];
	_ =	sdelay $0x2  }
0xc5: {  	s31 =	sshll.u32 s1, $0xD;
	s1 =	sshrl.u32 s1, $0x2  }
0xc6: {  	s3 =	sand.u32 $0x4000, s31;
	s1 =	sadd.s32 s1, s30  }
0xc7: {  	s0 =	sor.u32 s3, s0;
	s1 =	sshll.u32 s1, $0x11  }
0xc8: {  	s0 =	sor.u32 s1, s0  }
0xc9: {  	s0 =	sadd.s32 $0x8F2B, s0  }
0xca: {  	[sflag:s0] =	ssyncadd.remote.s32 $0x1  }
0xcb: {  	_ =	sfence.sel $0xFFFF  }
0xcc: {  	[dreg:$0x0] =	wrdreg $0xFFFFFFFF;
	(pc) =	sbr.abs _section_cstart, $3  }
0xcd: {  	[dreg:$0x1] =	wrdreg $0xFFFFFFFF  }
0xce: {  	_ =	task.clear_ibuf [dreg:s11], $0x2FFFF;
	_ =	strace $0x9FFFFFFF  }
0xcf: {  	(tm) =	ssettm $0x7FFFFFFF  }
tec
execute0_lowered:
.L_overlay_start_1:
0x0: {  	(tag) =	ssettag $0x1  }
0x1: {  	s9 =	rddreg [dreg:$0x2]  }
0x2: {  	s0 =	rddreg [dreg:$0x3]  }
0x3: {  	s1 =	rddreg [dreg:$0x4]  }
0x4: {  	s2 =	rddreg [dreg:$0x5]  }
0x5: {  	s10 =	rddreg [dreg:$0x6]  }
0x6: {  	s3 =	srdreg.scid;
	s4 =	stileid.u32;
	s11 =	simm.s32 $0x0  }
0x7: {  	s16 =	simm.s32 $0x1;
	s13 =	simm.s32 $0x200;
	s12 =	simm.s32 $0x2  }
0x8: {  	s3 =	sand.u32 $0x1, s3;
	s5 =	sshll.u32 s4, $0x9;
	[smem:$0x7FF] =	sst s11  }
0x9: {  	p0 =	sne.s32 s4, $0x0;
	s6 =	sshll.u32 s3, $0xD;
	_ =	strace $0x80000047  }
0xa: {  	s8 =	ssub.s32 $0x2, s3;
	s3 =	sshll.u32 s3, $0xA;
	s29 =	sadd.s32 s5, s10  }
0xb: {  	s6 =	sor.u32 s5, s6;
	s26 =	sshrl.u32 s8, $0x1;
	s0 =	sadd.s32 s0, s3  }
0xc: {  	[dreg:$0x9] =	wrdreg s29;
	s7 =	sshll.u32 s6, $0x2;
	s28 =	sshll.u32 s6, $0x4  }
0xd: {  	[dreg:$0x8] =	wrdreg s0;
	s2 =	sadd.s32 s7, s2;
	s0 =	sadd.s32 s1, s28  }
0xe: {  	s7 =	ssub.s32 s8, s26;
	[dreg:$0xa] =	wrdreg s0;
	s30 =	sadd.s32 $0x800, s2  }
0xf: {  	s31 =	smax.u32 s7, $0x1;
	s0 =	simm.s32 @!p0 $0x0;
	[dreg:$0xb] =	wrdreg s30  }
0x10: {  	v0 =	vimm.s32 $0x0;
	s14 =	simm.s32 $0x400;
	[dreg:$0xc] =	wrdreg s31;
	s0 =	simm.s32 @p0 $0x1  }
0x11: {  	v1 =	vlaneseq.u32;
	v2 =	vimm.f32 $0.0e+00;
	vm0 =	vmmov $0xffff;
	s10 =	simm.s32 $0x18900;
	s1 =	simm.s32 $0x0;
	[smem:$0x7FD] =	sst s0  }
.LBB2_1:
0x12: {  	s0 =	sld [smem:$0x7FD];
	_ =	sdelay $0x2  }
0x13: {  	p0 =	seq.s32 s0, $0x1  }
.Ltmp0:
0x14: {  	_ = 	snop;
	(pc) =	sbr.rel @p0 .LBB2_21-.Ltmp0, $2  }
0x15: {  	_ =	sdelay $0x2  }
0x16: {  	[dreg:$0xd] =	wrdreg s1  }
0x17: {  	s0 =	simm.s32 $0x0;
	s1 =	rddreg [dreg:$0x8];
	s2 =	simm.s32 $0x19100  }
0x18: {  	[tilespmem:s2], [sflag:$0x1] =	stream.linear.gather [hbm4b:s1+s0], $0x2000, $0x38;
	[tilespmem:$0x1D100] =	vst v63  }
0x19: {  	_ =	swait.ge [sflag:s16], $0x2000  }
0x1a: {  	[sflag:s16] =	ssyncset.done $0x0  }
0x1b: {  	[sflag:s16] =	ssyncadd.s32 $0xFFFFE000  }
0x1c: {  	s31 =	simm.s32 $0x0;
	_ =	strace $0x80000048  }
0x1d: {  	v5 =	vld [tilespmem:s31+$0x19100]  }
0x1e: {  	v6 =	vld [tilespmem:s31+$0x19110]  }
0x1f: {  	v7 =	vld [tilespmem:s31+$0x19120]  }
0x20: {  	s0 =	simm.s32 $0x40;
	v3 =	vld [tilespmem:s31+$0x19130]  }
0x21: {  	v4 =	vld [tilespmem:s0+$0x19100];
	_ =	sdelay $0x3  }
0x22: {  	[tilespmem:v5+s13+$0x0] =	vst.idx.msk $0xffff, v0  }
0x23: {  	v5 =	vld [tilespmem:s0+$0x19110];
	[tilespmem:v6+s13+$0x0] =	vst.idx.msk $0xffff, v0  }
0x24: {  	s1 =	simm.s32 $0x200;
	v6 =	vld [tilespmem:s0+$0x19120];
	[tilespmem:v7+s13+$0x0] =	vst.idx.msk $0xffff, v0  }
.LBB2_3:
0x25: {  	p0 =	sne.s32 s1, $0x7F00;
	[tilespmem:v3+s13+$0x0] =	vst.idx.msk $0xffff, v0;
	v3 =	vld [tilespmem:s0+$0x19130];
	s0 =	sshra.s32 s1, $0x2  }
0x26: {  	[tilespmem:v4+s13+$0x0] =	vst.idx.msk $0xffff, v0;
	v4 =	vld [tilespmem:s0+$0x19100];
	_ =	sdelay $0x1  }
.Ltmp1:
0x27: {  	(pc) =	sbr.rel @p0 .LBB2_3-.Ltmp1, $3  }
0x28: {  	_ =	sdelay $0x1  }
0x29: {  	[tilespmem:v5+s13+$0x0] =	vst.idx.msk $0xffff, v0;
	v5 =	vld [tilespmem:s0+$0x19110]  }
0x2a: {  	s1 =	sadd.s32 $0x100, s1;
	[tilespmem:v6+s13+$0x0] =	vst.idx.msk $0xffff, v0;
	v6 =	vld [tilespmem:s0+$0x19120]  }
0x2b: {  	_ = 	snop  }
0x2c: {  	v7 =	vld [tilespmem:s0+$0x19130];
	_ =	sdelay $0x3  }
0x2d: {  	[tilespmem:v3+s13+$0x0] =	vst.idx.msk $0xffff, v0  }
0x2e: {  	[tilespmem:v4+s13+$0x0] =	vst.idx.msk $0xffff, v0  }
.Ltmp2:
0x2f: {  	[tilespmem:v5+s13+$0x0] =	vst.idx.msk $0xffff, v0;
	(pc) =	sbr.rel .LBB2_5-.Ltmp2, $4  }
0x30: {  	[tilespmem:v6+s13+$0x0] =	vst.idx.msk $0xffff, v0  }
0x31: {  	[tilespmem:v7+s13+$0x0] =	vst.idx.msk $0xffff, v0  }
0x32: {  	s0 =	simm.s32 $0x0;
	_ =	strace $0x90000048  }
0x33: {  	s1 =	simm.s32 $0x31;
	s2 =	simm.s32 $0x0;
	_ =	strace $0x80000049  }
.LBB2_17:
0x34: {  	s2 =	sadd.s32 $0x1, s2  }
0x35: {  	p0 =	sne.s32 s2, $0x8  }
.Ltmp3:
0x36: {  	_ = 	snop;
	(pc) =	sbr.rel @!p0 .LBB2_18-.Ltmp3, $2  }
0x37: {  	_ =	sdelay $0x2  }
0x38: {  	s1 =	sadd.s32 $0x800, s1  }
.LBB2_5:
0x39: {  	s3 =	sshll.u32 s2, $0x8  }
0x3a: {  	s3 =	sadd.s32 s9, s3  }
0x3b: {  	[tilespmem:s10], [sflag:$0x1] =	stream.linear.gather [hbm4b:s3+s0], $0x800, $0x200038;
	[tilespmem:$0x1D100] =	vst v63  }
0x3c: {  	_ =	swait.ge [sflag:s16], $0x800  }
0x3d: {  	[sflag:s16] =	ssyncset.done $0x0  }
0x3e: {  	s29 =	simm.s32 $0x0;
	[sflag:s16] =	ssyncadd.s32 $0xFFFFF800  }
0x3f: {  	v5 =	vld [tilespmem:s29+$0x18900]  }
0x40: {  	v6 =	vld [tilespmem:s29+$0x18910]  }
0x41: {  	v7 =	vld [tilespmem:s29+$0x18920]  }
0x42: {  	s4 =	simm.s32 $0x40;
	v3 =	vld [tilespmem:s29+$0x18930]  }
0x43: {  	v4 =	vld [tilespmem:s4+$0x18900];
	_ =	sdelay $0x1  }
0x44: {  	s5 =	sadd.s32 $0xFFFFFFD0, s1  }
0x45: {  	s30 =	sadd.s32 $0xFFFFFFE0, s1;
	v8 =	vadd.s32 s5, v1  }
0x46: {  	s31 =	sadd.s32 $0xFFFFFFF0, s1;
	[tilespmem:v5+s13+$0x0] =	vst.idx.msk $0xffff, v8;
	v8 =	vadd.s32 s30, v1  }
0x47: {  	s6 =	sshll.u32 s2, $0xB;
	s7 =	simm.s32 $0x200;
	s5 =	sadd.s32 $0x40, s1;
	v5 =	vld [tilespmem:s4+$0x18910];
	[tilespmem:v6+s13+$0x0] =	vst.idx.msk $0xffff, v8;
	v8 =	vadd.s32 s31, v1  }
0x48: {  	s3 =	sor.u32 $0x1, s6;
	s8 =	sadd.s32 $0xFFFFFFD0, s5;
	s6 =	smov.u32 s5;
	v6 =	vld [tilespmem:s4+$0x18920];
	[tilespmem:v7+s13+$0x0] =	vst.idx.msk $0xffff, v8;
	v7 =	vadd.s32 s1, v1  }
.LBB2_6:
0x49: {  	p0 =	sne.s32 s7, $0x1F00;
	v8 =	vadd.s32 s8, v1;
	[tilespmem:v3+s13+$0x0] =	vst.idx.msk $0xffff, v7;
	v3 =	vld [tilespmem:s4+$0x18930];
	s4 =	sshra.s32 s7, $0x2  }
0x4a: {  	[tilespmem:v4+s13+$0x0] =	vst.idx.msk $0xffff, v8;
	v4 =	vld [tilespmem:s4+$0x18900];
	_ =	sdelay $0x1  }
.Ltmp4:
0x4b: {  	(pc) =	sbr.rel @p0 .LBB2_6-.Ltmp4, $4  }
0x4c: {  	s8 =	sadd.s32 $0xFFFFFFE0, s5  }
0x4d: {  	v7 =	vadd.s32 s8, v1;
	s8 =	sadd.s32 $0xFFFFFFF0, s5  }
0x4e: {  	s5 =	sadd.s32 $0x40, s5;
	[tilespmem:v5+s13+$0x0] =	vst.idx.msk $0xffff, v7;
	v5 =	vld [tilespmem:s4+$0x18910];
	v7 =	vadd.s32 s8, v1  }
0x4f: {  	s7 =	sadd.s32 $0x100, s7;
	s8 =	sadd.s32 $0xFFFFFFD0, s5;
	[tilespmem:v6+s13+$0x0] =	vst.idx.msk $0xffff, v7;
	v6 =	vld [tilespmem:s4+$0x18920];
	v7 =	vadd.s32 s6, v1;
	s6 =	smov.u32 s5  }
0x50: {  	_ = 	snop  }
0x51: {  	v8 =	vld [tilespmem:s4+$0x18930];
	_ =	sdelay $0x3  }
.Ltmp5:
0x52: {  	v9 =	vadd.s32 s8, v1;
	[tilespmem:v3+s13+$0x0] =	vst.idx.msk $0xffff, v7;
	s30 =	sadd.s32 $0xFFFFFFE0, s5;
	(pc) =	sbr.rel .LBB2_8-.Ltmp5, $4  }
0x53: {  	s31 =	sadd.s32 $0xFFFFFFF0, s5;
	[tilespmem:v4+s13+$0x0] =	vst.idx.msk $0xffff, v9;
	v3 =	vadd.s32 s30, v1  }
0x54: {  	[tilespmem:v5+s13+$0x0] =	vst.idx.msk $0xffff, v3;
	v3 =	vadd.s32 s31, v1  }
0x55: {  	[tilespmem:v6+s13+$0x0] =	vst.idx.msk $0xffff, v3;
	v3 =	vadd.s32 s6, v1  }
0x56: {  	s4 =	simm.s32 $0x0;
	[tilespmem:v8+s13+$0x0] =	vst.idx.msk $0xffff, v3  }
.LBB2_16:
0x57: {  	s4 =	sadd.s32 $0x1, s4  }
0x58: {  	p0 =	sne.s32 s4, $0x20  }
.Ltmp6:
0x59: {  	_ = 	snop;
	(pc) =	sbr.rel @!p0 .LBB2_17-.Ltmp6, $1  }
0x5a: {  	_ =	sdelay $0x3  }
.LBB2_8:
0x5b: {  	s5 =	sshll.u32 s4, $0x6  }
0x5c: {  	v3 =	vld [tilespmem:s5+$0x18900];
	_ =	sdelay $0x7  }
0x5d: {  	v5 =	vld.idx.msk [tilespmem:v3+s13+$0x0], $0xffff;
	_ =	sdelay $0x2  }
0x5e: {  	s6 =	sor.u32 s3, s5  }
0x5f: {  	v4 =	vadd.s32 s6, v1  }
0x60: {  	vm1 =	vlt.s32 v5, v4  }
0x61: {  	v5 =	vsel vm1, $0x3F800000, v2  }
0x62: {  	(xrf0) =	vmax.scan.msk.f32 $0xffff, v5;
	_ =	sdelay $0x5  }
0x63: {  	v5, _, _ =	vpop (xrf0)  }
0x64: {  	(v2sf) =	vpush v5, $0xF;
	_ =	sdelay $0xe  }
0x65: {  	s7 =	spop (v2sf)  }
0x66: {  	p0 =	sgt.f32 s7, $0.0e+00  }
.Ltmp7:
0x67: {  	_ = 	snop;
	(pc) =	sbr.rel @!p0 .LBB2_10-.Ltmp7, $1  }
0x68: {  	_ =	sdelay $0x3  }
.LBB2_9:
0x69: {  	[tilespmem:v3+s13+$0x0] =	vst.idx.msk vm1, v4  }
0x6a: {  	v5 =	vld.idx.msk [tilespmem:v3+s13+$0x0], $0xffff;
	_ =	sdelay $0x4  }
0x6b: {  	vm1 =	vlt.s32 v5, v4  }
0x6c: {  	v5 =	vsel vm1, $0x3F800000, v2  }
0x6d: {  	(xrf0) =	vmax.scan.msk.f32 $0xffff, v5;
	_ =	sdelay $0x5  }
0x6e: {  	v5, _, _ =	vpop (xrf0)  }
0x6f: {  	(v2sf) =	vpush v5, $0xF;
	_ =	sdelay $0xe  }
0x70: {  	s7 =	spop (v2sf)  }
0x71: {  	p0 =	sgt.f32 s7, $0.0e+00  }
.Ltmp8:
0x72: {  	_ = 	snop;
	(pc) =	sbr.rel @p0 .LBB2_9-.Ltmp8, $1  }
0x73: {  	_ =	sdelay $0x3  }
.LBB2_10:
0x74: {  	v3 =	vld [tilespmem:s5+$0x18910];
	_ =	sdelay $0x7  }
0x75: {  	v5 =	vld.idx.msk [tilespmem:v3+s13+$0x0], $0xffff;
	_ =	sdelay $0x2  }
0x76: {  	s7 =	sor.u32 $0x10, s6  }
0x77: {  	v4 =	vadd.s32 s7, v1  }
0x78: {  	vm1 =	vlt.s32 v5, v4  }
0x79: {  	v5 =	vsel vm1, $0x3F800000, v2  }
0x7a: {  	(xrf0) =	vmax.scan.msk.f32 $0xffff, v5;
	_ =	sdelay $0x5  }
0x7b: {  	v5, _, _ =	vpop (xrf0)  }
0x7c: {  	(v2sf) =	vpush v5, $0xF;
	_ =	sdelay $0xe  }
0x7d: {  	s31 =	spop (v2sf)  }
0x7e: {  	p0 =	sgt.f32 s31, $0.0e+00  }
.Ltmp9:
0x7f: {  	_ = 	snop;
	(pc) =	sbr.rel @!p0 .LBB2_12-.Ltmp9, $1  }
0x80: {  	_ =	sdelay $0x3  }
.LBB2_11:
0x81: {  	[tilespmem:v3+s13+$0x0] =	vst.idx.msk vm1, v4  }
0x82: {  	v5 =	vld.idx.msk [tilespmem:v3+s13+$0x0], $0xffff;
	_ =	sdelay $0x4  }
0x83: {  	vm1 =	vlt.s32 v5, v4  }
0x84: {  	v5 =	vsel vm1, $0x3F800000, v2  }
0x85: {  	(xrf0) =	vmax.scan.msk.f32 $0xffff, v5;
	_ =	sdelay $0x5  }
0x86: {  	v5, _, _ =	vpop (xrf0)  }
0x87: {  	(v2sf) =	vpush v5, $0xF;
	_ =	sdelay $0xe  }
0x88: {  	s7 =	spop (v2sf)  }
0x89: {  	p0 =	sgt.f32 s7, $0.0e+00  }
.Ltmp10:
0x8a: {  	_ = 	snop;
	(pc) =	sbr.rel @p0 .LBB2_11-.Ltmp10, $1  }
0x8b: {  	_ =	sdelay $0x3  }
.LBB2_12:
0x8c: {  	v3 =	vld [tilespmem:s5+$0x18920];
	_ =	sdelay $0x7  }
0x8d: {  	v5 =	vld.idx.msk [tilespmem:v3+s13+$0x0], $0xffff;
	_ =	sdelay $0x2  }
0x8e: {  	s7 =	sor.u32 $0x20, s6  }
0x8f: {  	v4 =	vadd.s32 s7, v1  }
0x90: {  	vm1 =	vlt.s32 v5, v4  }
0x91: {  	v5 =	vsel vm1, $0x3F800000, v2  }
0x92: {  	(xrf0) =	vmax.scan.msk.f32 $0xffff, v5;
	_ =	sdelay $0x5  }
0x93: {  	v5, _, _ =	vpop (xrf0)  }
0x94: {  	(v2sf) =	vpush v5, $0xF;
	_ =	sdelay $0xe  }
0x95: {  	s31 =	spop (v2sf)  }
0x96: {  	p0 =	sgt.f32 s31, $0.0e+00  }
.Ltmp11:
0x97: {  	_ = 	snop;
	(pc) =	sbr.rel @!p0 .LBB2_14-.Ltmp11, $1  }
0x98: {  	_ =	sdelay $0x3  }
.LBB2_13:
0x99: {  	[tilespmem:v3+s13+$0x0] =	vst.idx.msk vm1, v4  }
0x9a: {  	v5 =	vld.idx.msk [tilespmem:v3+s13+$0x0], $0xffff;
	_ =	sdelay $0x4  }
0x9b: {  	vm1 =	vlt.s32 v5, v4  }
0x9c: {  	v5 =	vsel vm1, $0x3F800000, v2  }
0x9d: {  	(xrf0) =	vmax.scan.msk.f32 $0xffff, v5;
	_ =	sdelay $0x5  }
0x9e: {  	v5, _, _ =	vpop (xrf0)  }
0x9f: {  	(v2sf) =	vpush v5, $0xF;
	_ =	sdelay $0xe  }
0xa0: {  	s7 =	spop (v2sf)  }
0xa1: {  	p0 =	sgt.f32 s7, $0.0e+00  }
.Ltmp12:
0xa2: {  	_ = 	snop;
	(pc) =	sbr.rel @p0 .LBB2_13-.Ltmp12, $1  }
0xa3: {  	_ =	sdelay $0x3  }
.LBB2_14:
0xa4: {  	v3 =	vld [tilespmem:s5+$0x18930];
	_ =	sdelay $0x7  }
0xa5: {  	v5 =	vld.idx.msk [tilespmem:v3+s13+$0x0], $0xffff;
	_ =	sdelay $0x2  }
0xa6: {  	s30 =	sor.u32 $0x30, s6  }
0xa7: {  	v4 =	vadd.s32 s30, v1  }
0xa8: {  	vm1 =	vlt.s32 v5, v4  }
0xa9: {  	v5 =	vsel vm1, $0x3F800000, v2  }
0xaa: {  	(xrf0) =	vmax.scan.msk.f32 $0xffff, v5;
	_ =	sdelay $0x5  }
0xab: {  	v5, _, _ =	vpop (xrf0)  }
0xac: {  	(v2sf) =	vpush v5, $0xF;
	_ =	sdelay $0xe  }
0xad: {  	s31 =	spop (v2sf)  }
0xae: {  	p0 =	sgt.f32 s31, $0.0e+00  }
.Ltmp13:
0xaf: {  	_ = 	snop;
	(pc) =	sbr.rel @!p0 .LBB2_16-.Ltmp13, $1  }
0xb0: {  	_ =	sdelay $0x3  }
.LBB2_15:
0xb1: {  	[tilespmem:v3+s13+$0x0] =	vst.idx.msk vm1, v4  }
0xb2: {  	v5 =	vld.idx.msk [tilespmem:v3+s13+$0x0], $0xffff;
	_ =	sdelay $0x4  }
0xb3: {  	vm1 =	vlt.s32 v5, v4  }
0xb4: {  	v5 =	vsel vm1, $0x3F800000, v2  }
0xb5: {  	(xrf0) =	vmax.scan.msk.f32 $0xffff, v5;
	_ =	sdelay $0x5  }
0xb6: {  	v5, _, _ =	vpop (xrf0)  }
0xb7: {  	(v2sf) =	vpush v5, $0xF;
	_ =	sdelay $0xe  }
0xb8: {  	s5 =	spop (v2sf)  }
0xb9: {  	p0 =	sgt.f32 s5, $0.0e+00  }
.Ltmp14:
0xba: {  	_ = 	snop;
	(pc) =	sbr.rel @p0 .LBB2_15-.Ltmp14, $1  }
0xbb: {  	_ =	sdelay $0x3  }
.Ltmp15:
0xbc: {  	_ = 	snop;
	(pc) =	sbr.rel .LBB2_16-.Ltmp15, $1  }
0xbd: {  	_ =	sdelay $0x3  }
.LBB2_18:
0xbe: {  	_ =	strace $0x90000049  }
0xbf: {  	s1 =	simm.s32 $0x0;
	_ =	strace $0x8000004A  }
0xc0: {  	v3 =	vld [tilespmem:s1+$0x19130];
	_ =	sdelay $0x1  }
0xc1: {  	v6 =	vld [tilespmem:s1+$0x19100]  }
0xc2: {  	v7 =	vld [tilespmem:s1+$0x19110]  }
0xc3: {  	s0 =	simm.s32 $0x40;
	v8 =	vld [tilespmem:s1+$0x19120]  }
0xc4: {  	v10 =	vld [tilespmem:s0+$0x19130]  }
0xc5: {  	v4 =	vld [tilespmem:s0+$0x19100]  }
0xc6: {  	v5 =	vld [tilespmem:s0+$0x19120]  }
0xc7: {  	v11 =	vld.idx.msk [tilespmem:v3+s13+$0x0], $0xffff  }
0xc8: {  	v3 =	vld [tilespmem:s0+$0x19110]  }
0xc9: {  	v9 =	vld.idx.msk [tilespmem:v6+s13+$0x0], $0xffff  }
0xca: {  	v7 =	vld.idx.msk [tilespmem:v7+s13+$0x0], $0xffff  }
0xcb: {  	v6 =	vld.idx.msk [tilespmem:v8+s13+$0x0], $0xffff  }
0xcc: {  	s2 =	simm.s32 $0x80;
	s3 =	simm.s32 $0x300;
	v8 =	vld.idx.msk [tilespmem:v10+s13+$0x0], $0xffff;
	[tilespmem:s1+$0x1B130] =	vst v11  }
.LBB2_19:
0xcd: {  	p0 =	sne.s32 s3, $0x7F00;
	v10 =	vld [tilespmem:s2+$0x19130]  }
0xce: {  	v11 =	vld [tilespmem:s2+$0x19100];
	[tilespmem:s1+$0x1B100] =	vst v9  }
0xcf: {  	v12 =	vld [tilespmem:s2+$0x19110];
	[tilespmem:s1+$0x1B110] =	vst v7  }
0xd0: {  	v13 =	vld [tilespmem:s2+$0x19120];
	[tilespmem:s1+$0x1B120] =	vst v6;
	s1 =	smov.u32 s0;
	s0 =	smov.u32 s2  }
.Ltmp16:
0xd1: {  	v9 =	vld.idx.msk [tilespmem:v4+s13+$0x0], $0xffff;
	(pc) =	sbr.rel @p0 .LBB2_19-.Ltmp16, $4  }
0xd2: {  	v7 =	vld.idx.msk [tilespmem:v3+s13+$0x0], $0xffff;
	[tilespmem:s1+$0x1B130] =	vst v8  }
0xd3: {  	v6 =	vld.idx.msk [tilespmem:v5+s13+$0x0], $0xffff;
	v4 =	vmov v11  }
0xd4: {  	v3 =	vmov v12  }
0xd5: {  	s2 =	sshra.s32 s3, $0x2;
	s3 =	sadd.s32 $0x100, s3;
	v8 =	vld.idx.msk [tilespmem:v10+s13+$0x0], $0xffff;
	v5 =	vmov v13  }
0xd6: {  	v10 =	vld [tilespmem:s2+$0x19130]  }
0xd7: {  	v11 =	vld [tilespmem:s2+$0x19100]  }
0xd8: {  	v12 =	vld [tilespmem:s2+$0x19110]  }
0xd9: {  	v13 =	vld [tilespmem:s2+$0x19120];
	_ =	sdelay $0x1  }
0xda: {  	v4 =	vld.idx.msk [tilespmem:v4+s13+$0x0], $0xffff  }
0xdb: {  	[tilespmem:s1+$0x1B100] =	vst v9;
	v3 =	vld.idx.msk [tilespmem:v3+s13+$0x0], $0xffff  }
0xdc: {  	v5 =	vld.idx.msk [tilespmem:v5+s13+$0x0], $0xffff;
	[tilespmem:s1+$0x1B110] =	vst v7  }
0xdd: {  	[tilespmem:s1+$0x1B120] =	vst v6;
	v61 =	vld.idx.msk [tilespmem:v10+s13+$0x0], $0xffff  }
0xde: {  	[tilespmem:s0+$0x1B130] =	vst v8;
	v62 =	vld.idx.msk [tilespmem:v11+s13+$0x0], $0xffff  }
0xdf: {  	[tilespmem:s0+$0x1B100] =	vst v4;
	v63 =	vld.idx.msk [tilespmem:v12+s13+$0x0], $0xffff  }
0xe0: {  	[tilespmem:s0+$0x1B110] =	vst v3;
	v3 =	vld.idx.msk [tilespmem:v13+s13+$0x0], $0xffff  }
0xe1: {  	[tilespmem:s0+$0x1B120] =	vst v5  }
0xe2: {  	[tilespmem:s2+$0x1B130] =	vst v61  }
0xe3: {  	[tilespmem:s2+$0x1B100] =	vst v62  }
0xe4: {  	[tilespmem:s2+$0x1B110] =	vst v63  }
0xe5: {  	s30 =	rddreg [dreg:$0x6];
	s31 =	simm.s32 $0x1B100;
	[tilespmem:s2+$0x1B120] =	vst v3  }
0xe6: {  	[spmem:s30] =	stream.linear.scatter [tilespmem:s31], [sflag:$0x1], $0x2000, $0x200038;
	[tilespmem:$0x1D100] =	vst v63  }
0xe7: {  	_ =	swait.ge [sflag:s16], $0x2000  }
0xe8: {  	[sflag:s16] =	ssyncset.done $0x0  }
0xe9: {  	[sflag:s16] =	ssyncadd.s32 $0xFFFFE000  }
0xea: {  	_ =	strace $0x9000004A  }
.LBB2_21:
0xeb: {  	[bflag:$0x0] =	sbarrier.arrive $0xFFFF  }
0xec: {  	s0 =	rddreg [dreg:$0x9]  }
0xed: {  	[tilespmem:s13], [sflag:$0x2] =	stream.linear.gather [spmem:s0], $0x200, $0x38;
	[tilespmem:$0x1D100] =	vst v63  }
0xee: {  	_ =	swait.ge [sflag:s12], $0x200  }
0xef: {  	[sflag:s12] =	ssyncset.done $0x0  }
0xf0: {  	s5 =	simm.s32 $0x0;
	[sflag:s12] =	ssyncadd.s32 $0xFFFFFE00  }
0xf1: {  	v13 =	vld [tilespmem:s5+$0x200];
	_ =	sdelay $0x4  }
0xf2: {  	vm1 =	vgt.s32 v13, $0x0  }
0xf3: {  	s0 =	simm.s32 $0x10;
	v3 =	vsel vm1, $0x1, v0  }
0xf4: {  	v4 =	vld [tilespmem:s0+$0x200];
	(xrf0) =	vadd.scan.msk.s32 $0xffff, v3;
	_ =	sdelay $0x2  }
0xf5: {  	v7 =	vimm.s32 $0x0  }
0xf6: {  	[tilespmem:$0x400] =	vst v7  }
0xf7: {  	[tilespmem:$0x410] =	vst v7;
	vm2 =	vgt.s32 v4, $0x0  }
0xf8: {  	[tilespmem:$0x420] =	vst v7;
	v3 =	vsel vm2, $0x1, v0;
	v9, _, _ =	vpop (xrf0)  }
0xf9: {  	s1 =	simm.s32 $0x20;
	[tilespmem:$0x430] =	vst v7;
	(xrf0) =	vadd.scan.msk.s32 $0xffff, v3;
	v3 =	vxor.u32 $0x80000000, v9  }
0xfa: {  	[tilespmem:$0x440] =	vst v7;
	(xrf0) =	vmax.scan.msk.u32 $0xffff, v3;
	v3 =	vld [tilespmem:s1+$0x200]  }
0xfb: {  	[tilespmem:$0x450] =	vst v7  }
0xfc: {  	[tilespmem:$0x460] =	vst v7  }
0xfd: {  	[tilespmem:$0x470] =	vst v7  }
0xfe: {  	[tilespmem:$0x480] =	vst v7  }
0xff: {  	[tilespmem:$0x490] =	vst v7;
	v8, _, _ =	vpop (xrf0);
	vm3 =	vgt.s32 v3, $0x0  }
0x100: {  	s2 =	simm.s32 $0x30;
	[tilespmem:$0x4A0] =	vst v7;
	v5, _, _ =	vpop (xrf0);
	v6 =	vsel vm3, $0x1, v0  }
0x101: {  	[tilespmem:$0x4B0] =	vst v7;
	(v2sf) =	vpush v5, $0xF;
	v5 =	vld [tilespmem:s2+$0x200];
	(xrf0) =	vadd.scan.msk.s32 $0xffff, v6  }
0x102: {  	[tilespmem:$0x4C0] =	vst v7  }
0x103: {  	[tilespmem:$0x4D0] =	vst v7  }
0x104: {  	[tilespmem:$0x4E0] =	vst v7  }
0x105: {  	[tilespmem:$0x4F0] =	vst v7  }
0x106: {  	[tilespmem:$0x500] =	vst v7;
	v6 =	vxor.u32 $0x80000000, v8;
	vm4 =	vgt.s32 v5, $0x0  }
0x107: {  	[tilespmem:$0x510] =	vst v7;
	(xrf0) =	vmax.scan.msk.u32 $0xffff, v6;
	v11 =	vsel vm4, $0x1, v0;
	v10, _, _ =	vpop (xrf0)  }
0x108: {  	[tilespmem:$0x520] =	vst v7;
	(xrf0) =	vadd.scan.msk.s32 $0xffff, v11;
	v11 =	vxor.u32 $0x80000000, v10  }
0x109: {  	[tilespmem:$0x530] =	vst v7;
	(xrf0) =	vmax.scan.msk.u32 $0xffff, v11  }
0x10a: {  	[tilespmem:$0x540] =	vst v7  }
0x10b: {  	[tilespmem:$0x550] =	vst v7  }
0x10c: {  	[tilespmem:$0x560] =	vst v7  }
0x10d: {  	s3 =	simm.s32 $0x40;
	[tilespmem:$0x570] =	vst v7;
	v11, _, _ =	vpop (xrf0)  }
0x10e: {  	[tilespmem:$0x580] =	vst v7;
	v6 =	vld [tilespmem:s3+$0x200];
	(v2sf) =	vpush v11, $0xF;
	v11, _, _ =	vpop (xrf0)  }
0x10f: {  	[tilespmem:$0x590] =	vst v7;
	vm1 =	vmmov vm1;
	v16, _, _ =	vpop (xrf0)  }
0x110: {  	[tilespmem:$0x5A0] =	vst v7;
	vm1 =	vmmov vm1;
	s6 =	spop (v2sf);
	(v2sf) =	vpush v16, $0xF  }
0x111: {  	[tilespmem:$0x5B0] =	vst v7;
	vm1 =	vmmov vm1  }
0x112: {  	[tilespmem:$0x5C0] =	vst v7;
	vm2 =	vmmov vm2;
	vm1 =	vmmov vm1  }
0x113: {  	[tilespmem:$0x5D0] =	vst v7;
	vm1 =	vmmov vm1;
	v9 =	vadd.s32 v9, v7;
	vm6 =	vgt.s32 v6, $0x0  }
0x114: {  	s4 =	simm.s32 $0x50;
	[tilespmem:$0x5E0] =	vst v7;
	vm2 =	vmmov vm2;
	v12 =	vadd.s32 $0xFFFFFFFF, v9;
	v9 =	vsel vm6, $0x1, v0  }
0x115: {  	[tilespmem:$0x5F0] =	vst v7;
	vm2 =	vmmov vm2;
	(xrf0) =	vadd.scan.msk.s32 $0xffff, v9;
	v9 =	vld [tilespmem:s4+$0x200];
	v15 =	vxor.u32 $0x80000000, v11  }
0x116: {  	v13 =	vadd.s32 $0xFFFFFFFF, v13;
	vm2 =	vmmov vm2;
	vm3 =	vmmov vm3;
	(xrf0) =	vmax.scan.msk.u32 $0xffff, v15  }
0x117: {  	[tilespmem:$0x600] =	vst v7;
	v14 =	vnsel vm1, $0xFFFFFFFF, v12;
	vm3 =	vmmov vm3;
	vm4 =	vmmov vm4  }
0x118: {  	[tilespmem:s5+$0x610] =	vst v14;
	s5 =	simm.s32 $0x180;
	vm5 =	vmmov vm3;
	vm3 =	vmmov vm4;
	vm4 =	vmmov vm6;
	s6 =	sxor.u32 $0x80000000, s6  }
.LBB2_22:
0x119: {  	p0 =	sne.s32 s5, $0x7C0;
	[tilespmem:v12+s14+$0x0] =	vst.idx.msk vm1, v13;
	v7 =	vadd.s32 s6, v7;
	vm1 =	vmmov vm2;
	vm2 =	vmmov vm5;
	s6 =	smov.u32 s5;
	s5 =	sadd.s32 $0x40, s5  }
0x11a: {  	vm6 =	vgt.s32 v9, $0x0;
	v12 =	vadd.s32 v8, v7;
	v8 =	vmovc v10;
	v10 =	vmovc v11;
	v14 =	vmov v9  }
.Ltmp17:
0x11b: {  	vm5 =	vmmov vm3;
	s6 =	sshra.s32 s6, $0x2;
	v13 =	vsel vm6, $0x1, v0;
	v11, _, _ =	vpop (xrf0);
	v12 =	vadd.s32 $0xFFFFFFFF, v12;
	(pc) =	sbr.rel @p0 .LBB2_22-.Ltmp17, $4  }
0x11c: {  	vm3 =	vmmov vm4;
	v9 =	vld [tilespmem:s6+$0x200];
	(xrf0) =	vadd.scan.msk.s32 $0xffff, v13;
	v13 =	vxor.u32 $0x80000000, v11;
	v15, _, _ =	vpop (xrf0);
	v16 =	vnsel vm1, $0xFFFFFFFF, v12  }
0x11d: {  	vm4 =	vmmov vm6;
	(xrf0) =	vmax.scan.msk.u32 $0xffff, v13;
	(v2sf) =	vpush v15, $0xF;
	[tilespmem:s0+$0x610] =	vst v16;
	s0 =	smov.u32 s1;
	s1 =	smov.u32 s2;
	s2 =	smov.u32 s3  }
0x11e: {  	s3 =	smov.u32 s4;
	s4 =	smov.u32 s6;
	s7 =	spop (v2sf)  }
0x11f: {  	v13 =	vadd.s32 $0xFFFFFFFF, v4;
	v4 =	vmovc v3;
	v3 =	vmovc v5;
	v5 =	vmov v6;
	v6 =	vmov v14;
	s6 =	sxor.u32 $0x80000000, s7  }
0x120: {  	_ = 	snop  }
0x121: {  	vm6 =	vgt.s32 v9, $0x0  }
0x122: {  	v14 =	vsel vm6, $0x1, v0  }
0x123: {  	(xrf0) =	vadd.scan.msk.s32 $0xffff, v14;
	_ =	sdelay $0x3  }
0x124: {  	v51, _, _ =	vpop (xrf0)  }
0x125: {  	v15, _, _ =	vpop (xrf0)  }
0x126: {  	v16 =	vxor.u32 $0x80000000, v51;
	v17, _, _ =	vpop (xrf0)  }
0x127: {  	(xrf0) =	vmax.scan.msk.u32 $0xffff, v16;
	v52 =	vxor.u32 $0x80000000, v17  }
0x128: {  	(xrf0) =	vmax.scan.msk.u32 $0xffff, v52;
	_ =	sdelay $0x4  }
0x129: {  	(v2sf) =	vpush v15, $0xF;
	v53, _, _ =	vpop (xrf0)  }
0x12a: {  	(v2sf) =	vpush v53, $0xF;
	v54, _, _ =	vpop (xrf0)  }
0x12b: {  	(v2sf) =	vpush v54, $0xF;
	_ =	sdelay $0xa  }
0x12c: {  	s5 =	spop (v2sf)  }
0x12d: {  	v7 =	vadd.s32 s6, v7;
	s5 =	sxor.u32 $0x80000000, s5;
	s19 =	spop (v2sf)  }
0x12e: {  	v55 =	vadd.s32 s5, v7;
	s20 =	sxor.u32 $0x80000000, s19;
	s21 =	spop (v2sf)  }
0x12f: {  	v56 =	vadd.s32 s20, v55;
	s22 =	sxor.u32 $0x80000000, s21;
	s23 =	spop (v2sf)  }
0x130: {  	v18 =	vadd.s32 s22, v56;
	s24 =	sxor.u32 $0x80000000, s23;
	s25 =	spop (v2sf)  }
0x131: {  	v19 =	vadd.s32 s24, v18;
	s26 =	sxor.u32 $0x80000000, s25  }
0x132: {  	v20 =	vadd.s32 s26, v19  }
0x133: {  	(v2sf) =	vpush v20, $0x0;
	_ =	sdelay $0xb  }
0x134: {  	vm2 =	vmmov vm2;
	vm5 =	vmmov vm5  }
0x135: {  	vm3 =	vmmov vm3;
	vm4 =	vmmov vm4;
	v7 =	vadd.s32 v8, v7  }
0x136: {  	vm5 =	vmmov vm5;
	v7 =	vadd.s32 $0xFFFFFFFF, v7;
	v57 =	vadd.s32 v10, v55  }
0x137: {  	v4 =	vadd.s32 $0xFFFFFFFF, v4;
	v58 =	vnsel vm2, $0xFFFFFFFF, v7;
	v8 =	vadd.s32 $0xFFFFFFFF, v57;
	s28 =	spop (v2sf)  }
0x138: {  	v3 =	vadd.s32 $0xFFFFFFFF, v3;
	vm3 =	vmmov vm3;
	vm6 =	vmmov vm6;
	[tilespmem:s0+$0x610] =	vst v58;
	s0 =	sadd.s32 $0xF, s28  }
0x139: {  	[tilespmem:v12+s14+$0x0] =	vst.idx.msk vm1, v13;
	vm1 =	vmmov vm3;
	v59 =	vnsel vm5, $0xFFFFFFFF, v8;
	v11 =	vadd.s32 v11, v56;
	s29 =	sand.u32 $0xF, s0  }
0x13a: {  	vm4 =	vmmov vm4;
	vm3 =	vmmov vm6;
	[tilespmem:s1+$0x610] =	vst v59;
	v60 =	vadd.s32 $0xFFFFFFFF, v11;
	s30 =	sshra.s32 s0, $0x1F;
	p0 =	slt.s32 s0, $0x1;
	p1 =	sne.s32 s29, $0x0  }
0x13b: {  	vm4 =	vmmov vm4;
	[tilespmem:v7+s14+$0x0] =	vst.idx.msk vm2, v4;
	vm2 =	vmmov vm3;
	v61 =	vadd.s32 v51, v18;
	s31 =	sshrl.u32 s30, $0x1C;
	p0 =	por !p0, !p1  }
0x13c: {  	s1 =	simm.s32 $0x1;
	vm2 =	vmmov vm2;
	[tilespmem:v8+s14+$0x0] =	vst.idx.msk vm5, v3;
	v3 =	vnsel vm1, $0xFFFFFFFF, v60;
	v4 =	vadd.s32 $0xFFFFFFFF, v61;
	s0 =	sadd.s32 s31, s0;
	p0 =	por !p0, !p0  }
0x13d: {  	vm2 =	vmmov vm2;
	[tilespmem:s2+$0x610] =	vst v3;
	v62 =	vadd.s32 v17, v19;
	s2 =	sshra.s32 s0, $0x4;
	s1 =	simm.s32 @!p0 $0x0  }
0x13e: {  	vm3 =	vmmov vm4;
	v3 =	vadd.s32 $0xFFFFFFFF, v5;
	v63 =	vadd.s32 $0xFFFFFFFF, v62;
	s0 =	ssub.s32 s2, s1  }
0x13f: {  	[tilespmem:v60+s14+$0x0] =	vst.idx.msk vm1, v3;
	v3 =	vnsel vm3, $0xFFFFFFFF, v4;
	p1 =	slt.s32 s0, $0x1  }
.Ltmp18:
0x140: {  	[tilespmem:s3+$0x610] =	vst v3;
	v3 =	vadd.s32 $0xFFFFFFFF, v6;
	(pc) =	sbr.rel @p1 .LBB2_29-.Ltmp18, $4  }
0x141: {  	[tilespmem:v4+s14+$0x0] =	vst.idx.msk vm4, v3;
	v3 =	vnsel vm2, $0xFFFFFFFF, v63  }
0x142: {  	[tilespmem:s4+$0x610] =	vst v3;
	v3 =	vadd.s32 $0xFFFFFFFF, v9  }
0x143: {  	[tilespmem:v63+s14+$0x0] =	vst.idx.msk vm2, v3  }
0x144: {  	_ =	strace $0x8000004B  }
0x145: {  	v3 =	vld [tilespmem:$0x400];
	_ =	sdelay $0x4  }
0x146: {  	p1 =	seq.s32 s0, $0x1  }
.Ltmp19:
0x147: {  	_ = 	snop;
	(pc) =	sbr.rel @p1 .LBB2_28-.Ltmp19, $4  }
0x148: {  	s4 =	rddreg [dreg:$0x0];
	s1 =	simm.s32 $0x820  }
0x149: {  	[tilespmem:s1], [sflag:$0x1] =	stream.indirect_vreg.gather [hbm4b:s4+s11], $0x80, v3, vm0, $0x2000b8;
	[tilespmem:$0x1D100] =	vst v63  }
0x14a: {  	s5 =	rddreg [dreg:$0x1];
	s31 =	simm.s32 $0x10820  }
0x14b: {  	[tilespmem:s31], [sflag:$0x1] =	stream.indirect_vreg.gather [hbm4b:s5+s11], $0x20, v3, vm0, $0x2000b8;
	[tilespmem:$0x1D100] =	vst v63  }
0x14c: {  	s0 =	simm.s32 $0x410  }
0x14d: {  	v3 =	vld [tilespmem:s0+$0x0];
	_ =	sdelay $0x3  }
0x14e: {  	s3 =	simm.s32 $0xFFFFFFFF  }
0x14f: {  	s3 =	simm.s32 @!p0 $0x0  }
0x150: {  	s2 =	sadd.s32 s3, s2  }
0x151: {  	s0 =	simm.s32 $0x1020;
	s2 =	sadd.s32 $0xFFFFFFFF, s2  }
0x152: {  	[tilespmem:s0], [sflag:$0x1] =	stream.indirect_vreg.gather [hbm4b:s4+s11], $0x80, v3, vm0, $0x2000b8;
	[tilespmem:$0x1D100] =	vst v63  }
0x153: {  	s1 =	simm.s32 $0x10A20;
	p0 =	sne.s32 s2, $0x1  }
0x154: {  	[tilespmem:s1], [sflag:$0x1] =	stream.indirect_vreg.gather [hbm4b:s5+s11], $0x20, v3, vm0, $0x2000b8;
	[tilespmem:$0x1D100] =	vst v63  }
.Ltmp20:
0x155: {  	_ =	swait.ge [sflag:s16], $0x800;
	(pc) =	sbr.rel @!p0 .LBB2_27-.Ltmp20, $4  }
0x156: {  	[sflag:s16] =	ssyncset.done $0x0  }
0x157: {  	[sflag:s16] =	ssyncadd.s32 $0xFFFFF800  }
0x158: {  	_ =	swait.ge [sflag:s16], $0x200  }
0x159: {  	s3 =	simm.s32 $0x420;
	s2 =	sadd.s32 $0xFFFFFFFF, s2;
	[sflag:s16] =	ssyncset.done $0x0  }
.LBB2_26:
0x15a: {  	[sflag:s16] =	ssyncadd.s32 $0xFFFFFE00;
	s1 =	sadd.s32 $0x200, s1;
	s0 =	sadd.s32 $0x800, s0  }
0x15b: {  	p0 =	sne.s32 s2, $0x1;
	s2 =	sadd.s32 $0xFFFFFFFF, s2;
	v3 =	vld [tilespmem:s3+$0x0];
	_ =	sdelay $0x7  }
0x15c: {  	[tilespmem:s0], [sflag:$0x1] =	stream.indirect_vreg.gather [hbm4b:s4+s11], $0x80, v3, vm0, $0x2000b8;
	[tilespmem:$0x1D100] =	vst v63  }
0x15d: {  	_ = 	snop  }
0x15e: {  	[tilespmem:s1], [sflag:$0x1] =	stream.indirect_vreg.gather [hbm4b:s5+s11], $0x20, v3, vm0, $0x2000b8;
	[tilespmem:$0x1D100] =	vst v63  }
.Ltmp21:
0x15f: {  	_ =	swait.ge [sflag:s16], $0x800;
	(pc) =	sbr.rel @p0 .LBB2_26-.Ltmp21, $4  }
0x160: {  	[sflag:s16] =	ssyncset.done $0x0  }
0x161: {  	[sflag:s16] =	ssyncadd.s32 $0xFFFFF800  }
0x162: {  	_ =	swait.ge [sflag:s16], $0x200  }
0x163: {  	s3 =	sadd.s32 $0x10, s3;
	[sflag:s16] =	ssyncset.done $0x0  }
.LBB2_27:
0x164: {  	[sflag:s16] =	ssyncadd.s32 $0xFFFFFE00  }
.LBB2_28:
0x165: {  	_ =	swait.ge [sflag:s16], $0x800  }
0x166: {  	[sflag:s16] =	ssyncset.done $0x0  }
0x167: {  	[sflag:s16] =	ssyncadd.s32 $0xFFFFF800  }
0x168: {  	_ =	swait.ge [sflag:s16], $0x200  }
0x169: {  	[sflag:s16] =	ssyncset.done $0x0  }
0x16a: {  	[sflag:s16] =	ssyncadd.s32 $0xFFFFFE00  }
.LBB2_29:
0x16b: {  	_ =	strace $0x9000004B  }
0x16c: {  	s1 =	simm.s32 $0x0;
	_ =	strace $0x8000004C  }
.LBB2_30:
0x16d: {  	s22 =	sshll.u32 s1, $0x4  }
0x16e: {  	s0 =	ssub.s32 $0x800, s22  }
0x16f: {  	v3 =	vld [tilespmem:s0+$0x0];
	_ =	sdelay $0x4  }
0x170: {  	(v2sf) =	vpush v3, $0xF;
	_ =	sdelay $0xe  }
0x171: {  	s12 =	spop (v2sf)  }
0x172: {  	s0 =	sxor.u32 $0x1FF, s22;
	p0 =	slt.s32 s12, $0x0  }
0x173: {  	s23 =	sshll.u32 @p0 s0, $0x7  }
0x174: {  	[dreg:$0xe] =	wrdreg s1;
	v4 =	vimm.f32 @p0 $0.0e+00;
	s1 =	sand.u32 @p0 $0x3FFFFF80, s23  }
0x175: {  	[tilespmem:s1+$0x820] =	vst @p0 v4  }
0x176: {  	[tilespmem:s1+$0x830] =	vst @p0 v4  }
0x177: {  	[tilespmem:s1+$0x840] =	vst @p0 v4  }
0x178: {  	[tilespmem:s1+$0x850] =	vst @p0 v4  }
0x179: {  	[tilespmem:s1+$0x860] =	vst @p0 v4  }
0x17a: {  	[tilespmem:s1+$0x870] =	vst @p0 v4  }
0x17b: {  	s2 =	sshll.u32 @!p0 s12, $0x9;
	[tilespmem:s1+$0x880] =	vst @p0 v4  }
0x17c: {  	[tilespmem:s1+$0x890] =	vst @p0 v4;
	s1 =	sshra.s32 @!p0 s2, $0x2  }
0x17d: {  	v5 =	vld @!p0 [tilespmem:s1+$0x820];
	_ =	sdelay $0x2  }
0x17e: {  	s26 =	sshll.u32 @!p0 s0, $0x7  }
0x17f: {  	s0 =	sand.u32 @!p0 $0x3FFFFF80, s26  }
0x180: {  	[tilespmem:s0+$0x820] =	vst @!p0 v5  }
0x181: {  	v5 =	vld @!p0 [tilespmem:s1+$0x830];
	_ =	sdelay $0x4  }
0x182: {  	[tilespmem:s0+$0x830] =	vst @!p0 v5  }
0x183: {  	v5 =	vld @!p0 [tilespmem:s1+$0x840];
	_ =	sdelay $0x4  }
0x184: {  	[tilespmem:s0+$0x840] =	vst @!p0 v5  }
0x185: {  	v5 =	vld @!p0 [tilespmem:s1+$0x850];
	_ =	sdelay $0x4  }
0x186: {  	[tilespmem:s0+$0x850] =	vst @!p0 v5  }
0x187: {  	v5 =	vld @!p0 [tilespmem:s1+$0x860];
	_ =	sdelay $0x4  }
0x188: {  	[tilespmem:s0+$0x860] =	vst @!p0 v5  }
0x189: {  	(v2sf) =	vpush v3, $0xE;
	v5 =	vld @!p0 [tilespmem:s1+$0x870];
	_ =	sdelay $0x4  }
0x18a: {  	[tilespmem:s0+$0x870] =	vst @!p0 v5  }
0x18b: {  	v5 =	vld @!p0 [tilespmem:s1+$0x880];
	_ =	sdelay $0x4  }
0x18c: {  	[tilespmem:s0+$0x880] =	vst @!p0 v5  }
0x18d: {  	v5 =	vld @!p0 [tilespmem:s1+$0x890];
	_ =	sdelay $0x2  }
0x18e: {  	s2 =	spop (v2sf)  }
0x18f: {  	p2 =	slt.s32 s2, $0x0;
	s1 =	ssub.s32 $0x1FE, s22  }
0x190: {  	s24 =	sshll.u32 @p2 s1, $0x7;
	[tilespmem:s0+$0x890] =	vst @!p0 v5;
	v5 =	vimm.f32 @p2 $0.0e+00  }
0x191: {  	[tilespmem:s24+$0x820] =	vst @p2 v5  }
0x192: {  	[tilespmem:s24+$0x830] =	vst @p2 v5  }
0x193: {  	[dreg:$0xf] =	wrdreg s2;
	[tilespmem:s24+$0x840] =	vst @p2 v5  }
0x194: {  	[tilespmem:s24+$0x850] =	vst @p2 v5  }
0x195: {  	[tilespmem:s24+$0x860] =	vst @p2 v5  }
0x196: {  	[tilespmem:s24+$0x870] =	vst @p2 v5  }
0x197: {  	s0 =	sshll.u32 @!p2 s2, $0x9;
	[tilespmem:s24+$0x880] =	vst @p2 v5  }
0x198: {  	[tilespmem:s24+$0x890] =	vst @p2 v5;
	s0 =	sshra.s32 @!p2 s0, $0x2  }
0x199: {  	v6 =	vld @!p2 [tilespmem:s0+$0x820];
	_ =	sdelay $0x3  }
0x19a: {  	s28 =	sshll.u32 @!p2 s1, $0x7  }
0x19b: {  	[tilespmem:s28+$0x820] =	vst @!p2 v6  }
0x19c: {  	v6 =	vld @!p2 [tilespmem:s0+$0x830];
	_ =	sdelay $0x4  }
0x19d: {  	[tilespmem:s28+$0x830] =	vst @!p2 v6  }
0x19e: {  	v6 =	vld @!p2 [tilespmem:s0+$0x840];
	_ =	sdelay $0x4  }
0x19f: {  	[tilespmem:s28+$0x840] =	vst @!p2 v6  }
0x1a0: {  	v6 =	vld @!p2 [tilespmem:s0+$0x850];
	_ =	sdelay $0x4  }
0x1a1: {  	[tilespmem:s28+$0x850] =	vst @!p2 v6  }
0x1a2: {  	v6 =	vld @!p2 [tilespmem:s0+$0x860];
	_ =	sdelay $0x4  }
0x1a3: {  	[tilespmem:s28+$0x860] =	vst @!p2 v6  }
0x1a4: {  	(v2sf) =	vpush v3, $0xD;
	v6 =	vld @!p2 [tilespmem:s0+$0x870];
	_ =	sdelay $0x4  }
0x1a5: {  	[tilespmem:s28+$0x870] =	vst @!p2 v6  }
0x1a6: {  	v6 =	vld @!p2 [tilespmem:s0+$0x880];
	_ =	sdelay $0x4  }
0x1a7: {  	[tilespmem:s28+$0x880] =	vst @!p2 v6  }
0x1a8: {  	v6 =	vld @!p2 [tilespmem:s0+$0x890];
	_ =	sdelay $0x1  }
0x1a9: {  	s0 =	simm.s32 @!p2 $0x0  }
0x1aa: {  	s1 =	spop (v2sf);
	s0 =	simm.s32 @p2 $0x1  }
0x1ab: {  	p1 =	slt.s32 s1, $0x0;
	[smem:$0x7F6] =	sst s0;
	s0 =	ssub.s32 $0x1FD, s22  }
0x1ac: {  	s29 =	sshll.u32 @p1 s0, $0x7;
	[tilespmem:s28+$0x890] =	vst @!p2 v6;
	v6 =	vimm.f32 @p1 $0.0e+00  }
0x1ad: {  	[tilespmem:s29+$0x820] =	vst @p1 v6  }
0x1ae: {  	[tilespmem:s29+$0x830] =	vst @p1 v6  }
0x1af: {  	[tilespmem:s29+$0x840] =	vst @p1 v6  }
0x1b0: {  	[tilespmem:s29+$0x850] =	vst @p1 v6  }
0x1b1: {  	[tilespmem:s29+$0x860] =	vst @p1 v6  }
0x1b2: {  	[tilespmem:s29+$0x870] =	vst @p1 v6  }
0x1b3: {  	[dreg:$0x10] =	wrdreg s1;
	s1 =	sshll.u32 @!p1 s1, $0x9;
	[tilespmem:s29+$0x880] =	vst @p1 v6  }
0x1b4: {  	s1 =	sshra.s32 @!p1 s1, $0x2;
	[tilespmem:s29+$0x890] =	vst @p1 v6  }
0x1b5: {  	v7 =	vld @!p1 [tilespmem:s1+$0x820];
	_ =	sdelay $0x3  }
0x1b6: {  	s3 =	sshll.u32 @!p1 s0, $0x7  }
0x1b7: {  	[tilespmem:s3+$0x820] =	vst @!p1 v7  }
0x1b8: {  	v7 =	vld @!p1 [tilespmem:s1+$0x830];
	_ =	sdelay $0x4  }
0x1b9: {  	[tilespmem:s3+$0x830] =	vst @!p1 v7  }
0x1ba: {  	v7 =	vld @!p1 [tilespmem:s1+$0x840];
	_ =	sdelay $0x4  }
0x1bb: {  	[tilespmem:s3+$0x840] =	vst @!p1 v7  }
0x1bc: {  	v7 =	vld @!p1 [tilespmem:s1+$0x850];
	_ =	sdelay $0x4  }
0x1bd: {  	[tilespmem:s3+$0x850] =	vst @!p1 v7  }
0x1be: {  	v7 =	vld @!p1 [tilespmem:s1+$0x860];
	_ =	sdelay $0x4  }
0x1bf: {  	[tilespmem:s3+$0x860] =	vst @!p1 v7  }
0x1c0: {  	(v2sf) =	vpush v3, $0xC;
	v7 =	vld @!p1 [tilespmem:s1+$0x870];
	_ =	sdelay $0x4  }
0x1c1: {  	[tilespmem:s3+$0x870] =	vst @!p1 v7  }
0x1c2: {  	v7 =	vld @!p1 [tilespmem:s1+$0x880];
	_ =	sdelay $0x4  }
0x1c3: {  	[tilespmem:s3+$0x880] =	vst @!p1 v7  }
0x1c4: {  	v7 =	vld @!p1 [tilespmem:s1+$0x890];
	_ =	sdelay $0x1  }
0x1c5: {  	s0 =	simm.s32 @!p1 $0x0  }
0x1c6: {  	s0 =	simm.s32 @p1 $0x1;
	p2 =	por p1, p1;
	s1 =	spop (v2sf)  }
0x1c7: {  	[smem:$0x7F7] =	sst s0;
	s0 =	ssub.s32 $0x1FC, s22;
	p1 =	slt.s32 s1, $0x0  }
0x1c8: {  	s11 =	sshll.u32 @p1 s0, $0x7;
	[tilespmem:s3+$0x890] =	vst @!p2 v7;
	v7 =	vimm.f32 @p1 $0.0e+00  }
0x1c9: {  	[tilespmem:s11+$0x820] =	vst @p1 v7  }
0x1ca: {  	[tilespmem:s11+$0x830] =	vst @p1 v7  }
0x1cb: {  	[tilespmem:s11+$0x840] =	vst @p1 v7  }
0x1cc: {  	[tilespmem:s11+$0x850] =	vst @p1 v7  }
0x1cd: {  	[tilespmem:s11+$0x860] =	vst @p1 v7  }
0x1ce: {  	[tilespmem:s11+$0x870] =	vst @p1 v7  }
0x1cf: {  	[dreg:$0x11] =	wrdreg s1;
	s1 =	sshll.u32 @!p1 s1, $0x9;
	[tilespmem:s11+$0x880] =	vst @p1 v7  }
0x1d0: {  	s1 =	sshra.s32 @!p1 s1, $0x2;
	[tilespmem:s11+$0x890] =	vst @p1 v7  }
0x1d1: {  	v8 =	vld @!p1 [tilespmem:s1+$0x820];
	_ =	sdelay $0x3  }
0x1d2: {  	s4 =	sshll.u32 @!p1 s0, $0x7  }
0x1d3: {  	[tilespmem:s4+$0x820] =	vst @!p1 v8  }
0x1d4: {  	v8 =	vld @!p1 [tilespmem:s1+$0x830];
	_ =	sdelay $0x4  }
0x1d5: {  	[tilespmem:s4+$0x830] =	vst @!p1 v8  }
0x1d6: {  	v8 =	vld @!p1 [tilespmem:s1+$0x840];
	_ =	sdelay $0x4  }
0x1d7: {  	[tilespmem:s4+$0x840] =	vst @!p1 v8  }
0x1d8: {  	v8 =	vld @!p1 [tilespmem:s1+$0x850];
	_ =	sdelay $0x4  }
0x1d9: {  	[tilespmem:s4+$0x850] =	vst @!p1 v8  }
0x1da: {  	v8 =	vld @!p1 [tilespmem:s1+$0x860];
	_ =	sdelay $0x4  }
0x1db: {  	[tilespmem:s4+$0x860] =	vst @!p1 v8  }
0x1dc: {  	(v2sf) =	vpush v3, $0xB;
	v8 =	vld @!p1 [tilespmem:s1+$0x870];
	_ =	sdelay $0x4  }
0x1dd: {  	[tilespmem:s4+$0x870] =	vst @!p1 v8  }
0x1de: {  	v8 =	vld @!p1 [tilespmem:s1+$0x880];
	_ =	sdelay $0x4  }
0x1df: {  	[tilespmem:s4+$0x880] =	vst @!p1 v8  }
0x1e0: {  	v8 =	vld @!p1 [tilespmem:s1+$0x890]  }
0x1e1: {  	s0 =	simm.s32 @!p1 $0x0  }
0x1e2: {  	s0 =	simm.s32 @p1 $0x1  }
0x1e3: {  	[smem:$0x7F8] =	sst s0;
	s1 =	spop (v2sf)  }
0x1e4: {  	s0 =	ssub.s32 $0x1FB, s22;
	p2 =	por p1, p1;
	p1 =	slt.s32 s1, $0x0  }
0x1e5: {  	s6 =	sshll.u32 @p1 s0, $0x7;
	[tilespmem:s4+$0x890] =	vst @!p2 v8;
	v8 =	vimm.f32 @p1 $0.0e+00  }
0x1e6: {  	[tilespmem:s6+$0x820] =	vst @p1 v8  }
0x1e7: {  	[tilespmem:s6+$0x830] =	vst @p1 v8  }
0x1e8: {  	[tilespmem:s6+$0x840] =	vst @p1 v8  }
0x1e9: {  	[tilespmem:s6+$0x850] =	vst @p1 v8  }
0x1ea: {  	[tilespmem:s6+$0x860] =	vst @p1 v8  }
0x1eb: {  	[tilespmem:s6+$0x870] =	vst @p1 v8  }
0x1ec: {  	[dreg:$0x12] =	wrdreg s1;
	s1 =	sshll.u32 @!p1 s1, $0x9;
	[tilespmem:s6+$0x880] =	vst @p1 v8  }
0x1ed: {  	s1 =	sshra.s32 @!p1 s1, $0x2;
	[tilespmem:s6+$0x890] =	vst @p1 v8  }
0x1ee: {  	v9 =	vld @!p1 [tilespmem:s1+$0x820];
	_ =	sdelay $0x3  }
0x1ef: {  	s7 =	sshll.u32 @!p1 s0, $0x7  }
0x1f0: {  	[tilespmem:s7+$0x820] =	vst @!p1 v9  }
0x1f1: {  	v9 =	vld @!p1 [tilespmem:s1+$0x830];
	_ =	sdelay $0x4  }
0x1f2: {  	[tilespmem:s7+$0x830] =	vst @!p1 v9  }
0x1f3: {  	v9 =	vld @!p1 [tilespmem:s1+$0x840];
	_ =	sdelay $0x4  }
0x1f4: {  	[tilespmem:s7+$0x840] =	vst @!p1 v9  }
0x1f5: {  	v9 =	vld @!p1 [tilespmem:s1+$0x850];
	_ =	sdelay $0x4  }
0x1f6: {  	[tilespmem:s7+$0x850] =	vst @!p1 v9  }
0x1f7: {  	v9 =	vld @!p1 [tilespmem:s1+$0x860];
	_ =	sdelay $0x4  }
0x1f8: {  	[tilespmem:s7+$0x860] =	vst @!p1 v9  }
0x1f9: {  	(v2sf) =	vpush v3, $0xA;
	v9 =	vld @!p1 [tilespmem:s1+$0x870];
	_ =	sdelay $0x4  }
0x1fa: {  	[tilespmem:s7+$0x870] =	vst @!p1 v9  }
0x1fb: {  	v9 =	vld @!p1 [tilespmem:s1+$0x880];
	_ =	sdelay $0x4  }
0x1fc: {  	[tilespmem:s7+$0x880] =	vst @!p1 v9  }
0x1fd: {  	v9 =	vld @!p1 [tilespmem:s1+$0x890]  }
0x1fe: {  	s0 =	simm.s32 @!p1 $0x0  }
0x1ff: {  	s0 =	simm.s32 @p1 $0x1  }
0x200: {  	[smem:$0x7F9] =	sst s0;
	s1 =	spop (v2sf)  }
0x201: {  	s0 =	ssub.s32 $0x1FA, s22;
	p2 =	por p1, p1;
	p1 =	slt.s32 s1, $0x0  }
0x202: {  	s18 =	sshll.u32 @p1 s0, $0x7;
	[tilespmem:s7+$0x890] =	vst @!p2 v9;
	v9 =	vimm.f32 @p1 $0.0e+00  }
0x203: {  	[tilespmem:s18+$0x820] =	vst @p1 v9  }
0x204: {  	[tilespmem:s18+$0x830] =	vst @p1 v9  }
0x205: {  	[tilespmem:s18+$0x840] =	vst @p1 v9  }
0x206: {  	[tilespmem:s18+$0x850] =	vst @p1 v9  }
0x207: {  	[tilespmem:s18+$0x860] =	vst @p1 v9  }
0x208: {  	[tilespmem:s18+$0x870] =	vst @p1 v9  }
0x209: {  	[dreg:$0x13] =	wrdreg s1;
	s1 =	sshll.u32 @!p1 s1, $0x9;
	[tilespmem:s18+$0x880] =	vst @p1 v9  }
0x20a: {  	s1 =	sshra.s32 @!p1 s1, $0x2;
	[tilespmem:s18+$0x890] =	vst @p1 v9  }
0x20b: {  	v10 =	vld @!p1 [tilespmem:s1+$0x820];
	_ =	sdelay $0x3  }
0x20c: {  	s8 =	sshll.u32 @!p1 s0, $0x7  }
0x20d: {  	[tilespmem:s8+$0x820] =	vst @!p1 v10  }
0x20e: {  	v10 =	vld @!p1 [tilespmem:s1+$0x830];
	_ =	sdelay $0x4  }
0x20f: {  	[tilespmem:s8+$0x830] =	vst @!p1 v10  }
0x210: {  	v10 =	vld @!p1 [tilespmem:s1+$0x840];
	_ =	sdelay $0x4  }
0x211: {  	[tilespmem:s8+$0x840] =	vst @!p1 v10  }
0x212: {  	v10 =	vld @!p1 [tilespmem:s1+$0x850];
	_ =	sdelay $0x4  }
0x213: {  	[tilespmem:s8+$0x850] =	vst @!p1 v10  }
0x214: {  	v10 =	vld @!p1 [tilespmem:s1+$0x860];
	_ =	sdelay $0x4  }
0x215: {  	[tilespmem:s8+$0x860] =	vst @!p1 v10  }
0x216: {  	(v2sf) =	vpush v3, $0x9;
	v10 =	vld @!p1 [tilespmem:s1+$0x870];
	_ =	sdelay $0x4  }
0x217: {  	[tilespmem:s8+$0x870] =	vst @!p1 v10  }
0x218: {  	v10 =	vld @!p1 [tilespmem:s1+$0x880];
	_ =	sdelay $0x4  }
0x219: {  	[tilespmem:s8+$0x880] =	vst @!p1 v10  }
0x21a: {  	v10 =	vld @!p1 [tilespmem:s1+$0x890]  }
0x21b: {  	s0 =	simm.s32 @!p1 $0x0  }
0x21c: {  	s0 =	simm.s32 @p1 $0x1  }
0x21d: {  	[smem:$0x7FA] =	sst s0;
	s1 =	spop (v2sf)  }
0x21e: {  	s0 =	ssub.s32 $0x1F9, s22;
	p2 =	por p1, p1;
	p1 =	slt.s32 s1, $0x0  }
0x21f: {  	s10 =	sshll.u32 @p1 s0, $0x7;
	[tilespmem:s8+$0x890] =	vst @!p2 v10;
	v10 =	vimm.f32 @p1 $0.0e+00  }
0x220: {  	[tilespmem:s10+$0x820] =	vst @p1 v10  }
0x221: {  	[tilespmem:s10+$0x830] =	vst @p1 v10  }
0x222: {  	[tilespmem:s10+$0x840] =	vst @p1 v10  }
0x223: {  	[tilespmem:s10+$0x850] =	vst @p1 v10  }
0x224: {  	[tilespmem:s10+$0x860] =	vst @p1 v10  }
0x225: {  	[tilespmem:s10+$0x870] =	vst @p1 v10  }
0x226: {  	[dreg:$0x14] =	wrdreg s1;
	s1 =	sshll.u32 @!p1 s1, $0x9;
	[tilespmem:s10+$0x880] =	vst @p1 v10  }
0x227: {  	s1 =	sshra.s32 @!p1 s1, $0x2;
	[tilespmem:s10+$0x890] =	vst @p1 v10  }
0x228: {  	v11 =	vld @!p1 [tilespmem:s1+$0x820];
	_ =	sdelay $0x3  }
0x229: {  	s2 =	sshll.u32 @!p1 s0, $0x7  }
0x22a: {  	[tilespmem:s2+$0x820] =	vst @!p1 v11  }
0x22b: {  	v11 =	vld @!p1 [tilespmem:s1+$0x830];
	_ =	sdelay $0x4  }
0x22c: {  	[tilespmem:s2+$0x830] =	vst @!p1 v11  }
0x22d: {  	v11 =	vld @!p1 [tilespmem:s1+$0x840];
	_ =	sdelay $0x4  }
0x22e: {  	[tilespmem:s2+$0x840] =	vst @!p1 v11  }
0x22f: {  	v11 =	vld @!p1 [tilespmem:s1+$0x850];
	_ =	sdelay $0x4  }
0x230: {  	[tilespmem:s2+$0x850] =	vst @!p1 v11  }
0x231: {  	v11 =	vld @!p1 [tilespmem:s1+$0x860];
	_ =	sdelay $0x4  }
0x232: {  	[tilespmem:s2+$0x860] =	vst @!p1 v11  }
0x233: {  	(v2sf) =	vpush v3, $0x8;
	v11 =	vld @!p1 [tilespmem:s1+$0x870];
	_ =	sdelay $0x4  }
0x234: {  	[tilespmem:s2+$0x870] =	vst @!p1 v11  }
0x235: {  	v11 =	vld @!p1 [tilespmem:s1+$0x880];
	_ =	sdelay $0x4  }
0x236: {  	[tilespmem:s2+$0x880] =	vst @!p1 v11  }
0x237: {  	v11 =	vld @!p1 [tilespmem:s1+$0x890];
	_ =	sdelay $0x1  }
0x238: {  	s0 =	simm.s32 @!p1 $0x0  }
0x239: {  	s0 =	simm.s32 @p1 $0x1;
	s1 =	spop (v2sf)  }
0x23a: {  	[smem:$0x7FB] =	sst s0;
	s0 =	ssub.s32 $0x1F8, s22;
	p6 =	slt.s32 s1, $0x0  }
0x23b: {  	s14 =	sshll.u32 @p6 s0, $0x7;
	[tilespmem:s2+$0x890] =	vst @!p1 v11;
	v11 =	vimm.f32 @p6 $0.0e+00  }
0x23c: {  	[tilespmem:s14+$0x820] =	vst @p6 v11  }
0x23d: {  	[tilespmem:s14+$0x830] =	vst @p6 v11  }
0x23e: {  	[tilespmem:s14+$0x840] =	vst @p6 v11  }
0x23f: {  	[tilespmem:s14+$0x850] =	vst @p6 v11  }
0x240: {  	[tilespmem:s14+$0x860] =	vst @p6 v11  }
0x241: {  	[tilespmem:s14+$0x870] =	vst @p6 v11  }
0x242: {  	[dreg:$0x15] =	wrdreg s1;
	s1 =	sshll.u32 @!p6 s1, $0x9;
	[tilespmem:s14+$0x880] =	vst @p6 v11  }
0x243: {  	s5 =	sshra.s32 @!p6 s1, $0x2;
	[tilespmem:s14+$0x890] =	vst @p6 v11  }
0x244: {  	v12 =	vld @!p6 [tilespmem:s5+$0x820];
	_ =	sdelay $0x3  }
0x245: {  	s1 =	sshll.u32 @!p6 s0, $0x7  }
0x246: {  	[tilespmem:s1+$0x820] =	vst @!p6 v12  }
0x247: {  	v12 =	vld @!p6 [tilespmem:s5+$0x830];
	_ =	sdelay $0x4  }
0x248: {  	[tilespmem:s1+$0x830] =	vst @!p6 v12  }
0x249: {  	v12 =	vld @!p6 [tilespmem:s5+$0x840];
	_ =	sdelay $0x4  }
0x24a: {  	[tilespmem:s1+$0x840] =	vst @!p6 v12  }
0x24b: {  	v12 =	vld @!p6 [tilespmem:s5+$0x850];
	_ =	sdelay $0x4  }
0x24c: {  	[tilespmem:s1+$0x850] =	vst @!p6 v12  }
0x24d: {  	v12 =	vld @!p6 [tilespmem:s5+$0x860];
	_ =	sdelay $0x4  }
0x24e: {  	[tilespmem:s1+$0x860] =	vst @!p6 v12  }
0x24f: {  	(v2sf) =	vpush v3, $0x7;
	v12 =	vld @!p6 [tilespmem:s5+$0x870];
	_ =	sdelay $0x4  }
0x250: {  	[tilespmem:s1+$0x870] =	vst @!p6 v12  }
0x251: {  	v12 =	vld @!p6 [tilespmem:s5+$0x880];
	_ =	sdelay $0x4  }
0x252: {  	[tilespmem:s1+$0x880] =	vst @!p6 v12  }
0x253: {  	v12 =	vld @!p6 [tilespmem:s5+$0x890];
	_ =	sdelay $0x2  }
0x254: {  	s5 =	spop (v2sf)  }
0x255: {  	s0 =	ssub.s32 $0x1F7, s22;
	p1 =	slt.s32 s5, $0x0  }
0x256: {  	s20 =	sshll.u32 @p1 s0, $0x7;
	[tilespmem:s1+$0x890] =	vst @!p6 v12;
	v12 =	vimm.f32 @p1 $0.0e+00  }
0x257: {  	[tilespmem:s20+$0x820] =	vst @p1 v12  }
0x258: {  	[tilespmem:s20+$0x830] =	vst @p1 v12  }
0x259: {  	[tilespmem:s20+$0x840] =	vst @p1 v12  }
0x25a: {  	[tilespmem:s20+$0x850] =	vst @p1 v12  }
0x25b: {  	[tilespmem:s20+$0x860] =	vst @p1 v12  }
0x25c: {  	[tilespmem:s20+$0x870] =	vst @p1 v12  }
0x25d: {  	[dreg:$0x16] =	wrdreg s5;
	s5 =	sshll.u32 @!p1 s5, $0x9;
	[tilespmem:s20+$0x880] =	vst @p1 v12  }
0x25e: {  	s9 =	sshra.s32 @!p1 s5, $0x2;
	[tilespmem:s20+$0x890] =	vst @p1 v12  }
0x25f: {  	v13 =	vld @!p1 [tilespmem:s9+$0x820];
	_ =	sdelay $0x3  }
0x260: {  	s5 =	sshll.u32 @!p1 s0, $0x7  }
0x261: {  	[tilespmem:s5+$0x820] =	vst @!p1 v13  }
0x262: {  	v13 =	vld @!p1 [tilespmem:s9+$0x830];
	_ =	sdelay $0x4  }
0x263: {  	[tilespmem:s5+$0x830] =	vst @!p1 v13  }
0x264: {  	v13 =	vld @!p1 [tilespmem:s9+$0x840];
	_ =	sdelay $0x4  }
0x265: {  	[tilespmem:s5+$0x840] =	vst @!p1 v13  }
0x266: {  	v13 =	vld @!p1 [tilespmem:s9+$0x850];
	_ =	sdelay $0x4  }
0x267: {  	[tilespmem:s5+$0x850] =	vst @!p1 v13  }
0x268: {  	v13 =	vld @!p1 [tilespmem:s9+$0x860];
	_ =	sdelay $0x4  }
0x269: {  	[tilespmem:s5+$0x860] =	vst @!p1 v13  }
0x26a: {  	(v2sf) =	vpush v3, $0x6;
	v13 =	vld @!p1 [tilespmem:s9+$0x870];
	_ =	sdelay $0x4  }
0x26b: {  	[tilespmem:s5+$0x870] =	vst @!p1 v13  }
0x26c: {  	v13 =	vld @!p1 [tilespmem:s9+$0x880];
	_ =	sdelay $0x4  }
0x26d: {  	[tilespmem:s5+$0x880] =	vst @!p1 v13  }
0x26e: {  	v13 =	vld @!p1 [tilespmem:s9+$0x890];
	_ =	sdelay $0x1  }
0x26f: {  	s0 =	simm.s32 @!p1 $0x0  }
0x270: {  	s0 =	simm.s32 @p1 $0x1;
	s9 =	spop (v2sf)  }
0x271: {  	[smem:$0x7FC] =	sst s0;
	s0 =	ssub.s32 $0x1F6, s22;
	p5 =	slt.s32 s9, $0x0  }
0x272: {  	s21 =	sshll.u32 @p5 s0, $0x7;
	[tilespmem:s5+$0x890] =	vst @!p1 v13;
	v13 =	vimm.f32 @p5 $0.0e+00  }
0x273: {  	[tilespmem:s21+$0x820] =	vst @p5 v13  }
0x274: {  	[tilespmem:s21+$0x830] =	vst @p5 v13  }
0x275: {  	[tilespmem:s21+$0x840] =	vst @p5 v13  }
0x276: {  	[tilespmem:s21+$0x850] =	vst @p5 v13  }
0x277: {  	[tilespmem:s21+$0x860] =	vst @p5 v13  }
0x278: {  	[tilespmem:s21+$0x870] =	vst @p5 v13  }
0x279: {  	[dreg:$0x17] =	wrdreg s9;
	s9 =	sshll.u32 @!p5 s9, $0x9;
	[tilespmem:s21+$0x880] =	vst @p5 v13  }
0x27a: {  	s9 =	sshra.s32 @!p5 s9, $0x2;
	[tilespmem:s21+$0x890] =	vst @p5 v13  }
0x27b: {  	v14 =	vld @!p5 [tilespmem:s9+$0x820];
	_ =	sdelay $0x3  }
0x27c: {  	s30 =	sshll.u32 @!p5 s0, $0x7  }
0x27d: {  	[tilespmem:s30+$0x820] =	vst @!p5 v14  }
0x27e: {  	v14 =	vld @!p5 [tilespmem:s9+$0x830];
	_ =	sdelay $0x4  }
0x27f: {  	[tilespmem:s30+$0x830] =	vst @!p5 v14  }
0x280: {  	v14 =	vld @!p5 [tilespmem:s9+$0x840];
	_ =	sdelay $0x4  }
0x281: {  	[tilespmem:s30+$0x840] =	vst @!p5 v14  }
0x282: {  	v14 =	vld @!p5 [tilespmem:s9+$0x850];
	_ =	sdelay $0x4  }
0x283: {  	[tilespmem:s30+$0x850] =	vst @!p5 v14  }
0x284: {  	v14 =	vld @!p5 [tilespmem:s9+$0x860];
	_ =	sdelay $0x4  }
0x285: {  	[tilespmem:s30+$0x860] =	vst @!p5 v14  }
0x286: {  	(v2sf) =	vpush v3, $0x5;
	v14 =	vld @!p5 [tilespmem:s9+$0x870];
	_ =	sdelay $0x4  }
0x287: {  	[tilespmem:s30+$0x870] =	vst @!p5 v14  }
0x288: {  	v14 =	vld @!p5 [tilespmem:s9+$0x880];
	_ =	sdelay $0x4  }
0x289: {  	[tilespmem:s30+$0x880] =	vst @!p5 v14  }
0x28a: {  	v14 =	vld @!p5 [tilespmem:s9+$0x890];
	_ =	sdelay $0x2  }
0x28b: {  	s9 =	spop (v2sf)  }
0x28c: {  	s0 =	ssub.s32 $0x1F5, s22;
	p4 =	slt.s32 s9, $0x0  }
0x28d: {  	s31 =	sshll.u32 @p4 s0, $0x7;
	[tilespmem:s30+$0x890] =	vst @!p5 v14;
	v14 =	vimm.f32 @p4 $0.0e+00  }
0x28e: {  	[tilespmem:s31+$0x820] =	vst @p4 v14  }
0x28f: {  	[tilespmem:s31+$0x830] =	vst @p4 v14  }
0x290: {  	[tilespmem:s31+$0x840] =	vst @p4 v14  }
0x291: {  	[tilespmem:s31+$0x850] =	vst @p4 v14  }
0x292: {  	[tilespmem:s31+$0x860] =	vst @p4 v14  }
0x293: {  	[tilespmem:s31+$0x870] =	vst @p4 v14  }
0x294: {  	[dreg:$0x18] =	wrdreg s9;
	s9 =	sshll.u32 @!p4 s9, $0x9;
	[tilespmem:s31+$0x880] =	vst @p4 v14  }
0x295: {  	s9 =	sshra.s32 @!p4 s9, $0x2;
	[tilespmem:s31+$0x890] =	vst @p4 v14  }
0x296: {  	v15 =	vld @!p4 [tilespmem:s9+$0x820];
	_ =	sdelay $0x3  }
0x297: {  	s17 =	sshll.u32 @!p4 s0, $0x7  }
0x298: {  	[tilespmem:s17+$0x820] =	vst @!p4 v15  }
0x299: {  	v15 =	vld @!p4 [tilespmem:s9+$0x830];
	_ =	sdelay $0x4  }
0x29a: {  	[tilespmem:s17+$0x830] =	vst @!p4 v15  }
0x29b: {  	v15 =	vld @!p4 [tilespmem:s9+$0x840];
	_ =	sdelay $0x4  }
0x29c: {  	[tilespmem:s17+$0x840] =	vst @!p4 v15  }
0x29d: {  	v15 =	vld @!p4 [tilespmem:s9+$0x850];
	_ =	sdelay $0x4  }
0x29e: {  	[tilespmem:s17+$0x850] =	vst @!p4 v15  }
0x29f: {  	v15 =	vld @!p4 [tilespmem:s9+$0x860];
	_ =	sdelay $0x4  }
0x2a0: {  	[tilespmem:s17+$0x860] =	vst @!p4 v15  }
0x2a1: {  	(v2sf) =	vpush v3, $0x4;
	v15 =	vld @!p4 [tilespmem:s9+$0x870];
	_ =	sdelay $0x4  }
0x2a2: {  	[tilespmem:s17+$0x870] =	vst @!p4 v15  }
0x2a3: {  	v15 =	vld @!p4 [tilespmem:s9+$0x880];
	_ =	sdelay $0x4  }
0x2a4: {  	[tilespmem:s17+$0x880] =	vst @!p4 v15  }
0x2a5: {  	v15 =	vld @!p4 [tilespmem:s9+$0x890];
	_ =	sdelay $0x2  }
0x2a6: {  	s15 =	spop (v2sf)  }
0x2a7: {  	s0 =	ssub.s32 $0x1F4, s22;
	p2 =	slt.s32 s15, $0x0  }
0x2a8: {  	s19 =	sshll.u32 @p2 s0, $0x7;
	[tilespmem:s17+$0x890] =	vst @!p4 v15;
	v15 =	vimm.f32 @p2 $0.0e+00  }
0x2a9: {  	[tilespmem:s19+$0x820] =	vst @p2 v15  }
0x2aa: {  	[tilespmem:s19+$0x830] =	vst @p2 v15  }
0x2ab: {  	[tilespmem:s19+$0x840] =	vst @p2 v15  }
0x2ac: {  	[tilespmem:s19+$0x850] =	vst @p2 v15  }
0x2ad: {  	[tilespmem:s19+$0x860] =	vst @p2 v15  }
0x2ae: {  	[tilespmem:s19+$0x870] =	vst @p2 v15  }
0x2af: {  	s9 =	sshll.u32 @!p2 s15, $0x9;
	[tilespmem:s19+$0x880] =	vst @p2 v15  }
0x2b0: {  	s9 =	sshra.s32 @!p2 s9, $0x2;
	[tilespmem:s19+$0x890] =	vst @p2 v15  }
0x2b1: {  	v16 =	vld @!p2 [tilespmem:s9+$0x820];
	_ =	sdelay $0x3  }
0x2b2: {  	s0 =	sshll.u32 @!p2 s0, $0x7  }
0x2b3: {  	[tilespmem:s0+$0x820] =	vst @!p2 v16  }
0x2b4: {  	v16 =	vld @!p2 [tilespmem:s9+$0x830];
	_ =	sdelay $0x4  }
0x2b5: {  	[tilespmem:s0+$0x830] =	vst @!p2 v16  }
0x2b6: {  	v16 =	vld @!p2 [tilespmem:s9+$0x840];
	_ =	sdelay $0x4  }
0x2b7: {  	[tilespmem:s0+$0x840] =	vst @!p2 v16  }
0x2b8: {  	v16 =	vld @!p2 [tilespmem:s9+$0x850];
	_ =	sdelay $0x4  }
0x2b9: {  	[tilespmem:s0+$0x850] =	vst @!p2 v16  }
0x2ba: {  	v16 =	vld @!p2 [tilespmem:s9+$0x860]  }
0x2bb: {  	s12 =	sshll.u32 @!p0 s12, $0x7;
	s25 =	sshrl.u32 @p0 s23, $0x2  }
0x2bc: {  	s12 =	sshra.s32 @!p0 s12, $0x2;
	[tilespmem:s25+$0x10820] =	vst @p0 v4  }
0x2bd: {  	v4 =	vld @!p0 [tilespmem:s12+$0x10820];
	_ =	sdelay $0x1  }
0x2be: {  	[tilespmem:s0+$0x860] =	vst @!p2 v16  }
0x2bf: {  	(v2sf) =	vpush v3, $0x3;
	v16 =	vld @!p2 [tilespmem:s9+$0x870]  }
0x2c0: {  	s25 =	sshrl.u32 @!p0 s26, $0x2  }
0x2c1: {  	[tilespmem:s25+$0x10820] =	vst @!p0 v4  }
0x2c2: {  	v4 =	vld @!p0 [tilespmem:s12+$0x10830]  }
0x2c3: {  	s26 =	smov.u32 @p0 s23  }
0x2c4: {  	s25 =	sshra.s32 s26, $0x2;
	s26 =	sld [smem:$0x7F6];
	[tilespmem:s0+$0x870] =	vst @!p2 v16  }
0x2c5: {  	v16 =	vld @!p2 [tilespmem:s9+$0x880];
	_ =	sdelay $0x1  }
0x2c6: {  	s12 =	rddreg [dreg:$0xf];
	v4 =	vpsel p0, $0x0, v4;
	p0 =	seq.s32 s26, $0x1  }
0x2c7: {  	[tilespmem:s25+$0x10830] =	vst v4;
	s12 =	sshll.u32 @!p0 s12, $0x7;
	s25 =	sshrl.u32 @p0 s24, $0x2  }
0x2c8: {  	[tilespmem:s25+$0x10820] =	vst @p0 v5;
	s12 =	sshra.s32 @!p0 s12, $0x2  }
0x2c9: {  	v4 =	vld @!p0 [tilespmem:s12+$0x10820];
	[tilespmem:s0+$0x880] =	vst @!p2 v16  }
0x2ca: {  	v5 =	vld @!p2 [tilespmem:s9+$0x890];
	_ =	sdelay $0x2  }
0x2cb: {  	s25 =	sshrl.u32 @!p0 s28, $0x2;
	s9 =	spop (v2sf)  }
0x2cc: {  	[tilespmem:s25+$0x10820] =	vst @!p0 v4;
	s25 =	ssub.s32 $0x1F3, s22;
	p3 =	slt.s32 s9, $0x0  }
0x2cd: {  	v4 =	vimm.f32 @p3 $0.0e+00;
	s26 =	sshll.u32 @p3 s25, $0x7;
	[tilespmem:s0+$0x890] =	vst @!p2 v5  }
0x2ce: {  	[tilespmem:s26+$0x820] =	vst @p3 v4  }
0x2cf: {  	[tilespmem:s26+$0x830] =	vst @p3 v4  }
0x2d0: {  	[tilespmem:s26+$0x840] =	vst @p3 v4  }
0x2d1: {  	[tilespmem:s26+$0x850] =	vst @p3 v4  }
0x2d2: {  	v5 =	vld @!p0 [tilespmem:s12+$0x10830];
	[tilespmem:s26+$0x860] =	vst @p3 v4  }
0x2d3: {  	s28 =	smov.u32 @p0 s24;
	[tilespmem:s26+$0x870] =	vst @p3 v4  }
0x2d4: {  	s24 =	sshrl.u32 s28, $0x2;
	s28 =	sld [smem:$0x7F7];
	s12 =	sshll.u32 @!p3 s9, $0x9;
	[tilespmem:s26+$0x880] =	vst @p3 v4  }
0x2d5: {  	[tilespmem:s26+$0x890] =	vst @p3 v4;
	s12 =	sshra.s32 @!p3 s12, $0x2  }
0x2d6: {  	v16 =	vld @!p3 [tilespmem:s12+$0x820]  }
0x2d7: {  	s23 =	rddreg [dreg:$0x10];
	v5 =	vpsel p0, $0x0, v5;
	p0 =	seq.s32 s28, $0x1  }
0x2d8: {  	[tilespmem:s24+$0x10830] =	vst v5;
	s24 =	sshll.u32 @!p0 s23, $0x7;
	s28 =	sshrl.u32 @p0 s29, $0x2  }
0x2d9: {  	[tilespmem:s28+$0x10820] =	vst @p0 v6;
	s28 =	sshra.s32 @!p0 s24, $0x2  }
0x2da: {  	s24 =	sshll.u32 @!p3 s25, $0x7;
	v5 =	vld @!p0 [tilespmem:s28+$0x10820]  }
0x2db: {  	[tilespmem:s24+$0x820] =	vst @!p3 v16  }
0x2dc: {  	v6 =	vld @!p3 [tilespmem:s12+$0x830];
	_ =	sdelay $0x1  }
0x2dd: {  	s25 =	sshrl.u32 @!p0 s3, $0x2  }
0x2de: {  	[tilespmem:s25+$0x10820] =	vst @!p0 v5  }
0x2df: {  	v5 =	vld @!p0 [tilespmem:s28+$0x10830]  }
0x2e0: {  	[tilespmem:s24+$0x830] =	vst @!p3 v6  }
0x2e1: {  	v6 =	vld @!p3 [tilespmem:s12+$0x840]  }
0x2e2: {  	s25 =	sld [smem:$0x7F8]  }
0x2e3: {  	s3 =	smov.u32 @p0 s29  }
0x2e4: {  	s3 =	sshrl.u32 s3, $0x2;
	v5 =	vpsel p0, $0x0, v5  }
0x2e5: {  	p0 =	seq.s32 s25, $0x1;
	[tilespmem:s3+$0x10830] =	vst v5;
	s3 =	rddreg [dreg:$0x11]  }
0x2e6: {  	[tilespmem:s24+$0x840] =	vst @!p3 v6;
	s25 =	sshrl.u32 @p0 s11, $0x2;
	s3 =	sshll.u32 @!p0 s3, $0x7  }
0x2e7: {  	[tilespmem:s25+$0x10820] =	vst @p0 v7;
	v5 =	vld @!p3 [tilespmem:s12+$0x850];
	s3 =	sshra.s32 @!p0 s3, $0x2  }
0x2e8: {  	v6 =	vld @!p0 [tilespmem:s3+$0x10820];
	_ =	sdelay $0x3  }
0x2e9: {  	s25 =	sshrl.u32 @!p0 s4, $0x2;
	[tilespmem:s24+$0x850] =	vst @!p3 v5  }
0x2ea: {  	v5 =	vld @!p3 [tilespmem:s12+$0x860];
	[tilespmem:s25+$0x10820] =	vst @!p0 v6  }
0x2eb: {  	v6 =	vld @!p0 [tilespmem:s3+$0x10830];
	_ =	sdelay $0x2  }
0x2ec: {  	s29 =	sld [smem:$0x7F9]  }
0x2ed: {  	[tilespmem:s24+$0x860] =	vst @!p3 v5  }
0x2ee: {  	s4 =	smov.u32 @p0 s11;
	v60 =	vpsel p0, $0x0, v6;
	v6 =	vld @!p3 [tilespmem:s12+$0x870]  }
0x2ef: {  	(v2sf) =	vpush v3, $0x2;
	s28 =	sshrl.u32 s4, $0x2;
	s3 =	rddreg [dreg:$0x12];
	p0 =	seq.s32 s29, $0x1  }
0x2f0: {  	[tilespmem:s28+$0x10830] =	vst v60;
	s3 =	sshll.u32 @!p0 s3, $0x7;
	s4 =	sshrl.u32 @p0 s6, $0x2  }
0x2f1: {  	[tilespmem:s4+$0x10820] =	vst @p0 v8;
	s3 =	sshra.s32 @!p0 s3, $0x2  }
0x2f2: {  	v5 =	vld @!p0 [tilespmem:s3+$0x10820]  }
0x2f3: {  	[tilespmem:s24+$0x870] =	vst @!p3 v6  }
0x2f4: {  	v6 =	vld @!p3 [tilespmem:s12+$0x880];
	_ =	sdelay $0x1  }
0x2f5: {  	s4 =	sshrl.u32 @!p0 s7, $0x2  }
0x2f6: {  	[tilespmem:s4+$0x10820] =	vst @!p0 v5  }
0x2f7: {  	v5 =	vld @!p0 [tilespmem:s3+$0x10830]  }
0x2f8: {  	[tilespmem:s24+$0x880] =	vst @!p3 v6  }
0x2f9: {  	v6 =	vld @!p3 [tilespmem:s12+$0x890];
	s12 =	sld [smem:$0x7FA];
	_ =	sdelay $0x1  }
0x2fa: {  	s7 =	smov.u32 @p0 s6  }
0x2fb: {  	s11 =	sshrl.u32 s7, $0x2;
	v5 =	vpsel p0, $0x0, v5;
	p1 =	seq.s32 s12, $0x1  }
0x2fc: {  	s4 =	spop (v2sf);
	[tilespmem:s11+$0x10830] =	vst v5;
	s3 =	sshrl.u32 @p1 s18, $0x2  }
0x2fd: {  	s6 =	ssub.s32 $0x1F2, s22;
	p0 =	slt.s32 s4, $0x0;
	[tilespmem:s3+$0x10820] =	vst @p1 v9  }
0x2fe: {  	v5 =	vimm.f32 @p0 $0.0e+00;
	[tilespmem:s24+$0x890] =	vst @!p3 v6;
	s3 =	sshll.u32 @p0 s6, $0x7  }
0x2ff: {  	[tilespmem:s3+$0x820] =	vst @p0 v5  }
0x300: {  	[tilespmem:s3+$0x830] =	vst @p0 v5  }
0x301: {  	[tilespmem:s3+$0x840] =	vst @p0 v5  }
0x302: {  	s7 =	rddreg [dreg:$0x13];
	[tilespmem:s3+$0x850] =	vst @p0 v5  }
0x303: {  	s7 =	sshll.u32 @!p1 s7, $0x7;
	[tilespmem:s3+$0x860] =	vst @p0 v5  }
0x304: {  	s7 =	sshra.s32 @!p1 s7, $0x2;
	[tilespmem:s3+$0x870] =	vst @p0 v5  }
0x305: {  	s11 =	sshll.u32 @!p0 s4, $0x9;
	v6 =	vld @!p1 [tilespmem:s7+$0x10820];
	[tilespmem:s3+$0x880] =	vst @p0 v5  }
0x306: {  	s11 =	sshra.s32 @!p0 s11, $0x2;
	[tilespmem:s3+$0x890] =	vst @p0 v5  }
0x307: {  	v7 =	vld @!p0 [tilespmem:s11+$0x820];
	_ =	sdelay $0x1  }
0x308: {  	s12 =	sshrl.u32 @!p1 s8, $0x2  }
0x309: {  	[tilespmem:s12+$0x10820] =	vst @!p1 v6  }
0x30a: {  	s6 =	sshll.u32 @!p0 s6, $0x7;
	v6 =	vld @!p1 [tilespmem:s7+$0x10830]  }
0x30b: {  	[tilespmem:s6+$0x820] =	vst @!p0 v7  }
0x30c: {  	v7 =	vld @!p0 [tilespmem:s11+$0x830]  }
0x30d: {  	s23 =	sld [smem:$0x7FB]  }
0x30e: {  	s8 =	smov.u32 @p1 s18  }
0x30f: {  	s18 =	sshrl.u32 s8, $0x2;
	v6 =	vpsel p1, $0x0, v6  }
0x310: {  	s7 =	rddreg [dreg:$0x14];
	p1 =	seq.s32 s23, $0x1;
	[tilespmem:s18+$0x10830] =	vst v6  }
0x311: {  	s7 =	sshll.u32 @!p1 s7, $0x7;
	[tilespmem:s6+$0x830] =	vst @!p0 v7;
	s8 =	sshrl.u32 @p1 s10, $0x2  }
0x312: {  	[tilespmem:s8+$0x10820] =	vst @p1 v10;
	s7 =	sshra.s32 @!p1 s7, $0x2;
	v6 =	vld @!p0 [tilespmem:s11+$0x840]  }
0x313: {  	v7 =	vld @!p1 [tilespmem:s7+$0x10820];
	_ =	sdelay $0x3  }
0x314: {  	s8 =	sshrl.u32 @!p1 s2, $0x2;
	[tilespmem:s6+$0x840] =	vst @!p0 v6  }
0x315: {  	[tilespmem:s8+$0x10820] =	vst @!p1 v7;
	v6 =	vld @!p0 [tilespmem:s11+$0x850]  }
0x316: {  	v7 =	vld @!p1 [tilespmem:s7+$0x10830];
	_ =	sdelay $0x3  }
0x317: {  	s2 =	smov.u32 @p1 s10;
	[tilespmem:s6+$0x850] =	vst @!p0 v6  }
0x318: {  	s2 =	sshrl.u32 s2, $0x2;
	s7 =	rddreg [dreg:$0x15];
	v61 =	vpsel p1, $0x0, v7;
	v7 =	vld @!p0 [tilespmem:s11+$0x860]  }
0x319: {  	s7 =	sshll.u32 @!p6 s7, $0x7;
	[tilespmem:s2+$0x10830] =	vst v61;
	s2 =	sshrl.u32 @p6 s14, $0x2  }
0x31a: {  	[tilespmem:s2+$0x10820] =	vst @p6 v11;
	s2 =	sshra.s32 @!p6 s7, $0x2  }
0x31b: {  	v6 =	vld @!p6 [tilespmem:s2+$0x10820];
	_ =	sdelay $0x1  }
0x31c: {  	[tilespmem:s6+$0x860] =	vst @!p0 v7  }
0x31d: {  	(v2sf) =	vpush v3, $0x1;
	v7 =	vld @!p0 [tilespmem:s11+$0x870]  }
0x31e: {  	s7 =	sshrl.u32 @!p6 s1, $0x2  }
0x31f: {  	[tilespmem:s7+$0x10820] =	vst @!p6 v6  }
0x320: {  	v6 =	vld @!p6 [tilespmem:s2+$0x10830];
	_ =	sdelay $0x1  }
0x321: {  	s25 =	sld [smem:$0x7FC];
	[tilespmem:s6+$0x870] =	vst @!p0 v7  }
0x322: {  	v7 =	vld @!p0 [tilespmem:s11+$0x880]  }
0x323: {  	s1 =	smov.u32 @p6 s14  }
0x324: {  	p1 =	seq.s32 s25, $0x1;
	s1 =	sshrl.u32 s1, $0x2;
	s2 =	rddreg [dreg:$0x16];
	v6 =	vpsel p6, $0x0, v6  }
0x325: {  	s2 =	sshll.u32 @!p1 s2, $0x7;
	[tilespmem:s1+$0x10830] =	vst v6;
	s1 =	sshrl.u32 @p1 s20, $0x2  }
0x326: {  	s7 =	sshra.s32 @!p1 s2, $0x2;
	[tilespmem:s1+$0x10820] =	vst @p1 v12  }
0x327: {  	v6 =	vld @!p1 [tilespmem:s7+$0x10820];
	[tilespmem:s6+$0x880] =	vst @!p0 v7  }
0x328: {  	v7 =	vld @!p0 [tilespmem:s11+$0x890];
	_ =	sdelay $0x2  }
0x329: {  	s2 =	spop (v2sf);
	s1 =	sshrl.u32 @!p1 s5, $0x2  }
0x32a: {  	s8 =	ssub.s32 $0x1F1, s22;
	p6 =	slt.s32 s2, $0x0;
	[tilespmem:s1+$0x10820] =	vst @!p1 v6  }
0x32b: {  	v6 =	vimm.f32 @p6 $0.0e+00;
	s1 =	sshll.u32 @p6 s8, $0x7;
	[tilespmem:s6+$0x890] =	vst @!p0 v7  }
0x32c: {  	[tilespmem:s1+$0x820] =	vst @p6 v6  }
0x32d: {  	[tilespmem:s1+$0x830] =	vst @p6 v6  }
0x32e: {  	[tilespmem:s1+$0x840] =	vst @p6 v6  }
0x32f: {  	[tilespmem:s1+$0x850] =	vst @p6 v6  }
0x330: {  	v7 =	vld @!p1 [tilespmem:s7+$0x10830];
	[tilespmem:s1+$0x860] =	vst @p6 v6  }
0x331: {  	[tilespmem:s1+$0x870] =	vst @p6 v6  }
0x332: {  	s7 =	sshll.u32 @!p6 s2, $0x9;
	[tilespmem:s1+$0x880] =	vst @p6 v6  }
0x333: {  	[tilespmem:s1+$0x890] =	vst @p6 v6;
	s7 =	sshra.s32 @!p6 s7, $0x2  }
0x334: {  	s5 =	smov.u32 @p1 s20;
	v8 =	vld @!p6 [tilespmem:s7+$0x820]  }
0x335: {  	s10 =	rddreg [dreg:$0x17];
	s5 =	sshrl.u32 s5, $0x2;
	v7 =	vpsel p1, $0x0, v7  }
0x336: {  	s10 =	sshll.u32 @!p5 s10, $0x7;
	[tilespmem:s5+$0x10830] =	vst v7;
	s5 =	sshrl.u32 @p5 s21, $0x2  }
0x337: {  	s10 =	sshra.s32 @!p5 s10, $0x2;
	[tilespmem:s5+$0x10820] =	vst @p5 v13  }
0x338: {  	s5 =	sshll.u32 @!p6 s8, $0x7;
	v7 =	vld @!p5 [tilespmem:s10+$0x10820]  }
0x339: {  	[tilespmem:s5+$0x820] =	vst @!p6 v8  }
0x33a: {  	v8 =	vld @!p6 [tilespmem:s7+$0x830];
	_ =	sdelay $0x1  }
0x33b: {  	s8 =	sshrl.u32 @!p5 s30, $0x2  }
0x33c: {  	[tilespmem:s8+$0x10820] =	vst @!p5 v7  }
0x33d: {  	v7 =	vld @!p5 [tilespmem:s10+$0x10830]  }
0x33e: {  	[tilespmem:s5+$0x830] =	vst @!p6 v8  }
0x33f: {  	v8 =	vld @!p6 [tilespmem:s7+$0x840];
	_ =	sdelay $0x1  }
0x340: {  	s30 =	smov.u32 @p5 s21  }
0x341: {  	s28 =	sshrl.u32 s30, $0x2;
	v7 =	vpsel p5, $0x0, v7  }
0x342: {  	s10 =	rddreg [dreg:$0x18];
	[tilespmem:s28+$0x10830] =	vst v7  }
0x343: {  	s8 =	sshrl.u32 @p4 s31, $0x2;
	s10 =	sshll.u32 @!p4 s10, $0x7;
	[tilespmem:s5+$0x840] =	vst @!p6 v8  }
0x344: {  	[tilespmem:s8+$0x10820] =	vst @p4 v14;
	s8 =	sshra.s32 @!p4 s10, $0x2;
	v7 =	vld @!p6 [tilespmem:s7+$0x850]  }
0x345: {  	v8 =	vld @!p4 [tilespmem:s8+$0x10820];
	_ =	sdelay $0x3  }
0x346: {  	s10 =	sshrl.u32 @!p4 s17, $0x2;
	[tilespmem:s5+$0x850] =	vst @!p6 v7  }
0x347: {  	[tilespmem:s10+$0x10820] =	vst @!p4 v8;
	v7 =	vld @!p6 [tilespmem:s7+$0x860]  }
0x348: {  	v8 =	vld @!p4 [tilespmem:s8+$0x10830];
	_ =	sdelay $0x3  }
0x349: {  	s17 =	smov.u32 @p4 s31;
	[tilespmem:s5+$0x860] =	vst @!p6 v7  }
0x34a: {  	(v2sf) =	vpush v3, $0x0;
	s29 =	sshrl.u32 s17, $0x2;
	v62 =	vpsel p4, $0x0, v8;
	v3 =	vld @!p6 [tilespmem:s7+$0x870]  }
0x34b: {  	s10 =	sshll.u32 @!p2 s15, $0x7;
	s8 =	sshrl.u32 @p2 s19, $0x2;
	[tilespmem:s29+$0x10830] =	vst v62  }
0x34c: {  	[tilespmem:s8+$0x10820] =	vst @p2 v15;
	s8 =	sshra.s32 @!p2 s10, $0x2  }
0x34d: {  	v7 =	vld @!p2 [tilespmem:s8+$0x10820];
	_ =	sdelay $0x1  }
0x34e: {  	[tilespmem:s5+$0x870] =	vst @!p6 v3  }
0x34f: {  	v3 =	vld @!p6 [tilespmem:s7+$0x880]  }
0x350: {  	s10 =	sshrl.u32 @!p2 s0, $0x2  }
0x351: {  	[tilespmem:s10+$0x10820] =	vst @!p2 v7  }
0x352: {  	v7 =	vld @!p2 [tilespmem:s8+$0x10830];
	_ =	sdelay $0x1  }
0x353: {  	[tilespmem:s5+$0x880] =	vst @!p6 v3  }
0x354: {  	v3 =	vld @!p6 [tilespmem:s7+$0x890]  }
0x355: {  	s0 =	smov.u32 @p2 s19  }
0x356: {  	s0 =	sshrl.u32 s0, $0x2;
	v7 =	vpsel p2, $0x0, v7  }
0x357: {  	s7 =	spop (v2sf);
	[tilespmem:s0+$0x10830] =	vst v7;
	s0 =	sshrl.u32 @p3 s26, $0x2  }
0x358: {  	s8 =	ssub.s32 $0x1F0, s22;
	p2 =	slt.s32 s7, $0x0;
	[tilespmem:s0+$0x10820] =	vst @p3 v4  }
0x359: {  	s0 =	sshll.u32 @p2 s8, $0x7;
	[tilespmem:s5+$0x890] =	vst @!p6 v3;
	v3 =	vimm.f32 @p2 $0.0e+00  }
0x35a: {  	[tilespmem:s0+$0x820] =	vst @p2 v3  }
0x35b: {  	s9 =	sshll.u32 @!p3 s9, $0x7;
	[tilespmem:s0+$0x830] =	vst @p2 v3  }
0x35c: {  	s9 =	sshra.s32 @!p3 s9, $0x2;
	[tilespmem:s0+$0x840] =	vst @p2 v3  }
0x35d: {  	v4 =	vld @!p3 [tilespmem:s9+$0x10820];
	[tilespmem:s0+$0x850] =	vst @p2 v3  }
0x35e: {  	[tilespmem:s0+$0x860] =	vst @p2 v3  }
0x35f: {  	[tilespmem:s0+$0x870] =	vst @p2 v3  }
0x360: {  	s10 =	sshll.u32 @!p2 s7, $0x9;
	[tilespmem:s0+$0x880] =	vst @p2 v3  }
0x361: {  	s11 =	sshrl.u32 @!p3 s24, $0x2;
	s10 =	sshra.s32 @!p2 s10, $0x2;
	[tilespmem:s0+$0x890] =	vst @p2 v3  }
0x362: {  	[tilespmem:s11+$0x10820] =	vst @!p3 v4;
	v4 =	vld @!p2 [tilespmem:s10+$0x820]  }
0x363: {  	v7 =	vld @!p3 [tilespmem:s9+$0x10830];
	_ =	sdelay $0x2  }
0x364: {  	s8 =	sshll.u32 @!p2 s8, $0x7  }
0x365: {  	s24 =	smov.u32 @p3 s26;
	[tilespmem:s8+$0x820] =	vst @!p2 v4  }
0x366: {  	s30 =	sshrl.u32 s24, $0x2;
	v63 =	vpsel p3, $0x0, v7;
	v7 =	vld @!p2 [tilespmem:s10+$0x830]  }
0x367: {  	s4 =	sshll.u32 @!p0 s4, $0x7;
	s9 =	sshrl.u32 @p0 s3, $0x2;
	[tilespmem:s30+$0x10830] =	vst v63  }
0x368: {  	s4 =	sshra.s32 @!p0 s4, $0x2;
	[tilespmem:s9+$0x10820] =	vst @p0 v5  }
0x369: {  	v4 =	vld @!p0 [tilespmem:s4+$0x10820];
	_ =	sdelay $0x1  }
0x36a: {  	[tilespmem:s8+$0x830] =	vst @!p2 v7  }
0x36b: {  	v5 =	vld @!p2 [tilespmem:s10+$0x840]  }
0x36c: {  	s9 =	sshrl.u32 @!p0 s6, $0x2  }
0x36d: {  	[tilespmem:s9+$0x10820] =	vst @!p0 v4  }
0x36e: {  	v4 =	vld @!p0 [tilespmem:s4+$0x10830];
	_ =	sdelay $0x1  }
0x36f: {  	[tilespmem:s8+$0x840] =	vst @!p2 v5  }
0x370: {  	v5 =	vld @!p2 [tilespmem:s10+$0x850]  }
0x371: {  	s6 =	smov.u32 @p0 s3  }
0x372: {  	s3 =	sshrl.u32 s6, $0x2;
	v4 =	vpsel p0, $0x0, v4  }
0x373: {  	s2 =	sshll.u32 @!p6 s2, $0x7;
	[tilespmem:s3+$0x10830] =	vst v4;
	s3 =	sshrl.u32 @p6 s1, $0x2  }
0x374: {  	s2 =	sshra.s32 @!p6 s2, $0x2;
	[tilespmem:s3+$0x10820] =	vst @p6 v6  }
0x375: {  	v4 =	vld @!p6 [tilespmem:s2+$0x10820];
	[tilespmem:s8+$0x850] =	vst @!p2 v5  }
0x376: {  	v5 =	vld @!p2 [tilespmem:s10+$0x860];
	_ =	sdelay $0x2  }
0x377: {  	s3 =	sshrl.u32 @!p6 s5, $0x2  }
0x378: {  	[tilespmem:s3+$0x10820] =	vst @!p6 v4  }
0x379: {  	v4 =	vld @!p6 [tilespmem:s2+$0x10830];
	[tilespmem:s8+$0x860] =	vst @!p2 v5  }
0x37a: {  	v5 =	vld @!p2 [tilespmem:s10+$0x870];
	_ =	sdelay $0x3  }
0x37b: {  	s5 =	smov.u32 @p6 s1  }
0x37c: {  	s1 =	sshrl.u32 s5, $0x2;
	v4 =	vpsel p6, $0x0, v4;
	[tilespmem:s8+$0x870] =	vst @!p2 v5  }
0x37d: {  	s2 =	sshll.u32 @!p2 s7, $0x7;
	[tilespmem:s1+$0x10830] =	vst v4;
	s1 =	sshrl.u32 @p2 s0, $0x2  }
0x37e: {  	v4 =	vld @!p2 [tilespmem:s10+$0x880];
	[tilespmem:s1+$0x10820] =	vst @p2 v3;
	s1 =	sshra.s32 @!p2 s2, $0x2  }
0x37f: {  	v3 =	vld @!p2 [tilespmem:s1+$0x10820];
	_ =	sdelay $0x3  }
0x380: {  	s2 =	sshrl.u32 @!p2 s8, $0x2;
	[tilespmem:s8+$0x880] =	vst @!p2 v4  }
0x381: {  	s31 =	rddreg [dreg:$0xe];
	v4 =	vld @!p2 [tilespmem:s10+$0x890];
	[tilespmem:s2+$0x10820] =	vst @!p2 v3  }
0x382: {  	v3 =	vld @!p2 [tilespmem:s1+$0x10830];
	s1 =	sadd.s32 $0x1, s31  }
0x383: {  	p0 =	sne.s32 s1, $0x20  }
.Ltmp22:
0x384: {  	_ = 	snop;
	(pc) =	sbr.rel @p0 .LBB2_30-.Ltmp22, $4  }
0x385: {  	_ = 	snop  }
0x386: {  	[tilespmem:s8+$0x890] =	vst @!p2 v4;
	s8 =	smov.u32 @p2 s0  }
0x387: {  	v3 =	vpsel p2, $0x0, v3;
	s0 =	sshrl.u32 s8, $0x2  }
0x388: {  	[tilespmem:s0+$0x10830] =	vst v3  }
0x389: {  	_ =	strace $0x9000004C;
	s11 =	simm.s32 $0x0  }
0x38a: {  	s1 =	simm.s32 $0x820;
	s12 =	simm.s32 $0x2;
	s0 =	rddreg [dreg:$0xa]  }
0x38b: {  	[hbm4b:s0+s11] =	stream.linear.scatter [tilespmem:s1], [sflag:$0x2], $0x10000, $0x38;
	[tilespmem:$0x1D100] =	vst v63  }
0x38c: {  	_ =	swait.ge [sflag:s12], $0x10000  }
0x38d: {  	[sflag:s12] =	ssyncset.done $0x0  }
0x38e: {  	s29 =	simm.s32 $0x10820;
	s28 =	rddreg [dreg:$0xb];
	[sflag:s12] =	ssyncadd.s32 $0xFFFF0000  }
0x38f: {  	[hbm4b:s28+s11] =	stream.linear.scatter [tilespmem:s29], [sflag:$0x2], $0x4000, $0x38;
	[tilespmem:$0x1D100] =	vst v63  }
0x390: {  	_ =	swait.ge [sflag:s12], $0x4000  }
0x391: {  	s30 =	rddreg [dreg:$0xd]  }
0x392: {  	s31 =	rddreg [dreg:$0xc];
	s1 =	sadd.s32 $0x1, s30  }
0x393: {  	p0 =	sne.s32 s1, s31  }
.Ltmp23:
0x394: {  	_ = 	snop;
	(pc) =	sbr.rel @p0 .LBB2_1-.Ltmp23, $4  }
0x395: {  	_ = 	snop  }
0x396: {  	[sflag:s12] =	ssyncset.done $0x0  }
0x397: {  	[sflag:s12] =	ssyncadd.s32 $0xFFFFC000  }
0x398: {  	s10 =	simm.s32 $0x18900;
	s14 =	simm.s32 $0x400;
	s9 =	rddreg [dreg:$0x2]  }
0x399: {  	_ =	sfence.sel $0x180000  }
0x39a: {  	[bflag:$0x0] =	sbarrier.arrive $0xFFFF  }
0x39b: {  	_ =	strace $0x90000047  }
0x39c: {  	[bflag:$0x2] =	sbarrier.arrive $0xFFFF  }
0x39d: {  	s1 =	sld [smem:$0x7FD];
	_ =	sdelay $0x2  }
0x39e: {  	s0 =	rddreg [dreg:$0x7];
	p0 =	seq.s32 s1, $0x1  }
0x39f: {  	s0 =	sadd.s32 @!p0 $0x100000, s0  }
0x3a0: {  	[sflag:s0] =	ssyncadd.tile.s32 @!p0 $0x1;
	_ =	shalt  }
.Lfunc_end2:
_tile_overlayer_lowered:
.L_overlay_start_2:
0x3a1: {  	(tag) =	ssettag $0x2  }
0x3a2: {  	s0 =	rddreg [dreg:$0x0];
	s2 =	stileid.u32  }
0x3a3: {  	s1 =	rddreg [dreg:$0x1];
	p0 =	sne.s32 s2, $0x0  }
0x3a4: {  	s3 =	rddreg [dreg:$0x2];
	[bflag:$0x3] =	sbarrier.arrive $0xFFFF;
	s2 =	simm.s32 @!p0 $0x1C01  }
0x3a5: {  	[timem:s3], [sflag:s2] =	dma.local @!p0 [hbm:s0], s1  }
0x3a6: {  	s0 =	simm.s32 @!p0 $0x1  }
0x3a7: {  	_ =	swait.ge @!p0 [sflag:s0], s1  }
0x3a8: {  	s1 =	ssub.s32 @!p0 $0x0, s1;
	[sflag:s0] =	ssyncset.done @!p0 $0x0  }
0x3a9: {  	[sflag:s0] =	ssyncadd.s32 @!p0 s1  }
0x3aa: {  	[bflag:$0x3] =	sbarrier.arrive $0xFFFF  }
0x3ab: {  	_ =	shalt  }

</sc_bundles>
